<compile_context>
chip_gen: v7x
topology: tpu7x:2x2x1
jax: 0.10.2.dev20260603
libtpu: 0.0.44.dev20260713+nightly
codegen_flags: <defaults>
</compile_context>

<pallas_src>
import functools

import numpy as np
import jax
import jax.numpy as jnp
from jax import lax
from jax.experimental import pallas as pl
from jax.experimental.pallas import tpu as pltpu
from jax.experimental.pallas import tpu_sc as plsc

_BETA = 0.9
_TAU = 1.0 / (1.0 - _BETA)
_INV_TAU = np.float32(1.0 / _TAU)
_THRESHOLD = np.float32(1.0)
_NUM_IN = 8
_NUM_HID = 8
_NUM_OUT = 4
_STEPS = 16
_L = 16

_LCG_A = np.uint32(747796405)
_LCG_C = np.uint32(2891336453)
_SEED_M = np.uint32(2654435761)
_SEED_C = np.uint32(0x9E3779B9)


def _sc_body(ncores, chunk, sc_base, x_hbm, ns_hbm, out_hbm, xv, ov, nsv, sem):
    cid = lax.axis_index("c")
    sid = lax.axis_index("s")
    wid = sid * ncores + cid
    base = sc_base + wid * chunk

    copies = [
        pltpu.make_async_copy(
            x_hbm.at[c, pl.ds(base, chunk)],
            xv.at[pl.ds(c * chunk, chunk)],
            sem,
        )
        for c in range(_NUM_IN)
    ]
    for cp in copies:
        cp.start()
    pltpu.sync_copy(ns_hbm, nsv)
    for cp in copies:
        cp.wait()

    iota = lax.iota(jnp.int32, _L)
    ones = jnp.full((_L,), 1.0, jnp.float32)
    zeros = jnp.full((_L,), 0.0, jnp.float32)
    ns_i = nsv[...]

    actives = [
        jnp.where(jnp.full((_L,), t, jnp.int32) < ns_i, ones, zeros)
        for t in range(_STEPS)
    ]

    gidx = jnp.full((_L,), base, jnp.int32) + iota
    seeds0 = []
    for p in range(_NUM_IN // 2):
        s = (gidx * np.int32(_NUM_IN // 2) + np.int32(p)).astype(jnp.uint32)
        s = s * _SEED_M + _SEED_C
        s = s ^ (s >> np.uint32(16))
        s = s * _LCG_A + _LCG_C
        seeds0.append(s)

    num_groups = chunk // _L

    def sim_group(off, rng):
        thr = [
            (xv[pl.ds(c * chunk + off, _L)] * np.float32(1 << 16))
            .astype(jnp.int32)
            for c in range(_NUM_IN)
        ]

        rng = list(rng)
        vh = [zeros] * _NUM_HID
        vo = [zeros] * _NUM_OUT
        acc = [zeros] * _NUM_OUT
        for t in range(_STEPS):
            active = actives[t]
            spikes_in = [None] * _NUM_IN
            for p in range(_NUM_IN // 2):
                s = rng[p] * _LCG_A + _LCG_C
                u_hi = plsc.bitcast(s >> np.uint32(16), jnp.int32)
                u_lo = plsc.bitcast(s & np.uint32(0xFFFF), jnp.int32)
                spikes_in[p] = jnp.where(u_hi < thr[p], ones, zeros)
                spikes_in[p + 4] = jnp.where(u_lo < thr[p + 4], ones, zeros)
                rng[p] = s
            hs = []
            for h in range(_NUM_HID):
                agg = spikes_in[h] - spikes_in[(h + 3) % _NUM_IN]
                v_new = vh[h] + (agg - vh[h]) * _INV_TAU
                fired = v_new >= _THRESHOLD
                hs.append(jnp.where(fired, ones, zeros))
                vh[h] = jnp.where(fired, zeros, v_new)
            q = [hs[2 * e] + hs[2 * e + 1] for e in range(_NUM_OUT)]
            for o in range(_NUM_OUT):
                agg = q[o] - q[(o + 2) % _NUM_OUT]
                v_new = vo[o] + (agg - vo[o]) * _INV_TAU
                fired = v_new >= _THRESHOLD
                vo[o] = jnp.where(fired, zeros, v_new)
                acc[o] = acc[o] + jnp.where(fired, active, zeros)
        for o in range(_NUM_OUT):
            ov[pl.ds(o * chunk + off, _L)] = acc[o]
        return tuple(rng)

    def group_body(g, rng):
        return sim_group(g * np.int32(_L), rng)

    lax.fori_loop(0, num_groups, group_body, tuple(seeds0))

    out_copies = [
        pltpu.make_async_copy(
            ov.at[pl.ds(o * chunk, chunk)],
            out_hbm.at[o, pl.ds(base - sc_base, chunk)],
            sem,
        )
        for o in range(_NUM_OUT)
    ]
    for cp in out_copies:
        cp.start()
    for cp in out_copies:
        cp.wait()


def _tc_body(ns_ref, x_ref, out_ref):
    bt = x_ref.shape[1]
    pltpu.prng_seed(0x5CBA17)
    thr = (x_ref[...] * np.float32(1 << 24)).astype(jnp.int32)
    ns = ns_ref[0]
    zero = np.float32(0.0)
    one = np.float32(1.0)
    vh = jnp.zeros((_NUM_HID, bt), jnp.float32)
    vo = jnp.zeros((_NUM_HID, bt), jnp.float32)
    acc = jnp.zeros((_NUM_HID, bt), jnp.float32)
    for t in range(_STEPS):
        bits = pltpu.prng_random_bits((_NUM_IN, bt)).astype(jnp.uint32)
        u = (bits >> np.uint32(8)).astype(jnp.int32)
        spikes = jnp.where(u < thr, one, zero)
        aggh = spikes - jnp.concatenate([spikes[3:], spikes[:3]], axis=0)
        v_new = vh + (aggh - vh) * _INV_TAU
        firedh = v_new >= _THRESHOLD
        hsp = jnp.where(firedh, one, zero)
        vh = jnp.where(firedh, zero, v_new)
        q = hsp + jnp.concatenate([hsp[1:], hsp[:1]], axis=0)
        aggo = q - jnp.concatenate([q[4:], q[:4]], axis=0)
        v_new_o = vo + (aggo - vo) * _INV_TAU
        firedo = v_new_o >= _THRESHOLD
        vo = jnp.where(firedo, zero, v_new_o)
        active = jnp.where(t < ns, one, zero)
        acc = acc + jnp.where(firedo, active, zero)
    for o in range(_NUM_OUT):
        out_ref[o, :] = acc[2 * o, :]


def kernel(x, num_steps):
    batch = x.shape[0]
    num_cores = 1
    num_workers = num_cores * 16
    b_tc = (batch * 7) // 8
    b_sc = batch - b_tc
    assert b_sc % (num_workers * _L) == 0 and b_tc % 128 == 0
    chunk = b_sc // num_workers
    ns_arr = jnp.full((_L,), num_steps, dtype=jnp.int32)
    xt = x.T

    mesh = plsc.VectorSubcoreMesh(
        core_axis_name="c", subcore_axis_name="s", num_cores=num_cores)
    run_sc = pl.kernel(
        functools.partial(_sc_body, num_cores, chunk, b_tc),
        out_type=jax.ShapeDtypeStruct((_NUM_OUT, b_sc), jnp.float32),
        mesh=mesh,
        compiler_params=pltpu.CompilerParams(needs_layout_passes=False),
        scratch_types=[
            pltpu.VMEM((chunk * _NUM_IN,), jnp.float32),
            pltpu.VMEM((chunk * _NUM_OUT,), jnp.float32),
            pltpu.VMEM((_L,), jnp.int32),
            pltpu.SemaphoreType.DMA,
        ],
    )
    sc_out = run_sc(xt, ns_arr)

    tc_out = pl.pallas_call(
        _tc_body,
        out_shape=jax.ShapeDtypeStruct((_NUM_OUT, b_tc), jnp.float32),
        grid=(1,),
        in_specs=[
            pl.BlockSpec(memory_space=pltpu.SMEM),
            pl.BlockSpec((_NUM_IN, b_tc), lambda i: (0, 0)),
        ],
        out_specs=pl.BlockSpec((_NUM_OUT, b_tc), lambda i: (0, 0)),
    )(ns_arr, xt)

    out_t = jnp.concatenate([tc_out, sc_out], axis=1)
    return out_t.T

# --- scband reference (transcript-rebuilt; emitter-appended) ---
"""Pipeline reference for scband-spiking-wann-57604101374650 (READ-ONLY COPY).

The authoritative reference and input builder live on the scoring server;
editing this copy changes nothing except your own understanding.
"""

import jax, jax.numpy as jnp
import numpy as np

BETA = 0.9
TAU = 1.0 / (1.0 - BETA)
THRESHOLD = 1.0
V_RESET = 0.0
NUM_OUTPUTS = 4
WEIGHT_VALUE = 1.0


def _build_graph():
    nodes = [{"id": i, "type": "input"} for i in range(8)]
    nodes += [{"id": 8 + h, "type": "hidden"} for h in range(8)]
    nodes += [{"id": 16 + o, "type": "output"} for o in range(4)]
    edges = []
    for h in range(8):
        edges.append({"src": h, "dst": 8 + h, "sign": 1})
        edges.append({"src": (h + 3) % 8, "dst": 8 + h, "sign": -1})
    for o in range(4):
        edges.append({"src": 8 + 2 * o, "dst": 16 + o, "sign": 1})
        edges.append({"src": 8 + 2 * o + 1, "dst": 16 + o, "sign": 1})
        edges.append({"src": 8 + (2 * o + 4) % 8, "dst": 16 + o, "sign": -1})
        edges.append({"src": 8 + (2 * o + 5) % 8, "dst": 16 + o, "sign": -1})
    return {"nodes": nodes, "edges": edges}


GRAPH = _build_graph()


def setup_inputs(seed: int = 0):
    key = jax.random.key(seed)
    x = jax.random.uniform(key, (16384, 8), dtype=jnp.float32)
    return {"x": x, "num_steps": 16}


def reference(x, num_steps):
    batch = x.shape[0]
    node_types = {n["id"]: n["type"] for n in GRAPH["nodes"]}
    connections = {}
    for e in GRAPH["edges"]:
        d = connections.setdefault(e["dst"], {"srcs": [], "weights": []})
        d["srcs"].append(e["src"])
        d["weights"].append(WEIGHT_VALUE * e["sign"])
    node_order = sorted(node_types.keys())  # layered graph -> sorted ids are a topological order
    input_nodes = [n["id"] for n in GRAPH["nodes"] if n["type"] == "input"]
    output_nodes = [n["id"] for n in GRAPH["nodes"] if n["type"] == "output"]
    steps = 16
    # rate (Bernoulli) encoding of x over num_steps timesteps
    keys = jax.random.split(jax.random.key(1), steps)
    encoded = jnp.stack([jax.random.bernoulli(keys[t], x).astype(jnp.float32) for t in range(steps)])
    # LIF membrane potentials (reset at the start of forward)
    v = {nid: jnp.zeros((batch,), dtype=jnp.float32) for nid in node_order if node_types[nid] != "input"}
    output_spikes = jnp.zeros((batch, NUM_OUTPUTS), dtype=jnp.float32)
    for t in range(steps):
        active = (jnp.asarray(t) < num_steps).astype(jnp.float32)
        cur = {}
        for i, nid in enumerate(input_nodes):
            if i < x.shape[1]:
                cur[nid] = encoded[t, :, i]
            else:
                cur[nid] = jnp.zeros((batch,), dtype=jnp.float32)
        for nid in node_order:
            if node_types[nid] == "input":
                continue
            agg = jnp.zeros((batch,), dtype=jnp.float32)
            if nid in connections:
                inc = connections[nid]
                for i, src in enumerate(inc["srcs"]):
                    if src in cur:
                        agg = agg + inc["weights"][i] * cur[src]
            # LIFNode with tau=1/(1-BETA), hard reset to V_RESET
            v_new = v[nid] + (agg - (v[nid] - V_RESET)) / TAU
            spike = (v_new >= THRESHOLD).astype(jnp.float32)
            v[nid] = v_new * (1.0 - spike) + V_RESET * spike
            cur[nid] = spike
            if node_types[nid] == "output":
                idx = output_nodes.index(nid)
                if idx < NUM_OUTPUTS:
                    output_spikes = output_spikes.at[:, idx].add(spike * active)
    return output_spikes

if __name__ == "__main__":
    import jax
    _d = setup_inputs()
    print(jax.jit(kernel)(*tuple(_d.values())))

</pallas_src>

<mosaic_0001>
#map = affine_map<(d0, d1) -> (0, 0)>
#map1 = affine_map<(d0, d1) -> (0)>
module attributes {stable_mosaic.version = 14 : i64} {
  func.func @_sc_body(%arg0: i32, %arg1: i32, %arg2: memref<8x16384xf32, #tpu.memory_space<hbm>>, %arg3: memref<16xi32, #tpu.memory_space<hbm>>, %arg4: memref<4x2048xf32, #tpu.memory_space<hbm>>, %arg5: memref<1024xf32, #tpu.memory_space<vmem>>, %arg6: memref<512xf32, #tpu.memory_space<vmem>>, %arg7: memref<16xi32, #tpu.memory_space<vmem>>, %arg8: memref<!tpu.dma_semaphore, #tpu.memory_space<semaphore_mem>>) attributes {dimension_semantics = [#tpu.dimension_semantics<core_parallel>, #tpu.dimension_semantics<subcore_parallel>], iteration_bounds = array<i64: 1, 16>, scalar_prefetch = 0 : i64, scratch_operands = 4 : i64, tpu.core_type = #tpu.core_type<sc_vector_subcore>, window_params = [{transform_indices = #map}, {transform_indices = #map1}, {transform_indices = #map}]} {
    %mul3A = arith.constant 1 : i32
    %mul3A_0 = arith.muli %arg1, %mul3A : i32
    %add3A = arith.addi %mul3A_0, %arg0 : i32
    %mul3A_1 = arith.constant 128 : i32
    %mul3A_2 = arith.muli %add3A, %mul3A_1 : i32
    %add3A_3 = arith.constant 14336 : i32
    %add3A_4 = arith.addi %add3A_3, %mul3A_2 : i32
    %dma_start3A = arith.constant 0 : i32
    %dma_start3A_5 = arith.constant 0 : i32
    %dma_start3A_6 = tpu.memref_slice %arg5[%dma_start3A_5] : memref<1024xf32, #tpu.memory_space<vmem>> -> memref<128xf32, #tpu.memory_space<vmem>>
    %dma_start3A_7 = tpu.memref_slice %arg2[%dma_start3A, %add3A_4] : memref<8x16384xf32, #tpu.memory_space<hbm>> -> memref<1x128xf32, #tpu.memory_space<hbm>>
    %dma_start3A_8 = tpu.memref_squeeze %dma_start3A_7 : memref<1x128xf32, #tpu.memory_space<hbm>> -> memref<128xf32, #tpu.memory_space<hbm>>
    %dma_start3A_9 = arith.constant 0 : i32
    %dma_start3A_10 = tpu.memref_slice %arg5[%dma_start3A_9] : memref<1024xf32, #tpu.memory_space<vmem>> -> memref<128xf32, #tpu.memory_space<vmem>>
    %dma_start3A_11 = tpu.memref_slice %arg2[%dma_start3A, %add3A_4] : memref<8x16384xf32, #tpu.memory_space<hbm>> -> memref<1x128xf32, #tpu.memory_space<hbm>>
    %dma_start3A_12 = tpu.memref_squeeze %dma_start3A_11 : memref<1x128xf32, #tpu.memory_space<hbm>> -> memref<128xf32, #tpu.memory_space<hbm>>
    tpu.enqueue_dma source(%dma_start3A_12 : memref<128xf32, #tpu.memory_space<hbm>>) target(%dma_start3A_10 : memref<128xf32, #tpu.memory_space<vmem>>) target_semaphore(%arg8 : memref<!tpu.dma_semaphore, #tpu.memory_space<semaphore_mem>>)
    %dma_start3A_13 = arith.constant 1 : i32
    %dma_start3A_14 = arith.constant 128 : i32
    %dma_start3A_15 = tpu.memref_slice %arg5[%dma_start3A_14] : memref<1024xf32, #tpu.memory_space<vmem>> -> memref<128xf32, #tpu.memory_space<vmem>>
    %dma_start3A_16 = tpu.memref_slice %arg2[%dma_start3A_13, %add3A_4] : memref<8x16384xf32, #tpu.memory_space<hbm>> -> memref<1x128xf32, #tpu.memory_space<hbm>>
    %dma_start3A_17 = tpu.memref_squeeze %dma_start3A_16 : memref<1x128xf32, #tpu.memory_space<hbm>> -> memref<128xf32, #tpu.memory_space<hbm>>
    %dma_start3A_18 = arith.constant 128 : i32
    %dma_start3A_19 = tpu.memref_slice %arg5[%dma_start3A_18] : memref<1024xf32, #tpu.memory_space<vmem>> -> memref<128xf32, #tpu.memory_space<vmem>>
    %dma_start3A_20 = tpu.memref_slice %arg2[%dma_start3A_13, %add3A_4] : memref<8x16384xf32, #tpu.memory_space<hbm>> -> memref<1x128xf32, #tpu.memory_space<hbm>>
    %dma_start3A_21 = tpu.memref_squeeze %dma_start3A_20 : memref<1x128xf32, #tpu.memory_space<hbm>> -> memref<128xf32, #tpu.memory_space<hbm>>
    tpu.enqueue_dma source(%dma_start3A_21 : memref<128xf32, #tpu.memory_space<hbm>>) target(%dma_start3A_19 : memref<128xf32, #tpu.memory_space<vmem>>) target_semaphore(%arg8 : memref<!tpu.dma_semaphore, #tpu.memory_space<semaphore_mem>>)
    %dma_start3A_22 = arith.constant 2 : i32
    %dma_start3A_23 = arith.constant 256 : i32
    %dma_start3A_24 = tpu.memref_slice %arg5[%dma_start3A_23] : memref<1024xf32, #tpu.memory_space<vmem>> -> memref<128xf32, #tpu.memory_space<vmem>>
    %dma_start3A_25 = tpu.memref_slice %arg2[%dma_start3A_22, %add3A_4] : memref<8x16384xf32, #tpu.memory_space<hbm>> -> memref<1x128xf32, #tpu.memory_space<hbm>>
    %dma_start3A_26 = tpu.memref_squeeze %dma_start3A_25 : memref<1x128xf32, #tpu.memory_space<hbm>> -> memref<128xf32, #tpu.memory_space<hbm>>
    %dma_start3A_27 = arith.constant 256 : i32
    %dma_start3A_28 = tpu.memref_slice %arg5[%dma_start3A_27] : memref<1024xf32, #tpu.memory_space<vmem>> -> memref<128xf32, #tpu.memory_space<vmem>>
    %dma_start3A_29 = tpu.memref_slice %arg2[%dma_start3A_22, %add3A_4] : memref<8x16384xf32, #tpu.memory_space<hbm>> -> memref<1x128xf32, #tpu.memory_space<hbm>>
    %dma_start3A_30 = tpu.memref_squeeze %dma_start3A_29 : memref<1x128xf32, #tpu.memory_space<hbm>> -> memref<128xf32, #tpu.memory_space<hbm>>
    tpu.enqueue_dma source(%dma_start3A_30 : memref<128xf32, #tpu.memory_space<hbm>>) target(%dma_start3A_28 : memref<128xf32, #tpu.memory_space<vmem>>) target_semaphore(%arg8 : memref<!tpu.dma_semaphore, #tpu.memory_space<semaphore_mem>>)
    %dma_start3A_31 = arith.constant 3 : i32
    %dma_start3A_32 = arith.constant 384 : i32
    %dma_start3A_33 = tpu.memref_slice %arg5[%dma_start3A_32] : memref<1024xf32, #tpu.memory_space<vmem>> -> memref<128xf32, #tpu.memory_space<vmem>>
    %dma_start3A_34 = tpu.memref_slice %arg2[%dma_start3A_31, %add3A_4] : memref<8x16384xf32, #tpu.memory_space<hbm>> -> memref<1x128xf32, #tpu.memory_space<hbm>>
    %dma_start3A_35 = tpu.memref_squeeze %dma_start3A_34 : memref<1x128xf32, #tpu.memory_space<hbm>> -> memref<128xf32, #tpu.memory_space<hbm>>
    %dma_start3A_36 = arith.constant 384 : i32
    %dma_start3A_37 = tpu.memref_slice %arg5[%dma_start3A_36] : memref<1024xf32, #tpu.memory_space<vmem>> -> memref<128xf32, #tpu.memory_space<vmem>>
    %dma_start3A_38 = tpu.memref_slice %arg2[%dma_start3A_31, %add3A_4] : memref<8x16384xf32, #tpu.memory_space<hbm>> -> memref<1x128xf32, #tpu.memory_space<hbm>>
    %dma_start3A_39 = tpu.memref_squeeze %dma_start3A_38 : memref<1x128xf32, #tpu.memory_space<hbm>> -> memref<128xf32, #tpu.memory_space<hbm>>
    tpu.enqueue_dma source(%dma_start3A_39 : memref<128xf32, #tpu.memory_space<hbm>>) target(%dma_start3A_37 : memref<128xf32, #tpu.memory_space<vmem>>) target_semaphore(%arg8 : memref<!tpu.dma_semaphore, #tpu.memory_space<semaphore_mem>>)
    %dma_start3A_40 = arith.constant 4 : i32
    %dma_start3A_41 = arith.constant 512 : i32
    %dma_start3A_42 = tpu.memref_slice %arg5[%dma_start3A_41] : memref<1024xf32, #tpu.memory_space<vmem>> -> memref<128xf32, #tpu.memory_space<vmem>>
    %dma_start3A_43 = tpu.memref_slice %arg2[%dma_start3A_40, %add3A_4] : memref<8x16384xf32, #tpu.memory_space<hbm>> -> memref<1x128xf32, #tpu.memory_space<hbm>>
    %dma_start3A_44 = tpu.memref_squeeze %dma_start3A_43 : memref<1x128xf32, #tpu.memory_space<hbm>> -> memref<128xf32, #tpu.memory_space<hbm>>
    %dma_start3A_45 = arith.constant 512 : i32
    %dma_start3A_46 = tpu.memref_slice %arg5[%dma_start3A_45] : memref<1024xf32, #tpu.memory_space<vmem>> -> memref<128xf32, #tpu.memory_space<vmem>>
    %dma_start3A_47 = tpu.memref_slice %arg2[%dma_start3A_40, %add3A_4] : memref<8x16384xf32, #tpu.memory_space<hbm>> -> memref<1x128xf32, #tpu.memory_space<hbm>>
    %dma_start3A_48 = tpu.memref_squeeze %dma_start3A_47 : memref<1x128xf32, #tpu.memory_space<hbm>> -> memref<128xf32, #tpu.memory_space<hbm>>
    tpu.enqueue_dma source(%dma_start3A_48 : memref<128xf32, #tpu.memory_space<hbm>>) target(%dma_start3A_46 : memref<128xf32, #tpu.memory_space<vmem>>) target_semaphore(%arg8 : memref<!tpu.dma_semaphore, #tpu.memory_space<semaphore_mem>>)
    %dma_start3A_49 = arith.constant 5 : i32
    %dma_start3A_50 = arith.constant 640 : i32
    %dma_start3A_51 = tpu.memref_slice %arg5[%dma_start3A_50] : memref<1024xf32, #tpu.memory_space<vmem>> -> memref<128xf32, #tpu.memory_space<vmem>>
    %dma_start3A_52 = tpu.memref_slice %arg2[%dma_start3A_49, %add3A_4] : memref<8x16384xf32, #tpu.memory_space<hbm>> -> memref<1x128xf32, #tpu.memory_space<hbm>>
    %dma_start3A_53 = tpu.memref_squeeze %dma_start3A_52 : memref<1x128xf32, #tpu.memory_space<hbm>> -> memref<128xf32, #tpu.memory_space<hbm>>
    %dma_start3A_54 = arith.constant 640 : i32
    %dma_start3A_55 = tpu.memref_slice %arg5[%dma_start3A_54] : memref<1024xf32, #tpu.memory_space<vmem>> -> memref<128xf32, #tpu.memory_space<vmem>>
    %dma_start3A_56 = tpu.memref_slice %arg2[%dma_start3A_49, %add3A_4] : memref<8x16384xf32, #tpu.memory_space<hbm>> -> memref<1x128xf32, #tpu.memory_space<hbm>>
    %dma_start3A_57 = tpu.memref_squeeze %dma_start3A_56 : memref<1x128xf32, #tpu.memory_space<hbm>> -> memref<128xf32, #tpu.memory_space<hbm>>
    tpu.enqueue_dma source(%dma_start3A_57 : memref<128xf32, #tpu.memory_space<hbm>>) target(%dma_start3A_55 : memref<128xf32, #tpu.memory_space<vmem>>) target_semaphore(%arg8 : memref<!tpu.dma_semaphore, #tpu.memory_space<semaphore_mem>>)
    %dma_start3A_58 = arith.constant 6 : i32
    %dma_start3A_59 = arith.constant 768 : i32
    %dma_start3A_60 = tpu.memref_slice %arg5[%dma_start3A_59] : memref<1024xf32, #tpu.memory_space<vmem>> -> memref<128xf32, #tpu.memory_space<vmem>>
    %dma_start3A_61 = tpu.memref_slice %arg2[%dma_start3A_58, %add3A_4] : memref<8x16384xf32, #tpu.memory_space<hbm>> -> memref<1x128xf32, #tpu.memory_space<hbm>>
    %dma_start3A_62 = tpu.memref_squeeze %dma_start3A_61 : memref<1x128xf32, #tpu.memory_space<hbm>> -> memref<128xf32, #tpu.memory_space<hbm>>
    %dma_start3A_63 = arith.constant 768 : i32
    %dma_start3A_64 = tpu.memref_slice %arg5[%dma_start3A_63] : memref<1024xf32, #tpu.memory_space<vmem>> -> memref<128xf32, #tpu.memory_space<vmem>>
    %dma_start3A_65 = tpu.memref_slice %arg2[%dma_start3A_58, %add3A_4] : memref<8x16384xf32, #tpu.memory_space<hbm>> -> memref<1x128xf32, #tpu.memory_space<hbm>>
    %dma_start3A_66 = tpu.memref_squeeze %dma_start3A_65 : memref<1x128xf32, #tpu.memory_space<hbm>> -> memref<128xf32, #tpu.memory_space<hbm>>
    tpu.enqueue_dma source(%dma_start3A_66 : memref<128xf32, #tpu.memory_space<hbm>>) target(%dma_start3A_64 : memref<128xf32, #tpu.memory_space<vmem>>) target_semaphore(%arg8 : memref<!tpu.dma_semaphore, #tpu.memory_space<semaphore_mem>>)
    %dma_start3A_67 = arith.constant 7 : i32
    %dma_start3A_68 = arith.constant 896 : i32
    %dma_start3A_69 = tpu.memref_slice %arg5[%dma_start3A_68] : memref<1024xf32, #tpu.memory_space<vmem>> -> memref<128xf32, #tpu.memory_space<vmem>>
    %dma_start3A_70 = tpu.memref_slice %arg2[%dma_start3A_67, %add3A_4] : memref<8x16384xf32, #tpu.memory_space<hbm>> -> memref<1x128xf32, #tpu.memory_space<hbm>>
    %dma_start3A_71 = tpu.memref_squeeze %dma_start3A_70 : memref<1x128xf32, #tpu.memory_space<hbm>> -> memref<128xf32, #tpu.memory_space<hbm>>
    %dma_start3A_72 = arith.constant 896 : i32
    %dma_start3A_73 = tpu.memref_slice %arg5[%dma_start3A_72] : memref<1024xf32, #tpu.memory_space<vmem>> -> memref<128xf32, #tpu.memory_space<vmem>>
    %dma_start3A_74 = tpu.memref_slice %arg2[%dma_start3A_67, %add3A_4] : memref<8x16384xf32, #tpu.memory_space<hbm>> -> memref<1x128xf32, #tpu.memory_space<hbm>>
    %dma_start3A_75 = tpu.memref_squeeze %dma_start3A_74 : memref<1x128xf32, #tpu.memory_space<hbm>> -> memref<128xf32, #tpu.memory_space<hbm>>
    tpu.enqueue_dma source(%dma_start3A_75 : memref<128xf32, #tpu.memory_space<hbm>>) target(%dma_start3A_73 : memref<128xf32, #tpu.memory_space<vmem>>) target_semaphore(%arg8 : memref<!tpu.dma_semaphore, #tpu.memory_space<semaphore_mem>>)
    "tpu.region"() ({
      %run_scoped3A = tpu.sem_alloc : memref<!tpu.dma_semaphore, #tpu.memory_space<semaphore_mem>>
      tpu.enqueue_dma source(%arg3 : memref<16xi32, #tpu.memory_space<hbm>>) target(%arg7 : memref<16xi32, #tpu.memory_space<vmem>>) target_semaphore(%run_scoped3A : memref<!tpu.dma_semaphore, #tpu.memory_space<semaphore_mem>>)
      tpu.wait_dma2 semaphore(%run_scoped3A : memref<!tpu.dma_semaphore, #tpu.memory_space<semaphore_mem>>) src(%arg3 : memref<16xi32, #tpu.memory_space<hbm>>) dst(%arg7 : memref<16xi32, #tpu.memory_space<vmem>>)
      tpu.yield
    }) : () -> ()
    %dma_wait3A = arith.constant 0 : i32
    %dma_wait3A_76 = arith.constant 0 : i32
    %dma_wait3A_77 = tpu.memref_slice %arg5[%dma_wait3A_76] : memref<1024xf32, #tpu.memory_space<vmem>> -> memref<128xf32, #tpu.memory_space<vmem>>
    %dma_wait3A_78 = tpu.memref_slice %arg2[%dma_wait3A, %add3A_4] : memref<8x16384xf32, #tpu.memory_space<hbm>> -> memref<1x128xf32, #tpu.memory_space<hbm>>
    %dma_wait3A_79 = tpu.memref_squeeze %dma_wait3A_78 : memref<1x128xf32, #tpu.memory_space<hbm>> -> memref<128xf32, #tpu.memory_space<hbm>>
    %dma_wait3A_80 = arith.constant 0 : i32
    %dma_wait3A_81 = tpu.memref_slice %arg5[%dma_wait3A_80] : memref<1024xf32, #tpu.memory_space<vmem>> -> memref<128xf32, #tpu.memory_space<vmem>>
    %dma_wait3A_82 = tpu.memref_slice %arg2[%dma_wait3A, %add3A_4] : memref<8x16384xf32, #tpu.memory_space<hbm>> -> memref<1x128xf32, #tpu.memory_space<hbm>>
    %dma_wait3A_83 = tpu.memref_squeeze %dma_wait3A_82 : memref<1x128xf32, #tpu.memory_space<hbm>> -> memref<128xf32, #tpu.memory_space<hbm>>
    tpu.wait_dma2 semaphore(%arg8 : memref<!tpu.dma_semaphore, #tpu.memory_space<semaphore_mem>>) src(%dma_wait3A_83 : memref<128xf32, #tpu.memory_space<hbm>>) dst(%dma_wait3A_81 : memref<128xf32, #tpu.memory_space<vmem>>)
    %dma_wait3A_84 = arith.constant 1 : i32
    %dma_wait3A_85 = arith.constant 128 : i32
    %dma_wait3A_86 = tpu.memref_slice %arg5[%dma_wait3A_85] : memref<1024xf32, #tpu.memory_space<vmem>> -> memref<128xf32, #tpu.memory_space<vmem>>
    %dma_wait3A_87 = tpu.memref_slice %arg2[%dma_wait3A_84, %add3A_4] : memref<8x16384xf32, #tpu.memory_space<hbm>> -> memref<1x128xf32, #tpu.memory_space<hbm>>
    %dma_wait3A_88 = tpu.memref_squeeze %dma_wait3A_87 : memref<1x128xf32, #tpu.memory_space<hbm>> -> memref<128xf32, #tpu.memory_space<hbm>>
    %dma_wait3A_89 = arith.constant 128 : i32
    %dma_wait3A_90 = tpu.memref_slice %arg5[%dma_wait3A_89] : memref<1024xf32, #tpu.memory_space<vmem>> -> memref<128xf32, #tpu.memory_space<vmem>>
    %dma_wait3A_91 = tpu.memref_slice %arg2[%dma_wait3A_84, %add3A_4] : memref<8x16384xf32, #tpu.memory_space<hbm>> -> memref<1x128xf32, #tpu.memory_space<hbm>>
    %dma_wait3A_92 = tpu.memref_squeeze %dma_wait3A_91 : memref<1x128xf32, #tpu.memory_space<hbm>> -> memref<128xf32, #tpu.memory_space<hbm>>
    tpu.wait_dma2 semaphore(%arg8 : memref<!tpu.dma_semaphore, #tpu.memory_space<semaphore_mem>>) src(%dma_wait3A_92 : memref<128xf32, #tpu.memory_space<hbm>>) dst(%dma_wait3A_90 : memref<128xf32, #tpu.memory_space<vmem>>)
    %dma_wait3A_93 = arith.constant 2 : i32
    %dma_wait3A_94 = arith.constant 256 : i32
    %dma_wait3A_95 = tpu.memref_slice %arg5[%dma_wait3A_94] : memref<1024xf32, #tpu.memory_space<vmem>> -> memref<128xf32, #tpu.memory_space<vmem>>
    %dma_wait3A_96 = tpu.memref_slice %arg2[%dma_wait3A_93, %add3A_4] : memref<8x16384xf32, #tpu.memory_space<hbm>> -> memref<1x128xf32, #tpu.memory_space<hbm>>
    %dma_wait3A_97 = tpu.memref_squeeze %dma_wait3A_96 : memref<1x128xf32, #tpu.memory_space<hbm>> -> memref<128xf32, #tpu.memory_space<hbm>>
    %dma_wait3A_98 = arith.constant 256 : i32
    %dma_wait3A_99 = tpu.memref_slice %arg5[%dma_wait3A_98] : memref<1024xf32, #tpu.memory_space<vmem>> -> memref<128xf32, #tpu.memory_space<vmem>>
    %dma_wait3A_100 = tpu.memref_slice %arg2[%dma_wait3A_93, %add3A_4] : memref<8x16384xf32, #tpu.memory_space<hbm>> -> memref<1x128xf32, #tpu.memory_space<hbm>>
    %dma_wait3A_101 = tpu.memref_squeeze %dma_wait3A_100 : memref<1x128xf32, #tpu.memory_space<hbm>> -> memref<128xf32, #tpu.memory_space<hbm>>
    tpu.wait_dma2 semaphore(%arg8 : memref<!tpu.dma_semaphore, #tpu.memory_space<semaphore_mem>>) src(%dma_wait3A_101 : memref<128xf32, #tpu.memory_space<hbm>>) dst(%dma_wait3A_99 : memref<128xf32, #tpu.memory_space<vmem>>)
    %dma_wait3A_102 = arith.constant 3 : i32
    %dma_wait3A_103 = arith.constant 384 : i32
    %dma_wait3A_104 = tpu.memref_slice %arg5[%dma_wait3A_103] : memref<1024xf32, #tpu.memory_space<vmem>> -> memref<128xf32, #tpu.memory_space<vmem>>
    %dma_wait3A_105 = tpu.memref_slice %arg2[%dma_wait3A_102, %add3A_4] : memref<8x16384xf32, #tpu.memory_space<hbm>> -> memref<1x128xf32, #tpu.memory_space<hbm>>
    %dma_wait3A_106 = tpu.memref_squeeze %dma_wait3A_105 : memref<1x128xf32, #tpu.memory_space<hbm>> -> memref<128xf32, #tpu.memory_space<hbm>>
    %dma_wait3A_107 = arith.constant 384 : i32
    %dma_wait3A_108 = tpu.memref_slice %arg5[%dma_wait3A_107] : memref<1024xf32, #tpu.memory_space<vmem>> -> memref<128xf32, #tpu.memory_space<vmem>>
    %dma_wait3A_109 = tpu.memref_slice %arg2[%dma_wait3A_102, %add3A_4] : memref<8x16384xf32, #tpu.memory_space<hbm>> -> memref<1x128xf32, #tpu.memory_space<hbm>>
    %dma_wait3A_110 = tpu.memref_squeeze %dma_wait3A_109 : memref<1x128xf32, #tpu.memory_space<hbm>> -> memref<128xf32, #tpu.memory_space<hbm>>
    tpu.wait_dma2 semaphore(%arg8 : memref<!tpu.dma_semaphore, #tpu.memory_space<semaphore_mem>>) src(%dma_wait3A_110 : memref<128xf32, #tpu.memory_space<hbm>>) dst(%dma_wait3A_108 : memref<128xf32, #tpu.memory_space<vmem>>)
    %dma_wait3A_111 = arith.constant 4 : i32
    %dma_wait3A_112 = arith.constant 512 : i32
    %dma_wait3A_113 = tpu.memref_slice %arg5[%dma_wait3A_112] : memref<1024xf32, #tpu.memory_space<vmem>> -> memref<128xf32, #tpu.memory_space<vmem>>
    %dma_wait3A_114 = tpu.memref_slice %arg2[%dma_wait3A_111, %add3A_4] : memref<8x16384xf32, #tpu.memory_space<hbm>> -> memref<1x128xf32, #tpu.memory_space<hbm>>
    %dma_wait3A_115 = tpu.memref_squeeze %dma_wait3A_114 : memref<1x128xf32, #tpu.memory_space<hbm>> -> memref<128xf32, #tpu.memory_space<hbm>>
    %dma_wait3A_116 = arith.constant 512 : i32
    %dma_wait3A_117 = tpu.memref_slice %arg5[%dma_wait3A_116] : memref<1024xf32, #tpu.memory_space<vmem>> -> memref<128xf32, #tpu.memory_space<vmem>>
    %dma_wait3A_118 = tpu.memref_slice %arg2[%dma_wait3A_111, %add3A_4] : memref<8x16384xf32, #tpu.memory_space<hbm>> -> memref<1x128xf32, #tpu.memory_space<hbm>>
    %dma_wait3A_119 = tpu.memref_squeeze %dma_wait3A_118 : memref<1x128xf32, #tpu.memory_space<hbm>> -> memref<128xf32, #tpu.memory_space<hbm>>
    tpu.wait_dma2 semaphore(%arg8 : memref<!tpu.dma_semaphore, #tpu.memory_space<semaphore_mem>>) src(%dma_wait3A_119 : memref<128xf32, #tpu.memory_space<hbm>>) dst(%dma_wait3A_117 : memref<128xf32, #tpu.memory_space<vmem>>)
    %dma_wait3A_120 = arith.constant 5 : i32
    %dma_wait3A_121 = arith.constant 640 : i32
    %dma_wait3A_122 = tpu.memref_slice %arg5[%dma_wait3A_121] : memref<1024xf32, #tpu.memory_space<vmem>> -> memref<128xf32, #tpu.memory_space<vmem>>
    %dma_wait3A_123 = tpu.memref_slice %arg2[%dma_wait3A_120, %add3A_4] : memref<8x16384xf32, #tpu.memory_space<hbm>> -> memref<1x128xf32, #tpu.memory_space<hbm>>
    %dma_wait3A_124 = tpu.memref_squeeze %dma_wait3A_123 : memref<1x128xf32, #tpu.memory_space<hbm>> -> memref<128xf32, #tpu.memory_space<hbm>>
    %dma_wait3A_125 = arith.constant 640 : i32
    %dma_wait3A_126 = tpu.memref_slice %arg5[%dma_wait3A_125] : memref<1024xf32, #tpu.memory_space<vmem>> -> memref<128xf32, #tpu.memory_space<vmem>>
    %dma_wait3A_127 = tpu.memref_slice %arg2[%dma_wait3A_120, %add3A_4] : memref<8x16384xf32, #tpu.memory_space<hbm>> -> memref<1x128xf32, #tpu.memory_space<hbm>>
    %dma_wait3A_128 = tpu.memref_squeeze %dma_wait3A_127 : memref<1x128xf32, #tpu.memory_space<hbm>> -> memref<128xf32, #tpu.memory_space<hbm>>
    tpu.wait_dma2 semaphore(%arg8 : memref<!tpu.dma_semaphore, #tpu.memory_space<semaphore_mem>>) src(%dma_wait3A_128 : memref<128xf32, #tpu.memory_space<hbm>>) dst(%dma_wait3A_126 : memref<128xf32, #tpu.memory_space<vmem>>)
    %dma_wait3A_129 = arith.constant 6 : i32
    %dma_wait3A_130 = arith.constant 768 : i32
    %dma_wait3A_131 = tpu.memref_slice %arg5[%dma_wait3A_130] : memref<1024xf32, #tpu.memory_space<vmem>> -> memref<128xf32, #tpu.memory_space<vmem>>
    %dma_wait3A_132 = tpu.memref_slice %arg2[%dma_wait3A_129, %add3A_4] : memref<8x16384xf32, #tpu.memory_space<hbm>> -> memref<1x128xf32, #tpu.memory_space<hbm>>
    %dma_wait3A_133 = tpu.memref_squeeze %dma_wait3A_132 : memref<1x128xf32, #tpu.memory_space<hbm>> -> memref<128xf32, #tpu.memory_space<hbm>>
    %dma_wait3A_134 = arith.constant 768 : i32
    %dma_wait3A_135 = tpu.memref_slice %arg5[%dma_wait3A_134] : memref<1024xf32, #tpu.memory_space<vmem>> -> memref<128xf32, #tpu.memory_space<vmem>>
    %dma_wait3A_136 = tpu.memref_slice %arg2[%dma_wait3A_129, %add3A_4] : memref<8x16384xf32, #tpu.memory_space<hbm>> -> memref<1x128xf32, #tpu.memory_space<hbm>>
    %dma_wait3A_137 = tpu.memref_squeeze %dma_wait3A_136 : memref<1x128xf32, #tpu.memory_space<hbm>> -> memref<128xf32, #tpu.memory_space<hbm>>
    tpu.wait_dma2 semaphore(%arg8 : memref<!tpu.dma_semaphore, #tpu.memory_space<semaphore_mem>>) src(%dma_wait3A_137 : memref<128xf32, #tpu.memory_space<hbm>>) dst(%dma_wait3A_135 : memref<128xf32, #tpu.memory_space<vmem>>)
    %dma_wait3A_138 = arith.constant 7 : i32
    %dma_wait3A_139 = arith.constant 896 : i32
    %dma_wait3A_140 = tpu.memref_slice %arg5[%dma_wait3A_139] : memref<1024xf32, #tpu.memory_space<vmem>> -> memref<128xf32, #tpu.memory_space<vmem>>
    %dma_wait3A_141 = tpu.memref_slice %arg2[%dma_wait3A_138, %add3A_4] : memref<8x16384xf32, #tpu.memory_space<hbm>> -> memref<1x128xf32, #tpu.memory_space<hbm>>
    %dma_wait3A_142 = tpu.memref_squeeze %dma_wait3A_141 : memref<1x128xf32, #tpu.memory_space<hbm>> -> memref<128xf32, #tpu.memory_space<hbm>>
    %dma_wait3A_143 = arith.constant 896 : i32
    %dma_wait3A_144 = tpu.memref_slice %arg5[%dma_wait3A_143] : memref<1024xf32, #tpu.memory_space<vmem>> -> memref<128xf32, #tpu.memory_space<vmem>>
    %dma_wait3A_145 = tpu.memref_slice %arg2[%dma_wait3A_138, %add3A_4] : memref<8x16384xf32, #tpu.memory_space<hbm>> -> memref<1x128xf32, #tpu.memory_space<hbm>>
    %dma_wait3A_146 = tpu.memref_squeeze %dma_wait3A_145 : memref<1x128xf32, #tpu.memory_space<hbm>> -> memref<128xf32, #tpu.memory_space<hbm>>
    tpu.wait_dma2 semaphore(%arg8 : memref<!tpu.dma_semaphore, #tpu.memory_space<semaphore_mem>>) src(%dma_wait3A_146 : memref<128xf32, #tpu.memory_space<hbm>>) dst(%dma_wait3A_144 : memref<128xf32, #tpu.memory_space<vmem>>)
    %iota3A = tpu.iota {dimensions = array<i32: 0>} : vector<16xi32>
    %broadcast_in_dim3A = arith.constant 1.000000e+00 : f32
    %broadcast_in_dim3A_147 = vector.broadcast %broadcast_in_dim3A : f32 to vector<16xf32>
    %broadcast_in_dim3A_148 = arith.constant 0.000000e+00 : f32
    %broadcast_in_dim3A_149 = vector.broadcast %broadcast_in_dim3A_148 : f32 to vector<16xf32>
    %get3A = arith.constant 0 : index
    %get3A_150 = tpu.vector_load %arg7[%get3A] {strides = array<i32>} : memref<16xi32, #tpu.memory_space<vmem>>, vector<16xi32>,
    %broadcast_in_dim3A_151 = arith.constant 0 : i32
    %broadcast_in_dim3A_152 = vector.broadcast %broadcast_in_dim3A_151 : i32 to vector<16xi32>
    %lt3A = arith.cmpi slt, %broadcast_in_dim3A_152, %get3A_150 : vector<16xi32>
    %select_n3A = arith.select %lt3A, %broadcast_in_dim3A_147, %broadcast_in_dim3A_149 : vector<16xi1>, vector<16xf32>
    %broadcast_in_dim3A_153 = arith.constant 1 : i32
    %broadcast_in_dim3A_154 = vector.broadcast %broadcast_in_dim3A_153 : i32 to vector<16xi32>
    %lt3A_155 = arith.cmpi slt, %broadcast_in_dim3A_154, %get3A_150 : vector<16xi32>
    %select_n3A_156 = arith.select %lt3A_155, %broadcast_in_dim3A_147, %broadcast_in_dim3A_149 : vector<16xi1>, vector<16xf32>
    %broadcast_in_dim3A_157 = arith.constant 2 : i32
    %broadcast_in_dim3A_158 = vector.broadcast %broadcast_in_dim3A_157 : i32 to vector<16xi32>
    %lt3A_159 = arith.cmpi slt, %broadcast_in_dim3A_158, %get3A_150 : vector<16xi32>
    %select_n3A_160 = arith.select %lt3A_159, %broadcast_in_dim3A_147, %broadcast_in_dim3A_149 : vector<16xi1>, vector<16xf32>
    %broadcast_in_dim3A_161 = arith.constant 3 : i32
    %broadcast_in_dim3A_162 = vector.broadcast %broadcast_in_dim3A_161 : i32 to vector<16xi32>
    %lt3A_163 = arith.cmpi slt, %broadcast_in_dim3A_162, %get3A_150 : vector<16xi32>
    %select_n3A_164 = arith.select %lt3A_163, %broadcast_in_dim3A_147, %broadcast_in_dim3A_149 : vector<16xi1>, vector<16xf32>
    %broadcast_in_dim3A_165 = arith.constant 4 : i32
    %broadcast_in_dim3A_166 = vector.broadcast %broadcast_in_dim3A_165 : i32 to vector<16xi32>
    %lt3A_167 = arith.cmpi slt, %broadcast_in_dim3A_166, %get3A_150 : vector<16xi32>
    %select_n3A_168 = arith.select %lt3A_167, %broadcast_in_dim3A_147, %broadcast_in_dim3A_149 : vector<16xi1>, vector<16xf32>
    %broadcast_in_dim3A_169 = arith.constant 5 : i32
    %broadcast_in_dim3A_170 = vector.broadcast %broadcast_in_dim3A_169 : i32 to vector<16xi32>
    %lt3A_171 = arith.cmpi slt, %broadcast_in_dim3A_170, %get3A_150 : vector<16xi32>
    %select_n3A_172 = arith.select %lt3A_171, %broadcast_in_dim3A_147, %broadcast_in_dim3A_149 : vector<16xi1>, vector<16xf32>
    %broadcast_in_dim3A_173 = arith.constant 6 : i32
    %broadcast_in_dim3A_174 = vector.broadcast %broadcast_in_dim3A_173 : i32 to vector<16xi32>
    %lt3A_175 = arith.cmpi slt, %broadcast_in_dim3A_174, %get3A_150 : vector<16xi32>
    %select_n3A_176 = arith.select %lt3A_175, %broadcast_in_dim3A_147, %broadcast_in_dim3A_149 : vector<16xi1>, vector<16xf32>
    %broadcast_in_dim3A_177 = arith.constant 7 : i32
    %broadcast_in_dim3A_178 = vector.broadcast %broadcast_in_dim3A_177 : i32 to vector<16xi32>
    %lt3A_179 = arith.cmpi slt, %broadcast_in_dim3A_178, %get3A_150 : vector<16xi32>
    %select_n3A_180 = arith.select %lt3A_179, %broadcast_in_dim3A_147, %broadcast_in_dim3A_149 : vector<16xi1>, vector<16xf32>
    %broadcast_in_dim3A_181 = arith.constant 8 : i32
    %broadcast_in_dim3A_182 = vector.broadcast %broadcast_in_dim3A_181 : i32 to vector<16xi32>
    %lt3A_183 = arith.cmpi slt, %broadcast_in_dim3A_182, %get3A_150 : vector<16xi32>
    %select_n3A_184 = arith.select %lt3A_183, %broadcast_in_dim3A_147, %broadcast_in_dim3A_149 : vector<16xi1>, vector<16xf32>
    %broadcast_in_dim3A_185 = arith.constant 9 : i32
    %broadcast_in_dim3A_186 = vector.broadcast %broadcast_in_dim3A_185 : i32 to vector<16xi32>
    %lt3A_187 = arith.cmpi slt, %broadcast_in_dim3A_186, %get3A_150 : vector<16xi32>
    %select_n3A_188 = arith.select %lt3A_187, %broadcast_in_dim3A_147, %broadcast_in_dim3A_149 : vector<16xi1>, vector<16xf32>
    %broadcast_in_dim3A_189 = arith.constant 10 : i32
    %broadcast_in_dim3A_190 = vector.broadcast %broadcast_in_dim3A_189 : i32 to vector<16xi32>
    %lt3A_191 = arith.cmpi slt, %broadcast_in_dim3A_190, %get3A_150 : vector<16xi32>
    %select_n3A_192 = arith.select %lt3A_191, %broadcast_in_dim3A_147, %broadcast_in_dim3A_149 : vector<16xi1>, vector<16xf32>
    %broadcast_in_dim3A_193 = arith.constant 11 : i32
    %broadcast_in_dim3A_194 = vector.broadcast %broadcast_in_dim3A_193 : i32 to vector<16xi32>
    %lt3A_195 = arith.cmpi slt, %broadcast_in_dim3A_194, %get3A_150 : vector<16xi32>
    %select_n3A_196 = arith.select %lt3A_195, %broadcast_in_dim3A_147, %broadcast_in_dim3A_149 : vector<16xi1>, vector<16xf32>
    %broadcast_in_dim3A_197 = arith.constant 12 : i32
    %broadcast_in_dim3A_198 = vector.broadcast %broadcast_in_dim3A_197 : i32 to vector<16xi32>
    %lt3A_199 = arith.cmpi slt, %broadcast_in_dim3A_198, %get3A_150 : vector<16xi32>
    %select_n3A_200 = arith.select %lt3A_199, %broadcast_in_dim3A_147, %broadcast_in_dim3A_149 : vector<16xi1>, vector<16xf32>
    %broadcast_in_dim3A_201 = arith.constant 13 : i32
    %broadcast_in_dim3A_202 = vector.broadcast %broadcast_in_dim3A_201 : i32 to vector<16xi32>
    %lt3A_203 = arith.cmpi slt, %broadcast_in_dim3A_202, %get3A_150 : vector<16xi32>
    %select_n3A_204 = arith.select %lt3A_203, %broadcast_in_dim3A_147, %broadcast_in_dim3A_149 : vector<16xi1>, vector<16xf32>
    %broadcast_in_dim3A_205 = arith.constant 14 : i32
    %broadcast_in_dim3A_206 = vector.broadcast %broadcast_in_dim3A_205 : i32 to vector<16xi32>
    %lt3A_207 = arith.cmpi slt, %broadcast_in_dim3A_206, %get3A_150 : vector<16xi32>
    %select_n3A_208 = arith.select %lt3A_207, %broadcast_in_dim3A_147, %broadcast_in_dim3A_149 : vector<16xi1>, vector<16xf32>
    %broadcast_in_dim3A_209 = arith.constant 15 : i32
    %broadcast_in_dim3A_210 = vector.broadcast %broadcast_in_dim3A_209 : i32 to vector<16xi32>
    %lt3A_211 = arith.cmpi slt, %broadcast_in_dim3A_210, %get3A_150 : vector<16xi32>
    %select_n3A_212 = arith.select %lt3A_211, %broadcast_in_dim3A_147, %broadcast_in_dim3A_149 : vector<16xi1>, vector<16xf32>
    %broadcast_in_dim3A_213 = vector.broadcast %add3A_4 : i32 to vector<16xi32>
    %add3A_214 = arith.addi %broadcast_in_dim3A_213, %iota3A : vector<16xi32>
    %mul3A_215 = arith.constant 4 : i32
    %mul3A_216 = vector.broadcast %mul3A_215 : i32 to vector<16xi32>
    %mul3A_217 = arith.muli %add3A_214, %mul3A_216 : vector<16xi32>
    %add3A_218 = arith.constant 0 : i32
    %add3A_219 = vector.broadcast %add3A_218 : i32 to vector<16xi32>
    %add3A_220 = arith.addi %mul3A_217, %add3A_219 : vector<16xi32>
    %mul3A_221 = arith.constant -1640531535 : i32
    %mul3A_222 = vector.broadcast %mul3A_221 : i32 to vector<16xi32>
    %mul3A_223 = arith.muli %add3A_220, %mul3A_222 : vector<16xi32>
    %add3A_224 = arith.constant -1640531527 : i32
    %add3A_225 = vector.broadcast %add3A_224 : i32 to vector<16xi32>
    %add3A_226 = arith.addi %mul3A_223, %add3A_225 : vector<16xi32>
    %shift_right_logical3A = arith.constant 16 : i32
    %shift_right_logical3A_227 = vector.broadcast %shift_right_logical3A : i32 to vector<16xi32>
    %shift_right_logical3A_228 = arith.shrui %add3A_226, %shift_right_logical3A_227 : vector<16xi32>
    %xor3A = arith.xori %add3A_226, %shift_right_logical3A_228 : vector<16xi32>
    %mul3A_229 = arith.constant 747796405 : i32
    %mul3A_230 = vector.broadcast %mul3A_229 : i32 to vector<16xi32>
    %mul3A_231 = arith.muli %xor3A, %mul3A_230 : vector<16xi32>
    %add3A_232 = arith.constant -1403630843 : i32
    %add3A_233 = vector.broadcast %add3A_232 : i32 to vector<16xi32>
    %add3A_234 = arith.addi %mul3A_231, %add3A_233 : vector<16xi32>
    %mul3A_235 = arith.constant 4 : i32
    %mul3A_236 = vector.broadcast %mul3A_235 : i32 to vector<16xi32>
    %mul3A_237 = arith.muli %add3A_214, %mul3A_236 : vector<16xi32>
    %add3A_238 = arith.constant 1 : i32
    %add3A_239 = vector.broadcast %add3A_238 : i32 to vector<16xi32>
    %add3A_240 = arith.addi %mul3A_237, %add3A_239 : vector<16xi32>
    %mul3A_241 = arith.constant -1640531535 : i32
    %mul3A_242 = vector.broadcast %mul3A_241 : i32 to vector<16xi32>
    %mul3A_243 = arith.muli %add3A_240, %mul3A_242 : vector<16xi32>
    %add3A_244 = arith.constant -1640531527 : i32
    %add3A_245 = vector.broadcast %add3A_244 : i32 to vector<16xi32>
    %add3A_246 = arith.addi %mul3A_243, %add3A_245 : vector<16xi32>
    %shift_right_logical3A_247 = arith.constant 16 : i32
    %shift_right_logical3A_248 = vector.broadcast %shift_right_logical3A_247 : i32 to vector<16xi32>
    %shift_right_logical3A_249 = arith.shrui %add3A_246, %shift_right_logical3A_248 : vector<16xi32>
    %xor3A_250 = arith.xori %add3A_246, %shift_right_logical3A_249 : vector<16xi32>
    %mul3A_251 = arith.constant 747796405 : i32
    %mul3A_252 = vector.broadcast %mul3A_251 : i32 to vector<16xi32>
    %mul3A_253 = arith.muli %xor3A_250, %mul3A_252 : vector<16xi32>
    %add3A_254 = arith.constant -1403630843 : i32
    %add3A_255 = vector.broadcast %add3A_254 : i32 to vector<16xi32>
    %add3A_256 = arith.addi %mul3A_253, %add3A_255 : vector<16xi32>
    %mul3A_257 = arith.constant 4 : i32
    %mul3A_258 = vector.broadcast %mul3A_257 : i32 to vector<16xi32>
    %mul3A_259 = arith.muli %add3A_214, %mul3A_258 : vector<16xi32>
    %add3A_260 = arith.constant 2 : i32
    %add3A_261 = vector.broadcast %add3A_260 : i32 to vector<16xi32>
    %add3A_262 = arith.addi %mul3A_259, %add3A_261 : vector<16xi32>
    %mul3A_263 = arith.constant -1640531535 : i32
    %mul3A_264 = vector.broadcast %mul3A_263 : i32 to vector<16xi32>
    %mul3A_265 = arith.muli %add3A_262, %mul3A_264 : vector<16xi32>
    %add3A_266 = arith.constant -1640531527 : i32
    %add3A_267 = vector.broadcast %add3A_266 : i32 to vector<16xi32>
    %add3A_268 = arith.addi %mul3A_265, %add3A_267 : vector<16xi32>
    %shift_right_logical3A_269 = arith.constant 16 : i32
    %shift_right_logical3A_270 = vector.broadcast %shift_right_logical3A_269 : i32 to vector<16xi32>
    %shift_right_logical3A_271 = arith.shrui %add3A_268, %shift_right_logical3A_270 : vector<16xi32>
    %xor3A_272 = arith.xori %add3A_268, %shift_right_logical3A_271 : vector<16xi32>
    %mul3A_273 = arith.constant 747796405 : i32
    %mul3A_274 = vector.broadcast %mul3A_273 : i32 to vector<16xi32>
    %mul3A_275 = arith.muli %xor3A_272, %mul3A_274 : vector<16xi32>
    %add3A_276 = arith.constant -1403630843 : i32
    %add3A_277 = vector.broadcast %add3A_276 : i32 to vector<16xi32>
    %add3A_278 = arith.addi %mul3A_275, %add3A_277 : vector<16xi32>
    %mul3A_279 = arith.constant 4 : i32
    %mul3A_280 = vector.broadcast %mul3A_279 : i32 to vector<16xi32>
    %mul3A_281 = arith.muli %add3A_214, %mul3A_280 : vector<16xi32>
    %add3A_282 = arith.constant 3 : i32
    %add3A_283 = vector.broadcast %add3A_282 : i32 to vector<16xi32>
    %add3A_284 = arith.addi %mul3A_281, %add3A_283 : vector<16xi32>
    %mul3A_285 = arith.constant -1640531535 : i32
    %mul3A_286 = vector.broadcast %mul3A_285 : i32 to vector<16xi32>
    %mul3A_287 = arith.muli %add3A_284, %mul3A_286 : vector<16xi32>
    %add3A_288 = arith.constant -1640531527 : i32
    %add3A_289 = vector.broadcast %add3A_288 : i32 to vector<16xi32>
    %add3A_290 = arith.addi %mul3A_287, %add3A_289 : vector<16xi32>
    %shift_right_logical3A_291 = arith.constant 16 : i32
    %shift_right_logical3A_292 = vector.broadcast %shift_right_logical3A_291 : i32 to vector<16xi32>
    %shift_right_logical3A_293 = arith.shrui %add3A_290, %shift_right_logical3A_292 : vector<16xi32>
    %xor3A_294 = arith.xori %add3A_290, %shift_right_logical3A_293 : vector<16xi32>
    %mul3A_295 = arith.constant 747796405 : i32
    %mul3A_296 = vector.broadcast %mul3A_295 : i32 to vector<16xi32>
    %mul3A_297 = arith.muli %xor3A_294, %mul3A_296 : vector<16xi32>
    %add3A_298 = arith.constant -1403630843 : i32
    %add3A_299 = vector.broadcast %add3A_298 : i32 to vector<16xi32>
    %add3A_300 = arith.addi %mul3A_297, %add3A_299 : vector<16xi32>
    %scan3A = arith.constant 0 : i32
    %scan3A_301 = arith.constant 8 : i32
    %scan3A_302 = arith.addi %scan3A, %scan3A_301 : i32
    %scan3A_303 = arith.constant 1 : i32
    %scan3A_304:4 = scf.for %scan3A_385 = %scan3A to %scan3A_302 step %scan3A_303 iter_args(%scan3A_386 = %add3A_234, %scan3A_387 = %add3A_256, %scan3A_388 = %add3A_278, %scan3A_389 = %add3A_300) -> (vector<16xi32>, vector<16xi32>, vector<16xi32>, vector<16xi32>)  : i32 {
      %mul3A_390 = arith.constant 16 : i32
      %mul3A_391 = arith.muli %scan3A_385, %mul3A_390 : i32
      %add3A_392 = arith.constant 0 : i32
      %add3A_393 = arith.addi %add3A_392, %mul3A_391 : i32
      %get3A_394 = arith.index_cast %add3A_393 : i32 to index
      %get3A_395 = tpu.vector_load %arg5[%get3A_394] {strides = array<i32>} : memref<1024xf32, #tpu.memory_space<vmem>>, vector<16xf32>,
      %mul3A_396 = arith.constant 6.553600e+04 : f32
      %mul3A_397 = vector.broadcast %mul3A_396 : f32 to vector<16xf32>
      %mul3A_398 = arith.mulf %get3A_395, %mul3A_397 : vector<16xf32>
      %convert_element_type3A = arith.fptosi %mul3A_398 : vector<16xf32> to vector<16xi32>
      %add3A_399 = arith.constant 128 : i32
      %add3A_400 = arith.addi %add3A_399, %mul3A_391 : i32
      %get3A_401 = arith.index_cast %add3A_400 : i32 to index
      %get3A_402 = tpu.vector_load %arg5[%get3A_401] {strides = array<i32>} : memref<1024xf32, #tpu.memory_space<vmem>>, vector<16xf32>,
      %mul3A_403 = arith.constant 6.553600e+04 : f32
      %mul3A_404 = vector.broadcast %mul3A_403 : f32 to vector<16xf32>
      %mul3A_405 = arith.mulf %get3A_402, %mul3A_404 : vector<16xf32>
      %convert_element_type3A_406 = arith.fptosi %mul3A_405 : vector<16xf32> to vector<16xi32>
      %add3A_407 = arith.constant 256 : i32
      %add3A_408 = arith.addi %add3A_407, %mul3A_391 : i32
      %get3A_409 = arith.index_cast %add3A_408 : i32 to index
      %get3A_410 = tpu.vector_load %arg5[%get3A_409] {strides = array<i32>} : memref<1024xf32, #tpu.memory_space<vmem>>, vector<16xf32>,
      %mul3A_411 = arith.constant 6.553600e+04 : f32
      %mul3A_412 = vector.broadcast %mul3A_411 : f32 to vector<16xf32>
      %mul3A_413 = arith.mulf %get3A_410, %mul3A_412 : vector<16xf32>
      %convert_element_type3A_414 = arith.fptosi %mul3A_413 : vector<16xf32> to vector<16xi32>
      %add3A_415 = arith.constant 384 : i32
      %add3A_416 = arith.addi %add3A_415, %mul3A_391 : i32
      %get3A_417 = arith.index_cast %add3A_416 : i32 to index
      %get3A_418 = tpu.vector_load %arg5[%get3A_417] {strides = array<i32>} : memref<1024xf32, #tpu.memory_space<vmem>>, vector<16xf32>,
      %mul3A_419 = arith.constant 6.553600e+04 : f32
      %mul3A_420 = vector.broadcast %mul3A_419 : f32 to vector<16xf32>
      %mul3A_421 = arith.mulf %get3A_418, %mul3A_420 : vector<16xf32>
      %convert_element_type3A_422 = arith.fptosi %mul3A_421 : vector<16xf32> to vector<16xi32>
      %add3A_423 = arith.constant 512 : i32
      %add3A_424 = arith.addi %add3A_423, %mul3A_391 : i32
      %get3A_425 = arith.index_cast %add3A_424 : i32 to index
      %get3A_426 = tpu.vector_load %arg5[%get3A_425] {strides = array<i32>} : memref<1024xf32, #tpu.memory_space<vmem>>, vector<16xf32>,
      %mul3A_427 = arith.constant 6.553600e+04 : f32
      %mul3A_428 = vector.broadcast %mul3A_427 : f32 to vector<16xf32>
      %mul3A_429 = arith.mulf %get3A_426, %mul3A_428 : vector<16xf32>
      %convert_element_type3A_430 = arith.fptosi %mul3A_429 : vector<16xf32> to vector<16xi32>
      %add3A_431 = arith.constant 640 : i32
      %add3A_432 = arith.addi %add3A_431, %mul3A_391 : i32
      %get3A_433 = arith.index_cast %add3A_432 : i32 to index
      %get3A_434 = tpu.vector_load %arg5[%get3A_433] {strides = array<i32>} : memref<1024xf32, #tpu.memory_space<vmem>>, vector<16xf32>,
      %mul3A_435 = arith.constant 6.553600e+04 : f32
      %mul3A_436 = vector.broadcast %mul3A_435 : f32 to vector<16xf32>
      %mul3A_437 = arith.mulf %get3A_434, %mul3A_436 : vector<16xf32>
      %convert_element_type3A_438 = arith.fptosi %mul3A_437 : vector<16xf32> to vector<16xi32>
      %add3A_439 = arith.constant 768 : i32
      %add3A_440 = arith.addi %add3A_439, %mul3A_391 : i32
      %get3A_441 = arith.index_cast %add3A_440 : i32 to index
      %get3A_442 = tpu.vector_load %arg5[%get3A_441] {strides = array<i32>} : memref<1024xf32, #tpu.memory_space<vmem>>, vector<16xf32>,
      %mul3A_443 = arith.constant 6.553600e+04 : f32
      %mul3A_444 = vector.broadcast %mul3A_443 : f32 to vector<16xf32>
      %mul3A_445 = arith.mulf %get3A_442, %mul3A_444 : vector<16xf32>
      %convert_element_type3A_446 = arith.fptosi %mul3A_445 : vector<16xf32> to vector<16xi32>
      %add3A_447 = arith.constant 896 : i32
      %add3A_448 = arith.addi %add3A_447, %mul3A_391 : i32
      %get3A_449 = arith.index_cast %add3A_448 : i32 to index
      %get3A_450 = tpu.vector_load %arg5[%get3A_449] {strides = array<i32>} : memref<1024xf32, #tpu.memory_space<vmem>>, vector<16xf32>,
      %mul3A_451 = arith.constant 6.553600e+04 : f32
      %mul3A_452 = vector.broadcast %mul3A_451 : f32 to vector<16xf32>
      %mul3A_453 = arith.mulf %get3A_450, %mul3A_452 : vector<16xf32>
      %convert_element_type3A_454 = arith.fptosi %mul3A_453 : vector<16xf32> to vector<16xi32>
      %mul3A_455 = arith.constant 747796405 : i32
      %mul3A_456 = vector.broadcast %mul3A_455 : i32 to vector<16xi32>
      %mul3A_457 = arith.muli %scan3A_386, %mul3A_456 : vector<16xi32>
      %add3A_458 = arith.constant -1403630843 : i32
      %add3A_459 = vector.broadcast %add3A_458 : i32 to vector<16xi32>
      %add3A_460 = arith.addi %mul3A_457, %add3A_459 : vector<16xi32>
      %shift_right_logical3A_461 = arith.constant 16 : i32
      %shift_right_logical3A_462 = vector.broadcast %shift_right_logical3A_461 : i32 to vector<16xi32>
      %shift_right_logical3A_463 = arith.shrui %add3A_460, %shift_right_logical3A_462 : vector<16xi32>
      %bitcast3A = vector.bitcast %shift_right_logical3A_463 : vector<16xi32> to vector<16xi32>
      %and3A = arith.constant 65535 : i32
      %and3A_464 = vector.broadcast %and3A : i32 to vector<16xi32>
      %and3A_465 = arith.andi %add3A_460, %and3A_464 : vector<16xi32>
      %bitcast3A_466 = vector.bitcast %and3A_465 : vector<16xi32> to vector<16xi32>
      %lt3A_467 = arith.cmpi slt, %bitcast3A, %convert_element_type3A : vector<16xi32>
      %select_n3A_468 = arith.select %lt3A_467, %broadcast_in_dim3A_147, %broadcast_in_dim3A_149 : vector<16xi1>, vector<16xf32>
      %lt3A_469 = arith.cmpi slt, %bitcast3A_466, %convert_element_type3A_430 : vector<16xi32>
      %select_n3A_470 = arith.select %lt3A_469, %broadcast_in_dim3A_147, %broadcast_in_dim3A_149 : vector<16xi1>, vector<16xf32>
      %mul3A_471 = arith.constant 747796405 : i32
      %mul3A_472 = vector.broadcast %mul3A_471 : i32 to vector<16xi32>
      %mul3A_473 = arith.muli %scan3A_387, %mul3A_472 : vector<16xi32>
      %add3A_474 = arith.constant -1403630843 : i32
      %add3A_475 = vector.broadcast %add3A_474 : i32 to vector<16xi32>
      %add3A_476 = arith.addi %mul3A_473, %add3A_475 : vector<16xi32>
      %shift_right_logical3A_477 = arith.constant 16 : i32
      %shift_right_logical3A_478 = vector.broadcast %shift_right_logical3A_477 : i32 to vector<16xi32>
      %shift_right_logical3A_479 = arith.shrui %add3A_476, %shift_right_logical3A_478 : vector<16xi32>
      %bitcast3A_480 = vector.bitcast %shift_right_logical3A_479 : vector<16xi32> to vector<16xi32>
      %and3A_481 = arith.constant 65535 : i32
      %and3A_482 = vector.broadcast %and3A_481 : i32 to vector<16xi32>
      %and3A_483 = arith.andi %add3A_476, %and3A_482 : vector<16xi32>
      %bitcast3A_484 = vector.bitcast %and3A_483 : vector<16xi32> to vector<16xi32>
      %lt3A_485 = arith.cmpi slt, %bitcast3A_480, %convert_element_type3A_406 : vector<16xi32>
      %select_n3A_486 = arith.select %lt3A_485, %broadcast_in_dim3A_147, %broadcast_in_dim3A_149 : vector<16xi1>, vector<16xf32>
      %lt3A_487 = arith.cmpi slt, %bitcast3A_484, %convert_element_type3A_438 : vector<16xi32>
      %select_n3A_488 = arith.select %lt3A_487, %broadcast_in_dim3A_147, %broadcast_in_dim3A_149 : vector<16xi1>, vector<16xf32>
      %mul3A_489 = arith.constant 747796405 : i32
      %mul3A_490 = vector.broadcast %mul3A_489 : i32 to vector<16xi32>
      %mul3A_491 = arith.muli %scan3A_388, %mul3A_490 : vector<16xi32>
      %add3A_492 = arith.constant -1403630843 : i32
      %add3A_493 = vector.broadcast %add3A_492 : i32 to vector<16xi32>
      %add3A_494 = arith.addi %mul3A_491, %add3A_493 : vector<16xi32>
      %shift_right_logical3A_495 = arith.constant 16 : i32
      %shift_right_logical3A_496 = vector.broadcast %shift_right_logical3A_495 : i32 to vector<16xi32>
      %shift_right_logical3A_497 = arith.shrui %add3A_494, %shift_right_logical3A_496 : vector<16xi32>
      %bitcast3A_498 = vector.bitcast %shift_right_logical3A_497 : vector<16xi32> to vector<16xi32>
      %and3A_499 = arith.constant 65535 : i32
      %and3A_500 = vector.broadcast %and3A_499 : i32 to vector<16xi32>
      %and3A_501 = arith.andi %add3A_494, %and3A_500 : vector<16xi32>
      %bitcast3A_502 = vector.bitcast %and3A_501 : vector<16xi32> to vector<16xi32>
      %lt3A_503 = arith.cmpi slt, %bitcast3A_498, %convert_element_type3A_414 : vector<16xi32>
      %select_n3A_504 = arith.select %lt3A_503, %broadcast_in_dim3A_147, %broadcast_in_dim3A_149 : vector<16xi1>, vector<16xf32>
      %lt3A_505 = arith.cmpi slt, %bitcast3A_502, %convert_element_type3A_446 : vector<16xi32>
      %select_n3A_506 = arith.select %lt3A_505, %broadcast_in_dim3A_147, %broadcast_in_dim3A_149 : vector<16xi1>, vector<16xf32>
      %mul3A_507 = arith.constant 747796405 : i32
      %mul3A_508 = vector.broadcast %mul3A_507 : i32 to vector<16xi32>
      %mul3A_509 = arith.muli %scan3A_389, %mul3A_508 : vector<16xi32>
      %add3A_510 = arith.constant -1403630843 : i32
      %add3A_511 = vector.broadcast %add3A_510 : i32 to vector<16xi32>
      %add3A_512 = arith.addi %mul3A_509, %add3A_511 : vector<16xi32>
      %shift_right_logical3A_513 = arith.constant 16 : i32
      %shift_right_logical3A_514 = vector.broadcast %shift_right_logical3A_513 : i32 to vector<16xi32>
      %shift_right_logical3A_515 = arith.shrui %add3A_512, %shift_right_logical3A_514 : vector<16xi32>
      %bitcast3A_516 = vector.bitcast %shift_right_logical3A_515 : vector<16xi32> to vector<16xi32>
      %and3A_517 = arith.constant 65535 : i32
      %and3A_518 = vector.broadcast %and3A_517 : i32 to vector<16xi32>
      %and3A_519 = arith.andi %add3A_512, %and3A_518 : vector<16xi32>
      %bitcast3A_520 = vector.bitcast %and3A_519 : vector<16xi32> to vector<16xi32>
      %lt3A_521 = arith.cmpi slt, %bitcast3A_516, %convert_element_type3A_422 : vector<16xi32>
      %select_n3A_522 = arith.select %lt3A_521, %broadcast_in_dim3A_147, %broadcast_in_dim3A_149 : vector<16xi1>, vector<16xf32>
      %lt3A_523 = arith.cmpi slt, %bitcast3A_520, %convert_element_type3A_454 : vector<16xi32>
      %select_n3A_524 = arith.select %lt3A_523, %broadcast_in_dim3A_147, %broadcast_in_dim3A_149 : vector<16xi1>, vector<16xf32>
      %sub3A_525 = arith.subf %select_n3A_468, %select_n3A_522 : vector<16xf32>
      %sub3A_526 = arith.subf %sub3A_525, %broadcast_in_dim3A_149 : vector<16xf32>
      %mul3A_527 = arith.constant 1.000000e-01 : f32
      %mul3A_528 = vector.broadcast %mul3A_527 : f32 to vector<16xf32>
      %mul3A_529 = arith.mulf %sub3A_526, %mul3A_528 : vector<16xf32>
      %add3A_530 = arith.addf %broadcast_in_dim3A_149, %mul3A_529 : vector<16xf32>
      %ge3A = arith.constant 1.000000e+00 : f32
      %ge3A_531 = vector.broadcast %ge3A : f32 to vector<16xf32>
      %ge3A_532 = arith.cmpf oge, %add3A_530, %ge3A_531 : vector<16xf32>
      %select_n3A_533 = arith.select %ge3A_532, %broadcast_in_dim3A_147, %broadcast_in_dim3A_149 : vector<16xi1>, vector<16xf32>
      %select_n3A_534 = arith.select %ge3A_532, %broadcast_in_dim3A_149, %add3A_530 : vector<16xi1>, vector<16xf32>
      %sub3A_535 = arith.subf %select_n3A_486, %select_n3A_470 : vector<16xf32>
      %sub3A_536 = arith.subf %sub3A_535, %broadcast_in_dim3A_149 : vector<16xf32>
      %mul3A_537 = arith.constant 1.000000e-01 : f32
      %mul3A_538 = vector.broadcast %mul3A_537 : f32 to vector<16xf32>
      %mul3A_539 = arith.mulf %sub3A_536, %mul3A_538 : vector<16xf32>
      %add3A_540 = arith.addf %broadcast_in_dim3A_149, %mul3A_539 : vector<16xf32>
      %ge3A_541 = arith.constant 1.000000e+00 : f32
      %ge3A_542 = vector.broadcast %ge3A_541 : f32 to vector<16xf32>
      %ge3A_543 = arith.cmpf oge, %add3A_540, %ge3A_542 : vector<16xf32>
      %select_n3A_544 = arith.select %ge3A_543, %broadcast_in_dim3A_147, %broadcast_in_dim3A_149 : vector<16xi1>, vector<16xf32>
      %select_n3A_545 = arith.select %ge3A_543, %broadcast_in_dim3A_149, %add3A_540 : vector<16xi1>, vector<16xf32>
      %sub3A_546 = arith.subf %select_n3A_504, %select_n3A_488 : vector<16xf32>
      %sub3A_547 = arith.subf %sub3A_546, %broadcast_in_dim3A_149 : vector<16xf32>
      %mul3A_548 = arith.constant 1.000000e-01 : f32
      %mul3A_549 = vector.broadcast %mul3A_548 : f32 to vector<16xf32>
      %mul3A_550 = arith.mulf %sub3A_547, %mul3A_549 : vector<16xf32>
      %add3A_551 = arith.addf %broadcast_in_dim3A_149, %mul3A_550 : vector<16xf32>
      %ge3A_552 = arith.constant 1.000000e+00 : f32
      %ge3A_553 = vector.broadcast %ge3A_552 : f32 to vector<16xf32>
      %ge3A_554 = arith.cmpf oge, %add3A_551, %ge3A_553 : vector<16xf32>
      %select_n3A_555 = arith.select %ge3A_554, %broadcast_in_dim3A_147, %broadcast_in_dim3A_149 : vector<16xi1>, vector<16xf32>
      %select_n3A_556 = arith.select %ge3A_554, %broadcast_in_dim3A_149, %add3A_551 : vector<16xi1>, vector<16xf32>
      %sub3A_557 = arith.subf %select_n3A_522, %select_n3A_506 : vector<16xf32>
      %sub3A_558 = arith.subf %sub3A_557, %broadcast_in_dim3A_149 : vector<16xf32>
      %mul3A_559 = arith.constant 1.000000e-01 : f32
      %mul3A_560 = vector.broadcast %mul3A_559 : f32 to vector<16xf32>
      %mul3A_561 = arith.mulf %sub3A_558, %mul3A_560 : vector<16xf32>
      %add3A_562 = arith.addf %broadcast_in_dim3A_149, %mul3A_561 : vector<16xf32>
      %ge3A_563 = arith.constant 1.000000e+00 : f32
      %ge3A_564 = vector.broadcast %ge3A_563 : f32 to vector<16xf32>
      %ge3A_565 = arith.cmpf oge, %add3A_562, %ge3A_564 : vector<16xf32>
      %select_n3A_566 = arith.select %ge3A_565, %broadcast_in_dim3A_147, %broadcast_in_dim3A_149 : vector<16xi1>, vector<16xf32>
      %select_n3A_567 = arith.select %ge3A_565, %broadcast_in_dim3A_149, %add3A_562 : vector<16xi1>, vector<16xf32>
      %sub3A_568 = arith.subf %select_n3A_470, %select_n3A_524 : vector<16xf32>
      %sub3A_569 = arith.subf %sub3A_568, %broadcast_in_dim3A_149 : vector<16xf32>
      %mul3A_570 = arith.constant 1.000000e-01 : f32
      %mul3A_571 = vector.broadcast %mul3A_570 : f32 to vector<16xf32>
      %mul3A_572 = arith.mulf %sub3A_569, %mul3A_571 : vector<16xf32>
      %add3A_573 = arith.addf %broadcast_in_dim3A_149, %mul3A_572 : vector<16xf32>
      %ge3A_574 = arith.constant 1.000000e+00 : f32
      %ge3A_575 = vector.broadcast %ge3A_574 : f32 to vector<16xf32>
      %ge3A_576 = arith.cmpf oge, %add3A_573, %ge3A_575 : vector<16xf32>
      %select_n3A_577 = arith.select %ge3A_576, %broadcast_in_dim3A_147, %broadcast_in_dim3A_149 : vector<16xi1>, vector<16xf32>
      %select_n3A_578 = arith.select %ge3A_576, %broadcast_in_dim3A_149, %add3A_573 : vector<16xi1>, vector<16xf32>
      %sub3A_579 = arith.subf %select_n3A_488, %select_n3A_468 : vector<16xf32>
      %sub3A_580 = arith.subf %sub3A_579, %broadcast_in_dim3A_149 : vector<16xf32>
      %mul3A_581 = arith.constant 1.000000e-01 : f32
      %mul3A_582 = vector.broadcast %mul3A_581 : f32 to vector<16xf32>
      %mul3A_583 = arith.mulf %sub3A_580, %mul3A_582 : vector<16xf32>
      %add3A_584 = arith.addf %broadcast_in_dim3A_149, %mul3A_583 : vector<16xf32>
      %ge3A_585 = arith.constant 1.000000e+00 : f32
      %ge3A_586 = vector.broadcast %ge3A_585 : f32 to vector<16xf32>
      %ge3A_587 = arith.cmpf oge, %add3A_584, %ge3A_586 : vector<16xf32>
      %select_n3A_588 = arith.select %ge3A_587, %broadcast_in_dim3A_147, %broadcast_in_dim3A_149 : vector<16xi1>, vector<16xf32>
      %select_n3A_589 = arith.select %ge3A_587, %broadcast_in_dim3A_149, %add3A_584 : vector<16xi1>, vector<16xf32>
      %sub3A_590 = arith.subf %select_n3A_506, %select_n3A_486 : vector<16xf32>
      %sub3A_591 = arith.subf %sub3A_590, %broadcast_in_dim3A_149 : vector<16xf32>
      %mul3A_592 = arith.constant 1.000000e-01 : f32
      %mul3A_593 = vector.broadcast %mul3A_592 : f32 to vector<16xf32>
      %mul3A_594 = arith.mulf %sub3A_591, %mul3A_593 : vector<16xf32>
      %add3A_595 = arith.addf %broadcast_in_dim3A_149, %mul3A_594 : vector<16xf32>
      %ge3A_596 = arith.constant 1.000000e+00 : f32
      %ge3A_597 = vector.broadcast %ge3A_596 : f32 to vector<16xf32>
      %ge3A_598 = arith.cmpf oge, %add3A_595, %ge3A_597 : vector<16xf32>
      %select_n3A_599 = arith.select %ge3A_598, %broadcast_in_dim3A_147, %broadcast_in_dim3A_149 : vector<16xi1>, vector<16xf32>
      %select_n3A_600 = arith.select %ge3A_598, %broadcast_in_dim3A_149, %add3A_595 : vector<16xi1>, vector<16xf32>
      %sub3A_601 = arith.subf %select_n3A_524, %select_n3A_504 : vector<16xf32>
      %sub3A_602 = arith.subf %sub3A_601, %broadcast_in_dim3A_149 : vector<16xf32>
      %mul3A_603 = arith.constant 1.000000e-01 : f32
      %mul3A_604 = vector.broadcast %mul3A_603 : f32 to vector<16xf32>
      %mul3A_605 = arith.mulf %sub3A_602, %mul3A_604 : vector<16xf32>
      %add3A_606 = arith.addf %broadcast_in_dim3A_149, %mul3A_605 : vector<16xf32>
      %ge3A_607 = arith.constant 1.000000e+00 : f32
      %ge3A_608 = vector.broadcast %ge3A_607 : f32 to vector<16xf32>
      %ge3A_609 = arith.cmpf oge, %add3A_606, %ge3A_608 : vector<16xf32>
      %select_n3A_610 = arith.select %ge3A_609, %broadcast_in_dim3A_147, %broadcast_in_dim3A_149 : vector<16xi1>, vector<16xf32>
      %select_n3A_611 = arith.select %ge3A_609, %broadcast_in_dim3A_149, %add3A_606 : vector<16xi1>, vector<16xf32>
      %add3A_612 = arith.addf %select_n3A_533, %select_n3A_544 : vector<16xf32>
      %add3A_613 = arith.addf %select_n3A_555, %select_n3A_566 : vector<16xf32>
      %add3A_614 = arith.addf %select_n3A_577, %select_n3A_588 : vector<16xf32>
      %add3A_615 = arith.addf %select_n3A_599, %select_n3A_610 : vector<16xf32>
      %sub3A_616 = arith.subf %add3A_612, %add3A_614 : vector<16xf32>
      %sub3A_617 = arith.subf %sub3A_616, %broadcast_in_dim3A_149 : vector<16xf32>
      %mul3A_618 = arith.constant 1.000000e-01 : f32
      %mul3A_619 = vector.broadcast %mul3A_618 : f32 to vector<16xf32>
      %mul3A_620 = arith.mulf %sub3A_617, %mul3A_619 : vector<16xf32>
      %add3A_621 = arith.addf %broadcast_in_dim3A_149, %mul3A_620 : vector<16xf32>
      %ge3A_622 = arith.constant 1.000000e+00 : f32
      %ge3A_623 = vector.broadcast %ge3A_622 : f32 to vector<16xf32>
      %ge3A_624 = arith.cmpf oge, %add3A_621, %ge3A_623 : vector<16xf32>
      %select_n3A_625 = arith.select %ge3A_624, %broadcast_in_dim3A_149, %add3A_621 : vector<16xi1>, vector<16xf32>
      %select_n3A_626 = arith.select %ge3A_624, %select_n3A, %broadcast_in_dim3A_149 : vector<16xi1>, vector<16xf32>
      %add3A_627 = arith.addf %broadcast_in_dim3A_149, %select_n3A_626 : vector<16xf32>
      %sub3A_628 = arith.subf %add3A_613, %add3A_615 : vector<16xf32>
      %sub3A_629 = arith.subf %sub3A_628, %broadcast_in_dim3A_149 : vector<16xf32>
      %mul3A_630 = arith.constant 1.000000e-01 : f32
      %mul3A_631 = vector.broadcast %mul3A_630 : f32 to vector<16xf32>
      %mul3A_632 = arith.mulf %sub3A_629, %mul3A_631 : vector<16xf32>
      %add3A_633 = arith.addf %broadcast_in_dim3A_149, %mul3A_632 : vector<16xf32>
      %ge3A_634 = arith.constant 1.000000e+00 : f32
      %ge3A_635 = vector.broadcast %ge3A_634 : f32 to vector<16xf32>
      %ge3A_636 = arith.cmpf oge, %add3A_633, %ge3A_635 : vector<16xf32>
      %select_n3A_637 = arith.select %ge3A_636, %broadcast_in_dim3A_149, %add3A_633 : vector<16xi1>, vector<16xf32>
      %select_n3A_638 = arith.select %ge3A_636, %select_n3A, %broadcast_in_dim3A_149 : vector<16xi1>, vector<16xf32>
      %add3A_639 = arith.addf %broadcast_in_dim3A_149, %select_n3A_638 : vector<16xf32>
      %sub3A_640 = arith.subf %add3A_614, %add3A_612 : vector<16xf32>
      %sub3A_641 = arith.subf %sub3A_640, %broadcast_in_dim3A_149 : vector<16xf32>
      %mul3A_642 = arith.constant 1.000000e-01 : f32
      %mul3A_643 = vector.broadcast %mul3A_642 : f32 to vector<16xf32>
      %mul3A_644 = arith.mulf %sub3A_641, %mul3A_643 : vector<16xf32>
      %add3A_645 = arith.addf %broadcast_in_dim3A_149, %mul3A_644 : vector<16xf32>
      %ge3A_646 = arith.constant 1.000000e+00 : f32
      %ge3A_647 = vector.broadcast %ge3A_646 : f32 to vector<16xf32>
      %ge3A_648 = arith.cmpf oge, %add3A_645, %ge3A_647 : vector<16xf32>
      %select_n3A_649 = arith.select %ge3A_648, %broadcast_in_dim3A_149, %add3A_645 : vector<16xi1>, vector<16xf32>
      %select_n3A_650 = arith.select %ge3A_648, %select_n3A, %broadcast_in_dim3A_149 : vector<16xi1>, vector<16xf32>
      %add3A_651 = arith.addf %broadcast_in_dim3A_149, %select_n3A_650 : vector<16xf32>
      %sub3A_652 = arith.subf %add3A_615, %add3A_613 : vector<16xf32>
      %sub3A_653 = arith.subf %sub3A_652, %broadcast_in_dim3A_149 : vector<16xf32>
      %mul3A_654 = arith.constant 1.000000e-01 : f32
      %mul3A_655 = vector.broadcast %mul3A_654 : f32 to vector<16xf32>
      %mul3A_656 = arith.mulf %sub3A_653, %mul3A_655 : vector<16xf32>
      %add3A_657 = arith.addf %broadcast_in_dim3A_149, %mul3A_656 : vector<16xf32>
      %ge3A_658 = arith.constant 1.000000e+00 : f32
      %ge3A_659 = vector.broadcast %ge3A_658 : f32 to vector<16xf32>
      %ge3A_660 = arith.cmpf oge, %add3A_657, %ge3A_659 : vector<16xf32>
      %select_n3A_661 = arith.select %ge3A_660, %broadcast_in_dim3A_149, %add3A_657 : vector<16xi1>, vector<16xf32>
      %select_n3A_662 = arith.select %ge3A_660, %select_n3A, %broadcast_in_dim3A_149 : vector<16xi1>, vector<16xf32>
      %add3A_663 = arith.addf %broadcast_in_dim3A_149, %select_n3A_662 : vector<16xf32>
      %mul3A_664 = arith.constant 747796405 : i32
      %mul3A_665 = vector.broadcast %mul3A_664 : i32 to vector<16xi32>
      %mul3A_666 = arith.muli %add3A_460, %mul3A_665 : vector<16xi32>
      %add3A_667 = arith.constant -1403630843 : i32
      %add3A_668 = vector.broadcast %add3A_667 : i32 to vector<16xi32>
      %add3A_669 = arith.addi %mul3A_666, %add3A_668 : vector<16xi32>
      %shift_right_logical3A_670 = arith.constant 16 : i32
      %shift_right_logical3A_671 = vector.broadcast %shift_right_logical3A_670 : i32 to vector<16xi32>
      %shift_right_logical3A_672 = arith.shrui %add3A_669, %shift_right_logical3A_671 : vector<16xi32>
      %bitcast3A_673 = vector.bitcast %shift_right_logical3A_672 : vector<16xi32> to vector<16xi32>
      %and3A_674 = arith.constant 65535 : i32
      %and3A_675 = vector.broadcast %and3A_674 : i32 to vector<16xi32>
      %and3A_676 = arith.andi %add3A_669, %and3A_675 : vector<16xi32>
      %bitcast3A_677 = vector.bitcast %and3A_676 : vector<16xi32> to vector<16xi32>
      %lt3A_678 = arith.cmpi slt, %bitcast3A_673, %convert_element_type3A : vector<16xi32>
      %select_n3A_679 = arith.select %lt3A_678, %broadcast_in_dim3A_147, %broadcast_in_dim3A_149 : vector<16xi1>, vector<16xf32>
      %lt3A_680 = arith.cmpi slt, %bitcast3A_677, %convert_element_type3A_430 : vector<16xi32>
      %select_n3A_681 = arith.select %lt3A_680, %broadcast_in_dim3A_147, %broadcast_in_dim3A_149 : vector<16xi1>, vector<16xf32>
      %mul3A_682 = arith.constant 747796405 : i32
      %mul3A_683 = vector.broadcast %mul3A_682 : i32 to vector<16xi32>
      %mul3A_684 = arith.muli %add3A_476, %mul3A_683 : vector<16xi32>
      %add3A_685 = arith.constant -1403630843 : i32
      %add3A_686 = vector.broadcast %add3A_685 : i32 to vector<16xi32>
      %add3A_687 = arith.addi %mul3A_684, %add3A_686 : vector<16xi32>
      %shift_right_logical3A_688 = arith.constant 16 : i32
      %shift_right_logical3A_689 = vector.broadcast %shift_right_logical3A_688 : i32 to vector<16xi32>
      %shift_right_logical3A_690 = arith.shrui %add3A_687, %shift_right_logical3A_689 : vector<16xi32>
      %bitcast3A_691 = vector.bitcast %shift_right_logical3A_690 : vector<16xi32> to vector<16xi32>
      %and3A_692 = arith.constant 65535 : i32
      %and3A_693 = vector.broadcast %and3A_692 : i32 to vector<16xi32>
      %and3A_694 = arith.andi %add3A_687, %and3A_693 : vector<16xi32>
      %bitcast3A_695 = vector.bitcast %and3A_694 : vector<16xi32> to vector<16xi32>
      %lt3A_696 = arith.cmpi slt, %bitcast3A_691, %convert_element_type3A_406 : vector<16xi32>
      %select_n3A_697 = arith.select %lt3A_696, %broadcast_in_dim3A_147, %broadcast_in_dim3A_149 : vector<16xi1>, vector<16xf32>
      %lt3A_698 = arith.cmpi slt, %bitcast3A_695, %convert_element_type3A_438 : vector<16xi32>
      %select_n3A_699 = arith.select %lt3A_698, %broadcast_in_dim3A_147, %broadcast_in_dim3A_149 : vector<16xi1>, vector<16xf32>
      %mul3A_700 = arith.constant 747796405 : i32
      %mul3A_701 = vector.broadcast %mul3A_700 : i32 to vector<16xi32>
      %mul3A_702 = arith.muli %add3A_494, %mul3A_701 : vector<16xi32>
      %add3A_703 = arith.constant -1403630843 : i32
      %add3A_704 = vector.broadcast %add3A_703 : i32 to vector<16xi32>
      %add3A_705 = arith.addi %mul3A_702, %add3A_704 : vector<16xi32>
      %shift_right_logical3A_706 = arith.constant 16 : i32
      %shift_right_logical3A_707 = vector.broadcast %shift_right_logical3A_706 : i32 to vector<16xi32>
      %shift_right_logical3A_708 = arith.shrui %add3A_705, %shift_right_logical3A_707 : vector<16xi32>
      %bitcast3A_709 = vector.bitcast %shift_right_logical3A_708 : vector<16xi32> to vector<16xi32>
      %and3A_710 = arith.constant 65535 : i32
      %and3A_711 = vector.broadcast %and3A_710 : i32 to vector<16xi32>
      %and3A_712 = arith.andi %add3A_705, %and3A_711 : vector<16xi32>
      %bitcast3A_713 = vector.bitcast %and3A_712 : vector<16xi32> to vector<16xi32>
      %lt3A_714 = arith.cmpi slt, %bitcast3A_709, %convert_element_type3A_414 : vector<16xi32>
      %select_n3A_715 = arith.select %lt3A_714, %broadcast_in_dim3A_147, %broadcast_in_dim3A_149 : vector<16xi1>, vector<16xf32>
      %lt3A_716 = arith.cmpi slt, %bitcast3A_713, %convert_element_type3A_446 : vector<16xi32>
      %select_n3A_717 = arith.select %lt3A_716, %broadcast_in_dim3A_147, %broadcast_in_dim3A_149 : vector<16xi1>, vector<16xf32>
      %mul3A_718 = arith.constant 747796405 : i32
      %mul3A_719 = vector.broadcast %mul3A_718 : i32 to vector<16xi32>
      %mul3A_720 = arith.muli %add3A_512, %mul3A_719 : vector<16xi32>
      %add3A_721 = arith.constant -1403630843 : i32
      %add3A_722 = vector.broadcast %add3A_721 : i32 to vector<16xi32>
      %add3A_723 = arith.addi %mul3A_720, %add3A_722 : vector<16xi32>
      %shift_right_logical3A_724 = arith.constant 16 : i32
      %shift_right_logical3A_725 = vector.broadcast %shift_right_logical3A_724 : i32 to vector<16xi32>
      %shift_right_logical3A_726 = arith.shrui %add3A_723, %shift_right_logical3A_725 : vector<16xi32>
      %bitcast3A_727 = vector.bitcast %shift_right_logical3A_726 : vector<16xi32> to vector<16xi32>
      %and3A_728 = arith.constant 65535 : i32
      %and3A_729 = vector.broadcast %and3A_728 : i32 to vector<16xi32>
      %and3A_730 = arith.andi %add3A_723, %and3A_729 : vector<16xi32>
      %bitcast3A_731 = vector.bitcast %and3A_730 : vector<16xi32> to vector<16xi32>
      %lt3A_732 = arith.cmpi slt, %bitcast3A_727, %convert_element_type3A_422 : vector<16xi32>
      %select_n3A_733 = arith.select %lt3A_732, %broadcast_in_dim3A_147, %broadcast_in_dim3A_149 : vector<16xi1>, vector<16xf32>
      %lt3A_734 = arith.cmpi slt, %bitcast3A_731, %convert_element_type3A_454 : vector<16xi32>
      %select_n3A_735 = arith.select %lt3A_734, %broadcast_in_dim3A_147, %broadcast_in_dim3A_149 : vector<16xi1>, vector<16xf32>
      %sub3A_736 = arith.subf %select_n3A_679, %select_n3A_733 : vector<16xf32>
      %sub3A_737 = arith.subf %sub3A_736, %select_n3A_534 : vector<16xf32>
      %mul3A_738 = arith.constant 1.000000e-01 : f32
      %mul3A_739 = vector.broadcast %mul3A_738 : f32 to vector<16xf32>
      %mul3A_740 = arith.mulf %sub3A_737, %mul3A_739 : vector<16xf32>
      %add3A_741 = arith.addf %select_n3A_534, %mul3A_740 : vector<16xf32>
      %ge3A_742 = arith.constant 1.000000e+00 : f32
      %ge3A_743 = vector.broadcast %ge3A_742 : f32 to vector<16xf32>
      %ge3A_744 = arith.cmpf oge, %add3A_741, %ge3A_743 : vector<16xf32>
      %select_n3A_745 = arith.select %ge3A_744, %broadcast_in_dim3A_147, %broadcast_in_dim3A_149 : vector<16xi1>, vector<16xf32>
      %select_n3A_746 = arith.select %ge3A_744, %broadcast_in_dim3A_149, %add3A_741 : vector<16xi1>, vector<16xf32>
      %sub3A_747 = arith.subf %select_n3A_697, %select_n3A_681 : vector<16xf32>
      %sub3A_748 = arith.subf %sub3A_747, %select_n3A_545 : vector<16xf32>
      %mul3A_749 = arith.constant 1.000000e-01 : f32
      %mul3A_750 = vector.broadcast %mul3A_749 : f32 to vector<16xf32>
      %mul3A_751 = arith.mulf %sub3A_748, %mul3A_750 : vector<16xf32>
      %add3A_752 = arith.addf %select_n3A_545, %mul3A_751 : vector<16xf32>
      %ge3A_753 = arith.constant 1.000000e+00 : f32
      %ge3A_754 = vector.broadcast %ge3A_753 : f32 to vector<16xf32>
      %ge3A_755 = arith.cmpf oge, %add3A_752, %ge3A_754 : vector<16xf32>
      %select_n3A_756 = arith.select %ge3A_755, %broadcast_in_dim3A_147, %broadcast_in_dim3A_149 : vector<16xi1>, vector<16xf32>
      %select_n3A_757 = arith.select %ge3A_755, %broadcast_in_dim3A_149, %add3A_752 : vector<16xi1>, vector<16xf32>
      %sub3A_758 = arith.subf %select_n3A_715, %select_n3A_699 : vector<16xf32>
      %sub3A_759 = arith.subf %sub3A_758, %select_n3A_556 : vector<16xf32>
      %mul3A_760 = arith.constant 1.000000e-01 : f32
      %mul3A_761 = vector.broadcast %mul3A_760 : f32 to vector<16xf32>
      %mul3A_762 = arith.mulf %sub3A_759, %mul3A_761 : vector<16xf32>
      %add3A_763 = arith.addf %select_n3A_556, %mul3A_762 : vector<16xf32>
      %ge3A_764 = arith.constant 1.000000e+00 : f32
      %ge3A_765 = vector.broadcast %ge3A_764 : f32 to vector<16xf32>
      %ge3A_766 = arith.cmpf oge, %add3A_763, %ge3A_765 : vector<16xf32>
      %select_n3A_767 = arith.select %ge3A_766, %broadcast_in_dim3A_147, %broadcast_in_dim3A_149 : vector<16xi1>, vector<16xf32>
      %select_n3A_768 = arith.select %ge3A_766, %broadcast_in_dim3A_149, %add3A_763 : vector<16xi1>, vector<16xf32>
      %sub3A_769 = arith.subf %select_n3A_733, %select_n3A_717 : vector<16xf32>
      %sub3A_770 = arith.subf %sub3A_769, %select_n3A_567 : vector<16xf32>
      %mul3A_771 = arith.constant 1.000000e-01 : f32
      %mul3A_772 = vector.broadcast %mul3A_771 : f32 to vector<16xf32>
      %mul3A_773 = arith.mulf %sub3A_770, %mul3A_772 : vector<16xf32>
      %add3A_774 = arith.addf %select_n3A_567, %mul3A_773 : vector<16xf32>
      %ge3A_775 = arith.constant 1.000000e+00 : f32
      %ge3A_776 = vector.broadcast %ge3A_775 : f32 to vector<16xf32>
      %ge3A_777 = arith.cmpf oge, %add3A_774, %ge3A_776 : vector<16xf32>
      %select_n3A_778 = arith.select %ge3A_777, %broadcast_in_dim3A_147, %broadcast_in_dim3A_149 : vector<16xi1>, vector<16xf32>
      %select_n3A_779 = arith.select %ge3A_777, %broadcast_in_dim3A_149, %add3A_774 : vector<16xi1>, vector<16xf32>
      %sub3A_780 = arith.subf %select_n3A_681, %select_n3A_735 : vector<16xf32>
      %sub3A_781 = arith.subf %sub3A_780, %select_n3A_578 : vector<16xf32>
      %mul3A_782 = arith.constant 1.000000e-01 : f32
      %mul3A_783 = vector.broadcast %mul3A_782 : f32 to vector<16xf32>
      %mul3A_784 = arith.mulf %sub3A_781, %mul3A_783 : vector<16xf32>
      %add3A_785 = arith.addf %select_n3A_578, %mul3A_784 : vector<16xf32>
      %ge3A_786 = arith.constant 1.000000e+00 : f32
      %ge3A_787 = vector.broadcast %ge3A_786 : f32 to vector<16xf32>
      %ge3A_788 = arith.cmpf oge, %add3A_785, %ge3A_787 : vector<16xf32>
      %select_n3A_789 = arith.select %ge3A_788, %broadcast_in_dim3A_147, %broadcast_in_dim3A_149 : vector<16xi1>, vector<16xf32>
      %select_n3A_790 = arith.select %ge3A_788, %broadcast_in_dim3A_149, %add3A_785 : vector<16xi1>, vector<16xf32>
      %sub3A_791 = arith.subf %select_n3A_699, %select_n3A_679 : vector<16xf32>
      %sub3A_792 = arith.subf %sub3A_791, %select_n3A_589 : vector<16xf32>
      %mul3A_793 = arith.constant 1.000000e-01 : f32
      %mul3A_794 = vector.broadcast %mul3A_793 : f32 to vector<16xf32>
      %mul3A_795 = arith.mulf %sub3A_792, %mul3A_794 : vector<16xf32>
      %add3A_796 = arith.addf %select_n3A_589, %mul3A_795 : vector<16xf32>
      %ge3A_797 = arith.constant 1.000000e+00 : f32
      %ge3A_798 = vector.broadcast %ge3A_797 : f32 to vector<16xf32>
      %ge3A_799 = arith.cmpf oge, %add3A_796, %ge3A_798 : vector<16xf32>
      %select_n3A_800 = arith.select %ge3A_799, %broadcast_in_dim3A_147, %broadcast_in_dim3A_149 : vector<16xi1>, vector<16xf32>
      %select_n3A_801 = arith.select %ge3A_799, %broadcast_in_dim3A_149, %add3A_796 : vector<16xi1>, vector<16xf32>
      %sub3A_802 = arith.subf %select_n3A_717, %select_n3A_697 : vector<16xf32>
      %sub3A_803 = arith.subf %sub3A_802, %select_n3A_600 : vector<16xf32>
      %mul3A_804 = arith.constant 1.000000e-01 : f32
      %mul3A_805 = vector.broadcast %mul3A_804 : f32 to vector<16xf32>
      %mul3A_806 = arith.mulf %sub3A_803, %mul3A_805 : vector<16xf32>
      %add3A_807 = arith.addf %select_n3A_600, %mul3A_806 : vector<16xf32>
      %ge3A_808 = arith.constant 1.000000e+00 : f32
      %ge3A_809 = vector.broadcast %ge3A_808 : f32 to vector<16xf32>
      %ge3A_810 = arith.cmpf oge, %add3A_807, %ge3A_809 : vector<16xf32>
      %select_n3A_811 = arith.select %ge3A_810, %broadcast_in_dim3A_147, %broadcast_in_dim3A_149 : vector<16xi1>, vector<16xf32>
      %select_n3A_812 = arith.select %ge3A_810, %broadcast_in_dim3A_149, %add3A_807 : vector<16xi1>, vector<16xf32>
      %sub3A_813 = arith.subf %select_n3A_735, %select_n3A_715 : vector<16xf32>
      %sub3A_814 = arith.subf %sub3A_813, %select_n3A_611 : vector<16xf32>
      %mul3A_815 = arith.constant 1.000000e-01 : f32
      %mul3A_816 = vector.broadcast %mul3A_815 : f32 to vector<16xf32>
      %mul3A_817 = arith.mulf %sub3A_814, %mul3A_816 : vector<16xf32>
      %add3A_818 = arith.addf %select_n3A_611, %mul3A_817 : vector<16xf32>
      %ge3A_819 = arith.constant 1.000000e+00 : f32
      %ge3A_820 = vector.broadcast %ge3A_819 : f32 to vector<16xf32>
      %ge3A_821 = arith.cmpf oge, %add3A_818, %ge3A_820 : vector<16xf32>
      %select_n3A_822 = arith.select %ge3A_821, %broadcast_in_dim3A_147, %broadcast_in_dim3A_149 : vector<16xi1>, vector<16xf32>
      %select_n3A_823 = arith.select %ge3A_821, %broadcast_in_dim3A_149, %add3A_818 : vector<16xi1>, vector<16xf32>
      %add3A_824 = arith.addf %select_n3A_745, %select_n3A_756 : vector<16xf32>
      %add3A_825 = arith.addf %select_n3A_767, %select_n3A_778 : vector<16xf32>
      %add3A_826 = arith.addf %select_n3A_789, %select_n3A_800 : vector<16xf32>
      %add3A_827 = arith.addf %select_n3A_811, %select_n3A_822 : vector<16xf32>
      %sub3A_828 = arith.subf %add3A_824, %add3A_826 : vector<16xf32>
      %sub3A_829 = arith.subf %sub3A_828, %select_n3A_625 : vector<16xf32>
      %mul3A_830 = arith.constant 1.000000e-01 : f32
      %mul3A_831 = vector.broadcast %mul3A_830 : f32 to vector<16xf32>
      %mul3A_832 = arith.mulf %sub3A_829, %mul3A_831 : vector<16xf32>
      %add3A_833 = arith.addf %select_n3A_625, %mul3A_832 : vector<16xf32>
      %ge3A_834 = arith.constant 1.000000e+00 : f32
      %ge3A_835 = vector.broadcast %ge3A_834 : f32 to vector<16xf32>
      %ge3A_836 = arith.cmpf oge, %add3A_833, %ge3A_835 : vector<16xf32>
      %select_n3A_837 = arith.select %ge3A_836, %broadcast_in_dim3A_149, %add3A_833 : vector<16xi1>, vector<16xf32>
      %select_n3A_838 = arith.select %ge3A_836, %select_n3A_156, %broadcast_in_dim3A_149 : vector<16xi1>, vector<16xf32>
      %add3A_839 = arith.addf %add3A_627, %select_n3A_838 : vector<16xf32>
      %sub3A_840 = arith.subf %add3A_825, %add3A_827 : vector<16xf32>
      %sub3A_841 = arith.subf %sub3A_840, %select_n3A_637 : vector<16xf32>
      %mul3A_842 = arith.constant 1.000000e-01 : f32
      %mul3A_843 = vector.broadcast %mul3A_842 : f32 to vector<16xf32>
      %mul3A_844 = arith.mulf %sub3A_841, %mul3A_843 : vector<16xf32>
      %add3A_845 = arith.addf %select_n3A_637, %mul3A_844 : vector<16xf32>
      %ge3A_846 = arith.constant 1.000000e+00 : f32
      %ge3A_847 = vector.broadcast %ge3A_846 : f32 to vector<16xf32>
      %ge3A_848 = arith.cmpf oge, %add3A_845, %ge3A_847 : vector<16xf32>
      %select_n3A_849 = arith.select %ge3A_848, %broadcast_in_dim3A_149, %add3A_845 : vector<16xi1>, vector<16xf32>
      %select_n3A_850 = arith.select %ge3A_848, %select_n3A_156, %broadcast_in_dim3A_149 : vector<16xi1>, vector<16xf32>
      %add3A_851 = arith.addf %add3A_639, %select_n3A_850 : vector<16xf32>
      %sub3A_852 = arith.subf %add3A_826, %add3A_824 : vector<16xf32>
      %sub3A_853 = arith.subf %sub3A_852, %select_n3A_649 : vector<16xf32>
      %mul3A_854 = arith.constant 1.000000e-01 : f32
      %mul3A_855 = vector.broadcast %mul3A_854 : f32 to vector<16xf32>
      %mul3A_856 = arith.mulf %sub3A_853, %mul3A_855 : vector<16xf32>
      %add3A_857 = arith.addf %select_n3A_649, %mul3A_856 : vector<16xf32>
      %ge3A_858 = arith.constant 1.000000e+00 : f32
      %ge3A_859 = vector.broadcast %ge3A_858 : f32 to vector<16xf32>
      %ge3A_860 = arith.cmpf oge, %add3A_857, %ge3A_859 : vector<16xf32>
      %select_n3A_861 = arith.select %ge3A_860, %broadcast_in_dim3A_149, %add3A_857 : vector<16xi1>, vector<16xf32>
      %select_n3A_862 = arith.select %ge3A_860, %select_n3A_156, %broadcast_in_dim3A_149 : vector<16xi1>, vector<16xf32>
      %add3A_863 = arith.addf %add3A_651, %select_n3A_862 : vector<16xf32>
      %sub3A_864 = arith.subf %add3A_827, %add3A_825 : vector<16xf32>
      %sub3A_865 = arith.subf %sub3A_864, %select_n3A_661 : vector<16xf32>
      %mul3A_866 = arith.constant 1.000000e-01 : f32
      %mul3A_867 = vector.broadcast %mul3A_866 : f32 to vector<16xf32>
      %mul3A_868 = arith.mulf %sub3A_865, %mul3A_867 : vector<16xf32>
      %add3A_869 = arith.addf %select_n3A_661, %mul3A_868 : vector<16xf32>
      %ge3A_870 = arith.constant 1.000000e+00 : f32
      %ge3A_871 = vector.broadcast %ge3A_870 : f32 to vector<16xf32>
      %ge3A_872 = arith.cmpf oge, %add3A_869, %ge3A_871 : vector<16xf32>
      %select_n3A_873 = arith.select %ge3A_872, %broadcast_in_dim3A_149, %add3A_869 : vector<16xi1>, vector<16xf32>
      %select_n3A_874 = arith.select %ge3A_872, %select_n3A_156, %broadcast_in_dim3A_149 : vector<16xi1>, vector<16xf32>
      %add3A_875 = arith.addf %add3A_663, %select_n3A_874 : vector<16xf32>
      %mul3A_876 = arith.constant 747796405 : i32
      %mul3A_877 = vector.broadcast %mul3A_876 : i32 to vector<16xi32>
      %mul3A_878 = arith.muli %add3A_669, %mul3A_877 : vector<16xi32>
      %add3A_879 = arith.constant -1403630843 : i32
      %add3A_880 = vector.broadcast %add3A_879 : i32 to vector<16xi32>
      %add3A_881 = arith.addi %mul3A_878, %add3A_880 : vector<16xi32>
      %shift_right_logical3A_882 = arith.constant 16 : i32
      %shift_right_logical3A_883 = vector.broadcast %shift_right_logical3A_882 : i32 to vector<16xi32>
      %shift_right_logical3A_884 = arith.shrui %add3A_881, %shift_right_logical3A_883 : vector<16xi32>
      %bitcast3A_885 = vector.bitcast %shift_right_logical3A_884 : vector<16xi32> to vector<16xi32>
      %and3A_886 = arith.constant 65535 : i32
      %and3A_887 = vector.broadcast %and3A_886 : i32 to vector<16xi32>
      %and3A_888 = arith.andi %add3A_881, %and3A_887 : vector<16xi32>
      %bitcast3A_889 = vector.bitcast %and3A_888 : vector<16xi32> to vector<16xi32>
      %lt3A_890 = arith.cmpi slt, %bitcast3A_885, %convert_element_type3A : vector<16xi32>
      %select_n3A_891 = arith.select %lt3A_890, %broadcast_in_dim3A_147, %broadcast_in_dim3A_149 : vector<16xi1>, vector<16xf32>
      %lt3A_892 = arith.cmpi slt, %bitcast3A_889, %convert_element_type3A_430 : vector<16xi32>
      %select_n3A_893 = arith.select %lt3A_892, %broadcast_in_dim3A_147, %broadcast_in_dim3A_149 : vector<16xi1>, vector<16xf32>
      %mul3A_894 = arith.constant 747796405 : i32
      %mul3A_895 = vector.broadcast %mul3A_894 : i32 to vector<16xi32>
      %mul3A_896 = arith.muli %add3A_687, %mul3A_895 : vector<16xi32>
      %add3A_897 = arith.constant -1403630843 : i32
      %add3A_898 = vector.broadcast %add3A_897 : i32 to vector<16xi32>
      %add3A_899 = arith.addi %mul3A_896, %add3A_898 : vector<16xi32>
      %shift_right_logical3A_900 = arith.constant 16 : i32
      %shift_right_logical3A_901 = vector.broadcast %shift_right_logical3A_900 : i32 to vector<16xi32>
      %shift_right_logical3A_902 = arith.shrui %add3A_899, %shift_right_logical3A_901 : vector<16xi32>
      %bitcast3A_903 = vector.bitcast %shift_right_logical3A_902 : vector<16xi32> to vector<16xi32>
      %and3A_904 = arith.constant 65535 : i32
      %and3A_905 = vector.broadcast %and3A_904 : i32 to vector<16xi32>
      %and3A_906 = arith.andi %add3A_899, %and3A_905 : vector<16xi32>
      %bitcast3A_907 = vector.bitcast %and3A_906 : vector<16xi32> to vector<16xi32>
      %lt3A_908 = arith.cmpi slt, %bitcast3A_903, %convert_element_type3A_406 : vector<16xi32>
      %select_n3A_909 = arith.select %lt3A_908, %broadcast_in_dim3A_147, %broadcast_in_dim3A_149 : vector<16xi1>, vector<16xf32>
      %lt3A_910 = arith.cmpi slt, %bitcast3A_907, %convert_element_type3A_438 : vector<16xi32>
      %select_n3A_911 = arith.select %lt3A_910, %broadcast_in_dim3A_147, %broadcast_in_dim3A_149 : vector<16xi1>, vector<16xf32>
      %mul3A_912 = arith.constant 747796405 : i32
      %mul3A_913 = vector.broadcast %mul3A_912 : i32 to vector<16xi32>
      %mul3A_914 = arith.muli %add3A_705, %mul3A_913 : vector<16xi32>
      %add3A_915 = arith.constant -1403630843 : i32
      %add3A_916 = vector.broadcast %add3A_915 : i32 to vector<16xi32>
      %add3A_917 = arith.addi %mul3A_914, %add3A_916 : vector<16xi32>
      %shift_right_logical3A_918 = arith.constant 16 : i32
      %shift_right_logical3A_919 = vector.broadcast %shift_right_logical3A_918 : i32 to vector<16xi32>
      %shift_right_logical3A_920 = arith.shrui %add3A_917, %shift_right_logical3A_919 : vector<16xi32>
      %bitcast3A_921 = vector.bitcast %shift_right_logical3A_920 : vector<16xi32> to vector<16xi32>
      %and3A_922 = arith.constant 65535 : i32
      %and3A_923 = vector.broadcast %and3A_922 : i32 to vector<16xi32>
      %and3A_924 = arith.andi %add3A_917, %and3A_923 : vector<16xi32>
      %bitcast3A_925 = vector.bitcast %and3A_924 : vector<16xi32> to vector<16xi32>
      %lt3A_926 = arith.cmpi slt, %bitcast3A_921, %convert_element_type3A_414 : vector<16xi32>
      %select_n3A_927 = arith.select %lt3A_926, %broadcast_in_dim3A_147, %broadcast_in_dim3A_149 : vector<16xi1>, vector<16xf32>
      %lt3A_928 = arith.cmpi slt, %bitcast3A_925, %convert_element_type3A_446 : vector<16xi32>
      %select_n3A_929 = arith.select %lt3A_928, %broadcast_in_dim3A_147, %broadcast_in_dim3A_149 : vector<16xi1>, vector<16xf32>
      %mul3A_930 = arith.constant 747796405 : i32
      %mul3A_931 = vector.broadcast %mul3A_930 : i32 to vector<16xi32>
      %mul3A_932 = arith.muli %add3A_723, %mul3A_931 : vector<16xi32>
      %add3A_933 = arith.constant -1403630843 : i32
      %add3A_934 = vector.broadcast %add3A_933 : i32 to vector<16xi32>
      %add3A_935 = arith.addi %mul3A_932, %add3A_934 : vector<16xi32>
      %shift_right_logical3A_936 = arith.constant 16 : i32
      %shift_right_logical3A_937 = vector.broadcast %shift_right_logical3A_936 : i32 to vector<16xi32>
      %shift_right_logical3A_938 = arith.shrui %add3A_935, %shift_right_logical3A_937 : vector<16xi32>
      %bitcast3A_939 = vector.bitcast %shift_right_logical3A_938 : vector<16xi32> to vector<16xi32>
      %and3A_940 = arith.constant 65535 : i32
      %and3A_941 = vector.broadcast %and3A_940 : i32 to vector<16xi32>
      %and3A_942 = arith.andi %add3A_935, %and3A_941 : vector<16xi32>
      %bitcast3A_943 = vector.bitcast %and3A_942 : vector<16xi32> to vector<16xi32>
      %lt3A_944 = arith.cmpi slt, %bitcast3A_939, %convert_element_type3A_422 : vector<16xi32>
      %select_n3A_945 = arith.select %lt3A_944, %broadcast_in_dim3A_147, %broadcast_in_dim3A_149 : vector<16xi1>, vector<16xf32>
      %lt3A_946 = arith.cmpi slt, %bitcast3A_943, %convert_element_type3A_454 : vector<16xi32>
      %select_n3A_947 = arith.select %lt3A_946, %broadcast_in_dim3A_147, %broadcast_in_dim3A_149 : vector<16xi1>, vector<16xf32>
      %sub3A_948 = arith.subf %select_n3A_891, %select_n3A_945 : vector<16xf32>
      %sub3A_949 = arith.subf %sub3A_948, %select_n3A_746 : vector<16xf32>
      %mul3A_950 = arith.constant 1.000000e-01 : f32
      %mul3A_951 = vector.broadcast %mul3A_950 : f32 to vector<16xf32>
      %mul3A_952 = arith.mulf %sub3A_949, %mul3A_951 : vector<16xf32>
      %add3A_953 = arith.addf %select_n3A_746, %mul3A_952 : vector<16xf32>
      %ge3A_954 = arith.constant 1.000000e+00 : f32
      %ge3A_955 = vector.broadcast %ge3A_954 : f32 to vector<16xf32>
      %ge3A_956 = arith.cmpf oge, %add3A_953, %ge3A_955 : vector<16xf32>
      %select_n3A_957 = arith.select %ge3A_956, %broadcast_in_dim3A_147, %broadcast_in_dim3A_149 : vector<16xi1>, vector<16xf32>
      %select_n3A_958 = arith.select %ge3A_956, %broadcast_in_dim3A_149, %add3A_953 : vector<16xi1>, vector<16xf32>
      %sub3A_959 = arith.subf %select_n3A_909, %select_n3A_893 : vector<16xf32>
      %sub3A_960 = arith.subf %sub3A_959, %select_n3A_757 : vector<16xf32>
      %mul3A_961 = arith.constant 1.000000e-01 : f32
      %mul3A_962 = vector.broadcast %mul3A_961 : f32 to vector<16xf32>
      %mul3A_963 = arith.mulf %sub3A_960, %mul3A_962 : vector<16xf32>
      %add3A_964 = arith.addf %select_n3A_757, %mul3A_963 : vector<16xf32>
      %ge3A_965 = arith.constant 1.000000e+00 : f32
      %ge3A_966 = vector.broadcast %ge3A_965 : f32 to vector<16xf32>
      %ge3A_967 = arith.cmpf oge, %add3A_964, %ge3A_966 : vector<16xf32>
      %select_n3A_968 = arith.select %ge3A_967, %broadcast_in_dim3A_147, %broadcast_in_dim3A_149 : vector<16xi1>, vector<16xf32>
      %select_n3A_969 = arith.select %ge3A_967, %broadcast_in_dim3A_149, %add3A_964 : vector<16xi1>, vector<16xf32>
      %sub3A_970 = arith.subf %select_n3A_927, %select_n3A_911 : vector<16xf32>
      %sub3A_971 = arith.subf %sub3A_970, %select_n3A_768 : vector<16xf32>
      %mul3A_972 = arith.constant 1.000000e-01 : f32
      %mul3A_973 = vector.broadcast %mul3A_972 : f32 to vector<16xf32>
      %mul3A_974 = arith.mulf %sub3A_971, %mul3A_973 : vector<16xf32>
      %add3A_975 = arith.addf %select_n3A_768, %mul3A_974 : vector<16xf32>
      %ge3A_976 = arith.constant 1.000000e+00 : f32
      %ge3A_977 = vector.broadcast %ge3A_976 : f32 to vector<16xf32>
      %ge3A_978 = arith.cmpf oge, %add3A_975, %ge3A_977 : vector<16xf32>
      %select_n3A_979 = arith.select %ge3A_978, %broadcast_in_dim3A_147, %broadcast_in_dim3A_149 : vector<16xi1>, vector<16xf32>
      %select_n3A_980 = arith.select %ge3A_978, %broadcast_in_dim3A_149, %add3A_975 : vector<16xi1>, vector<16xf32>
      %sub3A_981 = arith.subf %select_n3A_945, %select_n3A_929 : vector<16xf32>
      %sub3A_982 = arith.subf %sub3A_981, %select_n3A_779 : vector<16xf32>
      %mul3A_983 = arith.constant 1.000000e-01 : f32
      %mul3A_984 = vector.broadcast %mul3A_983 : f32 to vector<16xf32>
      %mul3A_985 = arith.mulf %sub3A_982, %mul3A_984 : vector<16xf32>
      %add3A_986 = arith.addf %select_n3A_779, %mul3A_985 : vector<16xf32>
      %ge3A_987 = arith.constant 1.000000e+00 : f32
      %ge3A_988 = vector.broadcast %ge3A_987 : f32 to vector<16xf32>
      %ge3A_989 = arith.cmpf oge, %add3A_986, %ge3A_988 : vector<16xf32>
      %select_n3A_990 = arith.select %ge3A_989, %broadcast_in_dim3A_147, %broadcast_in_dim3A_149 : vector<16xi1>, vector<16xf32>
      %select_n3A_991 = arith.select %ge3A_989, %broadcast_in_dim3A_149, %add3A_986 : vector<16xi1>, vector<16xf32>
      %sub3A_992 = arith.subf %select_n3A_893, %select_n3A_947 : vector<16xf32>
      %sub3A_993 = arith.subf %sub3A_992, %select_n3A_790 : vector<16xf32>
      %mul3A_994 = arith.constant 1.000000e-01 : f32
      %mul3A_995 = vector.broadcast %mul3A_994 : f32 to vector<16xf32>
      %mul3A_996 = arith.mulf %sub3A_993, %mul3A_995 : vector<16xf32>
      %add3A_997 = arith.addf %select_n3A_790, %mul3A_996 : vector<16xf32>
      %ge3A_998 = arith.constant 1.000000e+00 : f32
      %ge3A_999 = vector.broadcast %ge3A_998 : f32 to vector<16xf32>
      %ge3A_1000 = arith.cmpf oge, %add3A_997, %ge3A_999 : vector<16xf32>
      %select_n3A_1001 = arith.select %ge3A_1000, %broadcast_in_dim3A_147, %broadcast_in_dim3A_149 : vector<16xi1>, vector<16xf32>
      %select_n3A_1002 = arith.select %ge3A_1000, %broadcast_in_dim3A_149, %add3A_997 : vector<16xi1>, vector<16xf32>
      %sub3A_1003 = arith.subf %select_n3A_911, %select_n3A_891 : vector<16xf32>
      %sub3A_1004 = arith.subf %sub3A_1003, %select_n3A_801 : vector<16xf32>
      %mul3A_1005 = arith.constant 1.000000e-01 : f32
      %mul3A_1006 = vector.broadcast %mul3A_1005 : f32 to vector<16xf32>
      %mul3A_1007 = arith.mulf %sub3A_1004, %mul3A_1006 : vector<16xf32>
      %add3A_1008 = arith.addf %select_n3A_801, %mul3A_1007 : vector<16xf32>
      %ge3A_1009 = arith.constant 1.000000e+00 : f32
      %ge3A_1010 = vector.broadcast %ge3A_1009 : f32 to vector<16xf32>
      %ge3A_1011 = arith.cmpf oge, %add3A_1008, %ge3A_1010 : vector<16xf32>
      %select_n3A_1012 = arith.select %ge3A_1011, %broadcast_in_dim3A_147, %broadcast_in_dim3A_149 : vector<16xi1>, vector<16xf32>
      %select_n3A_1013 = arith.select %ge3A_1011, %broadcast_in_dim3A_149, %add3A_1008 : vector<16xi1>, vector<16xf32>
      %sub3A_1014 = arith.subf %select_n3A_929, %select_n3A_909 : vector<16xf32>
      %sub3A_1015 = arith.subf %sub3A_1014, %select_n3A_812 : vector<16xf32>
      %mul3A_1016 = arith.constant 1.000000e-01 : f32
      %mul3A_1017 = vector.broadcast %mul3A_1016 : f32 to vector<16xf32>
      %mul3A_1018 = arith.mulf %sub3A_1015, %mul3A_1017 : vector<16xf32>
      %add3A_1019 = arith.addf %select_n3A_812, %mul3A_1018 : vector<16xf32>
      %ge3A_1020 = arith.constant 1.000000e+00 : f32
      %ge3A_1021 = vector.broadcast %ge3A_1020 : f32 to vector<16xf32>
      %ge3A_1022 = arith.cmpf oge, %add3A_1019, %ge3A_1021 : vector<16xf32>
      %select_n3A_1023 = arith.select %ge3A_1022, %broadcast_in_dim3A_147, %broadcast_in_dim3A_149 : vector<16xi1>, vector<16xf32>
      %select_n3A_1024 = arith.select %ge3A_1022, %broadcast_in_dim3A_149, %add3A_1019 : vector<16xi1>, vector<16xf32>
      %sub3A_1025 = arith.subf %select_n3A_947, %select_n3A_927 : vector<16xf32>
      %sub3A_1026 = arith.subf %sub3A_1025, %select_n3A_823 : vector<16xf32>
      %mul3A_1027 = arith.constant 1.000000e-01 : f32
      %mul3A_1028 = vector.broadcast %mul3A_1027 : f32 to vector<16xf32>
      %mul3A_1029 = arith.mulf %sub3A_1026, %mul3A_1028 : vector<16xf32>
      %add3A_1030 = arith.addf %select_n3A_823, %mul3A_1029 : vector<16xf32>
      %ge3A_1031 = arith.constant 1.000000e+00 : f32
      %ge3A_1032 = vector.broadcast %ge3A_1031 : f32 to vector<16xf32>
      %ge3A_1033 = arith.cmpf oge, %add3A_1030, %ge3A_1032 : vector<16xf32>
      %select_n3A_1034 = arith.select %ge3A_1033, %broadcast_in_dim3A_147, %broadcast_in_dim3A_149 : vector<16xi1>, vector<16xf32>
      %select_n3A_1035 = arith.select %ge3A_1033, %broadcast_in_dim3A_149, %add3A_1030 : vector<16xi1>, vector<16xf32>
      %add3A_1036 = arith.addf %select_n3A_957, %select_n3A_968 : vector<16xf32>
      %add3A_1037 = arith.addf %select_n3A_979, %select_n3A_990 : vector<16xf32>
      %add3A_1038 = arith.addf %select_n3A_1001, %select_n3A_1012 : vector<16xf32>
      %add3A_1039 = arith.addf %select_n3A_1023, %select_n3A_1034 : vector<16xf32>
      %sub3A_1040 = arith.subf %add3A_1036, %add3A_1038 : vector<16xf32>
      %sub3A_1041 = arith.subf %sub3A_1040, %select_n3A_837 : vector<16xf32>
      %mul3A_1042 = arith.constant 1.000000e-01 : f32
      %mul3A_1043 = vector.broadcast %mul3A_1042 : f32 to vector<16xf32>
      %mul3A_1044 = arith.mulf %sub3A_1041, %mul3A_1043 : vector<16xf32>
      %add3A_1045 = arith.addf %select_n3A_837, %mul3A_1044 : vector<16xf32>
      %ge3A_1046 = arith.constant 1.000000e+00 : f32
      %ge3A_1047 = vector.broadcast %ge3A_1046 : f32 to vector<16xf32>
      %ge3A_1048 = arith.cmpf oge, %add3A_1045, %ge3A_1047 : vector<16xf32>
      %select_n3A_1049 = arith.select %ge3A_1048, %broadcast_in_dim3A_149, %add3A_1045 : vector<16xi1>, vector<16xf32>
      %select_n3A_1050 = arith.select %ge3A_1048, %select_n3A_160, %broadcast_in_dim3A_149 : vector<16xi1>, vector<16xf32>
      %add3A_1051 = arith.addf %add3A_839, %select_n3A_1050 : vector<16xf32>
      %sub3A_1052 = arith.subf %add3A_1037, %add3A_1039 : vector<16xf32>
      %sub3A_1053 = arith.subf %sub3A_1052, %select_n3A_849 : vector<16xf32>
      %mul3A_1054 = arith.constant 1.000000e-01 : f32
      %mul3A_1055 = vector.broadcast %mul3A_1054 : f32 to vector<16xf32>
      %mul3A_1056 = arith.mulf %sub3A_1053, %mul3A_1055 : vector<16xf32>
      %add3A_1057 = arith.addf %select_n3A_849, %mul3A_1056 : vector<16xf32>
      %ge3A_1058 = arith.constant 1.000000e+00 : f32
      %ge3A_1059 = vector.broadcast %ge3A_1058 : f32 to vector<16xf32>
      %ge3A_1060 = arith.cmpf oge, %add3A_1057, %ge3A_1059 : vector<16xf32>
      %select_n3A_1061 = arith.select %ge3A_1060, %broadcast_in_dim3A_149, %add3A_1057 : vector<16xi1>, vector<16xf32>
      %select_n3A_1062 = arith.select %ge3A_1060, %select_n3A_160, %broadcast_in_dim3A_149 : vector<16xi1>, vector<16xf32>
      %add3A_1063 = arith.addf %add3A_851, %select_n3A_1062 : vector<16xf32>
      %sub3A_1064 = arith.subf %add3A_1038, %add3A_1036 : vector<16xf32>
      %sub3A_1065 = arith.subf %sub3A_1064, %select_n3A_861 : vector<16xf32>
      %mul3A_1066 = arith.constant 1.000000e-01 : f32
      %mul3A_1067 = vector.broadcast %mul3A_1066 : f32 to vector<16xf32>
      %mul3A_1068 = arith.mulf %sub3A_1065, %mul3A_1067 : vector<16xf32>
      %add3A_1069 = arith.addf %select_n3A_861, %mul3A_1068 : vector<16xf32>
      %ge3A_1070 = arith.constant 1.000000e+00 : f32
      %ge3A_1071 = vector.broadcast %ge3A_1070 : f32 to vector<16xf32>
      %ge3A_1072 = arith.cmpf oge, %add3A_1069, %ge3A_1071 : vector<16xf32>
      %select_n3A_1073 = arith.select %ge3A_1072, %broadcast_in_dim3A_149, %add3A_1069 : vector<16xi1>, vector<16xf32>
      %select_n3A_1074 = arith.select %ge3A_1072, %select_n3A_160, %broadcast_in_dim3A_149 : vector<16xi1>, vector<16xf32>
      %add3A_1075 = arith.addf %add3A_863, %select_n3A_1074 : vector<16xf32>
      %sub3A_1076 = arith.subf %add3A_1039, %add3A_1037 : vector<16xf32>
      %sub3A_1077 = arith.subf %sub3A_1076, %select_n3A_873 : vector<16xf32>
      %mul3A_1078 = arith.constant 1.000000e-01 : f32
      %mul3A_1079 = vector.broadcast %mul3A_1078 : f32 to vector<16xf32>
      %mul3A_1080 = arith.mulf %sub3A_1077, %mul3A_1079 : vector<16xf32>
      %add3A_1081 = arith.addf %select_n3A_873, %mul3A_1080 : vector<16xf32>
      %ge3A_1082 = arith.constant 1.000000e+00 : f32
      %ge3A_1083 = vector.broadcast %ge3A_1082 : f32 to vector<16xf32>
      %ge3A_1084 = arith.cmpf oge, %add3A_1081, %ge3A_1083 : vector<16xf32>
      %select_n3A_1085 = arith.select %ge3A_1084, %broadcast_in_dim3A_149, %add3A_1081 : vector<16xi1>, vector<16xf32>
      %select_n3A_1086 = arith.select %ge3A_1084, %select_n3A_160, %broadcast_in_dim3A_149 : vector<16xi1>, vector<16xf32>
      %add3A_1087 = arith.addf %add3A_875, %select_n3A_1086 : vector<16xf32>
      %mul3A_1088 = arith.constant 747796405 : i32
      %mul3A_1089 = vector.broadcast %mul3A_1088 : i32 to vector<16xi32>
      %mul3A_1090 = arith.muli %add3A_881, %mul3A_1089 : vector<16xi32>
      %add3A_1091 = arith.constant -1403630843 : i32
      %add3A_1092 = vector.broadcast %add3A_1091 : i32 to vector<16xi32>
      %add3A_1093 = arith.addi %mul3A_1090, %add3A_1092 : vector<16xi32>
      %shift_right_logical3A_1094 = arith.constant 16 : i32
      %shift_right_logical3A_1095 = vector.broadcast %shift_right_logical3A_1094 : i32 to vector<16xi32>
      %shift_right_logical3A_1096 = arith.shrui %add3A_1093, %shift_right_logical3A_1095 : vector<16xi32>
      %bitcast3A_1097 = vector.bitcast %shift_right_logical3A_1096 : vector<16xi32> to vector<16xi32>
      %and3A_1098 = arith.constant 65535 : i32
      %and3A_1099 = vector.broadcast %and3A_1098 : i32 to vector<16xi32>
      %and3A_1100 = arith.andi %add3A_1093, %and3A_1099 : vector<16xi32>
      %bitcast3A_1101 = vector.bitcast %and3A_1100 : vector<16xi32> to vector<16xi32>
      %lt3A_1102 = arith.cmpi slt, %bitcast3A_1097, %convert_element_type3A : vector<16xi32>
      %select_n3A_1103 = arith.select %lt3A_1102, %broadcast_in_dim3A_147, %broadcast_in_dim3A_149 : vector<16xi1>, vector<16xf32>
      %lt3A_1104 = arith.cmpi slt, %bitcast3A_1101, %convert_element_type3A_430 : vector<16xi32>
      %select_n3A_1105 = arith.select %lt3A_1104, %broadcast_in_dim3A_147, %broadcast_in_dim3A_149 : vector<16xi1>, vector<16xf32>
      %mul3A_1106 = arith.constant 747796405 : i32
      %mul3A_1107 = vector.broadcast %mul3A_1106 : i32 to vector<16xi32>
      %mul3A_1108 = arith.muli %add3A_899, %mul3A_1107 : vector<16xi32>
      %add3A_1109 = arith.constant -1403630843 : i32
      %add3A_1110 = vector.broadcast %add3A_1109 : i32 to vector<16xi32>
      %add3A_1111 = arith.addi %mul3A_1108, %add3A_1110 : vector<16xi32>
      %shift_right_logical3A_1112 = arith.constant 16 : i32
      %shift_right_logical3A_1113 = vector.broadcast %shift_right_logical3A_1112 : i32 to vector<16xi32>
      %shift_right_logical3A_1114 = arith.shrui %add3A_1111, %shift_right_logical3A_1113 : vector<16xi32>
      %bitcast3A_1115 = vector.bitcast %shift_right_logical3A_1114 : vector<16xi32> to vector<16xi32>
      %and3A_1116 = arith.constant 65535 : i32
      %and3A_1117 = vector.broadcast %and3A_1116 : i32 to vector<16xi32>
      %and3A_1118 = arith.andi %add3A_1111, %and3A_1117 : vector<16xi32>
      %bitcast3A_1119 = vector.bitcast %and3A_1118 : vector<16xi32> to vector<16xi32>
      %lt3A_1120 = arith.cmpi slt, %bitcast3A_1115, %convert_element_type3A_406 : vector<16xi32>
      %select_n3A_1121 = arith.select %lt3A_1120, %broadcast_in_dim3A_147, %broadcast_in_dim3A_149 : vector<16xi1>, vector<16xf32>
      %lt3A_1122 = arith.cmpi slt, %bitcast3A_1119, %convert_element_type3A_438 : vector<16xi32>
      %select_n3A_1123 = arith.select %lt3A_1122, %broadcast_in_dim3A_147, %broadcast_in_dim3A_149 : vector<16xi1>, vector<16xf32>
      %mul3A_1124 = arith.constant 747796405 : i32
      %mul3A_1125 = vector.broadcast %mul3A_1124 : i32 to vector<16xi32>
      %mul3A_1126 = arith.muli %add3A_917, %mul3A_1125 : vector<16xi32>
      %add3A_1127 = arith.constant -1403630843 : i32
      %add3A_1128 = vector.broadcast %add3A_1127 : i32 to vector<16xi32>
      %add3A_1129 = arith.addi %mul3A_1126, %add3A_1128 : vector<16xi32>
      %shift_right_logical3A_1130 = arith.constant 16 : i32
      %shift_right_logical3A_1131 = vector.broadcast %shift_right_logical3A_1130 : i32 to vector<16xi32>
      %shift_right_logical3A_1132 = arith.shrui %add3A_1129, %shift_right_logical3A_1131 : vector<16xi32>
      %bitcast3A_1133 = vector.bitcast %shift_right_logical3A_1132 : vector<16xi32> to vector<16xi32>
      %and3A_1134 = arith.constant 65535 : i32
      %and3A_1135 = vector.broadcast %and3A_1134 : i32 to vector<16xi32>
      %and3A_1136 = arith.andi %add3A_1129, %and3A_1135 : vector<16xi32>
      %bitcast3A_1137 = vector.bitcast %and3A_1136 : vector<16xi32> to vector<16xi32>
      %lt3A_1138 = arith.cmpi slt, %bitcast3A_1133, %convert_element_type3A_414 : vector<16xi32>
      %select_n3A_1139 = arith.select %lt3A_1138, %broadcast_in_dim3A_147, %broadcast_in_dim3A_149 : vector<16xi1>, vector<16xf32>
      %lt3A_1140 = arith.cmpi slt, %bitcast3A_1137, %convert_element_type3A_446 : vector<16xi32>
      %select_n3A_1141 = arith.select %lt3A_1140, %broadcast_in_dim3A_147, %broadcast_in_dim3A_149 : vector<16xi1>, vector<16xf32>
      %mul3A_1142 = arith.constant 747796405 : i32
      %mul3A_1143 = vector.broadcast %mul3A_1142 : i32 to vector<16xi32>
      %mul3A_1144 = arith.muli %add3A_935, %mul3A_1143 : vector<16xi32>
      %add3A_1145 = arith.constant -1403630843 : i32
      %add3A_1146 = vector.broadcast %add3A_1145 : i32 to vector<16xi32>
      %add3A_1147 = arith.addi %mul3A_1144, %add3A_1146 : vector<16xi32>
      %shift_right_logical3A_1148 = arith.constant 16 : i32
      %shift_right_logical3A_1149 = vector.broadcast %shift_right_logical3A_1148 : i32 to vector<16xi32>
      %shift_right_logical3A_1150 = arith.shrui %add3A_1147, %shift_right_logical3A_1149 : vector<16xi32>
      %bitcast3A_1151 = vector.bitcast %shift_right_logical3A_1150 : vector<16xi32> to vector<16xi32>
      %and3A_1152 = arith.constant 65535 : i32
      %and3A_1153 = vector.broadcast %and3A_1152 : i32 to vector<16xi32>
      %and3A_1154 = arith.andi %add3A_1147, %and3A_1153 : vector<16xi32>
      %bitcast3A_1155 = vector.bitcast %and3A_1154 : vector<16xi32> to vector<16xi32>
      %lt3A_1156 = arith.cmpi slt, %bitcast3A_1151, %convert_element_type3A_422 : vector<16xi32>
      %select_n3A_1157 = arith.select %lt3A_1156, %broadcast_in_dim3A_147, %broadcast_in_dim3A_149 : vector<16xi1>, vector<16xf32>
      %lt3A_1158 = arith.cmpi slt, %bitcast3A_1155, %convert_element_type3A_454 : vector<16xi32>
      %select_n3A_1159 = arith.select %lt3A_1158, %broadcast_in_dim3A_147, %broadcast_in_dim3A_149 : vector<16xi1>, vector<16xf32>
      %sub3A_1160 = arith.subf %select_n3A_1103, %select_n3A_1157 : vector<16xf32>
      %sub3A_1161 = arith.subf %sub3A_1160, %select_n3A_958 : vector<16xf32>
      %mul3A_1162 = arith.constant 1.000000e-01 : f32
      %mul3A_1163 = vector.broadcast %mul3A_1162 : f32 to vector<16xf32>
      %mul3A_1164 = arith.mulf %sub3A_1161, %mul3A_1163 : vector<16xf32>
      %add3A_1165 = arith.addf %select_n3A_958, %mul3A_1164 : vector<16xf32>
      %ge3A_1166 = arith.constant 1.000000e+00 : f32
      %ge3A_1167 = vector.broadcast %ge3A_1166 : f32 to vector<16xf32>
      %ge3A_1168 = arith.cmpf oge, %add3A_1165, %ge3A_1167 : vector<16xf32>
      %select_n3A_1169 = arith.select %ge3A_1168, %broadcast_in_dim3A_147, %broadcast_in_dim3A_149 : vector<16xi1>, vector<16xf32>
      %select_n3A_1170 = arith.select %ge3A_1168, %broadcast_in_dim3A_149, %add3A_1165 : vector<16xi1>, vector<16xf32>
      %sub3A_1171 = arith.subf %select_n3A_1121, %select_n3A_1105 : vector<16xf32>
      %sub3A_1172 = arith.subf %sub3A_1171, %select_n3A_969 : vector<16xf32>
      %mul3A_1173 = arith.constant 1.000000e-01 : f32
      %mul3A_1174 = vector.broadcast %mul3A_1173 : f32 to vector<16xf32>
      %mul3A_1175 = arith.mulf %sub3A_1172, %mul3A_1174 : vector<16xf32>
      %add3A_1176 = arith.addf %select_n3A_969, %mul3A_1175 : vector<16xf32>
      %ge3A_1177 = arith.constant 1.000000e+00 : f32
      %ge3A_1178 = vector.broadcast %ge3A_1177 : f32 to vector<16xf32>
      %ge3A_1179 = arith.cmpf oge, %add3A_1176, %ge3A_1178 : vector<16xf32>
      %select_n3A_1180 = arith.select %ge3A_1179, %broadcast_in_dim3A_147, %broadcast_in_dim3A_149 : vector<16xi1>, vector<16xf32>
      %select_n3A_1181 = arith.select %ge3A_1179, %broadcast_in_dim3A_149, %add3A_1176 : vector<16xi1>, vector<16xf32>
      %sub3A_1182 = arith.subf %select_n3A_1139, %select_n3A_1123 : vector<16xf32>
      %sub3A_1183 = arith.subf %sub3A_1182, %select_n3A_980 : vector<16xf32>
      %mul3A_1184 = arith.constant 1.000000e-01 : f32
      %mul3A_1185 = vector.broadcast %mul3A_1184 : f32 to vector<16xf32>
      %mul3A_1186 = arith.mulf %sub3A_1183, %mul3A_1185 : vector<16xf32>
      %add3A_1187 = arith.addf %select_n3A_980, %mul3A_1186 : vector<16xf32>
      %ge3A_1188 = arith.constant 1.000000e+00 : f32
      %ge3A_1189 = vector.broadcast %ge3A_1188 : f32 to vector<16xf32>
      %ge3A_1190 = arith.cmpf oge, %add3A_1187, %ge3A_1189 : vector<16xf32>
      %select_n3A_1191 = arith.select %ge3A_1190, %broadcast_in_dim3A_147, %broadcast_in_dim3A_149 : vector<16xi1>, vector<16xf32>
      %select_n3A_1192 = arith.select %ge3A_1190, %broadcast_in_dim3A_149, %add3A_1187 : vector<16xi1>, vector<16xf32>
      %sub3A_1193 = arith.subf %select_n3A_1157, %select_n3A_1141 : vector<16xf32>
      %sub3A_1194 = arith.subf %sub3A_1193, %select_n3A_991 : vector<16xf32>
      %mul3A_1195 = arith.constant 1.000000e-01 : f32
      %mul3A_1196 = vector.broadcast %mul3A_1195 : f32 to vector<16xf32>
      %mul3A_1197 = arith.mulf %sub3A_1194, %mul3A_1196 : vector<16xf32>
      %add3A_1198 = arith.addf %select_n3A_991, %mul3A_1197 : vector<16xf32>
      %ge3A_1199 = arith.constant 1.000000e+00 : f32
      %ge3A_1200 = vector.broadcast %ge3A_1199 : f32 to vector<16xf32>
      %ge3A_1201 = arith.cmpf oge, %add3A_1198, %ge3A_1200 : vector<16xf32>
      %select_n3A_1202 = arith.select %ge3A_1201, %broadcast_in_dim3A_147, %broadcast_in_dim3A_149 : vector<16xi1>, vector<16xf32>
      %select_n3A_1203 = arith.select %ge3A_1201, %broadcast_in_dim3A_149, %add3A_1198 : vector<16xi1>, vector<16xf32>
      %sub3A_1204 = arith.subf %select_n3A_1105, %select_n3A_1159 : vector<16xf32>
      %sub3A_1205 = arith.subf %sub3A_1204, %select_n3A_1002 : vector<16xf32>
      %mul3A_1206 = arith.constant 1.000000e-01 : f32
      %mul3A_1207 = vector.broadcast %mul3A_1206 : f32 to vector<16xf32>
      %mul3A_1208 = arith.mulf %sub3A_1205, %mul3A_1207 : vector<16xf32>
      %add3A_1209 = arith.addf %select_n3A_1002, %mul3A_1208 : vector<16xf32>
      %ge3A_1210 = arith.constant 1.000000e+00 : f32
      %ge3A_1211 = vector.broadcast %ge3A_1210 : f32 to vector<16xf32>
      %ge3A_1212 = arith.cmpf oge, %add3A_1209, %ge3A_1211 : vector<16xf32>
      %select_n3A_1213 = arith.select %ge3A_1212, %broadcast_in_dim3A_147, %broadcast_in_dim3A_149 : vector<16xi1>, vector<16xf32>
      %select_n3A_1214 = arith.select %ge3A_1212, %broadcast_in_dim3A_149, %add3A_1209 : vector<16xi1>, vector<16xf32>
      %sub3A_1215 = arith.subf %select_n3A_1123, %select_n3A_1103 : vector<16xf32>
      %sub3A_1216 = arith.subf %sub3A_1215, %select_n3A_1013 : vector<16xf32>
      %mul3A_1217 = arith.constant 1.000000e-01 : f32
      %mul3A_1218 = vector.broadcast %mul3A_1217 : f32 to vector<16xf32>
      %mul3A_1219 = arith.mulf %sub3A_1216, %mul3A_1218 : vector<16xf32>
      %add3A_1220 = arith.addf %select_n3A_1013, %mul3A_1219 : vector<16xf32>
      %ge3A_1221 = arith.constant 1.000000e+00 : f32
      %ge3A_1222 = vector.broadcast %ge3A_1221 : f32 to vector<16xf32>
      %ge3A_1223 = arith.cmpf oge, %add3A_1220, %ge3A_1222 : vector<16xf32>
      %select_n3A_1224 = arith.select %ge3A_1223, %broadcast_in_dim3A_147, %broadcast_in_dim3A_149 : vector<16xi1>, vector<16xf32>
      %select_n3A_1225 = arith.select %ge3A_1223, %broadcast_in_dim3A_149, %add3A_1220 : vector<16xi1>, vector<16xf32>
      %sub3A_1226 = arith.subf %select_n3A_1141, %select_n3A_1121 : vector<16xf32>
      %sub3A_1227 = arith.subf %sub3A_1226, %select_n3A_1024 : vector<16xf32>
      %mul3A_1228 = arith.constant 1.000000e-01 : f32
      %mul3A_1229 = vector.broadcast %mul3A_1228 : f32 to vector<16xf32>
      %mul3A_1230 = arith.mulf %sub3A_1227, %mul3A_1229 : vector<16xf32>
      %add3A_1231 = arith.addf %select_n3A_1024, %mul3A_1230 : vector<16xf32>
      %ge3A_1232 = arith.constant 1.000000e+00 : f32
      %ge3A_1233 = vector.broadcast %ge3A_1232 : f32 to vector<16xf32>
      %ge3A_1234 = arith.cmpf oge, %add3A_1231, %ge3A_1233 : vector<16xf32>
      %select_n3A_1235 = arith.select %ge3A_1234, %broadcast_in_dim3A_147, %broadcast_in_dim3A_149 : vector<16xi1>, vector<16xf32>
      %select_n3A_1236 = arith.select %ge3A_1234, %broadcast_in_dim3A_149, %add3A_1231 : vector<16xi1>, vector<16xf32>
      %sub3A_1237 = arith.subf %select_n3A_1159, %select_n3A_1139 : vector<16xf32>
      %sub3A_1238 = arith.subf %sub3A_1237, %select_n3A_1035 : vector<16xf32>
      %mul3A_1239 = arith.constant 1.000000e-01 : f32
      %mul3A_1240 = vector.broadcast %mul3A_1239 : f32 to vector<16xf32>
      %mul3A_1241 = arith.mulf %sub3A_1238, %mul3A_1240 : vector<16xf32>
      %add3A_1242 = arith.addf %select_n3A_1035, %mul3A_1241 : vector<16xf32>
      %ge3A_1243 = arith.constant 1.000000e+00 : f32
      %ge3A_1244 = vector.broadcast %ge3A_1243 : f32 to vector<16xf32>
      %ge3A_1245 = arith.cmpf oge, %add3A_1242, %ge3A_1244 : vector<16xf32>
      %select_n3A_1246 = arith.select %ge3A_1245, %broadcast_in_dim3A_147, %broadcast_in_dim3A_149 : vector<16xi1>, vector<16xf32>
      %select_n3A_1247 = arith.select %ge3A_1245, %broadcast_in_dim3A_149, %add3A_1242 : vector<16xi1>, vector<16xf32>
      %add3A_1248 = arith.addf %select_n3A_1169, %select_n3A_1180 : vector<16xf32>
      %add3A_1249 = arith.addf %select_n3A_1191, %select_n3A_1202 : vector<16xf32>
      %add3A_1250 = arith.addf %select_n3A_1213, %select_n3A_1224 : vector<16xf32>
      %add3A_1251 = arith.addf %select_n3A_1235, %select_n3A_1246 : vector<16xf32>
      %sub3A_1252 = arith.subf %add3A_1248, %add3A_1250 : vector<16xf32>
      %sub3A_1253 = arith.subf %sub3A_1252, %select_n3A_1049 : vector<16xf32>
      %mul3A_1254 = arith.constant 1.000000e-01 : f32
      %mul3A_1255 = vector.broadcast %mul3A_1254 : f32 to vector<16xf32>
      %mul3A_1256 = arith.mulf %sub3A_1253, %mul3A_1255 : vector<16xf32>
      %add3A_1257 = arith.addf %select_n3A_1049, %mul3A_1256 : vector<16xf32>
      %ge3A_1258 = arith.constant 1.000000e+00 : f32
      %ge3A_1259 = vector.broadcast %ge3A_1258 : f32 to vector<16xf32>
      %ge3A_1260 = arith.cmpf oge, %add3A_1257, %ge3A_1259 : vector<16xf32>
      %select_n3A_1261 = arith.select %ge3A_1260, %broadcast_in_dim3A_149, %add3A_1257 : vector<16xi1>, vector<16xf32>
      %select_n3A_1262 = arith.select %ge3A_1260, %select_n3A_164, %broadcast_in_dim3A_149 : vector<16xi1>, vector<16xf32>
      %add3A_1263 = arith.addf %add3A_1051, %select_n3A_1262 : vector<16xf32>
      %sub3A_1264 = arith.subf %add3A_1249, %add3A_1251 : vector<16xf32>
      %sub3A_1265 = arith.subf %sub3A_1264, %select_n3A_1061 : vector<16xf32>
      %mul3A_1266 = arith.constant 1.000000e-01 : f32
      %mul3A_1267 = vector.broadcast %mul3A_1266 : f32 to vector<16xf32>
      %mul3A_1268 = arith.mulf %sub3A_1265, %mul3A_1267 : vector<16xf32>
      %add3A_1269 = arith.addf %select_n3A_1061, %mul3A_1268 : vector<16xf32>
      %ge3A_1270 = arith.constant 1.000000e+00 : f32
      %ge3A_1271 = vector.broadcast %ge3A_1270 : f32 to vector<16xf32>
      %ge3A_1272 = arith.cmpf oge, %add3A_1269, %ge3A_1271 : vector<16xf32>
      %select_n3A_1273 = arith.select %ge3A_1272, %broadcast_in_dim3A_149, %add3A_1269 : vector<16xi1>, vector<16xf32>
      %select_n3A_1274 = arith.select %ge3A_1272, %select_n3A_164, %broadcast_in_dim3A_149 : vector<16xi1>, vector<16xf32>
      %add3A_1275 = arith.addf %add3A_1063, %select_n3A_1274 : vector<16xf32>
      %sub3A_1276 = arith.subf %add3A_1250, %add3A_1248 : vector<16xf32>
      %sub3A_1277 = arith.subf %sub3A_1276, %select_n3A_1073 : vector<16xf32>
      %mul3A_1278 = arith.constant 1.000000e-01 : f32
      %mul3A_1279 = vector.broadcast %mul3A_1278 : f32 to vector<16xf32>
      %mul3A_1280 = arith.mulf %sub3A_1277, %mul3A_1279 : vector<16xf32>
      %add3A_1281 = arith.addf %select_n3A_1073, %mul3A_1280 : vector<16xf32>
      %ge3A_1282 = arith.constant 1.000000e+00 : f32
      %ge3A_1283 = vector.broadcast %ge3A_1282 : f32 to vector<16xf32>
      %ge3A_1284 = arith.cmpf oge, %add3A_1281, %ge3A_1283 : vector<16xf32>
      %select_n3A_1285 = arith.select %ge3A_1284, %broadcast_in_dim3A_149, %add3A_1281 : vector<16xi1>, vector<16xf32>
      %select_n3A_1286 = arith.select %ge3A_1284, %select_n3A_164, %broadcast_in_dim3A_149 : vector<16xi1>, vector<16xf32>
      %add3A_1287 = arith.addf %add3A_1075, %select_n3A_1286 : vector<16xf32>
      %sub3A_1288 = arith.subf %add3A_1251, %add3A_1249 : vector<16xf32>
      %sub3A_1289 = arith.subf %sub3A_1288, %select_n3A_1085 : vector<16xf32>
      %mul3A_1290 = arith.constant 1.000000e-01 : f32
      %mul3A_1291 = vector.broadcast %mul3A_1290 : f32 to vector<16xf32>
      %mul3A_1292 = arith.mulf %sub3A_1289, %mul3A_1291 : vector<16xf32>
      %add3A_1293 = arith.addf %select_n3A_1085, %mul3A_1292 : vector<16xf32>
      %ge3A_1294 = arith.constant 1.000000e+00 : f32
      %ge3A_1295 = vector.broadcast %ge3A_1294 : f32 to vector<16xf32>
      %ge3A_1296 = arith.cmpf oge, %add3A_1293, %ge3A_1295 : vector<16xf32>
      %select_n3A_1297 = arith.select %ge3A_1296, %broadcast_in_dim3A_149, %add3A_1293 : vector<16xi1>, vector<16xf32>
      %select_n3A_1298 = arith.select %ge3A_1296, %select_n3A_164, %broadcast_in_dim3A_149 : vector<16xi1>, vector<16xf32>
      %add3A_1299 = arith.addf %add3A_1087, %select_n3A_1298 : vector<16xf32>
      %mul3A_1300 = arith.constant 747796405 : i32
      %mul3A_1301 = vector.broadcast %mul3A_1300 : i32 to vector<16xi32>
      %mul3A_1302 = arith.muli %add3A_1093, %mul3A_1301 : vector<16xi32>
      %add3A_1303 = arith.constant -1403630843 : i32
      %add3A_1304 = vector.broadcast %add3A_1303 : i32 to vector<16xi32>
      %add3A_1305 = arith.addi %mul3A_1302, %add3A_1304 : vector<16xi32>
      %shift_right_logical3A_1306 = arith.constant 16 : i32
      %shift_right_logical3A_1307 = vector.broadcast %shift_right_logical3A_1306 : i32 to vector<16xi32>
      %shift_right_logical3A_1308 = arith.shrui %add3A_1305, %shift_right_logical3A_1307 : vector<16xi32>
      %bitcast3A_1309 = vector.bitcast %shift_right_logical3A_1308 : vector<16xi32> to vector<16xi32>
      %and3A_1310 = arith.constant 65535 : i32
      %and3A_1311 = vector.broadcast %and3A_1310 : i32 to vector<16xi32>
      %and3A_1312 = arith.andi %add3A_1305, %and3A_1311 : vector<16xi32>
      %bitcast3A_1313 = vector.bitcast %and3A_1312 : vector<16xi32> to vector<16xi32>
      %lt3A_1314 = arith.cmpi slt, %bitcast3A_1309, %convert_element_type3A : vector<16xi32>
      %select_n3A_1315 = arith.select %lt3A_1314, %broadcast_in_dim3A_147, %broadcast_in_dim3A_149 : vector<16xi1>, vector<16xf32>
      %lt3A_1316 = arith.cmpi slt, %bitcast3A_1313, %convert_element_type3A_430 : vector<16xi32>
      %select_n3A_1317 = arith.select %lt3A_1316, %broadcast_in_dim3A_147, %broadcast_in_dim3A_149 : vector<16xi1>, vector<16xf32>
      %mul3A_1318 = arith.constant 747796405 : i32
      %mul3A_1319 = vector.broadcast %mul3A_1318 : i32 to vector<16xi32>
      %mul3A_1320 = arith.muli %add3A_1111, %mul3A_1319 : vector<16xi32>
      %add3A_1321 = arith.constant -1403630843 : i32
      %add3A_1322 = vector.broadcast %add3A_1321 : i32 to vector<16xi32>
      %add3A_1323 = arith.addi %mul3A_1320, %add3A_1322 : vector<16xi32>
      %shift_right_logical3A_1324 = arith.constant 16 : i32
      %shift_right_logical3A_1325 = vector.broadcast %shift_right_logical3A_1324 : i32 to vector<16xi32>
      %shift_right_logical3A_1326 = arith.shrui %add3A_1323, %shift_right_logical3A_1325 : vector<16xi32>
      %bitcast3A_1327 = vector.bitcast %shift_right_logical3A_1326 : vector<16xi32> to vector<16xi32>
      %and3A_1328 = arith.constant 65535 : i32
      %and3A_1329 = vector.broadcast %and3A_1328 : i32 to vector<16xi32>
      %and3A_1330 = arith.andi %add3A_1323, %and3A_1329 : vector<16xi32>
      %bitcast3A_1331 = vector.bitcast %and3A_1330 : vector<16xi32> to vector<16xi32>
      %lt3A_1332 = arith.cmpi slt, %bitcast3A_1327, %convert_element_type3A_406 : vector<16xi32>
      %select_n3A_1333 = arith.select %lt3A_1332, %broadcast_in_dim3A_147, %broadcast_in_dim3A_149 : vector<16xi1>, vector<16xf32>
      %lt3A_1334 = arith.cmpi slt, %bitcast3A_1331, %convert_element_type3A_438 : vector<16xi32>
      %select_n3A_1335 = arith.select %lt3A_1334, %broadcast_in_dim3A_147, %broadcast_in_dim3A_149 : vector<16xi1>, vector<16xf32>
      %mul3A_1336 = arith.constant 747796405 : i32
      %mul3A_1337 = vector.broadcast %mul3A_1336 : i32 to vector<16xi32>
      %mul3A_1338 = arith.muli %add3A_1129, %mul3A_1337 : vector<16xi32>
      %add3A_1339 = arith.constant -1403630843 : i32
      %add3A_1340 = vector.broadcast %add3A_1339 : i32 to vector<16xi32>
      %add3A_1341 = arith.addi %mul3A_1338, %add3A_1340 : vector<16xi32>
      %shift_right_logical3A_1342 = arith.constant 16 : i32
      %shift_right_logical3A_1343 = vector.broadcast %shift_right_logical3A_1342 : i32 to vector<16xi32>
      %shift_right_logical3A_1344 = arith.shrui %add3A_1341, %shift_right_logical3A_1343 : vector<16xi32>
      %bitcast3A_1345 = vector.bitcast %shift_right_logical3A_1344 : vector<16xi32> to vector<16xi32>
      %and3A_1346 = arith.constant 65535 : i32
      %and3A_1347 = vector.broadcast %and3A_1346 : i32 to vector<16xi32>
      %and3A_1348 = arith.andi %add3A_1341, %and3A_1347 : vector<16xi32>
      %bitcast3A_1349 = vector.bitcast %and3A_1348 : vector<16xi32> to vector<16xi32>
      %lt3A_1350 = arith.cmpi slt, %bitcast3A_1345, %convert_element_type3A_414 : vector<16xi32>
      %select_n3A_1351 = arith.select %lt3A_1350, %broadcast_in_dim3A_147, %broadcast_in_dim3A_149 : vector<16xi1>, vector<16xf32>
      %lt3A_1352 = arith.cmpi slt, %bitcast3A_1349, %convert_element_type3A_446 : vector<16xi32>
      %select_n3A_1353 = arith.select %lt3A_1352, %broadcast_in_dim3A_147, %broadcast_in_dim3A_149 : vector<16xi1>, vector<16xf32>
      %mul3A_1354 = arith.constant 747796405 : i32
      %mul3A_1355 = vector.broadcast %mul3A_1354 : i32 to vector<16xi32>
      %mul3A_1356 = arith.muli %add3A_1147, %mul3A_1355 : vector<16xi32>
      %add3A_1357 = arith.constant -1403630843 : i32
      %add3A_1358 = vector.broadcast %add3A_1357 : i32 to vector<16xi32>
      %add3A_1359 = arith.addi %mul3A_1356, %add3A_1358 : vector<16xi32>
      %shift_right_logical3A_1360 = arith.constant 16 : i32
      %shift_right_logical3A_1361 = vector.broadcast %shift_right_logical3A_1360 : i32 to vector<16xi32>
      %shift_right_logical3A_1362 = arith.shrui %add3A_1359, %shift_right_logical3A_1361 : vector<16xi32>
      %bitcast3A_1363 = vector.bitcast %shift_right_logical3A_1362 : vector<16xi32> to vector<16xi32>
      %and3A_1364 = arith.constant 65535 : i32
      %and3A_1365 = vector.broadcast %and3A_1364 : i32 to vector<16xi32>
      %and3A_1366 = arith.andi %add3A_1359, %and3A_1365 : vector<16xi32>
      %bitcast3A_1367 = vector.bitcast %and3A_1366 : vector<16xi32> to vector<16xi32>
      %lt3A_1368 = arith.cmpi slt, %bitcast3A_1363, %convert_element_type3A_422 : vector<16xi32>
      %select_n3A_1369 = arith.select %lt3A_1368, %broadcast_in_dim3A_147, %broadcast_in_dim3A_149 : vector<16xi1>, vector<16xf32>
      %lt3A_1370 = arith.cmpi slt, %bitcast3A_1367, %convert_element_type3A_454 : vector<16xi32>
      %select_n3A_1371 = arith.select %lt3A_1370, %broadcast_in_dim3A_147, %broadcast_in_dim3A_149 : vector<16xi1>, vector<16xf32>
      %sub3A_1372 = arith.subf %select_n3A_1315, %select_n3A_1369 : vector<16xf32>
      %sub3A_1373 = arith.subf %sub3A_1372, %select_n3A_1170 : vector<16xf32>
      %mul3A_1374 = arith.constant 1.000000e-01 : f32
      %mul3A_1375 = vector.broadcast %mul3A_1374 : f32 to vector<16xf32>
      %mul3A_1376 = arith.mulf %sub3A_1373, %mul3A_1375 : vector<16xf32>
      %add3A_1377 = arith.addf %select_n3A_1170, %mul3A_1376 : vector<16xf32>
      %ge3A_1378 = arith.constant 1.000000e+00 : f32
      %ge3A_1379 = vector.broadcast %ge3A_1378 : f32 to vector<16xf32>
      %ge3A_1380 = arith.cmpf oge, %add3A_1377, %ge3A_1379 : vector<16xf32>
      %select_n3A_1381 = arith.select %ge3A_1380, %broadcast_in_dim3A_147, %broadcast_in_dim3A_149 : vector<16xi1>, vector<16xf32>
      %select_n3A_1382 = arith.select %ge3A_1380, %broadcast_in_dim3A_149, %add3A_1377 : vector<16xi1>, vector<16xf32>
      %sub3A_1383 = arith.subf %select_n3A_1333, %select_n3A_1317 : vector<16xf32>
      %sub3A_1384 = arith.subf %sub3A_1383, %select_n3A_1181 : vector<16xf32>
      %mul3A_1385 = arith.constant 1.000000e-01 : f32
      %mul3A_1386 = vector.broadcast %mul3A_1385 : f32 to vector<16xf32>
      %mul3A_1387 = arith.mulf %sub3A_1384, %mul3A_1386 : vector<16xf32>
      %add3A_1388 = arith.addf %select_n3A_1181, %mul3A_1387 : vector<16xf32>
      %ge3A_1389 = arith.constant 1.000000e+00 : f32
      %ge3A_1390 = vector.broadcast %ge3A_1389 : f32 to vector<16xf32>
      %ge3A_1391 = arith.cmpf oge, %add3A_1388, %ge3A_1390 : vector<16xf32>
      %select_n3A_1392 = arith.select %ge3A_1391, %broadcast_in_dim3A_147, %broadcast_in_dim3A_149 : vector<16xi1>, vector<16xf32>
      %select_n3A_1393 = arith.select %ge3A_1391, %broadcast_in_dim3A_149, %add3A_1388 : vector<16xi1>, vector<16xf32>
      %sub3A_1394 = arith.subf %select_n3A_1351, %select_n3A_1335 : vector<16xf32>
      %sub3A_1395 = arith.subf %sub3A_1394, %select_n3A_1192 : vector<16xf32>
      %mul3A_1396 = arith.constant 1.000000e-01 : f32
      %mul3A_1397 = vector.broadcast %mul3A_1396 : f32 to vector<16xf32>
      %mul3A_1398 = arith.mulf %sub3A_1395, %mul3A_1397 : vector<16xf32>
      %add3A_1399 = arith.addf %select_n3A_1192, %mul3A_1398 : vector<16xf32>
      %ge3A_1400 = arith.constant 1.000000e+00 : f32
      %ge3A_1401 = vector.broadcast %ge3A_1400 : f32 to vector<16xf32>
      %ge3A_1402 = arith.cmpf oge, %add3A_1399, %ge3A_1401 : vector<16xf32>
      %select_n3A_1403 = arith.select %ge3A_1402, %broadcast_in_dim3A_147, %broadcast_in_dim3A_149 : vector<16xi1>, vector<16xf32>
      %select_n3A_1404 = arith.select %ge3A_1402, %broadcast_in_dim3A_149, %add3A_1399 : vector<16xi1>, vector<16xf32>
      %sub3A_1405 = arith.subf %select_n3A_1369, %select_n3A_1353 : vector<16xf32>
      %sub3A_1406 = arith.subf %sub3A_1405, %select_n3A_1203 : vector<16xf32>
      %mul3A_1407 = arith.constant 1.000000e-01 : f32
      %mul3A_1408 = vector.broadcast %mul3A_1407 : f32 to vector<16xf32>
      %mul3A_1409 = arith.mulf %sub3A_1406, %mul3A_1408 : vector<16xf32>
      %add3A_1410 = arith.addf %select_n3A_1203, %mul3A_1409 : vector<16xf32>
      %ge3A_1411 = arith.constant 1.000000e+00 : f32
      %ge3A_1412 = vector.broadcast %ge3A_1411 : f32 to vector<16xf32>
      %ge3A_1413 = arith.cmpf oge, %add3A_1410, %ge3A_1412 : vector<16xf32>
      %select_n3A_1414 = arith.select %ge3A_1413, %broadcast_in_dim3A_147, %broadcast_in_dim3A_149 : vector<16xi1>, vector<16xf32>
      %select_n3A_1415 = arith.select %ge3A_1413, %broadcast_in_dim3A_149, %add3A_1410 : vector<16xi1>, vector<16xf32>
      %sub3A_1416 = arith.subf %select_n3A_1317, %select_n3A_1371 : vector<16xf32>
      %sub3A_1417 = arith.subf %sub3A_1416, %select_n3A_1214 : vector<16xf32>
      %mul3A_1418 = arith.constant 1.000000e-01 : f32
      %mul3A_1419 = vector.broadcast %mul3A_1418 : f32 to vector<16xf32>
      %mul3A_1420 = arith.mulf %sub3A_1417, %mul3A_1419 : vector<16xf32>
      %add3A_1421 = arith.addf %select_n3A_1214, %mul3A_1420 : vector<16xf32>
      %ge3A_1422 = arith.constant 1.000000e+00 : f32
      %ge3A_1423 = vector.broadcast %ge3A_1422 : f32 to vector<16xf32>
      %ge3A_1424 = arith.cmpf oge, %add3A_1421, %ge3A_1423 : vector<16xf32>
      %select_n3A_1425 = arith.select %ge3A_1424, %broadcast_in_dim3A_147, %broadcast_in_dim3A_149 : vector<16xi1>, vector<16xf32>
      %select_n3A_1426 = arith.select %ge3A_1424, %broadcast_in_dim3A_149, %add3A_1421 : vector<16xi1>, vector<16xf32>
      %sub3A_1427 = arith.subf %select_n3A_1335, %select_n3A_1315 : vector<16xf32>
      %sub3A_1428 = arith.subf %sub3A_1427, %select_n3A_1225 : vector<16xf32>
      %mul3A_1429 = arith.constant 1.000000e-01 : f32
      %mul3A_1430 = vector.broadcast %mul3A_1429 : f32 to vector<16xf32>
      %mul3A_1431 = arith.mulf %sub3A_1428, %mul3A_1430 : vector<16xf32>
      %add3A_1432 = arith.addf %select_n3A_1225, %mul3A_1431 : vector<16xf32>
      %ge3A_1433 = arith.constant 1.000000e+00 : f32
      %ge3A_1434 = vector.broadcast %ge3A_1433 : f32 to vector<16xf32>
      %ge3A_1435 = arith.cmpf oge, %add3A_1432, %ge3A_1434 : vector<16xf32>
      %select_n3A_1436 = arith.select %ge3A_1435, %broadcast_in_dim3A_147, %broadcast_in_dim3A_149 : vector<16xi1>, vector<16xf32>
      %select_n3A_1437 = arith.select %ge3A_1435, %broadcast_in_dim3A_149, %add3A_1432 : vector<16xi1>, vector<16xf32>
      %sub3A_1438 = arith.subf %select_n3A_1353, %select_n3A_1333 : vector<16xf32>
      %sub3A_1439 = arith.subf %sub3A_1438, %select_n3A_1236 : vector<16xf32>
      %mul3A_1440 = arith.constant 1.000000e-01 : f32
      %mul3A_1441 = vector.broadcast %mul3A_1440 : f32 to vector<16xf32>
      %mul3A_1442 = arith.mulf %sub3A_1439, %mul3A_1441 : vector<16xf32>
      %add3A_1443 = arith.addf %select_n3A_1236, %mul3A_1442 : vector<16xf32>
      %ge3A_1444 = arith.constant 1.000000e+00 : f32
      %ge3A_1445 = vector.broadcast %ge3A_1444 : f32 to vector<16xf32>
      %ge3A_1446 = arith.cmpf oge, %add3A_1443, %ge3A_1445 : vector<16xf32>
      %select_n3A_1447 = arith.select %ge3A_1446, %broadcast_in_dim3A_147, %broadcast_in_dim3A_149 : vector<16xi1>, vector<16xf32>
      %select_n3A_1448 = arith.select %ge3A_1446, %broadcast_in_dim3A_149, %add3A_1443 : vector<16xi1>, vector<16xf32>
      %sub3A_1449 = arith.subf %select_n3A_1371, %select_n3A_1351 : vector<16xf32>
      %sub3A_1450 = arith.subf %sub3A_1449, %select_n3A_1247 : vector<16xf32>
      %mul3A_1451 = arith.constant 1.000000e-01 : f32
      %mul3A_1452 = vector.broadcast %mul3A_1451 : f32 to vector<16xf32>
      %mul3A_1453 = arith.mulf %sub3A_1450, %mul3A_1452 : vector<16xf32>
      %add3A_1454 = arith.addf %select_n3A_1247, %mul3A_1453 : vector<16xf32>
      %ge3A_1455 = arith.constant 1.000000e+00 : f32
      %ge3A_1456 = vector.broadcast %ge3A_1455 : f32 to vector<16xf32>
      %ge3A_1457 = arith.cmpf oge, %add3A_1454, %ge3A_1456 : vector<16xf32>
      %select_n3A_1458 = arith.select %ge3A_1457, %broadcast_in_dim3A_147, %broadcast_in_dim3A_149 : vector<16xi1>, vector<16xf32>
      %select_n3A_1459 = arith.select %ge3A_1457, %broadcast_in_dim3A_149, %add3A_1454 : vector<16xi1>, vector<16xf32>
      %add3A_1460 = arith.addf %select_n3A_1381, %select_n3A_1392 : vector<16xf32>
      %add3A_1461 = arith.addf %select_n3A_1403, %select_n3A_1414 : vector<16xf32>
      %add3A_1462 = arith.addf %select_n3A_1425, %select_n3A_1436 : vector<16xf32>
      %add3A_1463 = arith.addf %select_n3A_1447, %select_n3A_1458 : vector<16xf32>
      %sub3A_1464 = arith.subf %add3A_1460, %add3A_1462 : vector<16xf32>
      %sub3A_1465 = arith.subf %sub3A_1464, %select_n3A_1261 : vector<16xf32>
      %mul3A_1466 = arith.constant 1.000000e-01 : f32
      %mul3A_1467 = vector.broadcast %mul3A_1466 : f32 to vector<16xf32>
      %mul3A_1468 = arith.mulf %sub3A_1465, %mul3A_1467 : vector<16xf32>
      %add3A_1469 = arith.addf %select_n3A_1261, %mul3A_1468 : vector<16xf32>
      %ge3A_1470 = arith.constant 1.000000e+00 : f32
      %ge3A_1471 = vector.broadcast %ge3A_1470 : f32 to vector<16xf32>
      %ge3A_1472 = arith.cmpf oge, %add3A_1469, %ge3A_1471 : vector<16xf32>
      %select_n3A_1473 = arith.select %ge3A_1472, %broadcast_in_dim3A_149, %add3A_1469 : vector<16xi1>, vector<16xf32>
      %select_n3A_1474 = arith.select %ge3A_1472, %select_n3A_168, %broadcast_in_dim3A_149 : vector<16xi1>, vector<16xf32>
      %add3A_1475 = arith.addf %add3A_1263, %select_n3A_1474 : vector<16xf32>
      %sub3A_1476 = arith.subf %add3A_1461, %add3A_1463 : vector<16xf32>
      %sub3A_1477 = arith.subf %sub3A_1476, %select_n3A_1273 : vector<16xf32>
      %mul3A_1478 = arith.constant 1.000000e-01 : f32
      %mul3A_1479 = vector.broadcast %mul3A_1478 : f32 to vector<16xf32>
      %mul3A_1480 = arith.mulf %sub3A_1477, %mul3A_1479 : vector<16xf32>
      %add3A_1481 = arith.addf %select_n3A_1273, %mul3A_1480 : vector<16xf32>
      %ge3A_1482 = arith.constant 1.000000e+00 : f32
      %ge3A_1483 = vector.broadcast %ge3A_1482 : f32 to vector<16xf32>
      %ge3A_1484 = arith.cmpf oge, %add3A_1481, %ge3A_1483 : vector<16xf32>
      %select_n3A_1485 = arith.select %ge3A_1484, %broadcast_in_dim3A_149, %add3A_1481 : vector<16xi1>, vector<16xf32>
      %select_n3A_1486 = arith.select %ge3A_1484, %select_n3A_168, %broadcast_in_dim3A_149 : vector<16xi1>, vector<16xf32>
      %add3A_1487 = arith.addf %add3A_1275, %select_n3A_1486 : vector<16xf32>
      %sub3A_1488 = arith.subf %add3A_1462, %add3A_1460 : vector<16xf32>
      %sub3A_1489 = arith.subf %sub3A_1488, %select_n3A_1285 : vector<16xf32>
      %mul3A_1490 = arith.constant 1.000000e-01 : f32
      %mul3A_1491 = vector.broadcast %mul3A_1490 : f32 to vector<16xf32>
      %mul3A_1492 = arith.mulf %sub3A_1489, %mul3A_1491 : vector<16xf32>
      %add3A_1493 = arith.addf %select_n3A_1285, %mul3A_1492 : vector<16xf32>
      %ge3A_1494 = arith.constant 1.000000e+00 : f32
      %ge3A_1495 = vector.broadcast %ge3A_1494 : f32 to vector<16xf32>
      %ge3A_1496 = arith.cmpf oge, %add3A_1493, %ge3A_1495 : vector<16xf32>
      %select_n3A_1497 = arith.select %ge3A_1496, %broadcast_in_dim3A_149, %add3A_1493 : vector<16xi1>, vector<16xf32>
      %select_n3A_1498 = arith.select %ge3A_1496, %select_n3A_168, %broadcast_in_dim3A_149 : vector<16xi1>, vector<16xf32>
      %add3A_1499 = arith.addf %add3A_1287, %select_n3A_1498 : vector<16xf32>
      %sub3A_1500 = arith.subf %add3A_1463, %add3A_1461 : vector<16xf32>
      %sub3A_1501 = arith.subf %sub3A_1500, %select_n3A_1297 : vector<16xf32>
      %mul3A_1502 = arith.constant 1.000000e-01 : f32
      %mul3A_1503 = vector.broadcast %mul3A_1502 : f32 to vector<16xf32>
      %mul3A_1504 = arith.mulf %sub3A_1501, %mul3A_1503 : vector<16xf32>
      %add3A_1505 = arith.addf %select_n3A_1297, %mul3A_1504 : vector<16xf32>
      %ge3A_1506 = arith.constant 1.000000e+00 : f32
      %ge3A_1507 = vector.broadcast %ge3A_1506 : f32 to vector<16xf32>
      %ge3A_1508 = arith.cmpf oge, %add3A_1505, %ge3A_1507 : vector<16xf32>
      %select_n3A_1509 = arith.select %ge3A_1508, %broadcast_in_dim3A_149, %add3A_1505 : vector<16xi1>, vector<16xf32>
      %select_n3A_1510 = arith.select %ge3A_1508, %select_n3A_168, %broadcast_in_dim3A_149 : vector<16xi1>, vector<16xf32>
      %add3A_1511 = arith.addf %add3A_1299, %select_n3A_1510 : vector<16xf32>
      %mul3A_1512 = arith.constant 747796405 : i32
      %mul3A_1513 = vector.broadcast %mul3A_1512 : i32 to vector<16xi32>
      %mul3A_1514 = arith.muli %add3A_1305, %mul3A_1513 : vector<16xi32>
      %add3A_1515 = arith.constant -1403630843 : i32
      %add3A_1516 = vector.broadcast %add3A_1515 : i32 to vector<16xi32>
      %add3A_1517 = arith.addi %mul3A_1514, %add3A_1516 : vector<16xi32>
      %shift_right_logical3A_1518 = arith.constant 16 : i32
      %shift_right_logical3A_1519 = vector.broadcast %shift_right_logical3A_1518 : i32 to vector<16xi32>
      %shift_right_logical3A_1520 = arith.shrui %add3A_1517, %shift_right_logical3A_1519 : vector<16xi32>
      %bitcast3A_1521 = vector.bitcast %shift_right_logical3A_1520 : vector<16xi32> to vector<16xi32>
      %and3A_1522 = arith.constant 65535 : i32
      %and3A_1523 = vector.broadcast %and3A_1522 : i32 to vector<16xi32>
      %and3A_1524 = arith.andi %add3A_1517, %and3A_1523 : vector<16xi32>
      %bitcast3A_1525 = vector.bitcast %and3A_1524 : vector<16xi32> to vector<16xi32>
      %lt3A_1526 = arith.cmpi slt, %bitcast3A_1521, %convert_element_type3A : vector<16xi32>
      %select_n3A_1527 = arith.select %lt3A_1526, %broadcast_in_dim3A_147, %broadcast_in_dim3A_149 : vector<16xi1>, vector<16xf32>
      %lt3A_1528 = arith.cmpi slt, %bitcast3A_1525, %convert_element_type3A_430 : vector<16xi32>
      %select_n3A_1529 = arith.select %lt3A_1528, %broadcast_in_dim3A_147, %broadcast_in_dim3A_149 : vector<16xi1>, vector<16xf32>
      %mul3A_1530 = arith.constant 747796405 : i32
      %mul3A_1531 = vector.broadcast %mul3A_1530 : i32 to vector<16xi32>
      %mul3A_1532 = arith.muli %add3A_1323, %mul3A_1531 : vector<16xi32>
      %add3A_1533 = arith.constant -1403630843 : i32
      %add3A_1534 = vector.broadcast %add3A_1533 : i32 to vector<16xi32>
      %add3A_1535 = arith.addi %mul3A_1532, %add3A_1534 : vector<16xi32>
      %shift_right_logical3A_1536 = arith.constant 16 : i32
      %shift_right_logical3A_1537 = vector.broadcast %shift_right_logical3A_1536 : i32 to vector<16xi32>
      %shift_right_logical3A_1538 = arith.shrui %add3A_1535, %shift_right_logical3A_1537 : vector<16xi32>
      %bitcast3A_1539 = vector.bitcast %shift_right_logical3A_1538 : vector<16xi32> to vector<16xi32>
      %and3A_1540 = arith.constant 65535 : i32
      %and3A_1541 = vector.broadcast %and3A_1540 : i32 to vector<16xi32>
      %and3A_1542 = arith.andi %add3A_1535, %and3A_1541 : vector<16xi32>
      %bitcast3A_1543 = vector.bitcast %and3A_1542 : vector<16xi32> to vector<16xi32>
      %lt3A_1544 = arith.cmpi slt, %bitcast3A_1539, %convert_element_type3A_406 : vector<16xi32>
      %select_n3A_1545 = arith.select %lt3A_1544, %broadcast_in_dim3A_147, %broadcast_in_dim3A_149 : vector<16xi1>, vector<16xf32>
      %lt3A_1546 = arith.cmpi slt, %bitcast3A_1543, %convert_element_type3A_438 : vector<16xi32>
      %select_n3A_1547 = arith.select %lt3A_1546, %broadcast_in_dim3A_147, %broadcast_in_dim3A_149 : vector<16xi1>, vector<16xf32>
      %mul3A_1548 = arith.constant 747796405 : i32
      %mul3A_1549 = vector.broadcast %mul3A_1548 : i32 to vector<16xi32>
      %mul3A_1550 = arith.muli %add3A_1341, %mul3A_1549 : vector<16xi32>
      %add3A_1551 = arith.constant -1403630843 : i32
      %add3A_1552 = vector.broadcast %add3A_1551 : i32 to vector<16xi32>
      %add3A_1553 = arith.addi %mul3A_1550, %add3A_1552 : vector<16xi32>
      %shift_right_logical3A_1554 = arith.constant 16 : i32
      %shift_right_logical3A_1555 = vector.broadcast %shift_right_logical3A_1554 : i32 to vector<16xi32>
      %shift_right_logical3A_1556 = arith.shrui %add3A_1553, %shift_right_logical3A_1555 : vector<16xi32>
      %bitcast3A_1557 = vector.bitcast %shift_right_logical3A_1556 : vector<16xi32> to vector<16xi32>
      %and3A_1558 = arith.constant 65535 : i32
      %and3A_1559 = vector.broadcast %and3A_1558 : i32 to vector<16xi32>
      %and3A_1560 = arith.andi %add3A_1553, %and3A_1559 : vector<16xi32>
      %bitcast3A_1561 = vector.bitcast %and3A_1560 : vector<16xi32> to vector<16xi32>
      %lt3A_1562 = arith.cmpi slt, %bitcast3A_1557, %convert_element_type3A_414 : vector<16xi32>
      %select_n3A_1563 = arith.select %lt3A_1562, %broadcast_in_dim3A_147, %broadcast_in_dim3A_149 : vector<16xi1>, vector<16xf32>
      %lt3A_1564 = arith.cmpi slt, %bitcast3A_1561, %convert_element_type3A_446 : vector<16xi32>
      %select_n3A_1565 = arith.select %lt3A_1564, %broadcast_in_dim3A_147, %broadcast_in_dim3A_149 : vector<16xi1>, vector<16xf32>
      %mul3A_1566 = arith.constant 747796405 : i32
      %mul3A_1567 = vector.broadcast %mul3A_1566 : i32 to vector<16xi32>
      %mul3A_1568 = arith.muli %add3A_1359, %mul3A_1567 : vector<16xi32>
      %add3A_1569 = arith.constant -1403630843 : i32
      %add3A_1570 = vector.broadcast %add3A_1569 : i32 to vector<16xi32>
      %add3A_1571 = arith.addi %mul3A_1568, %add3A_1570 : vector<16xi32>
      %shift_right_logical3A_1572 = arith.constant 16 : i32
      %shift_right_logical3A_1573 = vector.broadcast %shift_right_logical3A_1572 : i32 to vector<16xi32>
      %shift_right_logical3A_1574 = arith.shrui %add3A_1571, %shift_right_logical3A_1573 : vector<16xi32>
      %bitcast3A_1575 = vector.bitcast %shift_right_logical3A_1574 : vector<16xi32> to vector<16xi32>
      %and3A_1576 = arith.constant 65535 : i32
      %and3A_1577 = vector.broadcast %and3A_1576 : i32 to vector<16xi32>
      %and3A_1578 = arith.andi %add3A_1571, %and3A_1577 : vector<16xi32>
      %bitcast3A_1579 = vector.bitcast %and3A_1578 : vector<16xi32> to vector<16xi32>
      %lt3A_1580 = arith.cmpi slt, %bitcast3A_1575, %convert_element_type3A_422 : vector<16xi32>
      %select_n3A_1581 = arith.select %lt3A_1580, %broadcast_in_dim3A_147, %broadcast_in_dim3A_149 : vector<16xi1>, vector<16xf32>
      %lt3A_1582 = arith.cmpi slt, %bitcast3A_1579, %convert_element_type3A_454 : vector<16xi32>
      %select_n3A_1583 = arith.select %lt3A_1582, %broadcast_in_dim3A_147, %broadcast_in_dim3A_149 : vector<16xi1>, vector<16xf32>
      %sub3A_1584 = arith.subf %select_n3A_1527, %select_n3A_1581 : vector<16xf32>
      %sub3A_1585 = arith.subf %sub3A_1584, %select_n3A_1382 : vector<16xf32>
      %mul3A_1586 = arith.constant 1.000000e-01 : f32
      %mul3A_1587 = vector.broadcast %mul3A_1586 : f32 to vector<16xf32>
      %mul3A_1588 = arith.mulf %sub3A_1585, %mul3A_1587 : vector<16xf32>
      %add3A_1589 = arith.addf %select_n3A_1382, %mul3A_1588 : vector<16xf32>
      %ge3A_1590 = arith.constant 1.000000e+00 : f32
      %ge3A_1591 = vector.broadcast %ge3A_1590 : f32 to vector<16xf32>
      %ge3A_1592 = arith.cmpf oge, %add3A_1589, %ge3A_1591 : vector<16xf32>
      %select_n3A_1593 = arith.select %ge3A_1592, %broadcast_in_dim3A_147, %broadcast_in_dim3A_149 : vector<16xi1>, vector<16xf32>
      %select_n3A_1594 = arith.select %ge3A_1592, %broadcast_in_dim3A_149, %add3A_1589 : vector<16xi1>, vector<16xf32>
      %sub3A_1595 = arith.subf %select_n3A_1545, %select_n3A_1529 : vector<16xf32>
      %sub3A_1596 = arith.subf %sub3A_1595, %select_n3A_1393 : vector<16xf32>
      %mul3A_1597 = arith.constant 1.000000e-01 : f32
      %mul3A_1598 = vector.broadcast %mul3A_1597 : f32 to vector<16xf32>
      %mul3A_1599 = arith.mulf %sub3A_1596, %mul3A_1598 : vector<16xf32>
      %add3A_1600 = arith.addf %select_n3A_1393, %mul3A_1599 : vector<16xf32>
      %ge3A_1601 = arith.constant 1.000000e+00 : f32
      %ge3A_1602 = vector.broadcast %ge3A_1601 : f32 to vector<16xf32>
      %ge3A_1603 = arith.cmpf oge, %add3A_1600, %ge3A_1602 : vector<16xf32>
      %select_n3A_1604 = arith.select %ge3A_1603, %broadcast_in_dim3A_147, %broadcast_in_dim3A_149 : vector<16xi1>, vector<16xf32>
      %select_n3A_1605 = arith.select %ge3A_1603, %broadcast_in_dim3A_149, %add3A_1600 : vector<16xi1>, vector<16xf32>
      %sub3A_1606 = arith.subf %select_n3A_1563, %select_n3A_1547 : vector<16xf32>
      %sub3A_1607 = arith.subf %sub3A_1606, %select_n3A_1404 : vector<16xf32>
      %mul3A_1608 = arith.constant 1.000000e-01 : f32
      %mul3A_1609 = vector.broadcast %mul3A_1608 : f32 to vector<16xf32>
      %mul3A_1610 = arith.mulf %sub3A_1607, %mul3A_1609 : vector<16xf32>
      %add3A_1611 = arith.addf %select_n3A_1404, %mul3A_1610 : vector<16xf32>
      %ge3A_1612 = arith.constant 1.000000e+00 : f32
      %ge3A_1613 = vector.broadcast %ge3A_1612 : f32 to vector<16xf32>
      %ge3A_1614 = arith.cmpf oge, %add3A_1611, %ge3A_1613 : vector<16xf32>
      %select_n3A_1615 = arith.select %ge3A_1614, %broadcast_in_dim3A_147, %broadcast_in_dim3A_149 : vector<16xi1>, vector<16xf32>
      %select_n3A_1616 = arith.select %ge3A_1614, %broadcast_in_dim3A_149, %add3A_1611 : vector<16xi1>, vector<16xf32>
      %sub3A_1617 = arith.subf %select_n3A_1581, %select_n3A_1565 : vector<16xf32>
      %sub3A_1618 = arith.subf %sub3A_1617, %select_n3A_1415 : vector<16xf32>
      %mul3A_1619 = arith.constant 1.000000e-01 : f32
      %mul3A_1620 = vector.broadcast %mul3A_1619 : f32 to vector<16xf32>
      %mul3A_1621 = arith.mulf %sub3A_1618, %mul3A_1620 : vector<16xf32>
      %add3A_1622 = arith.addf %select_n3A_1415, %mul3A_1621 : vector<16xf32>
      %ge3A_1623 = arith.constant 1.000000e+00 : f32
      %ge3A_1624 = vector.broadcast %ge3A_1623 : f32 to vector<16xf32>
      %ge3A_1625 = arith.cmpf oge, %add3A_1622, %ge3A_1624 : vector<16xf32>
      %select_n3A_1626 = arith.select %ge3A_1625, %broadcast_in_dim3A_147, %broadcast_in_dim3A_149 : vector<16xi1>, vector<16xf32>
      %select_n3A_1627 = arith.select %ge3A_1625, %broadcast_in_dim3A_149, %add3A_1622 : vector<16xi1>, vector<16xf32>
      %sub3A_1628 = arith.subf %select_n3A_1529, %select_n3A_1583 : vector<16xf32>
      %sub3A_1629 = arith.subf %sub3A_1628, %select_n3A_1426 : vector<16xf32>
      %mul3A_1630 = arith.constant 1.000000e-01 : f32
      %mul3A_1631 = vector.broadcast %mul3A_1630 : f32 to vector<16xf32>
      %mul3A_1632 = arith.mulf %sub3A_1629, %mul3A_1631 : vector<16xf32>
      %add3A_1633 = arith.addf %select_n3A_1426, %mul3A_1632 : vector<16xf32>
      %ge3A_1634 = arith.constant 1.000000e+00 : f32
      %ge3A_1635 = vector.broadcast %ge3A_1634 : f32 to vector<16xf32>
      %ge3A_1636 = arith.cmpf oge, %add3A_1633, %ge3A_1635 : vector<16xf32>
      %select_n3A_1637 = arith.select %ge3A_1636, %broadcast_in_dim3A_147, %broadcast_in_dim3A_149 : vector<16xi1>, vector<16xf32>
      %select_n3A_1638 = arith.select %ge3A_1636, %broadcast_in_dim3A_149, %add3A_1633 : vector<16xi1>, vector<16xf32>
      %sub3A_1639 = arith.subf %select_n3A_1547, %select_n3A_1527 : vector<16xf32>
      %sub3A_1640 = arith.subf %sub3A_1639, %select_n3A_1437 : vector<16xf32>
      %mul3A_1641 = arith.constant 1.000000e-01 : f32
      %mul3A_1642 = vector.broadcast %mul3A_1641 : f32 to vector<16xf32>
      %mul3A_1643 = arith.mulf %sub3A_1640, %mul3A_1642 : vector<16xf32>
      %add3A_1644 = arith.addf %select_n3A_1437, %mul3A_1643 : vector<16xf32>
      %ge3A_1645 = arith.constant 1.000000e+00 : f32
      %ge3A_1646 = vector.broadcast %ge3A_1645 : f32 to vector<16xf32>
      %ge3A_1647 = arith.cmpf oge, %add3A_1644, %ge3A_1646 : vector<16xf32>
      %select_n3A_1648 = arith.select %ge3A_1647, %broadcast_in_dim3A_147, %broadcast_in_dim3A_149 : vector<16xi1>, vector<16xf32>
      %select_n3A_1649 = arith.select %ge3A_1647, %broadcast_in_dim3A_149, %add3A_1644 : vector<16xi1>, vector<16xf32>
      %sub3A_1650 = arith.subf %select_n3A_1565, %select_n3A_1545 : vector<16xf32>
      %sub3A_1651 = arith.subf %sub3A_1650, %select_n3A_1448 : vector<16xf32>
      %mul3A_1652 = arith.constant 1.000000e-01 : f32
      %mul3A_1653 = vector.broadcast %mul3A_1652 : f32 to vector<16xf32>
      %mul3A_1654 = arith.mulf %sub3A_1651, %mul3A_1653 : vector<16xf32>
      %add3A_1655 = arith.addf %select_n3A_1448, %mul3A_1654 : vector<16xf32>
      %ge3A_1656 = arith.constant 1.000000e+00 : f32
      %ge3A_1657 = vector.broadcast %ge3A_1656 : f32 to vector<16xf32>
      %ge3A_1658 = arith.cmpf oge, %add3A_1655, %ge3A_1657 : vector<16xf32>
      %select_n3A_1659 = arith.select %ge3A_1658, %broadcast_in_dim3A_147, %broadcast_in_dim3A_149 : vector<16xi1>, vector<16xf32>
      %select_n3A_1660 = arith.select %ge3A_1658, %broadcast_in_dim3A_149, %add3A_1655 : vector<16xi1>, vector<16xf32>
      %sub3A_1661 = arith.subf %select_n3A_1583, %select_n3A_1563 : vector<16xf32>
      %sub3A_1662 = arith.subf %sub3A_1661, %select_n3A_1459 : vector<16xf32>
      %mul3A_1663 = arith.constant 1.000000e-01 : f32
      %mul3A_1664 = vector.broadcast %mul3A_1663 : f32 to vector<16xf32>
      %mul3A_1665 = arith.mulf %sub3A_1662, %mul3A_1664 : vector<16xf32>
      %add3A_1666 = arith.addf %select_n3A_1459, %mul3A_1665 : vector<16xf32>
      %ge3A_1667 = arith.constant 1.000000e+00 : f32
      %ge3A_1668 = vector.broadcast %ge3A_1667 : f32 to vector<16xf32>
      %ge3A_1669 = arith.cmpf oge, %add3A_1666, %ge3A_1668 : vector<16xf32>
      %select_n3A_1670 = arith.select %ge3A_1669, %broadcast_in_dim3A_147, %broadcast_in_dim3A_149 : vector<16xi1>, vector<16xf32>
      %select_n3A_1671 = arith.select %ge3A_1669, %broadcast_in_dim3A_149, %add3A_1666 : vector<16xi1>, vector<16xf32>
      %add3A_1672 = arith.addf %select_n3A_1593, %select_n3A_1604 : vector<16xf32>
      %add3A_1673 = arith.addf %select_n3A_1615, %select_n3A_1626 : vector<16xf32>
      %add3A_1674 = arith.addf %select_n3A_1637, %select_n3A_1648 : vector<16xf32>
      %add3A_1675 = arith.addf %select_n3A_1659, %select_n3A_1670 : vector<16xf32>
      %sub3A_1676 = arith.subf %add3A_1672, %add3A_1674 : vector<16xf32>
      %sub3A_1677 = arith.subf %sub3A_1676, %select_n3A_1473 : vector<16xf32>
      %mul3A_1678 = arith.constant 1.000000e-01 : f32
      %mul3A_1679 = vector.broadcast %mul3A_1678 : f32 to vector<16xf32>
      %mul3A_1680 = arith.mulf %sub3A_1677, %mul3A_1679 : vector<16xf32>
      %add3A_1681 = arith.addf %select_n3A_1473, %mul3A_1680 : vector<16xf32>
      %ge3A_1682 = arith.constant 1.000000e+00 : f32
      %ge3A_1683 = vector.broadcast %ge3A_1682 : f32 to vector<16xf32>
      %ge3A_1684 = arith.cmpf oge, %add3A_1681, %ge3A_1683 : vector<16xf32>
      %select_n3A_1685 = arith.select %ge3A_1684, %broadcast_in_dim3A_149, %add3A_1681 : vector<16xi1>, vector<16xf32>
      %select_n3A_1686 = arith.select %ge3A_1684, %select_n3A_172, %broadcast_in_dim3A_149 : vector<16xi1>, vector<16xf32>
      %add3A_1687 = arith.addf %add3A_1475, %select_n3A_1686 : vector<16xf32>
      %sub3A_1688 = arith.subf %add3A_1673, %add3A_1675 : vector<16xf32>
      %sub3A_1689 = arith.subf %sub3A_1688, %select_n3A_1485 : vector<16xf32>
      %mul3A_1690 = arith.constant 1.000000e-01 : f32
      %mul3A_1691 = vector.broadcast %mul3A_1690 : f32 to vector<16xf32>
      %mul3A_1692 = arith.mulf %sub3A_1689, %mul3A_1691 : vector<16xf32>
      %add3A_1693 = arith.addf %select_n3A_1485, %mul3A_1692 : vector<16xf32>
      %ge3A_1694 = arith.constant 1.000000e+00 : f32
      %ge3A_1695 = vector.broadcast %ge3A_1694 : f32 to vector<16xf32>
      %ge3A_1696 = arith.cmpf oge, %add3A_1693, %ge3A_1695 : vector<16xf32>
      %select_n3A_1697 = arith.select %ge3A_1696, %broadcast_in_dim3A_149, %add3A_1693 : vector<16xi1>, vector<16xf32>
      %select_n3A_1698 = arith.select %ge3A_1696, %select_n3A_172, %broadcast_in_dim3A_149 : vector<16xi1>, vector<16xf32>
      %add3A_1699 = arith.addf %add3A_1487, %select_n3A_1698 : vector<16xf32>
      %sub3A_1700 = arith.subf %add3A_1674, %add3A_1672 : vector<16xf32>
      %sub3A_1701 = arith.subf %sub3A_1700, %select_n3A_1497 : vector<16xf32>
      %mul3A_1702 = arith.constant 1.000000e-01 : f32
      %mul3A_1703 = vector.broadcast %mul3A_1702 : f32 to vector<16xf32>
      %mul3A_1704 = arith.mulf %sub3A_1701, %mul3A_1703 : vector<16xf32>
      %add3A_1705 = arith.addf %select_n3A_1497, %mul3A_1704 : vector<16xf32>
      %ge3A_1706 = arith.constant 1.000000e+00 : f32
      %ge3A_1707 = vector.broadcast %ge3A_1706 : f32 to vector<16xf32>
      %ge3A_1708 = arith.cmpf oge, %add3A_1705, %ge3A_1707 : vector<16xf32>
      %select_n3A_1709 = arith.select %ge3A_1708, %broadcast_in_dim3A_149, %add3A_1705 : vector<16xi1>, vector<16xf32>
      %select_n3A_1710 = arith.select %ge3A_1708, %select_n3A_172, %broadcast_in_dim3A_149 : vector<16xi1>, vector<16xf32>
      %add3A_1711 = arith.addf %add3A_1499, %select_n3A_1710 : vector<16xf32>
      %sub3A_1712 = arith.subf %add3A_1675, %add3A_1673 : vector<16xf32>
      %sub3A_1713 = arith.subf %sub3A_1712, %select_n3A_1509 : vector<16xf32>
      %mul3A_1714 = arith.constant 1.000000e-01 : f32
      %mul3A_1715 = vector.broadcast %mul3A_1714 : f32 to vector<16xf32>
      %mul3A_1716 = arith.mulf %sub3A_1713, %mul3A_1715 : vector<16xf32>
      %add3A_1717 = arith.addf %select_n3A_1509, %mul3A_1716 : vector<16xf32>
      %ge3A_1718 = arith.constant 1.000000e+00 : f32
      %ge3A_1719 = vector.broadcast %ge3A_1718 : f32 to vector<16xf32>
      %ge3A_1720 = arith.cmpf oge, %add3A_1717, %ge3A_1719 : vector<16xf32>
      %select_n3A_1721 = arith.select %ge3A_1720, %broadcast_in_dim3A_149, %add3A_1717 : vector<16xi1>, vector<16xf32>
      %select_n3A_1722 = arith.select %ge3A_1720, %select_n3A_172, %broadcast_in_dim3A_149 : vector<16xi1>, vector<16xf32>
      %add3A_1723 = arith.addf %add3A_1511, %select_n3A_1722 : vector<16xf32>
      %mul3A_1724 = arith.constant 747796405 : i32
      %mul3A_1725 = vector.broadcast %mul3A_1724 : i32 to vector<16xi32>
      %mul3A_1726 = arith.muli %add3A_1517, %mul3A_1725 : vector<16xi32>
      %add3A_1727 = arith.constant -1403630843 : i32
      %add3A_1728 = vector.broadcast %add3A_1727 : i32 to vector<16xi32>
      %add3A_1729 = arith.addi %mul3A_1726, %add3A_1728 : vector<16xi32>
      %shift_right_logical3A_1730 = arith.constant 16 : i32
      %shift_right_logical3A_1731 = vector.broadcast %shift_right_logical3A_1730 : i32 to vector<16xi32>
      %shift_right_logical3A_1732 = arith.shrui %add3A_1729, %shift_right_logical3A_1731 : vector<16xi32>
      %bitcast3A_1733 = vector.bitcast %shift_right_logical3A_1732 : vector<16xi32> to vector<16xi32>
      %and3A_1734 = arith.constant 65535 : i32
      %and3A_1735 = vector.broadcast %and3A_1734 : i32 to vector<16xi32>
      %and3A_1736 = arith.andi %add3A_1729, %and3A_1735 : vector<16xi32>
      %bitcast3A_1737 = vector.bitcast %and3A_1736 : vector<16xi32> to vector<16xi32>
      %lt3A_1738 = arith.cmpi slt, %bitcast3A_1733, %convert_element_type3A : vector<16xi32>
      %select_n3A_1739 = arith.select %lt3A_1738, %broadcast_in_dim3A_147, %broadcast_in_dim3A_149 : vector<16xi1>, vector<16xf32>
      %lt3A_1740 = arith.cmpi slt, %bitcast3A_1737, %convert_element_type3A_430 : vector<16xi32>
      %select_n3A_1741 = arith.select %lt3A_1740, %broadcast_in_dim3A_147, %broadcast_in_dim3A_149 : vector<16xi1>, vector<16xf32>
      %mul3A_1742 = arith.constant 747796405 : i32
      %mul3A_1743 = vector.broadcast %mul3A_1742 : i32 to vector<16xi32>
      %mul3A_1744 = arith.muli %add3A_1535, %mul3A_1743 : vector<16xi32>
      %add3A_1745 = arith.constant -1403630843 : i32
      %add3A_1746 = vector.broadcast %add3A_1745 : i32 to vector<16xi32>
      %add3A_1747 = arith.addi %mul3A_1744, %add3A_1746 : vector<16xi32>
      %shift_right_logical3A_1748 = arith.constant 16 : i32
      %shift_right_logical3A_1749 = vector.broadcast %shift_right_logical3A_1748 : i32 to vector<16xi32>
      %shift_right_logical3A_1750 = arith.shrui %add3A_1747, %shift_right_logical3A_1749 : vector<16xi32>
      %bitcast3A_1751 = vector.bitcast %shift_right_logical3A_1750 : vector<16xi32> to vector<16xi32>
      %and3A_1752 = arith.constant 65535 : i32
      %and3A_1753 = vector.broadcast %and3A_1752 : i32 to vector<16xi32>
      %and3A_1754 = arith.andi %add3A_1747, %and3A_1753 : vector<16xi32>
      %bitcast3A_1755 = vector.bitcast %and3A_1754 : vector<16xi32> to vector<16xi32>
      %lt3A_1756 = arith.cmpi slt, %bitcast3A_1751, %convert_element_type3A_406 : vector<16xi32>
      %select_n3A_1757 = arith.select %lt3A_1756, %broadcast_in_dim3A_147, %broadcast_in_dim3A_149 : vector<16xi1>, vector<16xf32>
      %lt3A_1758 = arith.cmpi slt, %bitcast3A_1755, %convert_element_type3A_438 : vector<16xi32>
      %select_n3A_1759 = arith.select %lt3A_1758, %broadcast_in_dim3A_147, %broadcast_in_dim3A_149 : vector<16xi1>, vector<16xf32>
      %mul3A_1760 = arith.constant 747796405 : i32
      %mul3A_1761 = vector.broadcast %mul3A_1760 : i32 to vector<16xi32>
      %mul3A_1762 = arith.muli %add3A_1553, %mul3A_1761 : vector<16xi32>
      %add3A_1763 = arith.constant -1403630843 : i32
      %add3A_1764 = vector.broadcast %add3A_1763 : i32 to vector<16xi32>
      %add3A_1765 = arith.addi %mul3A_1762, %add3A_1764 : vector<16xi32>
      %shift_right_logical3A_1766 = arith.constant 16 : i32
      %shift_right_logical3A_1767 = vector.broadcast %shift_right_logical3A_1766 : i32 to vector<16xi32>
      %shift_right_logical3A_1768 = arith.shrui %add3A_1765, %shift_right_logical3A_1767 : vector<16xi32>
      %bitcast3A_1769 = vector.bitcast %shift_right_logical3A_1768 : vector<16xi32> to vector<16xi32>
      %and3A_1770 = arith.constant 65535 : i32
      %and3A_1771 = vector.broadcast %and3A_1770 : i32 to vector<16xi32>
      %and3A_1772 = arith.andi %add3A_1765, %and3A_1771 : vector<16xi32>
      %bitcast3A_1773 = vector.bitcast %and3A_1772 : vector<16xi32> to vector<16xi32>
      %lt3A_1774 = arith.cmpi slt, %bitcast3A_1769, %convert_element_type3A_414 : vector<16xi32>
      %select_n3A_1775 = arith.select %lt3A_1774, %broadcast_in_dim3A_147, %broadcast_in_dim3A_149 : vector<16xi1>, vector<16xf32>
      %lt3A_1776 = arith.cmpi slt, %bitcast3A_1773, %convert_element_type3A_446 : vector<16xi32>
      %select_n3A_1777 = arith.select %lt3A_1776, %broadcast_in_dim3A_147, %broadcast_in_dim3A_149 : vector<16xi1>, vector<16xf32>
      %mul3A_1778 = arith.constant 747796405 : i32
      %mul3A_1779 = vector.broadcast %mul3A_1778 : i32 to vector<16xi32>
      %mul3A_1780 = arith.muli %add3A_1571, %mul3A_1779 : vector<16xi32>
      %add3A_1781 = arith.constant -1403630843 : i32
      %add3A_1782 = vector.broadcast %add3A_1781 : i32 to vector<16xi32>
      %add3A_1783 = arith.addi %mul3A_1780, %add3A_1782 : vector<16xi32>
      %shift_right_logical3A_1784 = arith.constant 16 : i32
      %shift_right_logical3A_1785 = vector.broadcast %shift_right_logical3A_1784 : i32 to vector<16xi32>
      %shift_right_logical3A_1786 = arith.shrui %add3A_1783, %shift_right_logical3A_1785 : vector<16xi32>
      %bitcast3A_1787 = vector.bitcast %shift_right_logical3A_1786 : vector<16xi32> to vector<16xi32>
      %and3A_1788 = arith.constant 65535 : i32
      %and3A_1789 = vector.broadcast %and3A_1788 : i32 to vector<16xi32>
      %and3A_1790 = arith.andi %add3A_1783, %and3A_1789 : vector<16xi32>
      %bitcast3A_1791 = vector.bitcast %and3A_1790 : vector<16xi32> to vector<16xi32>
      %lt3A_1792 = arith.cmpi slt, %bitcast3A_1787, %convert_element_type3A_422 : vector<16xi32>
      %select_n3A_1793 = arith.select %lt3A_1792, %broadcast_in_dim3A_147, %broadcast_in_dim3A_149 : vector<16xi1>, vector<16xf32>
      %lt3A_1794 = arith.cmpi slt, %bitcast3A_1791, %convert_element_type3A_454 : vector<16xi32>
      %select_n3A_1795 = arith.select %lt3A_1794, %broadcast_in_dim3A_147, %broadcast_in_dim3A_149 : vector<16xi1>, vector<16xf32>
      %sub3A_1796 = arith.subf %select_n3A_1739, %select_n3A_1793 : vector<16xf32>
      %sub3A_1797 = arith.subf %sub3A_1796, %select_n3A_1594 : vector<16xf32>
      %mul3A_1798 = arith.constant 1.000000e-01 : f32
      %mul3A_1799 = vector.broadcast %mul3A_1798 : f32 to vector<16xf32>
      %mul3A_1800 = arith.mulf %sub3A_1797, %mul3A_1799 : vector<16xf32>
      %add3A_1801 = arith.addf %select_n3A_1594, %mul3A_1800 : vector<16xf32>
      %ge3A_1802 = arith.constant 1.000000e+00 : f32
      %ge3A_1803 = vector.broadcast %ge3A_1802 : f32 to vector<16xf32>
      %ge3A_1804 = arith.cmpf oge, %add3A_1801, %ge3A_1803 : vector<16xf32>
      %select_n3A_1805 = arith.select %ge3A_1804, %broadcast_in_dim3A_147, %broadcast_in_dim3A_149 : vector<16xi1>, vector<16xf32>
      %select_n3A_1806 = arith.select %ge3A_1804, %broadcast_in_dim3A_149, %add3A_1801 : vector<16xi1>, vector<16xf32>
      %sub3A_1807 = arith.subf %select_n3A_1757, %select_n3A_1741 : vector<16xf32>
      %sub3A_1808 = arith.subf %sub3A_1807, %select_n3A_1605 : vector<16xf32>
      %mul3A_1809 = arith.constant 1.000000e-01 : f32
      %mul3A_1810 = vector.broadcast %mul3A_1809 : f32 to vector<16xf32>
      %mul3A_1811 = arith.mulf %sub3A_1808, %mul3A_1810 : vector<16xf32>
      %add3A_1812 = arith.addf %select_n3A_1605, %mul3A_1811 : vector<16xf32>
      %ge3A_1813 = arith.constant 1.000000e+00 : f32
      %ge3A_1814 = vector.broadcast %ge3A_1813 : f32 to vector<16xf32>
      %ge3A_1815 = arith.cmpf oge, %add3A_1812, %ge3A_1814 : vector<16xf32>
      %select_n3A_1816 = arith.select %ge3A_1815, %broadcast_in_dim3A_147, %broadcast_in_dim3A_149 : vector<16xi1>, vector<16xf32>
      %select_n3A_1817 = arith.select %ge3A_1815, %broadcast_in_dim3A_149, %add3A_1812 : vector<16xi1>, vector<16xf32>
      %sub3A_1818 = arith.subf %select_n3A_1775, %select_n3A_1759 : vector<16xf32>
      %sub3A_1819 = arith.subf %sub3A_1818, %select_n3A_1616 : vector<16xf32>
      %mul3A_1820 = arith.constant 1.000000e-01 : f32
      %mul3A_1821 = vector.broadcast %mul3A_1820 : f32 to vector<16xf32>
      %mul3A_1822 = arith.mulf %sub3A_1819, %mul3A_1821 : vector<16xf32>
      %add3A_1823 = arith.addf %select_n3A_1616, %mul3A_1822 : vector<16xf32>
      %ge3A_1824 = arith.constant 1.000000e+00 : f32
      %ge3A_1825 = vector.broadcast %ge3A_1824 : f32 to vector<16xf32>
      %ge3A_1826 = arith.cmpf oge, %add3A_1823, %ge3A_1825 : vector<16xf32>
      %select_n3A_1827 = arith.select %ge3A_1826, %broadcast_in_dim3A_147, %broadcast_in_dim3A_149 : vector<16xi1>, vector<16xf32>
      %select_n3A_1828 = arith.select %ge3A_1826, %broadcast_in_dim3A_149, %add3A_1823 : vector<16xi1>, vector<16xf32>
      %sub3A_1829 = arith.subf %select_n3A_1793, %select_n3A_1777 : vector<16xf32>
      %sub3A_1830 = arith.subf %sub3A_1829, %select_n3A_1627 : vector<16xf32>
      %mul3A_1831 = arith.constant 1.000000e-01 : f32
      %mul3A_1832 = vector.broadcast %mul3A_1831 : f32 to vector<16xf32>
      %mul3A_1833 = arith.mulf %sub3A_1830, %mul3A_1832 : vector<16xf32>
      %add3A_1834 = arith.addf %select_n3A_1627, %mul3A_1833 : vector<16xf32>
      %ge3A_1835 = arith.constant 1.000000e+00 : f32
      %ge3A_1836 = vector.broadcast %ge3A_1835 : f32 to vector<16xf32>
      %ge3A_1837 = arith.cmpf oge, %add3A_1834, %ge3A_1836 : vector<16xf32>
      %select_n3A_1838 = arith.select %ge3A_1837, %broadcast_in_dim3A_147, %broadcast_in_dim3A_149 : vector<16xi1>, vector<16xf32>
      %select_n3A_1839 = arith.select %ge3A_1837, %broadcast_in_dim3A_149, %add3A_1834 : vector<16xi1>, vector<16xf32>
      %sub3A_1840 = arith.subf %select_n3A_1741, %select_n3A_1795 : vector<16xf32>
      %sub3A_1841 = arith.subf %sub3A_1840, %select_n3A_1638 : vector<16xf32>
      %mul3A_1842 = arith.constant 1.000000e-01 : f32
      %mul3A_1843 = vector.broadcast %mul3A_1842 : f32 to vector<16xf32>
      %mul3A_1844 = arith.mulf %sub3A_1841, %mul3A_1843 : vector<16xf32>
      %add3A_1845 = arith.addf %select_n3A_1638, %mul3A_1844 : vector<16xf32>
      %ge3A_1846 = arith.constant 1.000000e+00 : f32
      %ge3A_1847 = vector.broadcast %ge3A_1846 : f32 to vector<16xf32>
      %ge3A_1848 = arith.cmpf oge, %add3A_1845, %ge3A_1847 : vector<16xf32>
      %select_n3A_1849 = arith.select %ge3A_1848, %broadcast_in_dim3A_147, %broadcast_in_dim3A_149 : vector<16xi1>, vector<16xf32>
      %select_n3A_1850 = arith.select %ge3A_1848, %broadcast_in_dim3A_149, %add3A_1845 : vector<16xi1>, vector<16xf32>
      %sub3A_1851 = arith.subf %select_n3A_1759, %select_n3A_1739 : vector<16xf32>
      %sub3A_1852 = arith.subf %sub3A_1851, %select_n3A_1649 : vector<16xf32>
      %mul3A_1853 = arith.constant 1.000000e-01 : f32
      %mul3A_1854 = vector.broadcast %mul3A_1853 : f32 to vector<16xf32>
      %mul3A_1855 = arith.mulf %sub3A_1852, %mul3A_1854 : vector<16xf32>
      %add3A_1856 = arith.addf %select_n3A_1649, %mul3A_1855 : vector<16xf32>
      %ge3A_1857 = arith.constant 1.000000e+00 : f32
      %ge3A_1858 = vector.broadcast %ge3A_1857 : f32 to vector<16xf32>
      %ge3A_1859 = arith.cmpf oge, %add3A_1856, %ge3A_1858 : vector<16xf32>
      %select_n3A_1860 = arith.select %ge3A_1859, %broadcast_in_dim3A_147, %broadcast_in_dim3A_149 : vector<16xi1>, vector<16xf32>
      %select_n3A_1861 = arith.select %ge3A_1859, %broadcast_in_dim3A_149, %add3A_1856 : vector<16xi1>, vector<16xf32>
      %sub3A_1862 = arith.subf %select_n3A_1777, %select_n3A_1757 : vector<16xf32>
      %sub3A_1863 = arith.subf %sub3A_1862, %select_n3A_1660 : vector<16xf32>
      %mul3A_1864 = arith.constant 1.000000e-01 : f32
      %mul3A_1865 = vector.broadcast %mul3A_1864 : f32 to vector<16xf32>
      %mul3A_1866 = arith.mulf %sub3A_1863, %mul3A_1865 : vector<16xf32>
      %add3A_1867 = arith.addf %select_n3A_1660, %mul3A_1866 : vector<16xf32>
      %ge3A_1868 = arith.constant 1.000000e+00 : f32
      %ge3A_1869 = vector.broadcast %ge3A_1868 : f32 to vector<16xf32>
      %ge3A_1870 = arith.cmpf oge, %add3A_1867, %ge3A_1869 : vector<16xf32>
      %select_n3A_1871 = arith.select %ge3A_1870, %broadcast_in_dim3A_147, %broadcast_in_dim3A_149 : vector<16xi1>, vector<16xf32>
      %select_n3A_1872 = arith.select %ge3A_1870, %broadcast_in_dim3A_149, %add3A_1867 : vector<16xi1>, vector<16xf32>
      %sub3A_1873 = arith.subf %select_n3A_1795, %select_n3A_1775 : vector<16xf32>
      %sub3A_1874 = arith.subf %sub3A_1873, %select_n3A_1671 : vector<16xf32>
      %mul3A_1875 = arith.constant 1.000000e-01 : f32
      %mul3A_1876 = vector.broadcast %mul3A_1875 : f32 to vector<16xf32>
      %mul3A_1877 = arith.mulf %sub3A_1874, %mul3A_1876 : vector<16xf32>
      %add3A_1878 = arith.addf %select_n3A_1671, %mul3A_1877 : vector<16xf32>
      %ge3A_1879 = arith.constant 1.000000e+00 : f32
      %ge3A_1880 = vector.broadcast %ge3A_1879 : f32 to vector<16xf32>
      %ge3A_1881 = arith.cmpf oge, %add3A_1878, %ge3A_1880 : vector<16xf32>
      %select_n3A_1882 = arith.select %ge3A_1881, %broadcast_in_dim3A_147, %broadcast_in_dim3A_149 : vector<16xi1>, vector<16xf32>
      %select_n3A_1883 = arith.select %ge3A_1881, %broadcast_in_dim3A_149, %add3A_1878 : vector<16xi1>, vector<16xf32>
      %add3A_1884 = arith.addf %select_n3A_1805, %select_n3A_1816 : vector<16xf32>
      %add3A_1885 = arith.addf %select_n3A_1827, %select_n3A_1838 : vector<16xf32>
      %add3A_1886 = arith.addf %select_n3A_1849, %select_n3A_1860 : vector<16xf32>
      %add3A_1887 = arith.addf %select_n3A_1871, %select_n3A_1882 : vector<16xf32>
      %sub3A_1888 = arith.subf %add3A_1884, %add3A_1886 : vector<16xf32>
      %sub3A_1889 = arith.subf %sub3A_1888, %select_n3A_1685 : vector<16xf32>
      %mul3A_1890 = arith.constant 1.000000e-01 : f32
      %mul3A_1891 = vector.broadcast %mul3A_1890 : f32 to vector<16xf32>
      %mul3A_1892 = arith.mulf %sub3A_1889, %mul3A_1891 : vector<16xf32>
      %add3A_1893 = arith.addf %select_n3A_1685, %mul3A_1892 : vector<16xf32>
      %ge3A_1894 = arith.constant 1.000000e+00 : f32
      %ge3A_1895 = vector.broadcast %ge3A_1894 : f32 to vector<16xf32>
      %ge3A_1896 = arith.cmpf oge, %add3A_1893, %ge3A_1895 : vector<16xf32>
      %select_n3A_1897 = arith.select %ge3A_1896, %broadcast_in_dim3A_149, %add3A_1893 : vector<16xi1>, vector<16xf32>
      %select_n3A_1898 = arith.select %ge3A_1896, %select_n3A_176, %broadcast_in_dim3A_149 : vector<16xi1>, vector<16xf32>
      %add3A_1899 = arith.addf %add3A_1687, %select_n3A_1898 : vector<16xf32>
      %sub3A_1900 = arith.subf %add3A_1885, %add3A_1887 : vector<16xf32>
      %sub3A_1901 = arith.subf %sub3A_1900, %select_n3A_1697 : vector<16xf32>
      %mul3A_1902 = arith.constant 1.000000e-01 : f32
      %mul3A_1903 = vector.broadcast %mul3A_1902 : f32 to vector<16xf32>
      %mul3A_1904 = arith.mulf %sub3A_1901, %mul3A_1903 : vector<16xf32>
      %add3A_1905 = arith.addf %select_n3A_1697, %mul3A_1904 : vector<16xf32>
      %ge3A_1906 = arith.constant 1.000000e+00 : f32
      %ge3A_1907 = vector.broadcast %ge3A_1906 : f32 to vector<16xf32>
      %ge3A_1908 = arith.cmpf oge, %add3A_1905, %ge3A_1907 : vector<16xf32>
      %select_n3A_1909 = arith.select %ge3A_1908, %broadcast_in_dim3A_149, %add3A_1905 : vector<16xi1>, vector<16xf32>
      %select_n3A_1910 = arith.select %ge3A_1908, %select_n3A_176, %broadcast_in_dim3A_149 : vector<16xi1>, vector<16xf32>
      %add3A_1911 = arith.addf %add3A_1699, %select_n3A_1910 : vector<16xf32>
      %sub3A_1912 = arith.subf %add3A_1886, %add3A_1884 : vector<16xf32>
      %sub3A_1913 = arith.subf %sub3A_1912, %select_n3A_1709 : vector<16xf32>
      %mul3A_1914 = arith.constant 1.000000e-01 : f32
      %mul3A_1915 = vector.broadcast %mul3A_1914 : f32 to vector<16xf32>
      %mul3A_1916 = arith.mulf %sub3A_1913, %mul3A_1915 : vector<16xf32>
      %add3A_1917 = arith.addf %select_n3A_1709, %mul3A_1916 : vector<16xf32>
      %ge3A_1918 = arith.constant 1.000000e+00 : f32
      %ge3A_1919 = vector.broadcast %ge3A_1918 : f32 to vector<16xf32>
      %ge3A_1920 = arith.cmpf oge, %add3A_1917, %ge3A_1919 : vector<16xf32>
      %select_n3A_1921 = arith.select %ge3A_1920, %broadcast_in_dim3A_149, %add3A_1917 : vector<16xi1>, vector<16xf32>
      %select_n3A_1922 = arith.select %ge3A_1920, %select_n3A_176, %broadcast_in_dim3A_149 : vector<16xi1>, vector<16xf32>
      %add3A_1923 = arith.addf %add3A_1711, %select_n3A_1922 : vector<16xf32>
      %sub3A_1924 = arith.subf %add3A_1887, %add3A_1885 : vector<16xf32>
      %sub3A_1925 = arith.subf %sub3A_1924, %select_n3A_1721 : vector<16xf32>
      %mul3A_1926 = arith.constant 1.000000e-01 : f32
      %mul3A_1927 = vector.broadcast %mul3A_1926 : f32 to vector<16xf32>
      %mul3A_1928 = arith.mulf %sub3A_1925, %mul3A_1927 : vector<16xf32>
      %add3A_1929 = arith.addf %select_n3A_1721, %mul3A_1928 : vector<16xf32>
      %ge3A_1930 = arith.constant 1.000000e+00 : f32
      %ge3A_1931 = vector.broadcast %ge3A_1930 : f32 to vector<16xf32>
      %ge3A_1932 = arith.cmpf oge, %add3A_1929, %ge3A_1931 : vector<16xf32>
      %select_n3A_1933 = arith.select %ge3A_1932, %broadcast_in_dim3A_149, %add3A_1929 : vector<16xi1>, vector<16xf32>
      %select_n3A_1934 = arith.select %ge3A_1932, %select_n3A_176, %broadcast_in_dim3A_149 : vector<16xi1>, vector<16xf32>
      %add3A_1935 = arith.addf %add3A_1723, %select_n3A_1934 : vector<16xf32>
      %mul3A_1936 = arith.constant 747796405 : i32
      %mul3A_1937 = vector.broadcast %mul3A_1936 : i32 to vector<16xi32>
      %mul3A_1938 = arith.muli %add3A_1729, %mul3A_1937 : vector<16xi32>
      %add3A_1939 = arith.constant -1403630843 : i32
      %add3A_1940 = vector.broadcast %add3A_1939 : i32 to vector<16xi32>
      %add3A_1941 = arith.addi %mul3A_1938, %add3A_1940 : vector<16xi32>
      %shift_right_logical3A_1942 = arith.constant 16 : i32
      %shift_right_logical3A_1943 = vector.broadcast %shift_right_logical3A_1942 : i32 to vector<16xi32>
      %shift_right_logical3A_1944 = arith.shrui %add3A_1941, %shift_right_logical3A_1943 : vector<16xi32>
      %bitcast3A_1945 = vector.bitcast %shift_right_logical3A_1944 : vector<16xi32> to vector<16xi32>
      %and3A_1946 = arith.constant 65535 : i32
      %and3A_1947 = vector.broadcast %and3A_1946 : i32 to vector<16xi32>
      %and3A_1948 = arith.andi %add3A_1941, %and3A_1947 : vector<16xi32>
      %bitcast3A_1949 = vector.bitcast %and3A_1948 : vector<16xi32> to vector<16xi32>
      %lt3A_1950 = arith.cmpi slt, %bitcast3A_1945, %convert_element_type3A : vector<16xi32>
      %select_n3A_1951 = arith.select %lt3A_1950, %broadcast_in_dim3A_147, %broadcast_in_dim3A_149 : vector<16xi1>, vector<16xf32>
      %lt3A_1952 = arith.cmpi slt, %bitcast3A_1949, %convert_element_type3A_430 : vector<16xi32>
      %select_n3A_1953 = arith.select %lt3A_1952, %broadcast_in_dim3A_147, %broadcast_in_dim3A_149 : vector<16xi1>, vector<16xf32>
      %mul3A_1954 = arith.constant 747796405 : i32
      %mul3A_1955 = vector.broadcast %mul3A_1954 : i32 to vector<16xi32>
      %mul3A_1956 = arith.muli %add3A_1747, %mul3A_1955 : vector<16xi32>
      %add3A_1957 = arith.constant -1403630843 : i32
      %add3A_1958 = vector.broadcast %add3A_1957 : i32 to vector<16xi32>
      %add3A_1959 = arith.addi %mul3A_1956, %add3A_1958 : vector<16xi32>
      %shift_right_logical3A_1960 = arith.constant 16 : i32
      %shift_right_logical3A_1961 = vector.broadcast %shift_right_logical3A_1960 : i32 to vector<16xi32>
      %shift_right_logical3A_1962 = arith.shrui %add3A_1959, %shift_right_logical3A_1961 : vector<16xi32>
      %bitcast3A_1963 = vector.bitcast %shift_right_logical3A_1962 : vector<16xi32> to vector<16xi32>
      %and3A_1964 = arith.constant 65535 : i32
      %and3A_1965 = vector.broadcast %and3A_1964 : i32 to vector<16xi32>
      %and3A_1966 = arith.andi %add3A_1959, %and3A_1965 : vector<16xi32>
      %bitcast3A_1967 = vector.bitcast %and3A_1966 : vector<16xi32> to vector<16xi32>
      %lt3A_1968 = arith.cmpi slt, %bitcast3A_1963, %convert_element_type3A_406 : vector<16xi32>
      %select_n3A_1969 = arith.select %lt3A_1968, %broadcast_in_dim3A_147, %broadcast_in_dim3A_149 : vector<16xi1>, vector<16xf32>
      %lt3A_1970 = arith.cmpi slt, %bitcast3A_1967, %convert_element_type3A_438 : vector<16xi32>
      %select_n3A_1971 = arith.select %lt3A_1970, %broadcast_in_dim3A_147, %broadcast_in_dim3A_149 : vector<16xi1>, vector<16xf32>
      %mul3A_1972 = arith.constant 747796405 : i32
      %mul3A_1973 = vector.broadcast %mul3A_1972 : i32 to vector<16xi32>
      %mul3A_1974 = arith.muli %add3A_1765, %mul3A_1973 : vector<16xi32>
      %add3A_1975 = arith.constant -1403630843 : i32
      %add3A_1976 = vector.broadcast %add3A_1975 : i32 to vector<16xi32>
      %add3A_1977 = arith.addi %mul3A_1974, %add3A_1976 : vector<16xi32>
      %shift_right_logical3A_1978 = arith.constant 16 : i32
      %shift_right_logical3A_1979 = vector.broadcast %shift_right_logical3A_1978 : i32 to vector<16xi32>
      %shift_right_logical3A_1980 = arith.shrui %add3A_1977, %shift_right_logical3A_1979 : vector<16xi32>
      %bitcast3A_1981 = vector.bitcast %shift_right_logical3A_1980 : vector<16xi32> to vector<16xi32>
      %and3A_1982 = arith.constant 65535 : i32
      %and3A_1983 = vector.broadcast %and3A_1982 : i32 to vector<16xi32>
      %and3A_1984 = arith.andi %add3A_1977, %and3A_1983 : vector<16xi32>
      %bitcast3A_1985 = vector.bitcast %and3A_1984 : vector<16xi32> to vector<16xi32>
      %lt3A_1986 = arith.cmpi slt, %bitcast3A_1981, %convert_element_type3A_414 : vector<16xi32>
      %select_n3A_1987 = arith.select %lt3A_1986, %broadcast_in_dim3A_147, %broadcast_in_dim3A_149 : vector<16xi1>, vector<16xf32>
      %lt3A_1988 = arith.cmpi slt, %bitcast3A_1985, %convert_element_type3A_446 : vector<16xi32>
      %select_n3A_1989 = arith.select %lt3A_1988, %broadcast_in_dim3A_147, %broadcast_in_dim3A_149 : vector<16xi1>, vector<16xf32>
      %mul3A_1990 = arith.constant 747796405 : i32
      %mul3A_1991 = vector.broadcast %mul3A_1990 : i32 to vector<16xi32>
      %mul3A_1992 = arith.muli %add3A_1783, %mul3A_1991 : vector<16xi32>
      %add3A_1993 = arith.constant -1403630843 : i32
      %add3A_1994 = vector.broadcast %add3A_1993 : i32 to vector<16xi32>
      %add3A_1995 = arith.addi %mul3A_1992, %add3A_1994 : vector<16xi32>
      %shift_right_logical3A_1996 = arith.constant 16 : i32
      %shift_right_logical3A_1997 = vector.broadcast %shift_right_logical3A_1996 : i32 to vector<16xi32>
      %shift_right_logical3A_1998 = arith.shrui %add3A_1995, %shift_right_logical3A_1997 : vector<16xi32>
      %bitcast3A_1999 = vector.bitcast %shift_right_logical3A_1998 : vector<16xi32> to vector<16xi32>
      %and3A_2000 = arith.constant 65535 : i32
      %and3A_2001 = vector.broadcast %and3A_2000 : i32 to vector<16xi32>
      %and3A_2002 = arith.andi %add3A_1995, %and3A_2001 : vector<16xi32>
      %bitcast3A_2003 = vector.bitcast %and3A_2002 : vector<16xi32> to vector<16xi32>
      %lt3A_2004 = arith.cmpi slt, %bitcast3A_1999, %convert_element_type3A_422 : vector<16xi32>
      %select_n3A_2005 = arith.select %lt3A_2004, %broadcast_in_dim3A_147, %broadcast_in_dim3A_149 : vector<16xi1>, vector<16xf32>
      %lt3A_2006 = arith.cmpi slt, %bitcast3A_2003, %convert_element_type3A_454 : vector<16xi32>
      %select_n3A_2007 = arith.select %lt3A_2006, %broadcast_in_dim3A_147, %broadcast_in_dim3A_149 : vector<16xi1>, vector<16xf32>
      %sub3A_2008 = arith.subf %select_n3A_1951, %select_n3A_2005 : vector<16xf32>
      %sub3A_2009 = arith.subf %sub3A_2008, %select_n3A_1806 : vector<16xf32>
      %mul3A_2010 = arith.constant 1.000000e-01 : f32
      %mul3A_2011 = vector.broadcast %mul3A_2010 : f32 to vector<16xf32>
      %mul3A_2012 = arith.mulf %sub3A_2009, %mul3A_2011 : vector<16xf32>
      %add3A_2013 = arith.addf %select_n3A_1806, %mul3A_2012 : vector<16xf32>
      %ge3A_2014 = arith.constant 1.000000e+00 : f32
      %ge3A_2015 = vector.broadcast %ge3A_2014 : f32 to vector<16xf32>
      %ge3A_2016 = arith.cmpf oge, %add3A_2013, %ge3A_2015 : vector<16xf32>
      %select_n3A_2017 = arith.select %ge3A_2016, %broadcast_in_dim3A_147, %broadcast_in_dim3A_149 : vector<16xi1>, vector<16xf32>
      %select_n3A_2018 = arith.select %ge3A_2016, %broadcast_in_dim3A_149, %add3A_2013 : vector<16xi1>, vector<16xf32>
      %sub3A_2019 = arith.subf %select_n3A_1969, %select_n3A_1953 : vector<16xf32>
      %sub3A_2020 = arith.subf %sub3A_2019, %select_n3A_1817 : vector<16xf32>
      %mul3A_2021 = arith.constant 1.000000e-01 : f32
      %mul3A_2022 = vector.broadcast %mul3A_2021 : f32 to vector<16xf32>
      %mul3A_2023 = arith.mulf %sub3A_2020, %mul3A_2022 : vector<16xf32>
      %add3A_2024 = arith.addf %select_n3A_1817, %mul3A_2023 : vector<16xf32>
      %ge3A_2025 = arith.constant 1.000000e+00 : f32
      %ge3A_2026 = vector.broadcast %ge3A_2025 : f32 to vector<16xf32>
      %ge3A_2027 = arith.cmpf oge, %add3A_2024, %ge3A_2026 : vector<16xf32>
      %select_n3A_2028 = arith.select %ge3A_2027, %broadcast_in_dim3A_147, %broadcast_in_dim3A_149 : vector<16xi1>, vector<16xf32>
      %select_n3A_2029 = arith.select %ge3A_2027, %broadcast_in_dim3A_149, %add3A_2024 : vector<16xi1>, vector<16xf32>
      %sub3A_2030 = arith.subf %select_n3A_1987, %select_n3A_1971 : vector<16xf32>
      %sub3A_2031 = arith.subf %sub3A_2030, %select_n3A_1828 : vector<16xf32>
      %mul3A_2032 = arith.constant 1.000000e-01 : f32
      %mul3A_2033 = vector.broadcast %mul3A_2032 : f32 to vector<16xf32>
      %mul3A_2034 = arith.mulf %sub3A_2031, %mul3A_2033 : vector<16xf32>
      %add3A_2035 = arith.addf %select_n3A_1828, %mul3A_2034 : vector<16xf32>
      %ge3A_2036 = arith.constant 1.000000e+00 : f32
      %ge3A_2037 = vector.broadcast %ge3A_2036 : f32 to vector<16xf32>
      %ge3A_2038 = arith.cmpf oge, %add3A_2035, %ge3A_2037 : vector<16xf32>
      %select_n3A_2039 = arith.select %ge3A_2038, %broadcast_in_dim3A_147, %broadcast_in_dim3A_149 : vector<16xi1>, vector<16xf32>
      %select_n3A_2040 = arith.select %ge3A_2038, %broadcast_in_dim3A_149, %add3A_2035 : vector<16xi1>, vector<16xf32>
      %sub3A_2041 = arith.subf %select_n3A_2005, %select_n3A_1989 : vector<16xf32>
      %sub3A_2042 = arith.subf %sub3A_2041, %select_n3A_1839 : vector<16xf32>
      %mul3A_2043 = arith.constant 1.000000e-01 : f32
      %mul3A_2044 = vector.broadcast %mul3A_2043 : f32 to vector<16xf32>
      %mul3A_2045 = arith.mulf %sub3A_2042, %mul3A_2044 : vector<16xf32>
      %add3A_2046 = arith.addf %select_n3A_1839, %mul3A_2045 : vector<16xf32>
      %ge3A_2047 = arith.constant 1.000000e+00 : f32
      %ge3A_2048 = vector.broadcast %ge3A_2047 : f32 to vector<16xf32>
      %ge3A_2049 = arith.cmpf oge, %add3A_2046, %ge3A_2048 : vector<16xf32>
      %select_n3A_2050 = arith.select %ge3A_2049, %broadcast_in_dim3A_147, %broadcast_in_dim3A_149 : vector<16xi1>, vector<16xf32>
      %select_n3A_2051 = arith.select %ge3A_2049, %broadcast_in_dim3A_149, %add3A_2046 : vector<16xi1>, vector<16xf32>
      %sub3A_2052 = arith.subf %select_n3A_1953, %select_n3A_2007 : vector<16xf32>
      %sub3A_2053 = arith.subf %sub3A_2052, %select_n3A_1850 : vector<16xf32>
      %mul3A_2054 = arith.constant 1.000000e-01 : f32
      %mul3A_2055 = vector.broadcast %mul3A_2054 : f32 to vector<16xf32>
      %mul3A_2056 = arith.mulf %sub3A_2053, %mul3A_2055 : vector<16xf32>
      %add3A_2057 = arith.addf %select_n3A_1850, %mul3A_2056 : vector<16xf32>
      %ge3A_2058 = arith.constant 1.000000e+00 : f32
      %ge3A_2059 = vector.broadcast %ge3A_2058 : f32 to vector<16xf32>
      %ge3A_2060 = arith.cmpf oge, %add3A_2057, %ge3A_2059 : vector<16xf32>
      %select_n3A_2061 = arith.select %ge3A_2060, %broadcast_in_dim3A_147, %broadcast_in_dim3A_149 : vector<16xi1>, vector<16xf32>
      %select_n3A_2062 = arith.select %ge3A_2060, %broadcast_in_dim3A_149, %add3A_2057 : vector<16xi1>, vector<16xf32>
      %sub3A_2063 = arith.subf %select_n3A_1971, %select_n3A_1951 : vector<16xf32>
      %sub3A_2064 = arith.subf %sub3A_2063, %select_n3A_1861 : vector<16xf32>
      %mul3A_2065 = arith.constant 1.000000e-01 : f32
      %mul3A_2066 = vector.broadcast %mul3A_2065 : f32 to vector<16xf32>
      %mul3A_2067 = arith.mulf %sub3A_2064, %mul3A_2066 : vector<16xf32>
      %add3A_2068 = arith.addf %select_n3A_1861, %mul3A_2067 : vector<16xf32>
      %ge3A_2069 = arith.constant 1.000000e+00 : f32
      %ge3A_2070 = vector.broadcast %ge3A_2069 : f32 to vector<16xf32>
      %ge3A_2071 = arith.cmpf oge, %add3A_2068, %ge3A_2070 : vector<16xf32>
      %select_n3A_2072 = arith.select %ge3A_2071, %broadcast_in_dim3A_147, %broadcast_in_dim3A_149 : vector<16xi1>, vector<16xf32>
      %select_n3A_2073 = arith.select %ge3A_2071, %broadcast_in_dim3A_149, %add3A_2068 : vector<16xi1>, vector<16xf32>
      %sub3A_2074 = arith.subf %select_n3A_1989, %select_n3A_1969 : vector<16xf32>
      %sub3A_2075 = arith.subf %sub3A_2074, %select_n3A_1872 : vector<16xf32>
      %mul3A_2076 = arith.constant 1.000000e-01 : f32
      %mul3A_2077 = vector.broadcast %mul3A_2076 : f32 to vector<16xf32>
      %mul3A_2078 = arith.mulf %sub3A_2075, %mul3A_2077 : vector<16xf32>
      %add3A_2079 = arith.addf %select_n3A_1872, %mul3A_2078 : vector<16xf32>
      %ge3A_2080 = arith.constant 1.000000e+00 : f32
      %ge3A_2081 = vector.broadcast %ge3A_2080 : f32 to vector<16xf32>
      %ge3A_2082 = arith.cmpf oge, %add3A_2079, %ge3A_2081 : vector<16xf32>
      %select_n3A_2083 = arith.select %ge3A_2082, %broadcast_in_dim3A_147, %broadcast_in_dim3A_149 : vector<16xi1>, vector<16xf32>
      %select_n3A_2084 = arith.select %ge3A_2082, %broadcast_in_dim3A_149, %add3A_2079 : vector<16xi1>, vector<16xf32>
      %sub3A_2085 = arith.subf %select_n3A_2007, %select_n3A_1987 : vector<16xf32>
      %sub3A_2086 = arith.subf %sub3A_2085, %select_n3A_1883 : vector<16xf32>
      %mul3A_2087 = arith.constant 1.000000e-01 : f32
      %mul3A_2088 = vector.broadcast %mul3A_2087 : f32 to vector<16xf32>
      %mul3A_2089 = arith.mulf %sub3A_2086, %mul3A_2088 : vector<16xf32>
      %add3A_2090 = arith.addf %select_n3A_1883, %mul3A_2089 : vector<16xf32>
      %ge3A_2091 = arith.constant 1.000000e+00 : f32
      %ge3A_2092 = vector.broadcast %ge3A_2091 : f32 to vector<16xf32>
      %ge3A_2093 = arith.cmpf oge, %add3A_2090, %ge3A_2092 : vector<16xf32>
      %select_n3A_2094 = arith.select %ge3A_2093, %broadcast_in_dim3A_147, %broadcast_in_dim3A_149 : vector<16xi1>, vector<16xf32>
      %select_n3A_2095 = arith.select %ge3A_2093, %broadcast_in_dim3A_149, %add3A_2090 : vector<16xi1>, vector<16xf32>
      %add3A_2096 = arith.addf %select_n3A_2017, %select_n3A_2028 : vector<16xf32>
      %add3A_2097 = arith.addf %select_n3A_2039, %select_n3A_2050 : vector<16xf32>
      %add3A_2098 = arith.addf %select_n3A_2061, %select_n3A_2072 : vector<16xf32>
      %add3A_2099 = arith.addf %select_n3A_2083, %select_n3A_2094 : vector<16xf32>
      %sub3A_2100 = arith.subf %add3A_2096, %add3A_2098 : vector<16xf32>
      %sub3A_2101 = arith.subf %sub3A_2100, %select_n3A_1897 : vector<16xf32>
      %mul3A_2102 = arith.constant 1.000000e-01 : f32
      %mul3A_2103 = vector.broadcast %mul3A_2102 : f32 to vector<16xf32>
      %mul3A_2104 = arith.mulf %sub3A_2101, %mul3A_2103 : vector<16xf32>
      %add3A_2105 = arith.addf %select_n3A_1897, %mul3A_2104 : vector<16xf32>
      %ge3A_2106 = arith.constant 1.000000e+00 : f32
      %ge3A_2107 = vector.broadcast %ge3A_2106 : f32 to vector<16xf32>
      %ge3A_2108 = arith.cmpf oge, %add3A_2105, %ge3A_2107 : vector<16xf32>
      %select_n3A_2109 = arith.select %ge3A_2108, %broadcast_in_dim3A_149, %add3A_2105 : vector<16xi1>, vector<16xf32>
      %select_n3A_2110 = arith.select %ge3A_2108, %select_n3A_180, %broadcast_in_dim3A_149 : vector<16xi1>, vector<16xf32>
      %add3A_2111 = arith.addf %add3A_1899, %select_n3A_2110 : vector<16xf32>
      %sub3A_2112 = arith.subf %add3A_2097, %add3A_2099 : vector<16xf32>
      %sub3A_2113 = arith.subf %sub3A_2112, %select_n3A_1909 : vector<16xf32>
      %mul3A_2114 = arith.constant 1.000000e-01 : f32
      %mul3A_2115 = vector.broadcast %mul3A_2114 : f32 to vector<16xf32>
      %mul3A_2116 = arith.mulf %sub3A_2113, %mul3A_2115 : vector<16xf32>
      %add3A_2117 = arith.addf %select_n3A_1909, %mul3A_2116 : vector<16xf32>
      %ge3A_2118 = arith.constant 1.000000e+00 : f32
      %ge3A_2119 = vector.broadcast %ge3A_2118 : f32 to vector<16xf32>
      %ge3A_2120 = arith.cmpf oge, %add3A_2117, %ge3A_2119 : vector<16xf32>
      %select_n3A_2121 = arith.select %ge3A_2120, %broadcast_in_dim3A_149, %add3A_2117 : vector<16xi1>, vector<16xf32>
      %select_n3A_2122 = arith.select %ge3A_2120, %select_n3A_180, %broadcast_in_dim3A_149 : vector<16xi1>, vector<16xf32>
      %add3A_2123 = arith.addf %add3A_1911, %select_n3A_2122 : vector<16xf32>
      %sub3A_2124 = arith.subf %add3A_2098, %add3A_2096 : vector<16xf32>
      %sub3A_2125 = arith.subf %sub3A_2124, %select_n3A_1921 : vector<16xf32>
      %mul3A_2126 = arith.constant 1.000000e-01 : f32
      %mul3A_2127 = vector.broadcast %mul3A_2126 : f32 to vector<16xf32>
      %mul3A_2128 = arith.mulf %sub3A_2125, %mul3A_2127 : vector<16xf32>
      %add3A_2129 = arith.addf %select_n3A_1921, %mul3A_2128 : vector<16xf32>
      %ge3A_2130 = arith.constant 1.000000e+00 : f32
      %ge3A_2131 = vector.broadcast %ge3A_2130 : f32 to vector<16xf32>
      %ge3A_2132 = arith.cmpf oge, %add3A_2129, %ge3A_2131 : vector<16xf32>
      %select_n3A_2133 = arith.select %ge3A_2132, %broadcast_in_dim3A_149, %add3A_2129 : vector<16xi1>, vector<16xf32>
      %select_n3A_2134 = arith.select %ge3A_2132, %select_n3A_180, %broadcast_in_dim3A_149 : vector<16xi1>, vector<16xf32>
      %add3A_2135 = arith.addf %add3A_1923, %select_n3A_2134 : vector<16xf32>
      %sub3A_2136 = arith.subf %add3A_2099, %add3A_2097 : vector<16xf32>
      %sub3A_2137 = arith.subf %sub3A_2136, %select_n3A_1933 : vector<16xf32>
      %mul3A_2138 = arith.constant 1.000000e-01 : f32
      %mul3A_2139 = vector.broadcast %mul3A_2138 : f32 to vector<16xf32>
      %mul3A_2140 = arith.mulf %sub3A_2137, %mul3A_2139 : vector<16xf32>
      %add3A_2141 = arith.addf %select_n3A_1933, %mul3A_2140 : vector<16xf32>
      %ge3A_2142 = arith.constant 1.000000e+00 : f32
      %ge3A_2143 = vector.broadcast %ge3A_2142 : f32 to vector<16xf32>
      %ge3A_2144 = arith.cmpf oge, %add3A_2141, %ge3A_2143 : vector<16xf32>
      %select_n3A_2145 = arith.select %ge3A_2144, %broadcast_in_dim3A_149, %add3A_2141 : vector<16xi1>, vector<16xf32>
      %select_n3A_2146 = arith.select %ge3A_2144, %select_n3A_180, %broadcast_in_dim3A_149 : vector<16xi1>, vector<16xf32>
      %add3A_2147 = arith.addf %add3A_1935, %select_n3A_2146 : vector<16xf32>
      %mul3A_2148 = arith.constant 747796405 : i32
      %mul3A_2149 = vector.broadcast %mul3A_2148 : i32 to vector<16xi32>
      %mul3A_2150 = arith.muli %add3A_1941, %mul3A_2149 : vector<16xi32>
      %add3A_2151 = arith.constant -1403630843 : i32
      %add3A_2152 = vector.broadcast %add3A_2151 : i32 to vector<16xi32>
      %add3A_2153 = arith.addi %mul3A_2150, %add3A_2152 : vector<16xi32>
      %shift_right_logical3A_2154 = arith.constant 16 : i32
      %shift_right_logical3A_2155 = vector.broadcast %shift_right_logical3A_2154 : i32 to vector<16xi32>
      %shift_right_logical3A_2156 = arith.shrui %add3A_2153, %shift_right_logical3A_2155 : vector<16xi32>
      %bitcast3A_2157 = vector.bitcast %shift_right_logical3A_2156 : vector<16xi32> to vector<16xi32>
      %and3A_2158 = arith.constant 65535 : i32
      %and3A_2159 = vector.broadcast %and3A_2158 : i32 to vector<16xi32>
      %and3A_2160 = arith.andi %add3A_2153, %and3A_2159 : vector<16xi32>
      %bitcast3A_2161 = vector.bitcast %and3A_2160 : vector<16xi32> to vector<16xi32>
      %lt3A_2162 = arith.cmpi slt, %bitcast3A_2157, %convert_element_type3A : vector<16xi32>
      %select_n3A_2163 = arith.select %lt3A_2162, %broadcast_in_dim3A_147, %broadcast_in_dim3A_149 : vector<16xi1>, vector<16xf32>
      %lt3A_2164 = arith.cmpi slt, %bitcast3A_2161, %convert_element_type3A_430 : vector<16xi32>
      %select_n3A_2165 = arith.select %lt3A_2164, %broadcast_in_dim3A_147, %broadcast_in_dim3A_149 : vector<16xi1>, vector<16xf32>
      %mul3A_2166 = arith.constant 747796405 : i32
      %mul3A_2167 = vector.broadcast %mul3A_2166 : i32 to vector<16xi32>
      %mul3A_2168 = arith.muli %add3A_1959, %mul3A_2167 : vector<16xi32>
      %add3A_2169 = arith.constant -1403630843 : i32
      %add3A_2170 = vector.broadcast %add3A_2169 : i32 to vector<16xi32>
      %add3A_2171 = arith.addi %mul3A_2168, %add3A_2170 : vector<16xi32>
      %shift_right_logical3A_2172 = arith.constant 16 : i32
      %shift_right_logical3A_2173 = vector.broadcast %shift_right_logical3A_2172 : i32 to vector<16xi32>
      %shift_right_logical3A_2174 = arith.shrui %add3A_2171, %shift_right_logical3A_2173 : vector<16xi32>
      %bitcast3A_2175 = vector.bitcast %shift_right_logical3A_2174 : vector<16xi32> to vector<16xi32>
      %and3A_2176 = arith.constant 65535 : i32
      %and3A_2177 = vector.broadcast %and3A_2176 : i32 to vector<16xi32>
      %and3A_2178 = arith.andi %add3A_2171, %and3A_2177 : vector<16xi32>
      %bitcast3A_2179 = vector.bitcast %and3A_2178 : vector<16xi32> to vector<16xi32>
      %lt3A_2180 = arith.cmpi slt, %bitcast3A_2175, %convert_element_type3A_406 : vector<16xi32>
      %select_n3A_2181 = arith.select %lt3A_2180, %broadcast_in_dim3A_147, %broadcast_in_dim3A_149 : vector<16xi1>, vector<16xf32>
      %lt3A_2182 = arith.cmpi slt, %bitcast3A_2179, %convert_element_type3A_438 : vector<16xi32>
      %select_n3A_2183 = arith.select %lt3A_2182, %broadcast_in_dim3A_147, %broadcast_in_dim3A_149 : vector<16xi1>, vector<16xf32>
      %mul3A_2184 = arith.constant 747796405 : i32
      %mul3A_2185 = vector.broadcast %mul3A_2184 : i32 to vector<16xi32>
      %mul3A_2186 = arith.muli %add3A_1977, %mul3A_2185 : vector<16xi32>
      %add3A_2187 = arith.constant -1403630843 : i32
      %add3A_2188 = vector.broadcast %add3A_2187 : i32 to vector<16xi32>
      %add3A_2189 = arith.addi %mul3A_2186, %add3A_2188 : vector<16xi32>
      %shift_right_logical3A_2190 = arith.constant 16 : i32
      %shift_right_logical3A_2191 = vector.broadcast %shift_right_logical3A_2190 : i32 to vector<16xi32>
      %shift_right_logical3A_2192 = arith.shrui %add3A_2189, %shift_right_logical3A_2191 : vector<16xi32>
      %bitcast3A_2193 = vector.bitcast %shift_right_logical3A_2192 : vector<16xi32> to vector<16xi32>
      %and3A_2194 = arith.constant 65535 : i32
      %and3A_2195 = vector.broadcast %and3A_2194 : i32 to vector<16xi32>
      %and3A_2196 = arith.andi %add3A_2189, %and3A_2195 : vector<16xi32>
      %bitcast3A_2197 = vector.bitcast %and3A_2196 : vector<16xi32> to vector<16xi32>
      %lt3A_2198 = arith.cmpi slt, %bitcast3A_2193, %convert_element_type3A_414 : vector<16xi32>
      %select_n3A_2199 = arith.select %lt3A_2198, %broadcast_in_dim3A_147, %broadcast_in_dim3A_149 : vector<16xi1>, vector<16xf32>
      %lt3A_2200 = arith.cmpi slt, %bitcast3A_2197, %convert_element_type3A_446 : vector<16xi32>
      %select_n3A_2201 = arith.select %lt3A_2200, %broadcast_in_dim3A_147, %broadcast_in_dim3A_149 : vector<16xi1>, vector<16xf32>
      %mul3A_2202 = arith.constant 747796405 : i32
      %mul3A_2203 = vector.broadcast %mul3A_2202 : i32 to vector<16xi32>
      %mul3A_2204 = arith.muli %add3A_1995, %mul3A_2203 : vector<16xi32>
      %add3A_2205 = arith.constant -1403630843 : i32
      %add3A_2206 = vector.broadcast %add3A_2205 : i32 to vector<16xi32>
      %add3A_2207 = arith.addi %mul3A_2204, %add3A_2206 : vector<16xi32>
      %shift_right_logical3A_2208 = arith.constant 16 : i32
      %shift_right_logical3A_2209 = vector.broadcast %shift_right_logical3A_2208 : i32 to vector<16xi32>
      %shift_right_logical3A_2210 = arith.shrui %add3A_2207, %shift_right_logical3A_2209 : vector<16xi32>
      %bitcast3A_2211 = vector.bitcast %shift_right_logical3A_2210 : vector<16xi32> to vector<16xi32>
      %and3A_2212 = arith.constant 65535 : i32
      %and3A_2213 = vector.broadcast %and3A_2212 : i32 to vector<16xi32>
      %and3A_2214 = arith.andi %add3A_2207, %and3A_2213 : vector<16xi32>
      %bitcast3A_2215 = vector.bitcast %and3A_2214 : vector<16xi32> to vector<16xi32>
      %lt3A_2216 = arith.cmpi slt, %bitcast3A_2211, %convert_element_type3A_422 : vector<16xi32>
      %select_n3A_2217 = arith.select %lt3A_2216, %broadcast_in_dim3A_147, %broadcast_in_dim3A_149 : vector<16xi1>, vector<16xf32>
      %lt3A_2218 = arith.cmpi slt, %bitcast3A_2215, %convert_element_type3A_454 : vector<16xi32>
      %select_n3A_2219 = arith.select %lt3A_2218, %broadcast_in_dim3A_147, %broadcast_in_dim3A_149 : vector<16xi1>, vector<16xf32>
      %sub3A_2220 = arith.subf %select_n3A_2163, %select_n3A_2217 : vector<16xf32>
      %sub3A_2221 = arith.subf %sub3A_2220, %select_n3A_2018 : vector<16xf32>
      %mul3A_2222 = arith.constant 1.000000e-01 : f32
      %mul3A_2223 = vector.broadcast %mul3A_2222 : f32 to vector<16xf32>
      %mul3A_2224 = arith.mulf %sub3A_2221, %mul3A_2223 : vector<16xf32>
      %add3A_2225 = arith.addf %select_n3A_2018, %mul3A_2224 : vector<16xf32>
      %ge3A_2226 = arith.constant 1.000000e+00 : f32
      %ge3A_2227 = vector.broadcast %ge3A_2226 : f32 to vector<16xf32>
      %ge3A_2228 = arith.cmpf oge, %add3A_2225, %ge3A_2227 : vector<16xf32>
      %select_n3A_2229 = arith.select %ge3A_2228, %broadcast_in_dim3A_147, %broadcast_in_dim3A_149 : vector<16xi1>, vector<16xf32>
      %select_n3A_2230 = arith.select %ge3A_2228, %broadcast_in_dim3A_149, %add3A_2225 : vector<16xi1>, vector<16xf32>
      %sub3A_2231 = arith.subf %select_n3A_2181, %select_n3A_2165 : vector<16xf32>
      %sub3A_2232 = arith.subf %sub3A_2231, %select_n3A_2029 : vector<16xf32>
      %mul3A_2233 = arith.constant 1.000000e-01 : f32
      %mul3A_2234 = vector.broadcast %mul3A_2233 : f32 to vector<16xf32>
      %mul3A_2235 = arith.mulf %sub3A_2232, %mul3A_2234 : vector<16xf32>
      %add3A_2236 = arith.addf %select_n3A_2029, %mul3A_2235 : vector<16xf32>
      %ge3A_2237 = arith.constant 1.000000e+00 : f32
      %ge3A_2238 = vector.broadcast %ge3A_2237 : f32 to vector<16xf32>
      %ge3A_2239 = arith.cmpf oge, %add3A_2236, %ge3A_2238 : vector<16xf32>
      %select_n3A_2240 = arith.select %ge3A_2239, %broadcast_in_dim3A_147, %broadcast_in_dim3A_149 : vector<16xi1>, vector<16xf32>
      %select_n3A_2241 = arith.select %ge3A_2239, %broadcast_in_dim3A_149, %add3A_2236 : vector<16xi1>, vector<16xf32>
      %sub3A_2242 = arith.subf %select_n3A_2199, %select_n3A_2183 : vector<16xf32>
      %sub3A_2243 = arith.subf %sub3A_2242, %select_n3A_2040 : vector<16xf32>
      %mul3A_2244 = arith.constant 1.000000e-01 : f32
      %mul3A_2245 = vector.broadcast %mul3A_2244 : f32 to vector<16xf32>
      %mul3A_2246 = arith.mulf %sub3A_2243, %mul3A_2245 : vector<16xf32>
      %add3A_2247 = arith.addf %select_n3A_2040, %mul3A_2246 : vector<16xf32>
      %ge3A_2248 = arith.constant 1.000000e+00 : f32
      %ge3A_2249 = vector.broadcast %ge3A_2248 : f32 to vector<16xf32>
      %ge3A_2250 = arith.cmpf oge, %add3A_2247, %ge3A_2249 : vector<16xf32>
      %select_n3A_2251 = arith.select %ge3A_2250, %broadcast_in_dim3A_147, %broadcast_in_dim3A_149 : vector<16xi1>, vector<16xf32>
      %select_n3A_2252 = arith.select %ge3A_2250, %broadcast_in_dim3A_149, %add3A_2247 : vector<16xi1>, vector<16xf32>
      %sub3A_2253 = arith.subf %select_n3A_2217, %select_n3A_2201 : vector<16xf32>
      %sub3A_2254 = arith.subf %sub3A_2253, %select_n3A_2051 : vector<16xf32>
      %mul3A_2255 = arith.constant 1.000000e-01 : f32
      %mul3A_2256 = vector.broadcast %mul3A_2255 : f32 to vector<16xf32>
      %mul3A_2257 = arith.mulf %sub3A_2254, %mul3A_2256 : vector<16xf32>
      %add3A_2258 = arith.addf %select_n3A_2051, %mul3A_2257 : vector<16xf32>
      %ge3A_2259 = arith.constant 1.000000e+00 : f32
      %ge3A_2260 = vector.broadcast %ge3A_2259 : f32 to vector<16xf32>
      %ge3A_2261 = arith.cmpf oge, %add3A_2258, %ge3A_2260 : vector<16xf32>
      %select_n3A_2262 = arith.select %ge3A_2261, %broadcast_in_dim3A_147, %broadcast_in_dim3A_149 : vector<16xi1>, vector<16xf32>
      %select_n3A_2263 = arith.select %ge3A_2261, %broadcast_in_dim3A_149, %add3A_2258 : vector<16xi1>, vector<16xf32>
      %sub3A_2264 = arith.subf %select_n3A_2165, %select_n3A_2219 : vector<16xf32>
      %sub3A_2265 = arith.subf %sub3A_2264, %select_n3A_2062 : vector<16xf32>
      %mul3A_2266 = arith.constant 1.000000e-01 : f32
      %mul3A_2267 = vector.broadcast %mul3A_2266 : f32 to vector<16xf32>
      %mul3A_2268 = arith.mulf %sub3A_2265, %mul3A_2267 : vector<16xf32>
      %add3A_2269 = arith.addf %select_n3A_2062, %mul3A_2268 : vector<16xf32>
      %ge3A_2270 = arith.constant 1.000000e+00 : f32
      %ge3A_2271 = vector.broadcast %ge3A_2270 : f32 to vector<16xf32>
      %ge3A_2272 = arith.cmpf oge, %add3A_2269, %ge3A_2271 : vector<16xf32>
      %select_n3A_2273 = arith.select %ge3A_2272, %broadcast_in_dim3A_147, %broadcast_in_dim3A_149 : vector<16xi1>, vector<16xf32>
      %select_n3A_2274 = arith.select %ge3A_2272, %broadcast_in_dim3A_149, %add3A_2269 : vector<16xi1>, vector<16xf32>
      %sub3A_2275 = arith.subf %select_n3A_2183, %select_n3A_2163 : vector<16xf32>
      %sub3A_2276 = arith.subf %sub3A_2275, %select_n3A_2073 : vector<16xf32>
      %mul3A_2277 = arith.constant 1.000000e-01 : f32
      %mul3A_2278 = vector.broadcast %mul3A_2277 : f32 to vector<16xf32>
      %mul3A_2279 = arith.mulf %sub3A_2276, %mul3A_2278 : vector<16xf32>
      %add3A_2280 = arith.addf %select_n3A_2073, %mul3A_2279 : vector<16xf32>
      %ge3A_2281 = arith.constant 1.000000e+00 : f32
      %ge3A_2282 = vector.broadcast %ge3A_2281 : f32 to vector<16xf32>
      %ge3A_2283 = arith.cmpf oge, %add3A_2280, %ge3A_2282 : vector<16xf32>
      %select_n3A_2284 = arith.select %ge3A_2283, %broadcast_in_dim3A_147, %broadcast_in_dim3A_149 : vector<16xi1>, vector<16xf32>
      %select_n3A_2285 = arith.select %ge3A_2283, %broadcast_in_dim3A_149, %add3A_2280 : vector<16xi1>, vector<16xf32>
      %sub3A_2286 = arith.subf %select_n3A_2201, %select_n3A_2181 : vector<16xf32>
      %sub3A_2287 = arith.subf %sub3A_2286, %select_n3A_2084 : vector<16xf32>
      %mul3A_2288 = arith.constant 1.000000e-01 : f32
      %mul3A_2289 = vector.broadcast %mul3A_2288 : f32 to vector<16xf32>
      %mul3A_2290 = arith.mulf %sub3A_2287, %mul3A_2289 : vector<16xf32>
      %add3A_2291 = arith.addf %select_n3A_2084, %mul3A_2290 : vector<16xf32>
      %ge3A_2292 = arith.constant 1.000000e+00 : f32
      %ge3A_2293 = vector.broadcast %ge3A_2292 : f32 to vector<16xf32>
      %ge3A_2294 = arith.cmpf oge, %add3A_2291, %ge3A_2293 : vector<16xf32>
      %select_n3A_2295 = arith.select %ge3A_2294, %broadcast_in_dim3A_147, %broadcast_in_dim3A_149 : vector<16xi1>, vector<16xf32>
      %select_n3A_2296 = arith.select %ge3A_2294, %broadcast_in_dim3A_149, %add3A_2291 : vector<16xi1>, vector<16xf32>
      %sub3A_2297 = arith.subf %select_n3A_2219, %select_n3A_2199 : vector<16xf32>
      %sub3A_2298 = arith.subf %sub3A_2297, %select_n3A_2095 : vector<16xf32>
      %mul3A_2299 = arith.constant 1.000000e-01 : f32
      %mul3A_2300 = vector.broadcast %mul3A_2299 : f32 to vector<16xf32>
      %mul3A_2301 = arith.mulf %sub3A_2298, %mul3A_2300 : vector<16xf32>
      %add3A_2302 = arith.addf %select_n3A_2095, %mul3A_2301 : vector<16xf32>
      %ge3A_2303 = arith.constant 1.000000e+00 : f32
      %ge3A_2304 = vector.broadcast %ge3A_2303 : f32 to vector<16xf32>
      %ge3A_2305 = arith.cmpf oge, %add3A_2302, %ge3A_2304 : vector<16xf32>
      %select_n3A_2306 = arith.select %ge3A_2305, %broadcast_in_dim3A_147, %broadcast_in_dim3A_149 : vector<16xi1>, vector<16xf32>
      %select_n3A_2307 = arith.select %ge3A_2305, %broadcast_in_dim3A_149, %add3A_2302 : vector<16xi1>, vector<16xf32>
      %add3A_2308 = arith.addf %select_n3A_2229, %select_n3A_2240 : vector<16xf32>
      %add3A_2309 = arith.addf %select_n3A_2251, %select_n3A_2262 : vector<16xf32>
      %add3A_2310 = arith.addf %select_n3A_2273, %select_n3A_2284 : vector<16xf32>
      %add3A_2311 = arith.addf %select_n3A_2295, %select_n3A_2306 : vector<16xf32>
      %sub3A_2312 = arith.subf %add3A_2308, %add3A_2310 : vector<16xf32>
      %sub3A_2313 = arith.subf %sub3A_2312, %select_n3A_2109 : vector<16xf32>
      %mul3A_2314 = arith.constant 1.000000e-01 : f32
      %mul3A_2315 = vector.broadcast %mul3A_2314 : f32 to vector<16xf32>
      %mul3A_2316 = arith.mulf %sub3A_2313, %mul3A_2315 : vector<16xf32>
      %add3A_2317 = arith.addf %select_n3A_2109, %mul3A_2316 : vector<16xf32>
      %ge3A_2318 = arith.constant 1.000000e+00 : f32
      %ge3A_2319 = vector.broadcast %ge3A_2318 : f32 to vector<16xf32>
      %ge3A_2320 = arith.cmpf oge, %add3A_2317, %ge3A_2319 : vector<16xf32>
      %select_n3A_2321 = arith.select %ge3A_2320, %broadcast_in_dim3A_149, %add3A_2317 : vector<16xi1>, vector<16xf32>
      %select_n3A_2322 = arith.select %ge3A_2320, %select_n3A_184, %broadcast_in_dim3A_149 : vector<16xi1>, vector<16xf32>
      %add3A_2323 = arith.addf %add3A_2111, %select_n3A_2322 : vector<16xf32>
      %sub3A_2324 = arith.subf %add3A_2309, %add3A_2311 : vector<16xf32>
      %sub3A_2325 = arith.subf %sub3A_2324, %select_n3A_2121 : vector<16xf32>
      %mul3A_2326 = arith.constant 1.000000e-01 : f32
      %mul3A_2327 = vector.broadcast %mul3A_2326 : f32 to vector<16xf32>
      %mul3A_2328 = arith.mulf %sub3A_2325, %mul3A_2327 : vector<16xf32>
      %add3A_2329 = arith.addf %select_n3A_2121, %mul3A_2328 : vector<16xf32>
      %ge3A_2330 = arith.constant 1.000000e+00 : f32
      %ge3A_2331 = vector.broadcast %ge3A_2330 : f32 to vector<16xf32>
      %ge3A_2332 = arith.cmpf oge, %add3A_2329, %ge3A_2331 : vector<16xf32>
      %select_n3A_2333 = arith.select %ge3A_2332, %broadcast_in_dim3A_149, %add3A_2329 : vector<16xi1>, vector<16xf32>
      %select_n3A_2334 = arith.select %ge3A_2332, %select_n3A_184, %broadcast_in_dim3A_149 : vector<16xi1>, vector<16xf32>
      %add3A_2335 = arith.addf %add3A_2123, %select_n3A_2334 : vector<16xf32>
      %sub3A_2336 = arith.subf %add3A_2310, %add3A_2308 : vector<16xf32>
      %sub3A_2337 = arith.subf %sub3A_2336, %select_n3A_2133 : vector<16xf32>
      %mul3A_2338 = arith.constant 1.000000e-01 : f32
      %mul3A_2339 = vector.broadcast %mul3A_2338 : f32 to vector<16xf32>
      %mul3A_2340 = arith.mulf %sub3A_2337, %mul3A_2339 : vector<16xf32>
      %add3A_2341 = arith.addf %select_n3A_2133, %mul3A_2340 : vector<16xf32>
      %ge3A_2342 = arith.constant 1.000000e+00 : f32
      %ge3A_2343 = vector.broadcast %ge3A_2342 : f32 to vector<16xf32>
      %ge3A_2344 = arith.cmpf oge, %add3A_2341, %ge3A_2343 : vector<16xf32>
      %select_n3A_2345 = arith.select %ge3A_2344, %broadcast_in_dim3A_149, %add3A_2341 : vector<16xi1>, vector<16xf32>
      %select_n3A_2346 = arith.select %ge3A_2344, %select_n3A_184, %broadcast_in_dim3A_149 : vector<16xi1>, vector<16xf32>
      %add3A_2347 = arith.addf %add3A_2135, %select_n3A_2346 : vector<16xf32>
      %sub3A_2348 = arith.subf %add3A_2311, %add3A_2309 : vector<16xf32>
      %sub3A_2349 = arith.subf %sub3A_2348, %select_n3A_2145 : vector<16xf32>
      %mul3A_2350 = arith.constant 1.000000e-01 : f32
      %mul3A_2351 = vector.broadcast %mul3A_2350 : f32 to vector<16xf32>
      %mul3A_2352 = arith.mulf %sub3A_2349, %mul3A_2351 : vector<16xf32>
      %add3A_2353 = arith.addf %select_n3A_2145, %mul3A_2352 : vector<16xf32>
      %ge3A_2354 = arith.constant 1.000000e+00 : f32
      %ge3A_2355 = vector.broadcast %ge3A_2354 : f32 to vector<16xf32>
      %ge3A_2356 = arith.cmpf oge, %add3A_2353, %ge3A_2355 : vector<16xf32>
      %select_n3A_2357 = arith.select %ge3A_2356, %broadcast_in_dim3A_149, %add3A_2353 : vector<16xi1>, vector<16xf32>
      %select_n3A_2358 = arith.select %ge3A_2356, %select_n3A_184, %broadcast_in_dim3A_149 : vector<16xi1>, vector<16xf32>
      %add3A_2359 = arith.addf %add3A_2147, %select_n3A_2358 : vector<16xf32>
      %mul3A_2360 = arith.constant 747796405 : i32
      %mul3A_2361 = vector.broadcast %mul3A_2360 : i32 to vector<16xi32>
      %mul3A_2362 = arith.muli %add3A_2153, %mul3A_2361 : vector<16xi32>
      %add3A_2363 = arith.constant -1403630843 : i32
      %add3A_2364 = vector.broadcast %add3A_2363 : i32 to vector<16xi32>
      %add3A_2365 = arith.addi %mul3A_2362, %add3A_2364 : vector<16xi32>
      %shift_right_logical3A_2366 = arith.constant 16 : i32
      %shift_right_logical3A_2367 = vector.broadcast %shift_right_logical3A_2366 : i32 to vector<16xi32>
      %shift_right_logical3A_2368 = arith.shrui %add3A_2365, %shift_right_logical3A_2367 : vector<16xi32>
      %bitcast3A_2369 = vector.bitcast %shift_right_logical3A_2368 : vector<16xi32> to vector<16xi32>
      %and3A_2370 = arith.constant 65535 : i32
      %and3A_2371 = vector.broadcast %and3A_2370 : i32 to vector<16xi32>
      %and3A_2372 = arith.andi %add3A_2365, %and3A_2371 : vector<16xi32>
      %bitcast3A_2373 = vector.bitcast %and3A_2372 : vector<16xi32> to vector<16xi32>
      %lt3A_2374 = arith.cmpi slt, %bitcast3A_2369, %convert_element_type3A : vector<16xi32>
      %select_n3A_2375 = arith.select %lt3A_2374, %broadcast_in_dim3A_147, %broadcast_in_dim3A_149 : vector<16xi1>, vector<16xf32>
      %lt3A_2376 = arith.cmpi slt, %bitcast3A_2373, %convert_element_type3A_430 : vector<16xi32>
      %select_n3A_2377 = arith.select %lt3A_2376, %broadcast_in_dim3A_147, %broadcast_in_dim3A_149 : vector<16xi1>, vector<16xf32>
      %mul3A_2378 = arith.constant 747796405 : i32
      %mul3A_2379 = vector.broadcast %mul3A_2378 : i32 to vector<16xi32>
      %mul3A_2380 = arith.muli %add3A_2171, %mul3A_2379 : vector<16xi32>
      %add3A_2381 = arith.constant -1403630843 : i32
      %add3A_2382 = vector.broadcast %add3A_2381 : i32 to vector<16xi32>
      %add3A_2383 = arith.addi %mul3A_2380, %add3A_2382 : vector<16xi32>
      %shift_right_logical3A_2384 = arith.constant 16 : i32
      %shift_right_logical3A_2385 = vector.broadcast %shift_right_logical3A_2384 : i32 to vector<16xi32>
      %shift_right_logical3A_2386 = arith.shrui %add3A_2383, %shift_right_logical3A_2385 : vector<16xi32>
      %bitcast3A_2387 = vector.bitcast %shift_right_logical3A_2386 : vector<16xi32> to vector<16xi32>
      %and3A_2388 = arith.constant 65535 : i32
      %and3A_2389 = vector.broadcast %and3A_2388 : i32 to vector<16xi32>
      %and3A_2390 = arith.andi %add3A_2383, %and3A_2389 : vector<16xi32>
      %bitcast3A_2391 = vector.bitcast %and3A_2390 : vector<16xi32> to vector<16xi32>
      %lt3A_2392 = arith.cmpi slt, %bitcast3A_2387, %convert_element_type3A_406 : vector<16xi32>
      %select_n3A_2393 = arith.select %lt3A_2392, %broadcast_in_dim3A_147, %broadcast_in_dim3A_149 : vector<16xi1>, vector<16xf32>
      %lt3A_2394 = arith.cmpi slt, %bitcast3A_2391, %convert_element_type3A_438 : vector<16xi32>
      %select_n3A_2395 = arith.select %lt3A_2394, %broadcast_in_dim3A_147, %broadcast_in_dim3A_149 : vector<16xi1>, vector<16xf32>
      %mul3A_2396 = arith.constant 747796405 : i32
      %mul3A_2397 = vector.broadcast %mul3A_2396 : i32 to vector<16xi32>
      %mul3A_2398 = arith.muli %add3A_2189, %mul3A_2397 : vector<16xi32>
      %add3A_2399 = arith.constant -1403630843 : i32
      %add3A_2400 = vector.broadcast %add3A_2399 : i32 to vector<16xi32>
      %add3A_2401 = arith.addi %mul3A_2398, %add3A_2400 : vector<16xi32>
      %shift_right_logical3A_2402 = arith.constant 16 : i32
      %shift_right_logical3A_2403 = vector.broadcast %shift_right_logical3A_2402 : i32 to vector<16xi32>
      %shift_right_logical3A_2404 = arith.shrui %add3A_2401, %shift_right_logical3A_2403 : vector<16xi32>
      %bitcast3A_2405 = vector.bitcast %shift_right_logical3A_2404 : vector<16xi32> to vector<16xi32>
      %and3A_2406 = arith.constant 65535 : i32
      %and3A_2407 = vector.broadcast %and3A_2406 : i32 to vector<16xi32>
      %and3A_2408 = arith.andi %add3A_2401, %and3A_2407 : vector<16xi32>
      %bitcast3A_2409 = vector.bitcast %and3A_2408 : vector<16xi32> to vector<16xi32>
      %lt3A_2410 = arith.cmpi slt, %bitcast3A_2405, %convert_element_type3A_414 : vector<16xi32>
      %select_n3A_2411 = arith.select %lt3A_2410, %broadcast_in_dim3A_147, %broadcast_in_dim3A_149 : vector<16xi1>, vector<16xf32>
      %lt3A_2412 = arith.cmpi slt, %bitcast3A_2409, %convert_element_type3A_446 : vector<16xi32>
      %select_n3A_2413 = arith.select %lt3A_2412, %broadcast_in_dim3A_147, %broadcast_in_dim3A_149 : vector<16xi1>, vector<16xf32>
      %mul3A_2414 = arith.constant 747796405 : i32
      %mul3A_2415 = vector.broadcast %mul3A_2414 : i32 to vector<16xi32>
      %mul3A_2416 = arith.muli %add3A_2207, %mul3A_2415 : vector<16xi32>
      %add3A_2417 = arith.constant -1403630843 : i32
      %add3A_2418 = vector.broadcast %add3A_2417 : i32 to vector<16xi32>
      %add3A_2419 = arith.addi %mul3A_2416, %add3A_2418 : vector<16xi32>
      %shift_right_logical3A_2420 = arith.constant 16 : i32
      %shift_right_logical3A_2421 = vector.broadcast %shift_right_logical3A_2420 : i32 to vector<16xi32>
      %shift_right_logical3A_2422 = arith.shrui %add3A_2419, %shift_right_logical3A_2421 : vector<16xi32>
      %bitcast3A_2423 = vector.bitcast %shift_right_logical3A_2422 : vector<16xi32> to vector<16xi32>
      %and3A_2424 = arith.constant 65535 : i32
      %and3A_2425 = vector.broadcast %and3A_2424 : i32 to vector<16xi32>
      %and3A_2426 = arith.andi %add3A_2419, %and3A_2425 : vector<16xi32>
      %bitcast3A_2427 = vector.bitcast %and3A_2426 : vector<16xi32> to vector<16xi32>
      %lt3A_2428 = arith.cmpi slt, %bitcast3A_2423, %convert_element_type3A_422 : vector<16xi32>
      %select_n3A_2429 = arith.select %lt3A_2428, %broadcast_in_dim3A_147, %broadcast_in_dim3A_149 : vector<16xi1>, vector<16xf32>
      %lt3A_2430 = arith.cmpi slt, %bitcast3A_2427, %convert_element_type3A_454 : vector<16xi32>
      %select_n3A_2431 = arith.select %lt3A_2430, %broadcast_in_dim3A_147, %broadcast_in_dim3A_149 : vector<16xi1>, vector<16xf32>
      %sub3A_2432 = arith.subf %select_n3A_2375, %select_n3A_2429 : vector<16xf32>
      %sub3A_2433 = arith.subf %sub3A_2432, %select_n3A_2230 : vector<16xf32>
      %mul3A_2434 = arith.constant 1.000000e-01 : f32
      %mul3A_2435 = vector.broadcast %mul3A_2434 : f32 to vector<16xf32>
      %mul3A_2436 = arith.mulf %sub3A_2433, %mul3A_2435 : vector<16xf32>
      %add3A_2437 = arith.addf %select_n3A_2230, %mul3A_2436 : vector<16xf32>
      %ge3A_2438 = arith.constant 1.000000e+00 : f32
      %ge3A_2439 = vector.broadcast %ge3A_2438 : f32 to vector<16xf32>
      %ge3A_2440 = arith.cmpf oge, %add3A_2437, %ge3A_2439 : vector<16xf32>
      %select_n3A_2441 = arith.select %ge3A_2440, %broadcast_in_dim3A_147, %broadcast_in_dim3A_149 : vector<16xi1>, vector<16xf32>
      %select_n3A_2442 = arith.select %ge3A_2440, %broadcast_in_dim3A_149, %add3A_2437 : vector<16xi1>, vector<16xf32>
      %sub3A_2443 = arith.subf %select_n3A_2393, %select_n3A_2377 : vector<16xf32>
      %sub3A_2444 = arith.subf %sub3A_2443, %select_n3A_2241 : vector<16xf32>
      %mul3A_2445 = arith.constant 1.000000e-01 : f32
      %mul3A_2446 = vector.broadcast %mul3A_2445 : f32 to vector<16xf32>
      %mul3A_2447 = arith.mulf %sub3A_2444, %mul3A_2446 : vector<16xf32>
      %add3A_2448 = arith.addf %select_n3A_2241, %mul3A_2447 : vector<16xf32>
      %ge3A_2449 = arith.constant 1.000000e+00 : f32
      %ge3A_2450 = vector.broadcast %ge3A_2449 : f32 to vector<16xf32>
      %ge3A_2451 = arith.cmpf oge, %add3A_2448, %ge3A_2450 : vector<16xf32>
      %select_n3A_2452 = arith.select %ge3A_2451, %broadcast_in_dim3A_147, %broadcast_in_dim3A_149 : vector<16xi1>, vector<16xf32>
      %select_n3A_2453 = arith.select %ge3A_2451, %broadcast_in_dim3A_149, %add3A_2448 : vector<16xi1>, vector<16xf32>
      %sub3A_2454 = arith.subf %select_n3A_2411, %select_n3A_2395 : vector<16xf32>
      %sub3A_2455 = arith.subf %sub3A_2454, %select_n3A_2252 : vector<16xf32>
      %mul3A_2456 = arith.constant 1.000000e-01 : f32
      %mul3A_2457 = vector.broadcast %mul3A_2456 : f32 to vector<16xf32>
      %mul3A_2458 = arith.mulf %sub3A_2455, %mul3A_2457 : vector<16xf32>
      %add3A_2459 = arith.addf %select_n3A_2252, %mul3A_2458 : vector<16xf32>
      %ge3A_2460 = arith.constant 1.000000e+00 : f32
      %ge3A_2461 = vector.broadcast %ge3A_2460 : f32 to vector<16xf32>
      %ge3A_2462 = arith.cmpf oge, %add3A_2459, %ge3A_2461 : vector<16xf32>
      %select_n3A_2463 = arith.select %ge3A_2462, %broadcast_in_dim3A_147, %broadcast_in_dim3A_149 : vector<16xi1>, vector<16xf32>
      %select_n3A_2464 = arith.select %ge3A_2462, %broadcast_in_dim3A_149, %add3A_2459 : vector<16xi1>, vector<16xf32>
      %sub3A_2465 = arith.subf %select_n3A_2429, %select_n3A_2413 : vector<16xf32>
      %sub3A_2466 = arith.subf %sub3A_2465, %select_n3A_2263 : vector<16xf32>
      %mul3A_2467 = arith.constant 1.000000e-01 : f32
      %mul3A_2468 = vector.broadcast %mul3A_2467 : f32 to vector<16xf32>
      %mul3A_2469 = arith.mulf %sub3A_2466, %mul3A_2468 : vector<16xf32>
      %add3A_2470 = arith.addf %select_n3A_2263, %mul3A_2469 : vector<16xf32>
      %ge3A_2471 = arith.constant 1.000000e+00 : f32
      %ge3A_2472 = vector.broadcast %ge3A_2471 : f32 to vector<16xf32>
      %ge3A_2473 = arith.cmpf oge, %add3A_2470, %ge3A_2472 : vector<16xf32>
      %select_n3A_2474 = arith.select %ge3A_2473, %broadcast_in_dim3A_147, %broadcast_in_dim3A_149 : vector<16xi1>, vector<16xf32>
      %select_n3A_2475 = arith.select %ge3A_2473, %broadcast_in_dim3A_149, %add3A_2470 : vector<16xi1>, vector<16xf32>
      %sub3A_2476 = arith.subf %select_n3A_2377, %select_n3A_2431 : vector<16xf32>
      %sub3A_2477 = arith.subf %sub3A_2476, %select_n3A_2274 : vector<16xf32>
      %mul3A_2478 = arith.constant 1.000000e-01 : f32
      %mul3A_2479 = vector.broadcast %mul3A_2478 : f32 to vector<16xf32>
      %mul3A_2480 = arith.mulf %sub3A_2477, %mul3A_2479 : vector<16xf32>
      %add3A_2481 = arith.addf %select_n3A_2274, %mul3A_2480 : vector<16xf32>
      %ge3A_2482 = arith.constant 1.000000e+00 : f32
      %ge3A_2483 = vector.broadcast %ge3A_2482 : f32 to vector<16xf32>
      %ge3A_2484 = arith.cmpf oge, %add3A_2481, %ge3A_2483 : vector<16xf32>
      %select_n3A_2485 = arith.select %ge3A_2484, %broadcast_in_dim3A_147, %broadcast_in_dim3A_149 : vector<16xi1>, vector<16xf32>
      %select_n3A_2486 = arith.select %ge3A_2484, %broadcast_in_dim3A_149, %add3A_2481 : vector<16xi1>, vector<16xf32>
      %sub3A_2487 = arith.subf %select_n3A_2395, %select_n3A_2375 : vector<16xf32>
      %sub3A_2488 = arith.subf %sub3A_2487, %select_n3A_2285 : vector<16xf32>
      %mul3A_2489 = arith.constant 1.000000e-01 : f32
      %mul3A_2490 = vector.broadcast %mul3A_2489 : f32 to vector<16xf32>
      %mul3A_2491 = arith.mulf %sub3A_2488, %mul3A_2490 : vector<16xf32>
      %add3A_2492 = arith.addf %select_n3A_2285, %mul3A_2491 : vector<16xf32>
      %ge3A_2493 = arith.constant 1.000000e+00 : f32
      %ge3A_2494 = vector.broadcast %ge3A_2493 : f32 to vector<16xf32>
      %ge3A_2495 = arith.cmpf oge, %add3A_2492, %ge3A_2494 : vector<16xf32>
      %select_n3A_2496 = arith.select %ge3A_2495, %broadcast_in_dim3A_147, %broadcast_in_dim3A_149 : vector<16xi1>, vector<16xf32>
      %select_n3A_2497 = arith.select %ge3A_2495, %broadcast_in_dim3A_149, %add3A_2492 : vector<16xi1>, vector<16xf32>
      %sub3A_2498 = arith.subf %select_n3A_2413, %select_n3A_2393 : vector<16xf32>
      %sub3A_2499 = arith.subf %sub3A_2498, %select_n3A_2296 : vector<16xf32>
      %mul3A_2500 = arith.constant 1.000000e-01 : f32
      %mul3A_2501 = vector.broadcast %mul3A_2500 : f32 to vector<16xf32>
      %mul3A_2502 = arith.mulf %sub3A_2499, %mul3A_2501 : vector<16xf32>
      %add3A_2503 = arith.addf %select_n3A_2296, %mul3A_2502 : vector<16xf32>
      %ge3A_2504 = arith.constant 1.000000e+00 : f32
      %ge3A_2505 = vector.broadcast %ge3A_2504 : f32 to vector<16xf32>
      %ge3A_2506 = arith.cmpf oge, %add3A_2503, %ge3A_2505 : vector<16xf32>
      %select_n3A_2507 = arith.select %ge3A_2506, %broadcast_in_dim3A_147, %broadcast_in_dim3A_149 : vector<16xi1>, vector<16xf32>
      %select_n3A_2508 = arith.select %ge3A_2506, %broadcast_in_dim3A_149, %add3A_2503 : vector<16xi1>, vector<16xf32>
      %sub3A_2509 = arith.subf %select_n3A_2431, %select_n3A_2411 : vector<16xf32>
      %sub3A_2510 = arith.subf %sub3A_2509, %select_n3A_2307 : vector<16xf32>
      %mul3A_2511 = arith.constant 1.000000e-01 : f32
      %mul3A_2512 = vector.broadcast %mul3A_2511 : f32 to vector<16xf32>
      %mul3A_2513 = arith.mulf %sub3A_2510, %mul3A_2512 : vector<16xf32>
      %add3A_2514 = arith.addf %select_n3A_2307, %mul3A_2513 : vector<16xf32>
      %ge3A_2515 = arith.constant 1.000000e+00 : f32
      %ge3A_2516 = vector.broadcast %ge3A_2515 : f32 to vector<16xf32>
      %ge3A_2517 = arith.cmpf oge, %add3A_2514, %ge3A_2516 : vector<16xf32>
      %select_n3A_2518 = arith.select %ge3A_2517, %broadcast_in_dim3A_147, %broadcast_in_dim3A_149 : vector<16xi1>, vector<16xf32>
      %select_n3A_2519 = arith.select %ge3A_2517, %broadcast_in_dim3A_149, %add3A_2514 : vector<16xi1>, vector<16xf32>
      %add3A_2520 = arith.addf %select_n3A_2441, %select_n3A_2452 : vector<16xf32>
      %add3A_2521 = arith.addf %select_n3A_2463, %select_n3A_2474 : vector<16xf32>
      %add3A_2522 = arith.addf %select_n3A_2485, %select_n3A_2496 : vector<16xf32>
      %add3A_2523 = arith.addf %select_n3A_2507, %select_n3A_2518 : vector<16xf32>
      %sub3A_2524 = arith.subf %add3A_2520, %add3A_2522 : vector<16xf32>
      %sub3A_2525 = arith.subf %sub3A_2524, %select_n3A_2321 : vector<16xf32>
      %mul3A_2526 = arith.constant 1.000000e-01 : f32
      %mul3A_2527 = vector.broadcast %mul3A_2526 : f32 to vector<16xf32>
      %mul3A_2528 = arith.mulf %sub3A_2525, %mul3A_2527 : vector<16xf32>
      %add3A_2529 = arith.addf %select_n3A_2321, %mul3A_2528 : vector<16xf32>
      %ge3A_2530 = arith.constant 1.000000e+00 : f32
      %ge3A_2531 = vector.broadcast %ge3A_2530 : f32 to vector<16xf32>
      %ge3A_2532 = arith.cmpf oge, %add3A_2529, %ge3A_2531 : vector<16xf32>
      %select_n3A_2533 = arith.select %ge3A_2532, %broadcast_in_dim3A_149, %add3A_2529 : vector<16xi1>, vector<16xf32>
      %select_n3A_2534 = arith.select %ge3A_2532, %select_n3A_188, %broadcast_in_dim3A_149 : vector<16xi1>, vector<16xf32>
      %add3A_2535 = arith.addf %add3A_2323, %select_n3A_2534 : vector<16xf32>
      %sub3A_2536 = arith.subf %add3A_2521, %add3A_2523 : vector<16xf32>
      %sub3A_2537 = arith.subf %sub3A_2536, %select_n3A_2333 : vector<16xf32>
      %mul3A_2538 = arith.constant 1.000000e-01 : f32
      %mul3A_2539 = vector.broadcast %mul3A_2538 : f32 to vector<16xf32>
      %mul3A_2540 = arith.mulf %sub3A_2537, %mul3A_2539 : vector<16xf32>
      %add3A_2541 = arith.addf %select_n3A_2333, %mul3A_2540 : vector<16xf32>
      %ge3A_2542 = arith.constant 1.000000e+00 : f32
      %ge3A_2543 = vector.broadcast %ge3A_2542 : f32 to vector<16xf32>
      %ge3A_2544 = arith.cmpf oge, %add3A_2541, %ge3A_2543 : vector<16xf32>
      %select_n3A_2545 = arith.select %ge3A_2544, %broadcast_in_dim3A_149, %add3A_2541 : vector<16xi1>, vector<16xf32>
      %select_n3A_2546 = arith.select %ge3A_2544, %select_n3A_188, %broadcast_in_dim3A_149 : vector<16xi1>, vector<16xf32>
      %add3A_2547 = arith.addf %add3A_2335, %select_n3A_2546 : vector<16xf32>
      %sub3A_2548 = arith.subf %add3A_2522, %add3A_2520 : vector<16xf32>
      %sub3A_2549 = arith.subf %sub3A_2548, %select_n3A_2345 : vector<16xf32>
      %mul3A_2550 = arith.constant 1.000000e-01 : f32
      %mul3A_2551 = vector.broadcast %mul3A_2550 : f32 to vector<16xf32>
      %mul3A_2552 = arith.mulf %sub3A_2549, %mul3A_2551 : vector<16xf32>
      %add3A_2553 = arith.addf %select_n3A_2345, %mul3A_2552 : vector<16xf32>
      %ge3A_2554 = arith.constant 1.000000e+00 : f32
      %ge3A_2555 = vector.broadcast %ge3A_2554 : f32 to vector<16xf32>
      %ge3A_2556 = arith.cmpf oge, %add3A_2553, %ge3A_2555 : vector<16xf32>
      %select_n3A_2557 = arith.select %ge3A_2556, %broadcast_in_dim3A_149, %add3A_2553 : vector<16xi1>, vector<16xf32>
      %select_n3A_2558 = arith.select %ge3A_2556, %select_n3A_188, %broadcast_in_dim3A_149 : vector<16xi1>, vector<16xf32>
      %add3A_2559 = arith.addf %add3A_2347, %select_n3A_2558 : vector<16xf32>
      %sub3A_2560 = arith.subf %add3A_2523, %add3A_2521 : vector<16xf32>
      %sub3A_2561 = arith.subf %sub3A_2560, %select_n3A_2357 : vector<16xf32>
      %mul3A_2562 = arith.constant 1.000000e-01 : f32
      %mul3A_2563 = vector.broadcast %mul3A_2562 : f32 to vector<16xf32>
      %mul3A_2564 = arith.mulf %sub3A_2561, %mul3A_2563 : vector<16xf32>
      %add3A_2565 = arith.addf %select_n3A_2357, %mul3A_2564 : vector<16xf32>
      %ge3A_2566 = arith.constant 1.000000e+00 : f32
      %ge3A_2567 = vector.broadcast %ge3A_2566 : f32 to vector<16xf32>
      %ge3A_2568 = arith.cmpf oge, %add3A_2565, %ge3A_2567 : vector<16xf32>
      %select_n3A_2569 = arith.select %ge3A_2568, %broadcast_in_dim3A_149, %add3A_2565 : vector<16xi1>, vector<16xf32>
      %select_n3A_2570 = arith.select %ge3A_2568, %select_n3A_188, %broadcast_in_dim3A_149 : vector<16xi1>, vector<16xf32>
      %add3A_2571 = arith.addf %add3A_2359, %select_n3A_2570 : vector<16xf32>
      %mul3A_2572 = arith.constant 747796405 : i32
      %mul3A_2573 = vector.broadcast %mul3A_2572 : i32 to vector<16xi32>
      %mul3A_2574 = arith.muli %add3A_2365, %mul3A_2573 : vector<16xi32>
      %add3A_2575 = arith.constant -1403630843 : i32
      %add3A_2576 = vector.broadcast %add3A_2575 : i32 to vector<16xi32>
      %add3A_2577 = arith.addi %mul3A_2574, %add3A_2576 : vector<16xi32>
      %shift_right_logical3A_2578 = arith.constant 16 : i32
      %shift_right_logical3A_2579 = vector.broadcast %shift_right_logical3A_2578 : i32 to vector<16xi32>
      %shift_right_logical3A_2580 = arith.shrui %add3A_2577, %shift_right_logical3A_2579 : vector<16xi32>
      %bitcast3A_2581 = vector.bitcast %shift_right_logical3A_2580 : vector<16xi32> to vector<16xi32>
      %and3A_2582 = arith.constant 65535 : i32
      %and3A_2583 = vector.broadcast %and3A_2582 : i32 to vector<16xi32>
      %and3A_2584 = arith.andi %add3A_2577, %and3A_2583 : vector<16xi32>
      %bitcast3A_2585 = vector.bitcast %and3A_2584 : vector<16xi32> to vector<16xi32>
      %lt3A_2586 = arith.cmpi slt, %bitcast3A_2581, %convert_element_type3A : vector<16xi32>
      %select_n3A_2587 = arith.select %lt3A_2586, %broadcast_in_dim3A_147, %broadcast_in_dim3A_149 : vector<16xi1>, vector<16xf32>
      %lt3A_2588 = arith.cmpi slt, %bitcast3A_2585, %convert_element_type3A_430 : vector<16xi32>
      %select_n3A_2589 = arith.select %lt3A_2588, %broadcast_in_dim3A_147, %broadcast_in_dim3A_149 : vector<16xi1>, vector<16xf32>
      %mul3A_2590 = arith.constant 747796405 : i32
      %mul3A_2591 = vector.broadcast %mul3A_2590 : i32 to vector<16xi32>
      %mul3A_2592 = arith.muli %add3A_2383, %mul3A_2591 : vector<16xi32>
      %add3A_2593 = arith.constant -1403630843 : i32
      %add3A_2594 = vector.broadcast %add3A_2593 : i32 to vector<16xi32>
      %add3A_2595 = arith.addi %mul3A_2592, %add3A_2594 : vector<16xi32>
      %shift_right_logical3A_2596 = arith.constant 16 : i32
      %shift_right_logical3A_2597 = vector.broadcast %shift_right_logical3A_2596 : i32 to vector<16xi32>
      %shift_right_logical3A_2598 = arith.shrui %add3A_2595, %shift_right_logical3A_2597 : vector<16xi32>
      %bitcast3A_2599 = vector.bitcast %shift_right_logical3A_2598 : vector<16xi32> to vector<16xi32>
      %and3A_2600 = arith.constant 65535 : i32
      %and3A_2601 = vector.broadcast %and3A_2600 : i32 to vector<16xi32>
      %and3A_2602 = arith.andi %add3A_2595, %and3A_2601 : vector<16xi32>
      %bitcast3A_2603 = vector.bitcast %and3A_2602 : vector<16xi32> to vector<16xi32>
      %lt3A_2604 = arith.cmpi slt, %bitcast3A_2599, %convert_element_type3A_406 : vector<16xi32>
      %select_n3A_2605 = arith.select %lt3A_2604, %broadcast_in_dim3A_147, %broadcast_in_dim3A_149 : vector<16xi1>, vector<16xf32>
      %lt3A_2606 = arith.cmpi slt, %bitcast3A_2603, %convert_element_type3A_438 : vector<16xi32>
      %select_n3A_2607 = arith.select %lt3A_2606, %broadcast_in_dim3A_147, %broadcast_in_dim3A_149 : vector<16xi1>, vector<16xf32>
      %mul3A_2608 = arith.constant 747796405 : i32
      %mul3A_2609 = vector.broadcast %mul3A_2608 : i32 to vector<16xi32>
      %mul3A_2610 = arith.muli %add3A_2401, %mul3A_2609 : vector<16xi32>
      %add3A_2611 = arith.constant -1403630843 : i32
      %add3A_2612 = vector.broadcast %add3A_2611 : i32 to vector<16xi32>
      %add3A_2613 = arith.addi %mul3A_2610, %add3A_2612 : vector<16xi32>
      %shift_right_logical3A_2614 = arith.constant 16 : i32
      %shift_right_logical3A_2615 = vector.broadcast %shift_right_logical3A_2614 : i32 to vector<16xi32>
      %shift_right_logical3A_2616 = arith.shrui %add3A_2613, %shift_right_logical3A_2615 : vector<16xi32>
      %bitcast3A_2617 = vector.bitcast %shift_right_logical3A_2616 : vector<16xi32> to vector<16xi32>
      %and3A_2618 = arith.constant 65535 : i32
      %and3A_2619 = vector.broadcast %and3A_2618 : i32 to vector<16xi32>
      %and3A_2620 = arith.andi %add3A_2613, %and3A_2619 : vector<16xi32>
      %bitcast3A_2621 = vector.bitcast %and3A_2620 : vector<16xi32> to vector<16xi32>
      %lt3A_2622 = arith.cmpi slt, %bitcast3A_2617, %convert_element_type3A_414 : vector<16xi32>
      %select_n3A_2623 = arith.select %lt3A_2622, %broadcast_in_dim3A_147, %broadcast_in_dim3A_149 : vector<16xi1>, vector<16xf32>
      %lt3A_2624 = arith.cmpi slt, %bitcast3A_2621, %convert_element_type3A_446 : vector<16xi32>
      %select_n3A_2625 = arith.select %lt3A_2624, %broadcast_in_dim3A_147, %broadcast_in_dim3A_149 : vector<16xi1>, vector<16xf32>
      %mul3A_2626 = arith.constant 747796405 : i32
      %mul3A_2627 = vector.broadcast %mul3A_2626 : i32 to vector<16xi32>
      %mul3A_2628 = arith.muli %add3A_2419, %mul3A_2627 : vector<16xi32>
      %add3A_2629 = arith.constant -1403630843 : i32
      %add3A_2630 = vector.broadcast %add3A_2629 : i32 to vector<16xi32>
      %add3A_2631 = arith.addi %mul3A_2628, %add3A_2630 : vector<16xi32>
      %shift_right_logical3A_2632 = arith.constant 16 : i32
      %shift_right_logical3A_2633 = vector.broadcast %shift_right_logical3A_2632 : i32 to vector<16xi32>
      %shift_right_logical3A_2634 = arith.shrui %add3A_2631, %shift_right_logical3A_2633 : vector<16xi32>
      %bitcast3A_2635 = vector.bitcast %shift_right_logical3A_2634 : vector<16xi32> to vector<16xi32>
      %and3A_2636 = arith.constant 65535 : i32
      %and3A_2637 = vector.broadcast %and3A_2636 : i32 to vector<16xi32>
      %and3A_2638 = arith.andi %add3A_2631, %and3A_2637 : vector<16xi32>
      %bitcast3A_2639 = vector.bitcast %and3A_2638 : vector<16xi32> to vector<16xi32>
      %lt3A_2640 = arith.cmpi slt, %bitcast3A_2635, %convert_element_type3A_422 : vector<16xi32>
      %select_n3A_2641 = arith.select %lt3A_2640, %broadcast_in_dim3A_147, %broadcast_in_dim3A_149 : vector<16xi1>, vector<16xf32>
      %lt3A_2642 = arith.cmpi slt, %bitcast3A_2639, %convert_element_type3A_454 : vector<16xi32>
      %select_n3A_2643 = arith.select %lt3A_2642, %broadcast_in_dim3A_147, %broadcast_in_dim3A_149 : vector<16xi1>, vector<16xf32>
      %sub3A_2644 = arith.subf %select_n3A_2587, %select_n3A_2641 : vector<16xf32>
      %sub3A_2645 = arith.subf %sub3A_2644, %select_n3A_2442 : vector<16xf32>
      %mul3A_2646 = arith.constant 1.000000e-01 : f32
      %mul3A_2647 = vector.broadcast %mul3A_2646 : f32 to vector<16xf32>
      %mul3A_2648 = arith.mulf %sub3A_2645, %mul3A_2647 : vector<16xf32>
      %add3A_2649 = arith.addf %select_n3A_2442, %mul3A_2648 : vector<16xf32>
      %ge3A_2650 = arith.constant 1.000000e+00 : f32
      %ge3A_2651 = vector.broadcast %ge3A_2650 : f32 to vector<16xf32>
      %ge3A_2652 = arith.cmpf oge, %add3A_2649, %ge3A_2651 : vector<16xf32>
      %select_n3A_2653 = arith.select %ge3A_2652, %broadcast_in_dim3A_147, %broadcast_in_dim3A_149 : vector<16xi1>, vector<16xf32>
      %select_n3A_2654 = arith.select %ge3A_2652, %broadcast_in_dim3A_149, %add3A_2649 : vector<16xi1>, vector<16xf32>
      %sub3A_2655 = arith.subf %select_n3A_2605, %select_n3A_2589 : vector<16xf32>
      %sub3A_2656 = arith.subf %sub3A_2655, %select_n3A_2453 : vector<16xf32>
      %mul3A_2657 = arith.constant 1.000000e-01 : f32
      %mul3A_2658 = vector.broadcast %mul3A_2657 : f32 to vector<16xf32>
      %mul3A_2659 = arith.mulf %sub3A_2656, %mul3A_2658 : vector<16xf32>
      %add3A_2660 = arith.addf %select_n3A_2453, %mul3A_2659 : vector<16xf32>
      %ge3A_2661 = arith.constant 1.000000e+00 : f32
      %ge3A_2662 = vector.broadcast %ge3A_2661 : f32 to vector<16xf32>
      %ge3A_2663 = arith.cmpf oge, %add3A_2660, %ge3A_2662 : vector<16xf32>
      %select_n3A_2664 = arith.select %ge3A_2663, %broadcast_in_dim3A_147, %broadcast_in_dim3A_149 : vector<16xi1>, vector<16xf32>
      %select_n3A_2665 = arith.select %ge3A_2663, %broadcast_in_dim3A_149, %add3A_2660 : vector<16xi1>, vector<16xf32>
      %sub3A_2666 = arith.subf %select_n3A_2623, %select_n3A_2607 : vector<16xf32>
      %sub3A_2667 = arith.subf %sub3A_2666, %select_n3A_2464 : vector<16xf32>
      %mul3A_2668 = arith.constant 1.000000e-01 : f32
      %mul3A_2669 = vector.broadcast %mul3A_2668 : f32 to vector<16xf32>
      %mul3A_2670 = arith.mulf %sub3A_2667, %mul3A_2669 : vector<16xf32>
      %add3A_2671 = arith.addf %select_n3A_2464, %mul3A_2670 : vector<16xf32>
      %ge3A_2672 = arith.constant 1.000000e+00 : f32
      %ge3A_2673 = vector.broadcast %ge3A_2672 : f32 to vector<16xf32>
      %ge3A_2674 = arith.cmpf oge, %add3A_2671, %ge3A_2673 : vector<16xf32>
      %select_n3A_2675 = arith.select %ge3A_2674, %broadcast_in_dim3A_147, %broadcast_in_dim3A_149 : vector<16xi1>, vector<16xf32>
      %select_n3A_2676 = arith.select %ge3A_2674, %broadcast_in_dim3A_149, %add3A_2671 : vector<16xi1>, vector<16xf32>
      %sub3A_2677 = arith.subf %select_n3A_2641, %select_n3A_2625 : vector<16xf32>
      %sub3A_2678 = arith.subf %sub3A_2677, %select_n3A_2475 : vector<16xf32>
      %mul3A_2679 = arith.constant 1.000000e-01 : f32
      %mul3A_2680 = vector.broadcast %mul3A_2679 : f32 to vector<16xf32>
      %mul3A_2681 = arith.mulf %sub3A_2678, %mul3A_2680 : vector<16xf32>
      %add3A_2682 = arith.addf %select_n3A_2475, %mul3A_2681 : vector<16xf32>
      %ge3A_2683 = arith.constant 1.000000e+00 : f32
      %ge3A_2684 = vector.broadcast %ge3A_2683 : f32 to vector<16xf32>
      %ge3A_2685 = arith.cmpf oge, %add3A_2682, %ge3A_2684 : vector<16xf32>
      %select_n3A_2686 = arith.select %ge3A_2685, %broadcast_in_dim3A_147, %broadcast_in_dim3A_149 : vector<16xi1>, vector<16xf32>
      %select_n3A_2687 = arith.select %ge3A_2685, %broadcast_in_dim3A_149, %add3A_2682 : vector<16xi1>, vector<16xf32>
      %sub3A_2688 = arith.subf %select_n3A_2589, %select_n3A_2643 : vector<16xf32>
      %sub3A_2689 = arith.subf %sub3A_2688, %select_n3A_2486 : vector<16xf32>
      %mul3A_2690 = arith.constant 1.000000e-01 : f32
      %mul3A_2691 = vector.broadcast %mul3A_2690 : f32 to vector<16xf32>
      %mul3A_2692 = arith.mulf %sub3A_2689, %mul3A_2691 : vector<16xf32>
      %add3A_2693 = arith.addf %select_n3A_2486, %mul3A_2692 : vector<16xf32>
      %ge3A_2694 = arith.constant 1.000000e+00 : f32
      %ge3A_2695 = vector.broadcast %ge3A_2694 : f32 to vector<16xf32>
      %ge3A_2696 = arith.cmpf oge, %add3A_2693, %ge3A_2695 : vector<16xf32>
      %select_n3A_2697 = arith.select %ge3A_2696, %broadcast_in_dim3A_147, %broadcast_in_dim3A_149 : vector<16xi1>, vector<16xf32>
      %select_n3A_2698 = arith.select %ge3A_2696, %broadcast_in_dim3A_149, %add3A_2693 : vector<16xi1>, vector<16xf32>
      %sub3A_2699 = arith.subf %select_n3A_2607, %select_n3A_2587 : vector<16xf32>
      %sub3A_2700 = arith.subf %sub3A_2699, %select_n3A_2497 : vector<16xf32>
      %mul3A_2701 = arith.constant 1.000000e-01 : f32
      %mul3A_2702 = vector.broadcast %mul3A_2701 : f32 to vector<16xf32>
      %mul3A_2703 = arith.mulf %sub3A_2700, %mul3A_2702 : vector<16xf32>
      %add3A_2704 = arith.addf %select_n3A_2497, %mul3A_2703 : vector<16xf32>
      %ge3A_2705 = arith.constant 1.000000e+00 : f32
      %ge3A_2706 = vector.broadcast %ge3A_2705 : f32 to vector<16xf32>
      %ge3A_2707 = arith.cmpf oge, %add3A_2704, %ge3A_2706 : vector<16xf32>
      %select_n3A_2708 = arith.select %ge3A_2707, %broadcast_in_dim3A_147, %broadcast_in_dim3A_149 : vector<16xi1>, vector<16xf32>
      %select_n3A_2709 = arith.select %ge3A_2707, %broadcast_in_dim3A_149, %add3A_2704 : vector<16xi1>, vector<16xf32>
      %sub3A_2710 = arith.subf %select_n3A_2625, %select_n3A_2605 : vector<16xf32>
      %sub3A_2711 = arith.subf %sub3A_2710, %select_n3A_2508 : vector<16xf32>
      %mul3A_2712 = arith.constant 1.000000e-01 : f32
      %mul3A_2713 = vector.broadcast %mul3A_2712 : f32 to vector<16xf32>
      %mul3A_2714 = arith.mulf %sub3A_2711, %mul3A_2713 : vector<16xf32>
      %add3A_2715 = arith.addf %select_n3A_2508, %mul3A_2714 : vector<16xf32>
      %ge3A_2716 = arith.constant 1.000000e+00 : f32
      %ge3A_2717 = vector.broadcast %ge3A_2716 : f32 to vector<16xf32>
      %ge3A_2718 = arith.cmpf oge, %add3A_2715, %ge3A_2717 : vector<16xf32>
      %select_n3A_2719 = arith.select %ge3A_2718, %broadcast_in_dim3A_147, %broadcast_in_dim3A_149 : vector<16xi1>, vector<16xf32>
      %select_n3A_2720 = arith.select %ge3A_2718, %broadcast_in_dim3A_149, %add3A_2715 : vector<16xi1>, vector<16xf32>
      %sub3A_2721 = arith.subf %select_n3A_2643, %select_n3A_2623 : vector<16xf32>
      %sub3A_2722 = arith.subf %sub3A_2721, %select_n3A_2519 : vector<16xf32>
      %mul3A_2723 = arith.constant 1.000000e-01 : f32
      %mul3A_2724 = vector.broadcast %mul3A_2723 : f32 to vector<16xf32>
      %mul3A_2725 = arith.mulf %sub3A_2722, %mul3A_2724 : vector<16xf32>
      %add3A_2726 = arith.addf %select_n3A_2519, %mul3A_2725 : vector<16xf32>
      %ge3A_2727 = arith.constant 1.000000e+00 : f32
      %ge3A_2728 = vector.broadcast %ge3A_2727 : f32 to vector<16xf32>
      %ge3A_2729 = arith.cmpf oge, %add3A_2726, %ge3A_2728 : vector<16xf32>
      %select_n3A_2730 = arith.select %ge3A_2729, %broadcast_in_dim3A_147, %broadcast_in_dim3A_149 : vector<16xi1>, vector<16xf32>
      %select_n3A_2731 = arith.select %ge3A_2729, %broadcast_in_dim3A_149, %add3A_2726 : vector<16xi1>, vector<16xf32>
      %add3A_2732 = arith.addf %select_n3A_2653, %select_n3A_2664 : vector<16xf32>
      %add3A_2733 = arith.addf %select_n3A_2675, %select_n3A_2686 : vector<16xf32>
      %add3A_2734 = arith.addf %select_n3A_2697, %select_n3A_2708 : vector<16xf32>
      %add3A_2735 = arith.addf %select_n3A_2719, %select_n3A_2730 : vector<16xf32>
      %sub3A_2736 = arith.subf %add3A_2732, %add3A_2734 : vector<16xf32>
      %sub3A_2737 = arith.subf %sub3A_2736, %select_n3A_2533 : vector<16xf32>
      %mul3A_2738 = arith.constant 1.000000e-01 : f32
      %mul3A_2739 = vector.broadcast %mul3A_2738 : f32 to vector<16xf32>
      %mul3A_2740 = arith.mulf %sub3A_2737, %mul3A_2739 : vector<16xf32>
      %add3A_2741 = arith.addf %select_n3A_2533, %mul3A_2740 : vector<16xf32>
      %ge3A_2742 = arith.constant 1.000000e+00 : f32
      %ge3A_2743 = vector.broadcast %ge3A_2742 : f32 to vector<16xf32>
      %ge3A_2744 = arith.cmpf oge, %add3A_2741, %ge3A_2743 : vector<16xf32>
      %select_n3A_2745 = arith.select %ge3A_2744, %broadcast_in_dim3A_149, %add3A_2741 : vector<16xi1>, vector<16xf32>
      %select_n3A_2746 = arith.select %ge3A_2744, %select_n3A_192, %broadcast_in_dim3A_149 : vector<16xi1>, vector<16xf32>
      %add3A_2747 = arith.addf %add3A_2535, %select_n3A_2746 : vector<16xf32>
      %sub3A_2748 = arith.subf %add3A_2733, %add3A_2735 : vector<16xf32>
      %sub3A_2749 = arith.subf %sub3A_2748, %select_n3A_2545 : vector<16xf32>
      %mul3A_2750 = arith.constant 1.000000e-01 : f32
      %mul3A_2751 = vector.broadcast %mul3A_2750 : f32 to vector<16xf32>
      %mul3A_2752 = arith.mulf %sub3A_2749, %mul3A_2751 : vector<16xf32>
      %add3A_2753 = arith.addf %select_n3A_2545, %mul3A_2752 : vector<16xf32>
      %ge3A_2754 = arith.constant 1.000000e+00 : f32
      %ge3A_2755 = vector.broadcast %ge3A_2754 : f32 to vector<16xf32>
      %ge3A_2756 = arith.cmpf oge, %add3A_2753, %ge3A_2755 : vector<16xf32>
      %select_n3A_2757 = arith.select %ge3A_2756, %broadcast_in_dim3A_149, %add3A_2753 : vector<16xi1>, vector<16xf32>
      %select_n3A_2758 = arith.select %ge3A_2756, %select_n3A_192, %broadcast_in_dim3A_149 : vector<16xi1>, vector<16xf32>
      %add3A_2759 = arith.addf %add3A_2547, %select_n3A_2758 : vector<16xf32>
      %sub3A_2760 = arith.subf %add3A_2734, %add3A_2732 : vector<16xf32>
      %sub3A_2761 = arith.subf %sub3A_2760, %select_n3A_2557 : vector<16xf32>
      %mul3A_2762 = arith.constant 1.000000e-01 : f32
      %mul3A_2763 = vector.broadcast %mul3A_2762 : f32 to vector<16xf32>
      %mul3A_2764 = arith.mulf %sub3A_2761, %mul3A_2763 : vector<16xf32>
      %add3A_2765 = arith.addf %select_n3A_2557, %mul3A_2764 : vector<16xf32>
      %ge3A_2766 = arith.constant 1.000000e+00 : f32
      %ge3A_2767 = vector.broadcast %ge3A_2766 : f32 to vector<16xf32>
      %ge3A_2768 = arith.cmpf oge, %add3A_2765, %ge3A_2767 : vector<16xf32>
      %select_n3A_2769 = arith.select %ge3A_2768, %broadcast_in_dim3A_149, %add3A_2765 : vector<16xi1>, vector<16xf32>
      %select_n3A_2770 = arith.select %ge3A_2768, %select_n3A_192, %broadcast_in_dim3A_149 : vector<16xi1>, vector<16xf32>
      %add3A_2771 = arith.addf %add3A_2559, %select_n3A_2770 : vector<16xf32>
      %sub3A_2772 = arith.subf %add3A_2735, %add3A_2733 : vector<16xf32>
      %sub3A_2773 = arith.subf %sub3A_2772, %select_n3A_2569 : vector<16xf32>
      %mul3A_2774 = arith.constant 1.000000e-01 : f32
      %mul3A_2775 = vector.broadcast %mul3A_2774 : f32 to vector<16xf32>
      %mul3A_2776 = arith.mulf %sub3A_2773, %mul3A_2775 : vector<16xf32>
      %add3A_2777 = arith.addf %select_n3A_2569, %mul3A_2776 : vector<16xf32>
      %ge3A_2778 = arith.constant 1.000000e+00 : f32
      %ge3A_2779 = vector.broadcast %ge3A_2778 : f32 to vector<16xf32>
      %ge3A_2780 = arith.cmpf oge, %add3A_2777, %ge3A_2779 : vector<16xf32>
      %select_n3A_2781 = arith.select %ge3A_2780, %broadcast_in_dim3A_149, %add3A_2777 : vector<16xi1>, vector<16xf32>
      %select_n3A_2782 = arith.select %ge3A_2780, %select_n3A_192, %broadcast_in_dim3A_149 : vector<16xi1>, vector<16xf32>
      %add3A_2783 = arith.addf %add3A_2571, %select_n3A_2782 : vector<16xf32>
      %mul3A_2784 = arith.constant 747796405 : i32
      %mul3A_2785 = vector.broadcast %mul3A_2784 : i32 to vector<16xi32>
      %mul3A_2786 = arith.muli %add3A_2577, %mul3A_2785 : vector<16xi32>
      %add3A_2787 = arith.constant -1403630843 : i32
      %add3A_2788 = vector.broadcast %add3A_2787 : i32 to vector<16xi32>
      %add3A_2789 = arith.addi %mul3A_2786, %add3A_2788 : vector<16xi32>
      %shift_right_logical3A_2790 = arith.constant 16 : i32
      %shift_right_logical3A_2791 = vector.broadcast %shift_right_logical3A_2790 : i32 to vector<16xi32>
      %shift_right_logical3A_2792 = arith.shrui %add3A_2789, %shift_right_logical3A_2791 : vector<16xi32>
      %bitcast3A_2793 = vector.bitcast %shift_right_logical3A_2792 : vector<16xi32> to vector<16xi32>
      %and3A_2794 = arith.constant 65535 : i32
      %and3A_2795 = vector.broadcast %and3A_2794 : i32 to vector<16xi32>
      %and3A_2796 = arith.andi %add3A_2789, %and3A_2795 : vector<16xi32>
      %bitcast3A_2797 = vector.bitcast %and3A_2796 : vector<16xi32> to vector<16xi32>
      %lt3A_2798 = arith.cmpi slt, %bitcast3A_2793, %convert_element_type3A : vector<16xi32>
      %select_n3A_2799 = arith.select %lt3A_2798, %broadcast_in_dim3A_147, %broadcast_in_dim3A_149 : vector<16xi1>, vector<16xf32>
      %lt3A_2800 = arith.cmpi slt, %bitcast3A_2797, %convert_element_type3A_430 : vector<16xi32>
      %select_n3A_2801 = arith.select %lt3A_2800, %broadcast_in_dim3A_147, %broadcast_in_dim3A_149 : vector<16xi1>, vector<16xf32>
      %mul3A_2802 = arith.constant 747796405 : i32
      %mul3A_2803 = vector.broadcast %mul3A_2802 : i32 to vector<16xi32>
      %mul3A_2804 = arith.muli %add3A_2595, %mul3A_2803 : vector<16xi32>
      %add3A_2805 = arith.constant -1403630843 : i32
      %add3A_2806 = vector.broadcast %add3A_2805 : i32 to vector<16xi32>
      %add3A_2807 = arith.addi %mul3A_2804, %add3A_2806 : vector<16xi32>
      %shift_right_logical3A_2808 = arith.constant 16 : i32
      %shift_right_logical3A_2809 = vector.broadcast %shift_right_logical3A_2808 : i32 to vector<16xi32>
      %shift_right_logical3A_2810 = arith.shrui %add3A_2807, %shift_right_logical3A_2809 : vector<16xi32>
      %bitcast3A_2811 = vector.bitcast %shift_right_logical3A_2810 : vector<16xi32> to vector<16xi32>
      %and3A_2812 = arith.constant 65535 : i32
      %and3A_2813 = vector.broadcast %and3A_2812 : i32 to vector<16xi32>
      %and3A_2814 = arith.andi %add3A_2807, %and3A_2813 : vector<16xi32>
      %bitcast3A_2815 = vector.bitcast %and3A_2814 : vector<16xi32> to vector<16xi32>
      %lt3A_2816 = arith.cmpi slt, %bitcast3A_2811, %convert_element_type3A_406 : vector<16xi32>
      %select_n3A_2817 = arith.select %lt3A_2816, %broadcast_in_dim3A_147, %broadcast_in_dim3A_149 : vector<16xi1>, vector<16xf32>
      %lt3A_2818 = arith.cmpi slt, %bitcast3A_2815, %convert_element_type3A_438 : vector<16xi32>
      %select_n3A_2819 = arith.select %lt3A_2818, %broadcast_in_dim3A_147, %broadcast_in_dim3A_149 : vector<16xi1>, vector<16xf32>
      %mul3A_2820 = arith.constant 747796405 : i32
      %mul3A_2821 = vector.broadcast %mul3A_2820 : i32 to vector<16xi32>
      %mul3A_2822 = arith.muli %add3A_2613, %mul3A_2821 : vector<16xi32>
      %add3A_2823 = arith.constant -1403630843 : i32
      %add3A_2824 = vector.broadcast %add3A_2823 : i32 to vector<16xi32>
      %add3A_2825 = arith.addi %mul3A_2822, %add3A_2824 : vector<16xi32>
      %shift_right_logical3A_2826 = arith.constant 16 : i32
      %shift_right_logical3A_2827 = vector.broadcast %shift_right_logical3A_2826 : i32 to vector<16xi32>
      %shift_right_logical3A_2828 = arith.shrui %add3A_2825, %shift_right_logical3A_2827 : vector<16xi32>
      %bitcast3A_2829 = vector.bitcast %shift_right_logical3A_2828 : vector<16xi32> to vector<16xi32>
      %and3A_2830 = arith.constant 65535 : i32
      %and3A_2831 = vector.broadcast %and3A_2830 : i32 to vector<16xi32>
      %and3A_2832 = arith.andi %add3A_2825, %and3A_2831 : vector<16xi32>
      %bitcast3A_2833 = vector.bitcast %and3A_2832 : vector<16xi32> to vector<16xi32>
      %lt3A_2834 = arith.cmpi slt, %bitcast3A_2829, %convert_element_type3A_414 : vector<16xi32>
      %select_n3A_2835 = arith.select %lt3A_2834, %broadcast_in_dim3A_147, %broadcast_in_dim3A_149 : vector<16xi1>, vector<16xf32>
      %lt3A_2836 = arith.cmpi slt, %bitcast3A_2833, %convert_element_type3A_446 : vector<16xi32>
      %select_n3A_2837 = arith.select %lt3A_2836, %broadcast_in_dim3A_147, %broadcast_in_dim3A_149 : vector<16xi1>, vector<16xf32>
      %mul3A_2838 = arith.constant 747796405 : i32
      %mul3A_2839 = vector.broadcast %mul3A_2838 : i32 to vector<16xi32>
      %mul3A_2840 = arith.muli %add3A_2631, %mul3A_2839 : vector<16xi32>
      %add3A_2841 = arith.constant -1403630843 : i32
      %add3A_2842 = vector.broadcast %add3A_2841 : i32 to vector<16xi32>
      %add3A_2843 = arith.addi %mul3A_2840, %add3A_2842 : vector<16xi32>
      %shift_right_logical3A_2844 = arith.constant 16 : i32
      %shift_right_logical3A_2845 = vector.broadcast %shift_right_logical3A_2844 : i32 to vector<16xi32>
      %shift_right_logical3A_2846 = arith.shrui %add3A_2843, %shift_right_logical3A_2845 : vector<16xi32>
      %bitcast3A_2847 = vector.bitcast %shift_right_logical3A_2846 : vector<16xi32> to vector<16xi32>
      %and3A_2848 = arith.constant 65535 : i32
      %and3A_2849 = vector.broadcast %and3A_2848 : i32 to vector<16xi32>
      %and3A_2850 = arith.andi %add3A_2843, %and3A_2849 : vector<16xi32>
      %bitcast3A_2851 = vector.bitcast %and3A_2850 : vector<16xi32> to vector<16xi32>
      %lt3A_2852 = arith.cmpi slt, %bitcast3A_2847, %convert_element_type3A_422 : vector<16xi32>
      %select_n3A_2853 = arith.select %lt3A_2852, %broadcast_in_dim3A_147, %broadcast_in_dim3A_149 : vector<16xi1>, vector<16xf32>
      %lt3A_2854 = arith.cmpi slt, %bitcast3A_2851, %convert_element_type3A_454 : vector<16xi32>
      %select_n3A_2855 = arith.select %lt3A_2854, %broadcast_in_dim3A_147, %broadcast_in_dim3A_149 : vector<16xi1>, vector<16xf32>
      %sub3A_2856 = arith.subf %select_n3A_2799, %select_n3A_2853 : vector<16xf32>
      %sub3A_2857 = arith.subf %sub3A_2856, %select_n3A_2654 : vector<16xf32>
      %mul3A_2858 = arith.constant 1.000000e-01 : f32
      %mul3A_2859 = vector.broadcast %mul3A_2858 : f32 to vector<16xf32>
      %mul3A_2860 = arith.mulf %sub3A_2857, %mul3A_2859 : vector<16xf32>
      %add3A_2861 = arith.addf %select_n3A_2654, %mul3A_2860 : vector<16xf32>
      %ge3A_2862 = arith.constant 1.000000e+00 : f32
      %ge3A_2863 = vector.broadcast %ge3A_2862 : f32 to vector<16xf32>
      %ge3A_2864 = arith.cmpf oge, %add3A_2861, %ge3A_2863 : vector<16xf32>
      %select_n3A_2865 = arith.select %ge3A_2864, %broadcast_in_dim3A_147, %broadcast_in_dim3A_149 : vector<16xi1>, vector<16xf32>
      %select_n3A_2866 = arith.select %ge3A_2864, %broadcast_in_dim3A_149, %add3A_2861 : vector<16xi1>, vector<16xf32>
      %sub3A_2867 = arith.subf %select_n3A_2817, %select_n3A_2801 : vector<16xf32>
      %sub3A_2868 = arith.subf %sub3A_2867, %select_n3A_2665 : vector<16xf32>
      %mul3A_2869 = arith.constant 1.000000e-01 : f32
      %mul3A_2870 = vector.broadcast %mul3A_2869 : f32 to vector<16xf32>
      %mul3A_2871 = arith.mulf %sub3A_2868, %mul3A_2870 : vector<16xf32>
      %add3A_2872 = arith.addf %select_n3A_2665, %mul3A_2871 : vector<16xf32>
      %ge3A_2873 = arith.constant 1.000000e+00 : f32
      %ge3A_2874 = vector.broadcast %ge3A_2873 : f32 to vector<16xf32>
      %ge3A_2875 = arith.cmpf oge, %add3A_2872, %ge3A_2874 : vector<16xf32>
      %select_n3A_2876 = arith.select %ge3A_2875, %broadcast_in_dim3A_147, %broadcast_in_dim3A_149 : vector<16xi1>, vector<16xf32>
      %select_n3A_2877 = arith.select %ge3A_2875, %broadcast_in_dim3A_149, %add3A_2872 : vector<16xi1>, vector<16xf32>
      %sub3A_2878 = arith.subf %select_n3A_2835, %select_n3A_2819 : vector<16xf32>
      %sub3A_2879 = arith.subf %sub3A_2878, %select_n3A_2676 : vector<16xf32>
      %mul3A_2880 = arith.constant 1.000000e-01 : f32
      %mul3A_2881 = vector.broadcast %mul3A_2880 : f32 to vector<16xf32>
      %mul3A_2882 = arith.mulf %sub3A_2879, %mul3A_2881 : vector<16xf32>
      %add3A_2883 = arith.addf %select_n3A_2676, %mul3A_2882 : vector<16xf32>
      %ge3A_2884 = arith.constant 1.000000e+00 : f32
      %ge3A_2885 = vector.broadcast %ge3A_2884 : f32 to vector<16xf32>
      %ge3A_2886 = arith.cmpf oge, %add3A_2883, %ge3A_2885 : vector<16xf32>
      %select_n3A_2887 = arith.select %ge3A_2886, %broadcast_in_dim3A_147, %broadcast_in_dim3A_149 : vector<16xi1>, vector<16xf32>
      %select_n3A_2888 = arith.select %ge3A_2886, %broadcast_in_dim3A_149, %add3A_2883 : vector<16xi1>, vector<16xf32>
      %sub3A_2889 = arith.subf %select_n3A_2853, %select_n3A_2837 : vector<16xf32>
      %sub3A_2890 = arith.subf %sub3A_2889, %select_n3A_2687 : vector<16xf32>
      %mul3A_2891 = arith.constant 1.000000e-01 : f32
      %mul3A_2892 = vector.broadcast %mul3A_2891 : f32 to vector<16xf32>
      %mul3A_2893 = arith.mulf %sub3A_2890, %mul3A_2892 : vector<16xf32>
      %add3A_2894 = arith.addf %select_n3A_2687, %mul3A_2893 : vector<16xf32>
      %ge3A_2895 = arith.constant 1.000000e+00 : f32
      %ge3A_2896 = vector.broadcast %ge3A_2895 : f32 to vector<16xf32>
      %ge3A_2897 = arith.cmpf oge, %add3A_2894, %ge3A_2896 : vector<16xf32>
      %select_n3A_2898 = arith.select %ge3A_2897, %broadcast_in_dim3A_147, %broadcast_in_dim3A_149 : vector<16xi1>, vector<16xf32>
      %select_n3A_2899 = arith.select %ge3A_2897, %broadcast_in_dim3A_149, %add3A_2894 : vector<16xi1>, vector<16xf32>
      %sub3A_2900 = arith.subf %select_n3A_2801, %select_n3A_2855 : vector<16xf32>
      %sub3A_2901 = arith.subf %sub3A_2900, %select_n3A_2698 : vector<16xf32>
      %mul3A_2902 = arith.constant 1.000000e-01 : f32
      %mul3A_2903 = vector.broadcast %mul3A_2902 : f32 to vector<16xf32>
      %mul3A_2904 = arith.mulf %sub3A_2901, %mul3A_2903 : vector<16xf32>
      %add3A_2905 = arith.addf %select_n3A_2698, %mul3A_2904 : vector<16xf32>
      %ge3A_2906 = arith.constant 1.000000e+00 : f32
      %ge3A_2907 = vector.broadcast %ge3A_2906 : f32 to vector<16xf32>
      %ge3A_2908 = arith.cmpf oge, %add3A_2905, %ge3A_2907 : vector<16xf32>
      %select_n3A_2909 = arith.select %ge3A_2908, %broadcast_in_dim3A_147, %broadcast_in_dim3A_149 : vector<16xi1>, vector<16xf32>
      %select_n3A_2910 = arith.select %ge3A_2908, %broadcast_in_dim3A_149, %add3A_2905 : vector<16xi1>, vector<16xf32>
      %sub3A_2911 = arith.subf %select_n3A_2819, %select_n3A_2799 : vector<16xf32>
      %sub3A_2912 = arith.subf %sub3A_2911, %select_n3A_2709 : vector<16xf32>
      %mul3A_2913 = arith.constant 1.000000e-01 : f32
      %mul3A_2914 = vector.broadcast %mul3A_2913 : f32 to vector<16xf32>
      %mul3A_2915 = arith.mulf %sub3A_2912, %mul3A_2914 : vector<16xf32>
      %add3A_2916 = arith.addf %select_n3A_2709, %mul3A_2915 : vector<16xf32>
      %ge3A_2917 = arith.constant 1.000000e+00 : f32
      %ge3A_2918 = vector.broadcast %ge3A_2917 : f32 to vector<16xf32>
      %ge3A_2919 = arith.cmpf oge, %add3A_2916, %ge3A_2918 : vector<16xf32>
      %select_n3A_2920 = arith.select %ge3A_2919, %broadcast_in_dim3A_147, %broadcast_in_dim3A_149 : vector<16xi1>, vector<16xf32>
      %select_n3A_2921 = arith.select %ge3A_2919, %broadcast_in_dim3A_149, %add3A_2916 : vector<16xi1>, vector<16xf32>
      %sub3A_2922 = arith.subf %select_n3A_2837, %select_n3A_2817 : vector<16xf32>
      %sub3A_2923 = arith.subf %sub3A_2922, %select_n3A_2720 : vector<16xf32>
      %mul3A_2924 = arith.constant 1.000000e-01 : f32
      %mul3A_2925 = vector.broadcast %mul3A_2924 : f32 to vector<16xf32>
      %mul3A_2926 = arith.mulf %sub3A_2923, %mul3A_2925 : vector<16xf32>
      %add3A_2927 = arith.addf %select_n3A_2720, %mul3A_2926 : vector<16xf32>
      %ge3A_2928 = arith.constant 1.000000e+00 : f32
      %ge3A_2929 = vector.broadcast %ge3A_2928 : f32 to vector<16xf32>
      %ge3A_2930 = arith.cmpf oge, %add3A_2927, %ge3A_2929 : vector<16xf32>
      %select_n3A_2931 = arith.select %ge3A_2930, %broadcast_in_dim3A_147, %broadcast_in_dim3A_149 : vector<16xi1>, vector<16xf32>
      %select_n3A_2932 = arith.select %ge3A_2930, %broadcast_in_dim3A_149, %add3A_2927 : vector<16xi1>, vector<16xf32>
      %sub3A_2933 = arith.subf %select_n3A_2855, %select_n3A_2835 : vector<16xf32>
      %sub3A_2934 = arith.subf %sub3A_2933, %select_n3A_2731 : vector<16xf32>
      %mul3A_2935 = arith.constant 1.000000e-01 : f32
      %mul3A_2936 = vector.broadcast %mul3A_2935 : f32 to vector<16xf32>
      %mul3A_2937 = arith.mulf %sub3A_2934, %mul3A_2936 : vector<16xf32>
      %add3A_2938 = arith.addf %select_n3A_2731, %mul3A_2937 : vector<16xf32>
      %ge3A_2939 = arith.constant 1.000000e+00 : f32
      %ge3A_2940 = vector.broadcast %ge3A_2939 : f32 to vector<16xf32>
      %ge3A_2941 = arith.cmpf oge, %add3A_2938, %ge3A_2940 : vector<16xf32>
      %select_n3A_2942 = arith.select %ge3A_2941, %broadcast_in_dim3A_147, %broadcast_in_dim3A_149 : vector<16xi1>, vector<16xf32>
      %select_n3A_2943 = arith.select %ge3A_2941, %broadcast_in_dim3A_149, %add3A_2938 : vector<16xi1>, vector<16xf32>
      %add3A_2944 = arith.addf %select_n3A_2865, %select_n3A_2876 : vector<16xf32>
      %add3A_2945 = arith.addf %select_n3A_2887, %select_n3A_2898 : vector<16xf32>
      %add3A_2946 = arith.addf %select_n3A_2909, %select_n3A_2920 : vector<16xf32>
      %add3A_2947 = arith.addf %select_n3A_2931, %select_n3A_2942 : vector<16xf32>
      %sub3A_2948 = arith.subf %add3A_2944, %add3A_2946 : vector<16xf32>
      %sub3A_2949 = arith.subf %sub3A_2948, %select_n3A_2745 : vector<16xf32>
      %mul3A_2950 = arith.constant 1.000000e-01 : f32
      %mul3A_2951 = vector.broadcast %mul3A_2950 : f32 to vector<16xf32>
      %mul3A_2952 = arith.mulf %sub3A_2949, %mul3A_2951 : vector<16xf32>
      %add3A_2953 = arith.addf %select_n3A_2745, %mul3A_2952 : vector<16xf32>
      %ge3A_2954 = arith.constant 1.000000e+00 : f32
      %ge3A_2955 = vector.broadcast %ge3A_2954 : f32 to vector<16xf32>
      %ge3A_2956 = arith.cmpf oge, %add3A_2953, %ge3A_2955 : vector<16xf32>
      %select_n3A_2957 = arith.select %ge3A_2956, %broadcast_in_dim3A_149, %add3A_2953 : vector<16xi1>, vector<16xf32>
      %select_n3A_2958 = arith.select %ge3A_2956, %select_n3A_196, %broadcast_in_dim3A_149 : vector<16xi1>, vector<16xf32>
      %add3A_2959 = arith.addf %add3A_2747, %select_n3A_2958 : vector<16xf32>
      %sub3A_2960 = arith.subf %add3A_2945, %add3A_2947 : vector<16xf32>
      %sub3A_2961 = arith.subf %sub3A_2960, %select_n3A_2757 : vector<16xf32>
      %mul3A_2962 = arith.constant 1.000000e-01 : f32
      %mul3A_2963 = vector.broadcast %mul3A_2962 : f32 to vector<16xf32>
      %mul3A_2964 = arith.mulf %sub3A_2961, %mul3A_2963 : vector<16xf32>
      %add3A_2965 = arith.addf %select_n3A_2757, %mul3A_2964 : vector<16xf32>
      %ge3A_2966 = arith.constant 1.000000e+00 : f32
      %ge3A_2967 = vector.broadcast %ge3A_2966 : f32 to vector<16xf32>
      %ge3A_2968 = arith.cmpf oge, %add3A_2965, %ge3A_2967 : vector<16xf32>
      %select_n3A_2969 = arith.select %ge3A_2968, %broadcast_in_dim3A_149, %add3A_2965 : vector<16xi1>, vector<16xf32>
      %select_n3A_2970 = arith.select %ge3A_2968, %select_n3A_196, %broadcast_in_dim3A_149 : vector<16xi1>, vector<16xf32>
      %add3A_2971 = arith.addf %add3A_2759, %select_n3A_2970 : vector<16xf32>
      %sub3A_2972 = arith.subf %add3A_2946, %add3A_2944 : vector<16xf32>
      %sub3A_2973 = arith.subf %sub3A_2972, %select_n3A_2769 : vector<16xf32>
      %mul3A_2974 = arith.constant 1.000000e-01 : f32
      %mul3A_2975 = vector.broadcast %mul3A_2974 : f32 to vector<16xf32>
      %mul3A_2976 = arith.mulf %sub3A_2973, %mul3A_2975 : vector<16xf32>
      %add3A_2977 = arith.addf %select_n3A_2769, %mul3A_2976 : vector<16xf32>
      %ge3A_2978 = arith.constant 1.000000e+00 : f32
      %ge3A_2979 = vector.broadcast %ge3A_2978 : f32 to vector<16xf32>
      %ge3A_2980 = arith.cmpf oge, %add3A_2977, %ge3A_2979 : vector<16xf32>
      %select_n3A_2981 = arith.select %ge3A_2980, %broadcast_in_dim3A_149, %add3A_2977 : vector<16xi1>, vector<16xf32>
      %select_n3A_2982 = arith.select %ge3A_2980, %select_n3A_196, %broadcast_in_dim3A_149 : vector<16xi1>, vector<16xf32>
      %add3A_2983 = arith.addf %add3A_2771, %select_n3A_2982 : vector<16xf32>
      %sub3A_2984 = arith.subf %add3A_2947, %add3A_2945 : vector<16xf32>
      %sub3A_2985 = arith.subf %sub3A_2984, %select_n3A_2781 : vector<16xf32>
      %mul3A_2986 = arith.constant 1.000000e-01 : f32
      %mul3A_2987 = vector.broadcast %mul3A_2986 : f32 to vector<16xf32>
      %mul3A_2988 = arith.mulf %sub3A_2985, %mul3A_2987 : vector<16xf32>
      %add3A_2989 = arith.addf %select_n3A_2781, %mul3A_2988 : vector<16xf32>
      %ge3A_2990 = arith.constant 1.000000e+00 : f32
      %ge3A_2991 = vector.broadcast %ge3A_2990 : f32 to vector<16xf32>
      %ge3A_2992 = arith.cmpf oge, %add3A_2989, %ge3A_2991 : vector<16xf32>
      %select_n3A_2993 = arith.select %ge3A_2992, %broadcast_in_dim3A_149, %add3A_2989 : vector<16xi1>, vector<16xf32>
      %select_n3A_2994 = arith.select %ge3A_2992, %select_n3A_196, %broadcast_in_dim3A_149 : vector<16xi1>, vector<16xf32>
      %add3A_2995 = arith.addf %add3A_2783, %select_n3A_2994 : vector<16xf32>
      %mul3A_2996 = arith.constant 747796405 : i32
      %mul3A_2997 = vector.broadcast %mul3A_2996 : i32 to vector<16xi32>
      %mul3A_2998 = arith.muli %add3A_2789, %mul3A_2997 : vector<16xi32>
      %add3A_2999 = arith.constant -1403630843 : i32
      %add3A_3000 = vector.broadcast %add3A_2999 : i32 to vector<16xi32>
      %add3A_3001 = arith.addi %mul3A_2998, %add3A_3000 : vector<16xi32>
      %shift_right_logical3A_3002 = arith.constant 16 : i32
      %shift_right_logical3A_3003 = vector.broadcast %shift_right_logical3A_3002 : i32 to vector<16xi32>
      %shift_right_logical3A_3004 = arith.shrui %add3A_3001, %shift_right_logical3A_3003 : vector<16xi32>
      %bitcast3A_3005 = vector.bitcast %shift_right_logical3A_3004 : vector<16xi32> to vector<16xi32>
      %and3A_3006 = arith.constant 65535 : i32
      %and3A_3007 = vector.broadcast %and3A_3006 : i32 to vector<16xi32>
      %and3A_3008 = arith.andi %add3A_3001, %and3A_3007 : vector<16xi32>
      %bitcast3A_3009 = vector.bitcast %and3A_3008 : vector<16xi32> to vector<16xi32>
      %lt3A_3010 = arith.cmpi slt, %bitcast3A_3005, %convert_element_type3A : vector<16xi32>
      %select_n3A_3011 = arith.select %lt3A_3010, %broadcast_in_dim3A_147, %broadcast_in_dim3A_149 : vector<16xi1>, vector<16xf32>
      %lt3A_3012 = arith.cmpi slt, %bitcast3A_3009, %convert_element_type3A_430 : vector<16xi32>
      %select_n3A_3013 = arith.select %lt3A_3012, %broadcast_in_dim3A_147, %broadcast_in_dim3A_149 : vector<16xi1>, vector<16xf32>
      %mul3A_3014 = arith.constant 747796405 : i32
      %mul3A_3015 = vector.broadcast %mul3A_3014 : i32 to vector<16xi32>
      %mul3A_3016 = arith.muli %add3A_2807, %mul3A_3015 : vector<16xi32>
      %add3A_3017 = arith.constant -1403630843 : i32
      %add3A_3018 = vector.broadcast %add3A_3017 : i32 to vector<16xi32>
      %add3A_3019 = arith.addi %mul3A_3016, %add3A_3018 : vector<16xi32>
      %shift_right_logical3A_3020 = arith.constant 16 : i32
      %shift_right_logical3A_3021 = vector.broadcast %shift_right_logical3A_3020 : i32 to vector<16xi32>
      %shift_right_logical3A_3022 = arith.shrui %add3A_3019, %shift_right_logical3A_3021 : vector<16xi32>
      %bitcast3A_3023 = vector.bitcast %shift_right_logical3A_3022 : vector<16xi32> to vector<16xi32>
      %and3A_3024 = arith.constant 65535 : i32
      %and3A_3025 = vector.broadcast %and3A_3024 : i32 to vector<16xi32>
      %and3A_3026 = arith.andi %add3A_3019, %and3A_3025 : vector<16xi32>
      %bitcast3A_3027 = vector.bitcast %and3A_3026 : vector<16xi32> to vector<16xi32>
      %lt3A_3028 = arith.cmpi slt, %bitcast3A_3023, %convert_element_type3A_406 : vector<16xi32>
      %select_n3A_3029 = arith.select %lt3A_3028, %broadcast_in_dim3A_147, %broadcast_in_dim3A_149 : vector<16xi1>, vector<16xf32>
      %lt3A_3030 = arith.cmpi slt, %bitcast3A_3027, %convert_element_type3A_438 : vector<16xi32>
      %select_n3A_3031 = arith.select %lt3A_3030, %broadcast_in_dim3A_147, %broadcast_in_dim3A_149 : vector<16xi1>, vector<16xf32>
      %mul3A_3032 = arith.constant 747796405 : i32
      %mul3A_3033 = vector.broadcast %mul3A_3032 : i32 to vector<16xi32>
      %mul3A_3034 = arith.muli %add3A_2825, %mul3A_3033 : vector<16xi32>
      %add3A_3035 = arith.constant -1403630843 : i32
      %add3A_3036 = vector.broadcast %add3A_3035 : i32 to vector<16xi32>
      %add3A_3037 = arith.addi %mul3A_3034, %add3A_3036 : vector<16xi32>
      %shift_right_logical3A_3038 = arith.constant 16 : i32
      %shift_right_logical3A_3039 = vector.broadcast %shift_right_logical3A_3038 : i32 to vector<16xi32>
      %shift_right_logical3A_3040 = arith.shrui %add3A_3037, %shift_right_logical3A_3039 : vector<16xi32>
      %bitcast3A_3041 = vector.bitcast %shift_right_logical3A_3040 : vector<16xi32> to vector<16xi32>
      %and3A_3042 = arith.constant 65535 : i32
      %and3A_3043 = vector.broadcast %and3A_3042 : i32 to vector<16xi32>
      %and3A_3044 = arith.andi %add3A_3037, %and3A_3043 : vector<16xi32>
      %bitcast3A_3045 = vector.bitcast %and3A_3044 : vector<16xi32> to vector<16xi32>
      %lt3A_3046 = arith.cmpi slt, %bitcast3A_3041, %convert_element_type3A_414 : vector<16xi32>
      %select_n3A_3047 = arith.select %lt3A_3046, %broadcast_in_dim3A_147, %broadcast_in_dim3A_149 : vector<16xi1>, vector<16xf32>
      %lt3A_3048 = arith.cmpi slt, %bitcast3A_3045, %convert_element_type3A_446 : vector<16xi32>
      %select_n3A_3049 = arith.select %lt3A_3048, %broadcast_in_dim3A_147, %broadcast_in_dim3A_149 : vector<16xi1>, vector<16xf32>
      %mul3A_3050 = arith.constant 747796405 : i32
      %mul3A_3051 = vector.broadcast %mul3A_3050 : i32 to vector<16xi32>
      %mul3A_3052 = arith.muli %add3A_2843, %mul3A_3051 : vector<16xi32>
      %add3A_3053 = arith.constant -1403630843 : i32
      %add3A_3054 = vector.broadcast %add3A_3053 : i32 to vector<16xi32>
      %add3A_3055 = arith.addi %mul3A_3052, %add3A_3054 : vector<16xi32>
      %shift_right_logical3A_3056 = arith.constant 16 : i32
      %shift_right_logical3A_3057 = vector.broadcast %shift_right_logical3A_3056 : i32 to vector<16xi32>
      %shift_right_logical3A_3058 = arith.shrui %add3A_3055, %shift_right_logical3A_3057 : vector<16xi32>
      %bitcast3A_3059 = vector.bitcast %shift_right_logical3A_3058 : vector<16xi32> to vector<16xi32>
      %and3A_3060 = arith.constant 65535 : i32
      %and3A_3061 = vector.broadcast %and3A_3060 : i32 to vector<16xi32>
      %and3A_3062 = arith.andi %add3A_3055, %and3A_3061 : vector<16xi32>
      %bitcast3A_3063 = vector.bitcast %and3A_3062 : vector<16xi32> to vector<16xi32>
      %lt3A_3064 = arith.cmpi slt, %bitcast3A_3059, %convert_element_type3A_422 : vector<16xi32>
      %select_n3A_3065 = arith.select %lt3A_3064, %broadcast_in_dim3A_147, %broadcast_in_dim3A_149 : vector<16xi1>, vector<16xf32>
      %lt3A_3066 = arith.cmpi slt, %bitcast3A_3063, %convert_element_type3A_454 : vector<16xi32>
      %select_n3A_3067 = arith.select %lt3A_3066, %broadcast_in_dim3A_147, %broadcast_in_dim3A_149 : vector<16xi1>, vector<16xf32>
      %sub3A_3068 = arith.subf %select_n3A_3011, %select_n3A_3065 : vector<16xf32>
      %sub3A_3069 = arith.subf %sub3A_3068, %select_n3A_2866 : vector<16xf32>
      %mul3A_3070 = arith.constant 1.000000e-01 : f32
      %mul3A_3071 = vector.broadcast %mul3A_3070 : f32 to vector<16xf32>
      %mul3A_3072 = arith.mulf %sub3A_3069, %mul3A_3071 : vector<16xf32>
      %add3A_3073 = arith.addf %select_n3A_2866, %mul3A_3072 : vector<16xf32>
      %ge3A_3074 = arith.constant 1.000000e+00 : f32
      %ge3A_3075 = vector.broadcast %ge3A_3074 : f32 to vector<16xf32>
      %ge3A_3076 = arith.cmpf oge, %add3A_3073, %ge3A_3075 : vector<16xf32>
      %select_n3A_3077 = arith.select %ge3A_3076, %broadcast_in_dim3A_147, %broadcast_in_dim3A_149 : vector<16xi1>, vector<16xf32>
      %select_n3A_3078 = arith.select %ge3A_3076, %broadcast_in_dim3A_149, %add3A_3073 : vector<16xi1>, vector<16xf32>
      %sub3A_3079 = arith.subf %select_n3A_3029, %select_n3A_3013 : vector<16xf32>
      %sub3A_3080 = arith.subf %sub3A_3079, %select_n3A_2877 : vector<16xf32>
      %mul3A_3081 = arith.constant 1.000000e-01 : f32
      %mul3A_3082 = vector.broadcast %mul3A_3081 : f32 to vector<16xf32>
      %mul3A_3083 = arith.mulf %sub3A_3080, %mul3A_3082 : vector<16xf32>
      %add3A_3084 = arith.addf %select_n3A_2877, %mul3A_3083 : vector<16xf32>
      %ge3A_3085 = arith.constant 1.000000e+00 : f32
      %ge3A_3086 = vector.broadcast %ge3A_3085 : f32 to vector<16xf32>
      %ge3A_3087 = arith.cmpf oge, %add3A_3084, %ge3A_3086 : vector<16xf32>
      %select_n3A_3088 = arith.select %ge3A_3087, %broadcast_in_dim3A_147, %broadcast_in_dim3A_149 : vector<16xi1>, vector<16xf32>
      %select_n3A_3089 = arith.select %ge3A_3087, %broadcast_in_dim3A_149, %add3A_3084 : vector<16xi1>, vector<16xf32>
      %sub3A_3090 = arith.subf %select_n3A_3047, %select_n3A_3031 : vector<16xf32>
      %sub3A_3091 = arith.subf %sub3A_3090, %select_n3A_2888 : vector<16xf32>
      %mul3A_3092 = arith.constant 1.000000e-01 : f32
      %mul3A_3093 = vector.broadcast %mul3A_3092 : f32 to vector<16xf32>
      %mul3A_3094 = arith.mulf %sub3A_3091, %mul3A_3093 : vector<16xf32>
      %add3A_3095 = arith.addf %select_n3A_2888, %mul3A_3094 : vector<16xf32>
      %ge3A_3096 = arith.constant 1.000000e+00 : f32
      %ge3A_3097 = vector.broadcast %ge3A_3096 : f32 to vector<16xf32>
      %ge3A_3098 = arith.cmpf oge, %add3A_3095, %ge3A_3097 : vector<16xf32>
      %select_n3A_3099 = arith.select %ge3A_3098, %broadcast_in_dim3A_147, %broadcast_in_dim3A_149 : vector<16xi1>, vector<16xf32>
      %select_n3A_3100 = arith.select %ge3A_3098, %broadcast_in_dim3A_149, %add3A_3095 : vector<16xi1>, vector<16xf32>
      %sub3A_3101 = arith.subf %select_n3A_3065, %select_n3A_3049 : vector<16xf32>
      %sub3A_3102 = arith.subf %sub3A_3101, %select_n3A_2899 : vector<16xf32>
      %mul3A_3103 = arith.constant 1.000000e-01 : f32
      %mul3A_3104 = vector.broadcast %mul3A_3103 : f32 to vector<16xf32>
      %mul3A_3105 = arith.mulf %sub3A_3102, %mul3A_3104 : vector<16xf32>
      %add3A_3106 = arith.addf %select_n3A_2899, %mul3A_3105 : vector<16xf32>
      %ge3A_3107 = arith.constant 1.000000e+00 : f32
      %ge3A_3108 = vector.broadcast %ge3A_3107 : f32 to vector<16xf32>
      %ge3A_3109 = arith.cmpf oge, %add3A_3106, %ge3A_3108 : vector<16xf32>
      %select_n3A_3110 = arith.select %ge3A_3109, %broadcast_in_dim3A_147, %broadcast_in_dim3A_149 : vector<16xi1>, vector<16xf32>
      %select_n3A_3111 = arith.select %ge3A_3109, %broadcast_in_dim3A_149, %add3A_3106 : vector<16xi1>, vector<16xf32>
      %sub3A_3112 = arith.subf %select_n3A_3013, %select_n3A_3067 : vector<16xf32>
      %sub3A_3113 = arith.subf %sub3A_3112, %select_n3A_2910 : vector<16xf32>
      %mul3A_3114 = arith.constant 1.000000e-01 : f32
      %mul3A_3115 = vector.broadcast %mul3A_3114 : f32 to vector<16xf32>
      %mul3A_3116 = arith.mulf %sub3A_3113, %mul3A_3115 : vector<16xf32>
      %add3A_3117 = arith.addf %select_n3A_2910, %mul3A_3116 : vector<16xf32>
      %ge3A_3118 = arith.constant 1.000000e+00 : f32
      %ge3A_3119 = vector.broadcast %ge3A_3118 : f32 to vector<16xf32>
      %ge3A_3120 = arith.cmpf oge, %add3A_3117, %ge3A_3119 : vector<16xf32>
      %select_n3A_3121 = arith.select %ge3A_3120, %broadcast_in_dim3A_147, %broadcast_in_dim3A_149 : vector<16xi1>, vector<16xf32>
      %select_n3A_3122 = arith.select %ge3A_3120, %broadcast_in_dim3A_149, %add3A_3117 : vector<16xi1>, vector<16xf32>
      %sub3A_3123 = arith.subf %select_n3A_3031, %select_n3A_3011 : vector<16xf32>
      %sub3A_3124 = arith.subf %sub3A_3123, %select_n3A_2921 : vector<16xf32>
      %mul3A_3125 = arith.constant 1.000000e-01 : f32
      %mul3A_3126 = vector.broadcast %mul3A_3125 : f32 to vector<16xf32>
      %mul3A_3127 = arith.mulf %sub3A_3124, %mul3A_3126 : vector<16xf32>
      %add3A_3128 = arith.addf %select_n3A_2921, %mul3A_3127 : vector<16xf32>
      %ge3A_3129 = arith.constant 1.000000e+00 : f32
      %ge3A_3130 = vector.broadcast %ge3A_3129 : f32 to vector<16xf32>
      %ge3A_3131 = arith.cmpf oge, %add3A_3128, %ge3A_3130 : vector<16xf32>
      %select_n3A_3132 = arith.select %ge3A_3131, %broadcast_in_dim3A_147, %broadcast_in_dim3A_149 : vector<16xi1>, vector<16xf32>
      %select_n3A_3133 = arith.select %ge3A_3131, %broadcast_in_dim3A_149, %add3A_3128 : vector<16xi1>, vector<16xf32>
      %sub3A_3134 = arith.subf %select_n3A_3049, %select_n3A_3029 : vector<16xf32>
      %sub3A_3135 = arith.subf %sub3A_3134, %select_n3A_2932 : vector<16xf32>
      %mul3A_3136 = arith.constant 1.000000e-01 : f32
      %mul3A_3137 = vector.broadcast %mul3A_3136 : f32 to vector<16xf32>
      %mul3A_3138 = arith.mulf %sub3A_3135, %mul3A_3137 : vector<16xf32>
      %add3A_3139 = arith.addf %select_n3A_2932, %mul3A_3138 : vector<16xf32>
      %ge3A_3140 = arith.constant 1.000000e+00 : f32
      %ge3A_3141 = vector.broadcast %ge3A_3140 : f32 to vector<16xf32>
      %ge3A_3142 = arith.cmpf oge, %add3A_3139, %ge3A_3141 : vector<16xf32>
      %select_n3A_3143 = arith.select %ge3A_3142, %broadcast_in_dim3A_147, %broadcast_in_dim3A_149 : vector<16xi1>, vector<16xf32>
      %select_n3A_3144 = arith.select %ge3A_3142, %broadcast_in_dim3A_149, %add3A_3139 : vector<16xi1>, vector<16xf32>
      %sub3A_3145 = arith.subf %select_n3A_3067, %select_n3A_3047 : vector<16xf32>
      %sub3A_3146 = arith.subf %sub3A_3145, %select_n3A_2943 : vector<16xf32>
      %mul3A_3147 = arith.constant 1.000000e-01 : f32
      %mul3A_3148 = vector.broadcast %mul3A_3147 : f32 to vector<16xf32>
      %mul3A_3149 = arith.mulf %sub3A_3146, %mul3A_3148 : vector<16xf32>
      %add3A_3150 = arith.addf %select_n3A_2943, %mul3A_3149 : vector<16xf32>
      %ge3A_3151 = arith.constant 1.000000e+00 : f32
      %ge3A_3152 = vector.broadcast %ge3A_3151 : f32 to vector<16xf32>
      %ge3A_3153 = arith.cmpf oge, %add3A_3150, %ge3A_3152 : vector<16xf32>
      %select_n3A_3154 = arith.select %ge3A_3153, %broadcast_in_dim3A_147, %broadcast_in_dim3A_149 : vector<16xi1>, vector<16xf32>
      %select_n3A_3155 = arith.select %ge3A_3153, %broadcast_in_dim3A_149, %add3A_3150 : vector<16xi1>, vector<16xf32>
      %add3A_3156 = arith.addf %select_n3A_3077, %select_n3A_3088 : vector<16xf32>
      %add3A_3157 = arith.addf %select_n3A_3099, %select_n3A_3110 : vector<16xf32>
      %add3A_3158 = arith.addf %select_n3A_3121, %select_n3A_3132 : vector<16xf32>
      %add3A_3159 = arith.addf %select_n3A_3143, %select_n3A_3154 : vector<16xf32>
      %sub3A_3160 = arith.subf %add3A_3156, %add3A_3158 : vector<16xf32>
      %sub3A_3161 = arith.subf %sub3A_3160, %select_n3A_2957 : vector<16xf32>
      %mul3A_3162 = arith.constant 1.000000e-01 : f32
      %mul3A_3163 = vector.broadcast %mul3A_3162 : f32 to vector<16xf32>
      %mul3A_3164 = arith.mulf %sub3A_3161, %mul3A_3163 : vector<16xf32>
      %add3A_3165 = arith.addf %select_n3A_2957, %mul3A_3164 : vector<16xf32>
      %ge3A_3166 = arith.constant 1.000000e+00 : f32
      %ge3A_3167 = vector.broadcast %ge3A_3166 : f32 to vector<16xf32>
      %ge3A_3168 = arith.cmpf oge, %add3A_3165, %ge3A_3167 : vector<16xf32>
      %select_n3A_3169 = arith.select %ge3A_3168, %broadcast_in_dim3A_149, %add3A_3165 : vector<16xi1>, vector<16xf32>
      %select_n3A_3170 = arith.select %ge3A_3168, %select_n3A_200, %broadcast_in_dim3A_149 : vector<16xi1>, vector<16xf32>
      %add3A_3171 = arith.addf %add3A_2959, %select_n3A_3170 : vector<16xf32>
      %sub3A_3172 = arith.subf %add3A_3157, %add3A_3159 : vector<16xf32>
      %sub3A_3173 = arith.subf %sub3A_3172, %select_n3A_2969 : vector<16xf32>
      %mul3A_3174 = arith.constant 1.000000e-01 : f32
      %mul3A_3175 = vector.broadcast %mul3A_3174 : f32 to vector<16xf32>
      %mul3A_3176 = arith.mulf %sub3A_3173, %mul3A_3175 : vector<16xf32>
      %add3A_3177 = arith.addf %select_n3A_2969, %mul3A_3176 : vector<16xf32>
      %ge3A_3178 = arith.constant 1.000000e+00 : f32
      %ge3A_3179 = vector.broadcast %ge3A_3178 : f32 to vector<16xf32>
      %ge3A_3180 = arith.cmpf oge, %add3A_3177, %ge3A_3179 : vector<16xf32>
      %select_n3A_3181 = arith.select %ge3A_3180, %broadcast_in_dim3A_149, %add3A_3177 : vector<16xi1>, vector<16xf32>
      %select_n3A_3182 = arith.select %ge3A_3180, %select_n3A_200, %broadcast_in_dim3A_149 : vector<16xi1>, vector<16xf32>
      %add3A_3183 = arith.addf %add3A_2971, %select_n3A_3182 : vector<16xf32>
      %sub3A_3184 = arith.subf %add3A_3158, %add3A_3156 : vector<16xf32>
      %sub3A_3185 = arith.subf %sub3A_3184, %select_n3A_2981 : vector<16xf32>
      %mul3A_3186 = arith.constant 1.000000e-01 : f32
      %mul3A_3187 = vector.broadcast %mul3A_3186 : f32 to vector<16xf32>
      %mul3A_3188 = arith.mulf %sub3A_3185, %mul3A_3187 : vector<16xf32>
      %add3A_3189 = arith.addf %select_n3A_2981, %mul3A_3188 : vector<16xf32>
      %ge3A_3190 = arith.constant 1.000000e+00 : f32
      %ge3A_3191 = vector.broadcast %ge3A_3190 : f32 to vector<16xf32>
      %ge3A_3192 = arith.cmpf oge, %add3A_3189, %ge3A_3191 : vector<16xf32>
      %select_n3A_3193 = arith.select %ge3A_3192, %broadcast_in_dim3A_149, %add3A_3189 : vector<16xi1>, vector<16xf32>
      %select_n3A_3194 = arith.select %ge3A_3192, %select_n3A_200, %broadcast_in_dim3A_149 : vector<16xi1>, vector<16xf32>
      %add3A_3195 = arith.addf %add3A_2983, %select_n3A_3194 : vector<16xf32>
      %sub3A_3196 = arith.subf %add3A_3159, %add3A_3157 : vector<16xf32>
      %sub3A_3197 = arith.subf %sub3A_3196, %select_n3A_2993 : vector<16xf32>
      %mul3A_3198 = arith.constant 1.000000e-01 : f32
      %mul3A_3199 = vector.broadcast %mul3A_3198 : f32 to vector<16xf32>
      %mul3A_3200 = arith.mulf %sub3A_3197, %mul3A_3199 : vector<16xf32>
      %add3A_3201 = arith.addf %select_n3A_2993, %mul3A_3200 : vector<16xf32>
      %ge3A_3202 = arith.constant 1.000000e+00 : f32
      %ge3A_3203 = vector.broadcast %ge3A_3202 : f32 to vector<16xf32>
      %ge3A_3204 = arith.cmpf oge, %add3A_3201, %ge3A_3203 : vector<16xf32>
      %select_n3A_3205 = arith.select %ge3A_3204, %broadcast_in_dim3A_149, %add3A_3201 : vector<16xi1>, vector<16xf32>
      %select_n3A_3206 = arith.select %ge3A_3204, %select_n3A_200, %broadcast_in_dim3A_149 : vector<16xi1>, vector<16xf32>
      %add3A_3207 = arith.addf %add3A_2995, %select_n3A_3206 : vector<16xf32>
      %mul3A_3208 = arith.constant 747796405 : i32
      %mul3A_3209 = vector.broadcast %mul3A_3208 : i32 to vector<16xi32>
      %mul3A_3210 = arith.muli %add3A_3001, %mul3A_3209 : vector<16xi32>
      %add3A_3211 = arith.constant -1403630843 : i32
      %add3A_3212 = vector.broadcast %add3A_3211 : i32 to vector<16xi32>
      %add3A_3213 = arith.addi %mul3A_3210, %add3A_3212 : vector<16xi32>
      %shift_right_logical3A_3214 = arith.constant 16 : i32
      %shift_right_logical3A_3215 = vector.broadcast %shift_right_logical3A_3214 : i32 to vector<16xi32>
      %shift_right_logical3A_3216 = arith.shrui %add3A_3213, %shift_right_logical3A_3215 : vector<16xi32>
      %bitcast3A_3217 = vector.bitcast %shift_right_logical3A_3216 : vector<16xi32> to vector<16xi32>
      %and3A_3218 = arith.constant 65535 : i32
      %and3A_3219 = vector.broadcast %and3A_3218 : i32 to vector<16xi32>
      %and3A_3220 = arith.andi %add3A_3213, %and3A_3219 : vector<16xi32>
      %bitcast3A_3221 = vector.bitcast %and3A_3220 : vector<16xi32> to vector<16xi32>
      %lt3A_3222 = arith.cmpi slt, %bitcast3A_3217, %convert_element_type3A : vector<16xi32>
      %select_n3A_3223 = arith.select %lt3A_3222, %broadcast_in_dim3A_147, %broadcast_in_dim3A_149 : vector<16xi1>, vector<16xf32>
      %lt3A_3224 = arith.cmpi slt, %bitcast3A_3221, %convert_element_type3A_430 : vector<16xi32>
      %select_n3A_3225 = arith.select %lt3A_3224, %broadcast_in_dim3A_147, %broadcast_in_dim3A_149 : vector<16xi1>, vector<16xf32>
      %mul3A_3226 = arith.constant 747796405 : i32
      %mul3A_3227 = vector.broadcast %mul3A_3226 : i32 to vector<16xi32>
      %mul3A_3228 = arith.muli %add3A_3019, %mul3A_3227 : vector<16xi32>
      %add3A_3229 = arith.constant -1403630843 : i32
      %add3A_3230 = vector.broadcast %add3A_3229 : i32 to vector<16xi32>
      %add3A_3231 = arith.addi %mul3A_3228, %add3A_3230 : vector<16xi32>
      %shift_right_logical3A_3232 = arith.constant 16 : i32
      %shift_right_logical3A_3233 = vector.broadcast %shift_right_logical3A_3232 : i32 to vector<16xi32>
      %shift_right_logical3A_3234 = arith.shrui %add3A_3231, %shift_right_logical3A_3233 : vector<16xi32>
      %bitcast3A_3235 = vector.bitcast %shift_right_logical3A_3234 : vector<16xi32> to vector<16xi32>
      %and3A_3236 = arith.constant 65535 : i32
      %and3A_3237 = vector.broadcast %and3A_3236 : i32 to vector<16xi32>
      %and3A_3238 = arith.andi %add3A_3231, %and3A_3237 : vector<16xi32>
      %bitcast3A_3239 = vector.bitcast %and3A_3238 : vector<16xi32> to vector<16xi32>
      %lt3A_3240 = arith.cmpi slt, %bitcast3A_3235, %convert_element_type3A_406 : vector<16xi32>
      %select_n3A_3241 = arith.select %lt3A_3240, %broadcast_in_dim3A_147, %broadcast_in_dim3A_149 : vector<16xi1>, vector<16xf32>
      %lt3A_3242 = arith.cmpi slt, %bitcast3A_3239, %convert_element_type3A_438 : vector<16xi32>
      %select_n3A_3243 = arith.select %lt3A_3242, %broadcast_in_dim3A_147, %broadcast_in_dim3A_149 : vector<16xi1>, vector<16xf32>
      %mul3A_3244 = arith.constant 747796405 : i32
      %mul3A_3245 = vector.broadcast %mul3A_3244 : i32 to vector<16xi32>
      %mul3A_3246 = arith.muli %add3A_3037, %mul3A_3245 : vector<16xi32>
      %add3A_3247 = arith.constant -1403630843 : i32
      %add3A_3248 = vector.broadcast %add3A_3247 : i32 to vector<16xi32>
      %add3A_3249 = arith.addi %mul3A_3246, %add3A_3248 : vector<16xi32>
      %shift_right_logical3A_3250 = arith.constant 16 : i32
      %shift_right_logical3A_3251 = vector.broadcast %shift_right_logical3A_3250 : i32 to vector<16xi32>
      %shift_right_logical3A_3252 = arith.shrui %add3A_3249, %shift_right_logical3A_3251 : vector<16xi32>
      %bitcast3A_3253 = vector.bitcast %shift_right_logical3A_3252 : vector<16xi32> to vector<16xi32>
      %and3A_3254 = arith.constant 65535 : i32
      %and3A_3255 = vector.broadcast %and3A_3254 : i32 to vector<16xi32>
      %and3A_3256 = arith.andi %add3A_3249, %and3A_3255 : vector<16xi32>
      %bitcast3A_3257 = vector.bitcast %and3A_3256 : vector<16xi32> to vector<16xi32>
      %lt3A_3258 = arith.cmpi slt, %bitcast3A_3253, %convert_element_type3A_414 : vector<16xi32>
      %select_n3A_3259 = arith.select %lt3A_3258, %broadcast_in_dim3A_147, %broadcast_in_dim3A_149 : vector<16xi1>, vector<16xf32>
      %lt3A_3260 = arith.cmpi slt, %bitcast3A_3257, %convert_element_type3A_446 : vector<16xi32>
      %select_n3A_3261 = arith.select %lt3A_3260, %broadcast_in_dim3A_147, %broadcast_in_dim3A_149 : vector<16xi1>, vector<16xf32>
      %mul3A_3262 = arith.constant 747796405 : i32
      %mul3A_3263 = vector.broadcast %mul3A_3262 : i32 to vector<16xi32>
      %mul3A_3264 = arith.muli %add3A_3055, %mul3A_3263 : vector<16xi32>
      %add3A_3265 = arith.constant -1403630843 : i32
      %add3A_3266 = vector.broadcast %add3A_3265 : i32 to vector<16xi32>
      %add3A_3267 = arith.addi %mul3A_3264, %add3A_3266 : vector<16xi32>
      %shift_right_logical3A_3268 = arith.constant 16 : i32
      %shift_right_logical3A_3269 = vector.broadcast %shift_right_logical3A_3268 : i32 to vector<16xi32>
      %shift_right_logical3A_3270 = arith.shrui %add3A_3267, %shift_right_logical3A_3269 : vector<16xi32>
      %bitcast3A_3271 = vector.bitcast %shift_right_logical3A_3270 : vector<16xi32> to vector<16xi32>
      %and3A_3272 = arith.constant 65535 : i32
      %and3A_3273 = vector.broadcast %and3A_3272 : i32 to vector<16xi32>
      %and3A_3274 = arith.andi %add3A_3267, %and3A_3273 : vector<16xi32>
      %bitcast3A_3275 = vector.bitcast %and3A_3274 : vector<16xi32> to vector<16xi32>
      %lt3A_3276 = arith.cmpi slt, %bitcast3A_3271, %convert_element_type3A_422 : vector<16xi32>
      %select_n3A_3277 = arith.select %lt3A_3276, %broadcast_in_dim3A_147, %broadcast_in_dim3A_149 : vector<16xi1>, vector<16xf32>
      %lt3A_3278 = arith.cmpi slt, %bitcast3A_3275, %convert_element_type3A_454 : vector<16xi32>
      %select_n3A_3279 = arith.select %lt3A_3278, %broadcast_in_dim3A_147, %broadcast_in_dim3A_149 : vector<16xi1>, vector<16xf32>
      %sub3A_3280 = arith.subf %select_n3A_3223, %select_n3A_3277 : vector<16xf32>
      %sub3A_3281 = arith.subf %sub3A_3280, %select_n3A_3078 : vector<16xf32>
      %mul3A_3282 = arith.constant 1.000000e-01 : f32
      %mul3A_3283 = vector.broadcast %mul3A_3282 : f32 to vector<16xf32>
      %mul3A_3284 = arith.mulf %sub3A_3281, %mul3A_3283 : vector<16xf32>
      %add3A_3285 = arith.addf %select_n3A_3078, %mul3A_3284 : vector<16xf32>
      %ge3A_3286 = arith.constant 1.000000e+00 : f32
      %ge3A_3287 = vector.broadcast %ge3A_3286 : f32 to vector<16xf32>
      %ge3A_3288 = arith.cmpf oge, %add3A_3285, %ge3A_3287 : vector<16xf32>
      %select_n3A_3289 = arith.select %ge3A_3288, %broadcast_in_dim3A_147, %broadcast_in_dim3A_149 : vector<16xi1>, vector<16xf32>
      %select_n3A_3290 = arith.select %ge3A_3288, %broadcast_in_dim3A_149, %add3A_3285 : vector<16xi1>, vector<16xf32>
      %sub3A_3291 = arith.subf %select_n3A_3241, %select_n3A_3225 : vector<16xf32>
      %sub3A_3292 = arith.subf %sub3A_3291, %select_n3A_3089 : vector<16xf32>
      %mul3A_3293 = arith.constant 1.000000e-01 : f32
      %mul3A_3294 = vector.broadcast %mul3A_3293 : f32 to vector<16xf32>
      %mul3A_3295 = arith.mulf %sub3A_3292, %mul3A_3294 : vector<16xf32>
      %add3A_3296 = arith.addf %select_n3A_3089, %mul3A_3295 : vector<16xf32>
      %ge3A_3297 = arith.constant 1.000000e+00 : f32
      %ge3A_3298 = vector.broadcast %ge3A_3297 : f32 to vector<16xf32>
      %ge3A_3299 = arith.cmpf oge, %add3A_3296, %ge3A_3298 : vector<16xf32>
      %select_n3A_3300 = arith.select %ge3A_3299, %broadcast_in_dim3A_147, %broadcast_in_dim3A_149 : vector<16xi1>, vector<16xf32>
      %select_n3A_3301 = arith.select %ge3A_3299, %broadcast_in_dim3A_149, %add3A_3296 : vector<16xi1>, vector<16xf32>
      %sub3A_3302 = arith.subf %select_n3A_3259, %select_n3A_3243 : vector<16xf32>
      %sub3A_3303 = arith.subf %sub3A_3302, %select_n3A_3100 : vector<16xf32>
      %mul3A_3304 = arith.constant 1.000000e-01 : f32
      %mul3A_3305 = vector.broadcast %mul3A_3304 : f32 to vector<16xf32>
      %mul3A_3306 = arith.mulf %sub3A_3303, %mul3A_3305 : vector<16xf32>
      %add3A_3307 = arith.addf %select_n3A_3100, %mul3A_3306 : vector<16xf32>
      %ge3A_3308 = arith.constant 1.000000e+00 : f32
      %ge3A_3309 = vector.broadcast %ge3A_3308 : f32 to vector<16xf32>
      %ge3A_3310 = arith.cmpf oge, %add3A_3307, %ge3A_3309 : vector<16xf32>
      %select_n3A_3311 = arith.select %ge3A_3310, %broadcast_in_dim3A_147, %broadcast_in_dim3A_149 : vector<16xi1>, vector<16xf32>
      %select_n3A_3312 = arith.select %ge3A_3310, %broadcast_in_dim3A_149, %add3A_3307 : vector<16xi1>, vector<16xf32>
      %sub3A_3313 = arith.subf %select_n3A_3277, %select_n3A_3261 : vector<16xf32>
      %sub3A_3314 = arith.subf %sub3A_3313, %select_n3A_3111 : vector<16xf32>
      %mul3A_3315 = arith.constant 1.000000e-01 : f32
      %mul3A_3316 = vector.broadcast %mul3A_3315 : f32 to vector<16xf32>
      %mul3A_3317 = arith.mulf %sub3A_3314, %mul3A_3316 : vector<16xf32>
      %add3A_3318 = arith.addf %select_n3A_3111, %mul3A_3317 : vector<16xf32>
      %ge3A_3319 = arith.constant 1.000000e+00 : f32
      %ge3A_3320 = vector.broadcast %ge3A_3319 : f32 to vector<16xf32>
      %ge3A_3321 = arith.cmpf oge, %add3A_3318, %ge3A_3320 : vector<16xf32>
      %select_n3A_3322 = arith.select %ge3A_3321, %broadcast_in_dim3A_147, %broadcast_in_dim3A_149 : vector<16xi1>, vector<16xf32>
      %select_n3A_3323 = arith.select %ge3A_3321, %broadcast_in_dim3A_149, %add3A_3318 : vector<16xi1>, vector<16xf32>
      %sub3A_3324 = arith.subf %select_n3A_3225, %select_n3A_3279 : vector<16xf32>
      %sub3A_3325 = arith.subf %sub3A_3324, %select_n3A_3122 : vector<16xf32>
      %mul3A_3326 = arith.constant 1.000000e-01 : f32
      %mul3A_3327 = vector.broadcast %mul3A_3326 : f32 to vector<16xf32>
      %mul3A_3328 = arith.mulf %sub3A_3325, %mul3A_3327 : vector<16xf32>
      %add3A_3329 = arith.addf %select_n3A_3122, %mul3A_3328 : vector<16xf32>
      %ge3A_3330 = arith.constant 1.000000e+00 : f32
      %ge3A_3331 = vector.broadcast %ge3A_3330 : f32 to vector<16xf32>
      %ge3A_3332 = arith.cmpf oge, %add3A_3329, %ge3A_3331 : vector<16xf32>
      %select_n3A_3333 = arith.select %ge3A_3332, %broadcast_in_dim3A_147, %broadcast_in_dim3A_149 : vector<16xi1>, vector<16xf32>
      %select_n3A_3334 = arith.select %ge3A_3332, %broadcast_in_dim3A_149, %add3A_3329 : vector<16xi1>, vector<16xf32>
      %sub3A_3335 = arith.subf %select_n3A_3243, %select_n3A_3223 : vector<16xf32>
      %sub3A_3336 = arith.subf %sub3A_3335, %select_n3A_3133 : vector<16xf32>
      %mul3A_3337 = arith.constant 1.000000e-01 : f32
      %mul3A_3338 = vector.broadcast %mul3A_3337 : f32 to vector<16xf32>
      %mul3A_3339 = arith.mulf %sub3A_3336, %mul3A_3338 : vector<16xf32>
      %add3A_3340 = arith.addf %select_n3A_3133, %mul3A_3339 : vector<16xf32>
      %ge3A_3341 = arith.constant 1.000000e+00 : f32
      %ge3A_3342 = vector.broadcast %ge3A_3341 : f32 to vector<16xf32>
      %ge3A_3343 = arith.cmpf oge, %add3A_3340, %ge3A_3342 : vector<16xf32>
      %select_n3A_3344 = arith.select %ge3A_3343, %broadcast_in_dim3A_147, %broadcast_in_dim3A_149 : vector<16xi1>, vector<16xf32>
      %select_n3A_3345 = arith.select %ge3A_3343, %broadcast_in_dim3A_149, %add3A_3340 : vector<16xi1>, vector<16xf32>
      %sub3A_3346 = arith.subf %select_n3A_3261, %select_n3A_3241 : vector<16xf32>
      %sub3A_3347 = arith.subf %sub3A_3346, %select_n3A_3144 : vector<16xf32>
      %mul3A_3348 = arith.constant 1.000000e-01 : f32
      %mul3A_3349 = vector.broadcast %mul3A_3348 : f32 to vector<16xf32>
      %mul3A_3350 = arith.mulf %sub3A_3347, %mul3A_3349 : vector<16xf32>
      %add3A_3351 = arith.addf %select_n3A_3144, %mul3A_3350 : vector<16xf32>
      %ge3A_3352 = arith.constant 1.000000e+00 : f32
      %ge3A_3353 = vector.broadcast %ge3A_3352 : f32 to vector<16xf32>
      %ge3A_3354 = arith.cmpf oge, %add3A_3351, %ge3A_3353 : vector<16xf32>
      %select_n3A_3355 = arith.select %ge3A_3354, %broadcast_in_dim3A_147, %broadcast_in_dim3A_149 : vector<16xi1>, vector<16xf32>
      %select_n3A_3356 = arith.select %ge3A_3354, %broadcast_in_dim3A_149, %add3A_3351 : vector<16xi1>, vector<16xf32>
      %sub3A_3357 = arith.subf %select_n3A_3279, %select_n3A_3259 : vector<16xf32>
      %sub3A_3358 = arith.subf %sub3A_3357, %select_n3A_3155 : vector<16xf32>
      %mul3A_3359 = arith.constant 1.000000e-01 : f32
      %mul3A_3360 = vector.broadcast %mul3A_3359 : f32 to vector<16xf32>
      %mul3A_3361 = arith.mulf %sub3A_3358, %mul3A_3360 : vector<16xf32>
      %add3A_3362 = arith.addf %select_n3A_3155, %mul3A_3361 : vector<16xf32>
      %ge3A_3363 = arith.constant 1.000000e+00 : f32
      %ge3A_3364 = vector.broadcast %ge3A_3363 : f32 to vector<16xf32>
      %ge3A_3365 = arith.cmpf oge, %add3A_3362, %ge3A_3364 : vector<16xf32>
      %select_n3A_3366 = arith.select %ge3A_3365, %broadcast_in_dim3A_147, %broadcast_in_dim3A_149 : vector<16xi1>, vector<16xf32>
      %select_n3A_3367 = arith.select %ge3A_3365, %broadcast_in_dim3A_149, %add3A_3362 : vector<16xi1>, vector<16xf32>
      %add3A_3368 = arith.addf %select_n3A_3289, %select_n3A_3300 : vector<16xf32>
      %add3A_3369 = arith.addf %select_n3A_3311, %select_n3A_3322 : vector<16xf32>
      %add3A_3370 = arith.addf %select_n3A_3333, %select_n3A_3344 : vector<16xf32>
      %add3A_3371 = arith.addf %select_n3A_3355, %select_n3A_3366 : vector<16xf32>
      %sub3A_3372 = arith.subf %add3A_3368, %add3A_3370 : vector<16xf32>
      %sub3A_3373 = arith.subf %sub3A_3372, %select_n3A_3169 : vector<16xf32>
      %mul3A_3374 = arith.constant 1.000000e-01 : f32
      %mul3A_3375 = vector.broadcast %mul3A_3374 : f32 to vector<16xf32>
      %mul3A_3376 = arith.mulf %sub3A_3373, %mul3A_3375 : vector<16xf32>
      %add3A_3377 = arith.addf %select_n3A_3169, %mul3A_3376 : vector<16xf32>
      %ge3A_3378 = arith.constant 1.000000e+00 : f32
      %ge3A_3379 = vector.broadcast %ge3A_3378 : f32 to vector<16xf32>
      %ge3A_3380 = arith.cmpf oge, %add3A_3377, %ge3A_3379 : vector<16xf32>
      %select_n3A_3381 = arith.select %ge3A_3380, %broadcast_in_dim3A_149, %add3A_3377 : vector<16xi1>, vector<16xf32>
      %select_n3A_3382 = arith.select %ge3A_3380, %select_n3A_204, %broadcast_in_dim3A_149 : vector<16xi1>, vector<16xf32>
      %add3A_3383 = arith.addf %add3A_3171, %select_n3A_3382 : vector<16xf32>
      %sub3A_3384 = arith.subf %add3A_3369, %add3A_3371 : vector<16xf32>
      %sub3A_3385 = arith.subf %sub3A_3384, %select_n3A_3181 : vector<16xf32>
      %mul3A_3386 = arith.constant 1.000000e-01 : f32
      %mul3A_3387 = vector.broadcast %mul3A_3386 : f32 to vector<16xf32>
      %mul3A_3388 = arith.mulf %sub3A_3385, %mul3A_3387 : vector<16xf32>
      %add3A_3389 = arith.addf %select_n3A_3181, %mul3A_3388 : vector<16xf32>
      %ge3A_3390 = arith.constant 1.000000e+00 : f32
      %ge3A_3391 = vector.broadcast %ge3A_3390 : f32 to vector<16xf32>
      %ge3A_3392 = arith.cmpf oge, %add3A_3389, %ge3A_3391 : vector<16xf32>
      %select_n3A_3393 = arith.select %ge3A_3392, %broadcast_in_dim3A_149, %add3A_3389 : vector<16xi1>, vector<16xf32>
      %select_n3A_3394 = arith.select %ge3A_3392, %select_n3A_204, %broadcast_in_dim3A_149 : vector<16xi1>, vector<16xf32>
      %add3A_3395 = arith.addf %add3A_3183, %select_n3A_3394 : vector<16xf32>
      %sub3A_3396 = arith.subf %add3A_3370, %add3A_3368 : vector<16xf32>
      %sub3A_3397 = arith.subf %sub3A_3396, %select_n3A_3193 : vector<16xf32>
      %mul3A_3398 = arith.constant 1.000000e-01 : f32
      %mul3A_3399 = vector.broadcast %mul3A_3398 : f32 to vector<16xf32>
      %mul3A_3400 = arith.mulf %sub3A_3397, %mul3A_3399 : vector<16xf32>
      %add3A_3401 = arith.addf %select_n3A_3193, %mul3A_3400 : vector<16xf32>
      %ge3A_3402 = arith.constant 1.000000e+00 : f32
      %ge3A_3403 = vector.broadcast %ge3A_3402 : f32 to vector<16xf32>
      %ge3A_3404 = arith.cmpf oge, %add3A_3401, %ge3A_3403 : vector<16xf32>
      %select_n3A_3405 = arith.select %ge3A_3404, %broadcast_in_dim3A_149, %add3A_3401 : vector<16xi1>, vector<16xf32>
      %select_n3A_3406 = arith.select %ge3A_3404, %select_n3A_204, %broadcast_in_dim3A_149 : vector<16xi1>, vector<16xf32>
      %add3A_3407 = arith.addf %add3A_3195, %select_n3A_3406 : vector<16xf32>
      %sub3A_3408 = arith.subf %add3A_3371, %add3A_3369 : vector<16xf32>
      %sub3A_3409 = arith.subf %sub3A_3408, %select_n3A_3205 : vector<16xf32>
      %mul3A_3410 = arith.constant 1.000000e-01 : f32
      %mul3A_3411 = vector.broadcast %mul3A_3410 : f32 to vector<16xf32>
      %mul3A_3412 = arith.mulf %sub3A_3409, %mul3A_3411 : vector<16xf32>
      %add3A_3413 = arith.addf %select_n3A_3205, %mul3A_3412 : vector<16xf32>
      %ge3A_3414 = arith.constant 1.000000e+00 : f32
      %ge3A_3415 = vector.broadcast %ge3A_3414 : f32 to vector<16xf32>
      %ge3A_3416 = arith.cmpf oge, %add3A_3413, %ge3A_3415 : vector<16xf32>
      %select_n3A_3417 = arith.select %ge3A_3416, %broadcast_in_dim3A_149, %add3A_3413 : vector<16xi1>, vector<16xf32>
      %select_n3A_3418 = arith.select %ge3A_3416, %select_n3A_204, %broadcast_in_dim3A_149 : vector<16xi1>, vector<16xf32>
      %add3A_3419 = arith.addf %add3A_3207, %select_n3A_3418 : vector<16xf32>
      %mul3A_3420 = arith.constant 747796405 : i32
      %mul3A_3421 = vector.broadcast %mul3A_3420 : i32 to vector<16xi32>
      %mul3A_3422 = arith.muli %add3A_3213, %mul3A_3421 : vector<16xi32>
      %add3A_3423 = arith.constant -1403630843 : i32
      %add3A_3424 = vector.broadcast %add3A_3423 : i32 to vector<16xi32>
      %add3A_3425 = arith.addi %mul3A_3422, %add3A_3424 : vector<16xi32>
      %shift_right_logical3A_3426 = arith.constant 16 : i32
      %shift_right_logical3A_3427 = vector.broadcast %shift_right_logical3A_3426 : i32 to vector<16xi32>
      %shift_right_logical3A_3428 = arith.shrui %add3A_3425, %shift_right_logical3A_3427 : vector<16xi32>
      %bitcast3A_3429 = vector.bitcast %shift_right_logical3A_3428 : vector<16xi32> to vector<16xi32>
      %and3A_3430 = arith.constant 65535 : i32
      %and3A_3431 = vector.broadcast %and3A_3430 : i32 to vector<16xi32>
      %and3A_3432 = arith.andi %add3A_3425, %and3A_3431 : vector<16xi32>
      %bitcast3A_3433 = vector.bitcast %and3A_3432 : vector<16xi32> to vector<16xi32>
      %lt3A_3434 = arith.cmpi slt, %bitcast3A_3429, %convert_element_type3A : vector<16xi32>
      %select_n3A_3435 = arith.select %lt3A_3434, %broadcast_in_dim3A_147, %broadcast_in_dim3A_149 : vector<16xi1>, vector<16xf32>
      %lt3A_3436 = arith.cmpi slt, %bitcast3A_3433, %convert_element_type3A_430 : vector<16xi32>
      %select_n3A_3437 = arith.select %lt3A_3436, %broadcast_in_dim3A_147, %broadcast_in_dim3A_149 : vector<16xi1>, vector<16xf32>
      %mul3A_3438 = arith.constant 747796405 : i32
      %mul3A_3439 = vector.broadcast %mul3A_3438 : i32 to vector<16xi32>
      %mul3A_3440 = arith.muli %add3A_3231, %mul3A_3439 : vector<16xi32>
      %add3A_3441 = arith.constant -1403630843 : i32
      %add3A_3442 = vector.broadcast %add3A_3441 : i32 to vector<16xi32>
      %add3A_3443 = arith.addi %mul3A_3440, %add3A_3442 : vector<16xi32>
      %shift_right_logical3A_3444 = arith.constant 16 : i32
      %shift_right_logical3A_3445 = vector.broadcast %shift_right_logical3A_3444 : i32 to vector<16xi32>
      %shift_right_logical3A_3446 = arith.shrui %add3A_3443, %shift_right_logical3A_3445 : vector<16xi32>
      %bitcast3A_3447 = vector.bitcast %shift_right_logical3A_3446 : vector<16xi32> to vector<16xi32>
      %and3A_3448 = arith.constant 65535 : i32
      %and3A_3449 = vector.broadcast %and3A_3448 : i32 to vector<16xi32>
      %and3A_3450 = arith.andi %add3A_3443, %and3A_3449 : vector<16xi32>
      %bitcast3A_3451 = vector.bitcast %and3A_3450 : vector<16xi32> to vector<16xi32>
      %lt3A_3452 = arith.cmpi slt, %bitcast3A_3447, %convert_element_type3A_406 : vector<16xi32>
      %select_n3A_3453 = arith.select %lt3A_3452, %broadcast_in_dim3A_147, %broadcast_in_dim3A_149 : vector<16xi1>, vector<16xf32>
      %lt3A_3454 = arith.cmpi slt, %bitcast3A_3451, %convert_element_type3A_438 : vector<16xi32>
      %select_n3A_3455 = arith.select %lt3A_3454, %broadcast_in_dim3A_147, %broadcast_in_dim3A_149 : vector<16xi1>, vector<16xf32>
      %mul3A_3456 = arith.constant 747796405 : i32
      %mul3A_3457 = vector.broadcast %mul3A_3456 : i32 to vector<16xi32>
      %mul3A_3458 = arith.muli %add3A_3249, %mul3A_3457 : vector<16xi32>
      %add3A_3459 = arith.constant -1403630843 : i32
      %add3A_3460 = vector.broadcast %add3A_3459 : i32 to vector<16xi32>
      %add3A_3461 = arith.addi %mul3A_3458, %add3A_3460 : vector<16xi32>
      %shift_right_logical3A_3462 = arith.constant 16 : i32
      %shift_right_logical3A_3463 = vector.broadcast %shift_right_logical3A_3462 : i32 to vector<16xi32>
      %shift_right_logical3A_3464 = arith.shrui %add3A_3461, %shift_right_logical3A_3463 : vector<16xi32>
      %bitcast3A_3465 = vector.bitcast %shift_right_logical3A_3464 : vector<16xi32> to vector<16xi32>
      %and3A_3466 = arith.constant 65535 : i32
      %and3A_3467 = vector.broadcast %and3A_3466 : i32 to vector<16xi32>
      %and3A_3468 = arith.andi %add3A_3461, %and3A_3467 : vector<16xi32>
      %bitcast3A_3469 = vector.bitcast %and3A_3468 : vector<16xi32> to vector<16xi32>
      %lt3A_3470 = arith.cmpi slt, %bitcast3A_3465, %convert_element_type3A_414 : vector<16xi32>
      %select_n3A_3471 = arith.select %lt3A_3470, %broadcast_in_dim3A_147, %broadcast_in_dim3A_149 : vector<16xi1>, vector<16xf32>
      %lt3A_3472 = arith.cmpi slt, %bitcast3A_3469, %convert_element_type3A_446 : vector<16xi32>
      %select_n3A_3473 = arith.select %lt3A_3472, %broadcast_in_dim3A_147, %broadcast_in_dim3A_149 : vector<16xi1>, vector<16xf32>
      %mul3A_3474 = arith.constant 747796405 : i32
      %mul3A_3475 = vector.broadcast %mul3A_3474 : i32 to vector<16xi32>
      %mul3A_3476 = arith.muli %add3A_3267, %mul3A_3475 : vector<16xi32>
      %add3A_3477 = arith.constant -1403630843 : i32
      %add3A_3478 = vector.broadcast %add3A_3477 : i32 to vector<16xi32>
      %add3A_3479 = arith.addi %mul3A_3476, %add3A_3478 : vector<16xi32>
      %shift_right_logical3A_3480 = arith.constant 16 : i32
      %shift_right_logical3A_3481 = vector.broadcast %shift_right_logical3A_3480 : i32 to vector<16xi32>
      %shift_right_logical3A_3482 = arith.shrui %add3A_3479, %shift_right_logical3A_3481 : vector<16xi32>
      %bitcast3A_3483 = vector.bitcast %shift_right_logical3A_3482 : vector<16xi32> to vector<16xi32>
      %and3A_3484 = arith.constant 65535 : i32
      %and3A_3485 = vector.broadcast %and3A_3484 : i32 to vector<16xi32>
      %and3A_3486 = arith.andi %add3A_3479, %and3A_3485 : vector<16xi32>
      %bitcast3A_3487 = vector.bitcast %and3A_3486 : vector<16xi32> to vector<16xi32>
      %lt3A_3488 = arith.cmpi slt, %bitcast3A_3483, %convert_element_type3A_422 : vector<16xi32>
      %select_n3A_3489 = arith.select %lt3A_3488, %broadcast_in_dim3A_147, %broadcast_in_dim3A_149 : vector<16xi1>, vector<16xf32>
      %lt3A_3490 = arith.cmpi slt, %bitcast3A_3487, %convert_element_type3A_454 : vector<16xi32>
      %select_n3A_3491 = arith.select %lt3A_3490, %broadcast_in_dim3A_147, %broadcast_in_dim3A_149 : vector<16xi1>, vector<16xf32>
      %sub3A_3492 = arith.subf %select_n3A_3435, %select_n3A_3489 : vector<16xf32>
      %sub3A_3493 = arith.subf %sub3A_3492, %select_n3A_3290 : vector<16xf32>
      %mul3A_3494 = arith.constant 1.000000e-01 : f32
      %mul3A_3495 = vector.broadcast %mul3A_3494 : f32 to vector<16xf32>
      %mul3A_3496 = arith.mulf %sub3A_3493, %mul3A_3495 : vector<16xf32>
      %add3A_3497 = arith.addf %select_n3A_3290, %mul3A_3496 : vector<16xf32>
      %ge3A_3498 = arith.constant 1.000000e+00 : f32
      %ge3A_3499 = vector.broadcast %ge3A_3498 : f32 to vector<16xf32>
      %ge3A_3500 = arith.cmpf oge, %add3A_3497, %ge3A_3499 : vector<16xf32>
      %select_n3A_3501 = arith.select %ge3A_3500, %broadcast_in_dim3A_147, %broadcast_in_dim3A_149 : vector<16xi1>, vector<16xf32>
      %select_n3A_3502 = arith.select %ge3A_3500, %broadcast_in_dim3A_149, %add3A_3497 : vector<16xi1>, vector<16xf32>
      %sub3A_3503 = arith.subf %select_n3A_3453, %select_n3A_3437 : vector<16xf32>
      %sub3A_3504 = arith.subf %sub3A_3503, %select_n3A_3301 : vector<16xf32>
      %mul3A_3505 = arith.constant 1.000000e-01 : f32
      %mul3A_3506 = vector.broadcast %mul3A_3505 : f32 to vector<16xf32>
      %mul3A_3507 = arith.mulf %sub3A_3504, %mul3A_3506 : vector<16xf32>
      %add3A_3508 = arith.addf %select_n3A_3301, %mul3A_3507 : vector<16xf32>
      %ge3A_3509 = arith.constant 1.000000e+00 : f32
      %ge3A_3510 = vector.broadcast %ge3A_3509 : f32 to vector<16xf32>
      %ge3A_3511 = arith.cmpf oge, %add3A_3508, %ge3A_3510 : vector<16xf32>
      %select_n3A_3512 = arith.select %ge3A_3511, %broadcast_in_dim3A_147, %broadcast_in_dim3A_149 : vector<16xi1>, vector<16xf32>
      %select_n3A_3513 = arith.select %ge3A_3511, %broadcast_in_dim3A_149, %add3A_3508 : vector<16xi1>, vector<16xf32>
      %sub3A_3514 = arith.subf %select_n3A_3471, %select_n3A_3455 : vector<16xf32>
      %sub3A_3515 = arith.subf %sub3A_3514, %select_n3A_3312 : vector<16xf32>
      %mul3A_3516 = arith.constant 1.000000e-01 : f32
      %mul3A_3517 = vector.broadcast %mul3A_3516 : f32 to vector<16xf32>
      %mul3A_3518 = arith.mulf %sub3A_3515, %mul3A_3517 : vector<16xf32>
      %add3A_3519 = arith.addf %select_n3A_3312, %mul3A_3518 : vector<16xf32>
      %ge3A_3520 = arith.constant 1.000000e+00 : f32
      %ge3A_3521 = vector.broadcast %ge3A_3520 : f32 to vector<16xf32>
      %ge3A_3522 = arith.cmpf oge, %add3A_3519, %ge3A_3521 : vector<16xf32>
      %select_n3A_3523 = arith.select %ge3A_3522, %broadcast_in_dim3A_147, %broadcast_in_dim3A_149 : vector<16xi1>, vector<16xf32>
      %select_n3A_3524 = arith.select %ge3A_3522, %broadcast_in_dim3A_149, %add3A_3519 : vector<16xi1>, vector<16xf32>
      %sub3A_3525 = arith.subf %select_n3A_3489, %select_n3A_3473 : vector<16xf32>
      %sub3A_3526 = arith.subf %sub3A_3525, %select_n3A_3323 : vector<16xf32>
      %mul3A_3527 = arith.constant 1.000000e-01 : f32
      %mul3A_3528 = vector.broadcast %mul3A_3527 : f32 to vector<16xf32>
      %mul3A_3529 = arith.mulf %sub3A_3526, %mul3A_3528 : vector<16xf32>
      %add3A_3530 = arith.addf %select_n3A_3323, %mul3A_3529 : vector<16xf32>
      %ge3A_3531 = arith.constant 1.000000e+00 : f32
      %ge3A_3532 = vector.broadcast %ge3A_3531 : f32 to vector<16xf32>
      %ge3A_3533 = arith.cmpf oge, %add3A_3530, %ge3A_3532 : vector<16xf32>
      %select_n3A_3534 = arith.select %ge3A_3533, %broadcast_in_dim3A_147, %broadcast_in_dim3A_149 : vector<16xi1>, vector<16xf32>
      %select_n3A_3535 = arith.select %ge3A_3533, %broadcast_in_dim3A_149, %add3A_3530 : vector<16xi1>, vector<16xf32>
      %sub3A_3536 = arith.subf %select_n3A_3437, %select_n3A_3491 : vector<16xf32>
      %sub3A_3537 = arith.subf %sub3A_3536, %select_n3A_3334 : vector<16xf32>
      %mul3A_3538 = arith.constant 1.000000e-01 : f32
      %mul3A_3539 = vector.broadcast %mul3A_3538 : f32 to vector<16xf32>
      %mul3A_3540 = arith.mulf %sub3A_3537, %mul3A_3539 : vector<16xf32>
      %add3A_3541 = arith.addf %select_n3A_3334, %mul3A_3540 : vector<16xf32>
      %ge3A_3542 = arith.constant 1.000000e+00 : f32
      %ge3A_3543 = vector.broadcast %ge3A_3542 : f32 to vector<16xf32>
      %ge3A_3544 = arith.cmpf oge, %add3A_3541, %ge3A_3543 : vector<16xf32>
      %select_n3A_3545 = arith.select %ge3A_3544, %broadcast_in_dim3A_147, %broadcast_in_dim3A_149 : vector<16xi1>, vector<16xf32>
      %select_n3A_3546 = arith.select %ge3A_3544, %broadcast_in_dim3A_149, %add3A_3541 : vector<16xi1>, vector<16xf32>
      %sub3A_3547 = arith.subf %select_n3A_3455, %select_n3A_3435 : vector<16xf32>
      %sub3A_3548 = arith.subf %sub3A_3547, %select_n3A_3345 : vector<16xf32>
      %mul3A_3549 = arith.constant 1.000000e-01 : f32
      %mul3A_3550 = vector.broadcast %mul3A_3549 : f32 to vector<16xf32>
      %mul3A_3551 = arith.mulf %sub3A_3548, %mul3A_3550 : vector<16xf32>
      %add3A_3552 = arith.addf %select_n3A_3345, %mul3A_3551 : vector<16xf32>
      %ge3A_3553 = arith.constant 1.000000e+00 : f32
      %ge3A_3554 = vector.broadcast %ge3A_3553 : f32 to vector<16xf32>
      %ge3A_3555 = arith.cmpf oge, %add3A_3552, %ge3A_3554 : vector<16xf32>
      %select_n3A_3556 = arith.select %ge3A_3555, %broadcast_in_dim3A_147, %broadcast_in_dim3A_149 : vector<16xi1>, vector<16xf32>
      %select_n3A_3557 = arith.select %ge3A_3555, %broadcast_in_dim3A_149, %add3A_3552 : vector<16xi1>, vector<16xf32>
      %sub3A_3558 = arith.subf %select_n3A_3473, %select_n3A_3453 : vector<16xf32>
      %sub3A_3559 = arith.subf %sub3A_3558, %select_n3A_3356 : vector<16xf32>
      %mul3A_3560 = arith.constant 1.000000e-01 : f32
      %mul3A_3561 = vector.broadcast %mul3A_3560 : f32 to vector<16xf32>
      %mul3A_3562 = arith.mulf %sub3A_3559, %mul3A_3561 : vector<16xf32>
      %add3A_3563 = arith.addf %select_n3A_3356, %mul3A_3562 : vector<16xf32>
      %ge3A_3564 = arith.constant 1.000000e+00 : f32
      %ge3A_3565 = vector.broadcast %ge3A_3564 : f32 to vector<16xf32>
      %ge3A_3566 = arith.cmpf oge, %add3A_3563, %ge3A_3565 : vector<16xf32>
      %select_n3A_3567 = arith.select %ge3A_3566, %broadcast_in_dim3A_147, %broadcast_in_dim3A_149 : vector<16xi1>, vector<16xf32>
      %select_n3A_3568 = arith.select %ge3A_3566, %broadcast_in_dim3A_149, %add3A_3563 : vector<16xi1>, vector<16xf32>
      %sub3A_3569 = arith.subf %select_n3A_3491, %select_n3A_3471 : vector<16xf32>
      %sub3A_3570 = arith.subf %sub3A_3569, %select_n3A_3367 : vector<16xf32>
      %mul3A_3571 = arith.constant 1.000000e-01 : f32
      %mul3A_3572 = vector.broadcast %mul3A_3571 : f32 to vector<16xf32>
      %mul3A_3573 = arith.mulf %sub3A_3570, %mul3A_3572 : vector<16xf32>
      %add3A_3574 = arith.addf %select_n3A_3367, %mul3A_3573 : vector<16xf32>
      %ge3A_3575 = arith.constant 1.000000e+00 : f32
      %ge3A_3576 = vector.broadcast %ge3A_3575 : f32 to vector<16xf32>
      %ge3A_3577 = arith.cmpf oge, %add3A_3574, %ge3A_3576 : vector<16xf32>
      %select_n3A_3578 = arith.select %ge3A_3577, %broadcast_in_dim3A_147, %broadcast_in_dim3A_149 : vector<16xi1>, vector<16xf32>
      %select_n3A_3579 = arith.select %ge3A_3577, %broadcast_in_dim3A_149, %add3A_3574 : vector<16xi1>, vector<16xf32>
      %add3A_3580 = arith.addf %select_n3A_3501, %select_n3A_3512 : vector<16xf32>
      %add3A_3581 = arith.addf %select_n3A_3523, %select_n3A_3534 : vector<16xf32>
      %add3A_3582 = arith.addf %select_n3A_3545, %select_n3A_3556 : vector<16xf32>
      %add3A_3583 = arith.addf %select_n3A_3567, %select_n3A_3578 : vector<16xf32>
      %sub3A_3584 = arith.subf %add3A_3580, %add3A_3582 : vector<16xf32>
      %sub3A_3585 = arith.subf %sub3A_3584, %select_n3A_3381 : vector<16xf32>
      %mul3A_3586 = arith.constant 1.000000e-01 : f32
      %mul3A_3587 = vector.broadcast %mul3A_3586 : f32 to vector<16xf32>
      %mul3A_3588 = arith.mulf %sub3A_3585, %mul3A_3587 : vector<16xf32>
      %add3A_3589 = arith.addf %select_n3A_3381, %mul3A_3588 : vector<16xf32>
      %ge3A_3590 = arith.constant 1.000000e+00 : f32
      %ge3A_3591 = vector.broadcast %ge3A_3590 : f32 to vector<16xf32>
      %ge3A_3592 = arith.cmpf oge, %add3A_3589, %ge3A_3591 : vector<16xf32>
      %select_n3A_3593 = arith.select %ge3A_3592, %broadcast_in_dim3A_149, %add3A_3589 : vector<16xi1>, vector<16xf32>
      %select_n3A_3594 = arith.select %ge3A_3592, %select_n3A_208, %broadcast_in_dim3A_149 : vector<16xi1>, vector<16xf32>
      %add3A_3595 = arith.addf %add3A_3383, %select_n3A_3594 : vector<16xf32>
      %sub3A_3596 = arith.subf %add3A_3581, %add3A_3583 : vector<16xf32>
      %sub3A_3597 = arith.subf %sub3A_3596, %select_n3A_3393 : vector<16xf32>
      %mul3A_3598 = arith.constant 1.000000e-01 : f32
      %mul3A_3599 = vector.broadcast %mul3A_3598 : f32 to vector<16xf32>
      %mul3A_3600 = arith.mulf %sub3A_3597, %mul3A_3599 : vector<16xf32>
      %add3A_3601 = arith.addf %select_n3A_3393, %mul3A_3600 : vector<16xf32>
      %ge3A_3602 = arith.constant 1.000000e+00 : f32
      %ge3A_3603 = vector.broadcast %ge3A_3602 : f32 to vector<16xf32>
      %ge3A_3604 = arith.cmpf oge, %add3A_3601, %ge3A_3603 : vector<16xf32>
      %select_n3A_3605 = arith.select %ge3A_3604, %broadcast_in_dim3A_149, %add3A_3601 : vector<16xi1>, vector<16xf32>
      %select_n3A_3606 = arith.select %ge3A_3604, %select_n3A_208, %broadcast_in_dim3A_149 : vector<16xi1>, vector<16xf32>
      %add3A_3607 = arith.addf %add3A_3395, %select_n3A_3606 : vector<16xf32>
      %sub3A_3608 = arith.subf %add3A_3582, %add3A_3580 : vector<16xf32>
      %sub3A_3609 = arith.subf %sub3A_3608, %select_n3A_3405 : vector<16xf32>
      %mul3A_3610 = arith.constant 1.000000e-01 : f32
      %mul3A_3611 = vector.broadcast %mul3A_3610 : f32 to vector<16xf32>
      %mul3A_3612 = arith.mulf %sub3A_3609, %mul3A_3611 : vector<16xf32>
      %add3A_3613 = arith.addf %select_n3A_3405, %mul3A_3612 : vector<16xf32>
      %ge3A_3614 = arith.constant 1.000000e+00 : f32
      %ge3A_3615 = vector.broadcast %ge3A_3614 : f32 to vector<16xf32>
      %ge3A_3616 = arith.cmpf oge, %add3A_3613, %ge3A_3615 : vector<16xf32>
      %select_n3A_3617 = arith.select %ge3A_3616, %broadcast_in_dim3A_149, %add3A_3613 : vector<16xi1>, vector<16xf32>
      %select_n3A_3618 = arith.select %ge3A_3616, %select_n3A_208, %broadcast_in_dim3A_149 : vector<16xi1>, vector<16xf32>
      %add3A_3619 = arith.addf %add3A_3407, %select_n3A_3618 : vector<16xf32>
      %sub3A_3620 = arith.subf %add3A_3583, %add3A_3581 : vector<16xf32>
      %sub3A_3621 = arith.subf %sub3A_3620, %select_n3A_3417 : vector<16xf32>
      %mul3A_3622 = arith.constant 1.000000e-01 : f32
      %mul3A_3623 = vector.broadcast %mul3A_3622 : f32 to vector<16xf32>
      %mul3A_3624 = arith.mulf %sub3A_3621, %mul3A_3623 : vector<16xf32>
      %add3A_3625 = arith.addf %select_n3A_3417, %mul3A_3624 : vector<16xf32>
      %ge3A_3626 = arith.constant 1.000000e+00 : f32
      %ge3A_3627 = vector.broadcast %ge3A_3626 : f32 to vector<16xf32>
      %ge3A_3628 = arith.cmpf oge, %add3A_3625, %ge3A_3627 : vector<16xf32>
      %select_n3A_3629 = arith.select %ge3A_3628, %broadcast_in_dim3A_149, %add3A_3625 : vector<16xi1>, vector<16xf32>
      %select_n3A_3630 = arith.select %ge3A_3628, %select_n3A_208, %broadcast_in_dim3A_149 : vector<16xi1>, vector<16xf32>
      %add3A_3631 = arith.addf %add3A_3419, %select_n3A_3630 : vector<16xf32>
      %mul3A_3632 = arith.constant 747796405 : i32
      %mul3A_3633 = vector.broadcast %mul3A_3632 : i32 to vector<16xi32>
      %mul3A_3634 = arith.muli %add3A_3425, %mul3A_3633 : vector<16xi32>
      %add3A_3635 = arith.constant -1403630843 : i32
      %add3A_3636 = vector.broadcast %add3A_3635 : i32 to vector<16xi32>
      %add3A_3637 = arith.addi %mul3A_3634, %add3A_3636 : vector<16xi32>
      %shift_right_logical3A_3638 = arith.constant 16 : i32
      %shift_right_logical3A_3639 = vector.broadcast %shift_right_logical3A_3638 : i32 to vector<16xi32>
      %shift_right_logical3A_3640 = arith.shrui %add3A_3637, %shift_right_logical3A_3639 : vector<16xi32>
      %bitcast3A_3641 = vector.bitcast %shift_right_logical3A_3640 : vector<16xi32> to vector<16xi32>
      %and3A_3642 = arith.constant 65535 : i32
      %and3A_3643 = vector.broadcast %and3A_3642 : i32 to vector<16xi32>
      %and3A_3644 = arith.andi %add3A_3637, %and3A_3643 : vector<16xi32>
      %bitcast3A_3645 = vector.bitcast %and3A_3644 : vector<16xi32> to vector<16xi32>
      %lt3A_3646 = arith.cmpi slt, %bitcast3A_3641, %convert_element_type3A : vector<16xi32>
      %select_n3A_3647 = arith.select %lt3A_3646, %broadcast_in_dim3A_147, %broadcast_in_dim3A_149 : vector<16xi1>, vector<16xf32>
      %lt3A_3648 = arith.cmpi slt, %bitcast3A_3645, %convert_element_type3A_430 : vector<16xi32>
      %select_n3A_3649 = arith.select %lt3A_3648, %broadcast_in_dim3A_147, %broadcast_in_dim3A_149 : vector<16xi1>, vector<16xf32>
      %mul3A_3650 = arith.constant 747796405 : i32
      %mul3A_3651 = vector.broadcast %mul3A_3650 : i32 to vector<16xi32>
      %mul3A_3652 = arith.muli %add3A_3443, %mul3A_3651 : vector<16xi32>
      %add3A_3653 = arith.constant -1403630843 : i32
      %add3A_3654 = vector.broadcast %add3A_3653 : i32 to vector<16xi32>
      %add3A_3655 = arith.addi %mul3A_3652, %add3A_3654 : vector<16xi32>
      %shift_right_logical3A_3656 = arith.constant 16 : i32
      %shift_right_logical3A_3657 = vector.broadcast %shift_right_logical3A_3656 : i32 to vector<16xi32>
      %shift_right_logical3A_3658 = arith.shrui %add3A_3655, %shift_right_logical3A_3657 : vector<16xi32>
      %bitcast3A_3659 = vector.bitcast %shift_right_logical3A_3658 : vector<16xi32> to vector<16xi32>
      %and3A_3660 = arith.constant 65535 : i32
      %and3A_3661 = vector.broadcast %and3A_3660 : i32 to vector<16xi32>
      %and3A_3662 = arith.andi %add3A_3655, %and3A_3661 : vector<16xi32>
      %bitcast3A_3663 = vector.bitcast %and3A_3662 : vector<16xi32> to vector<16xi32>
      %lt3A_3664 = arith.cmpi slt, %bitcast3A_3659, %convert_element_type3A_406 : vector<16xi32>
      %select_n3A_3665 = arith.select %lt3A_3664, %broadcast_in_dim3A_147, %broadcast_in_dim3A_149 : vector<16xi1>, vector<16xf32>
      %lt3A_3666 = arith.cmpi slt, %bitcast3A_3663, %convert_element_type3A_438 : vector<16xi32>
      %select_n3A_3667 = arith.select %lt3A_3666, %broadcast_in_dim3A_147, %broadcast_in_dim3A_149 : vector<16xi1>, vector<16xf32>
      %mul3A_3668 = arith.constant 747796405 : i32
      %mul3A_3669 = vector.broadcast %mul3A_3668 : i32 to vector<16xi32>
      %mul3A_3670 = arith.muli %add3A_3461, %mul3A_3669 : vector<16xi32>
      %add3A_3671 = arith.constant -1403630843 : i32
      %add3A_3672 = vector.broadcast %add3A_3671 : i32 to vector<16xi32>
      %add3A_3673 = arith.addi %mul3A_3670, %add3A_3672 : vector<16xi32>
      %shift_right_logical3A_3674 = arith.constant 16 : i32
      %shift_right_logical3A_3675 = vector.broadcast %shift_right_logical3A_3674 : i32 to vector<16xi32>
      %shift_right_logical3A_3676 = arith.shrui %add3A_3673, %shift_right_logical3A_3675 : vector<16xi32>
      %bitcast3A_3677 = vector.bitcast %shift_right_logical3A_3676 : vector<16xi32> to vector<16xi32>
      %and3A_3678 = arith.constant 65535 : i32
      %and3A_3679 = vector.broadcast %and3A_3678 : i32 to vector<16xi32>
      %and3A_3680 = arith.andi %add3A_3673, %and3A_3679 : vector<16xi32>
      %bitcast3A_3681 = vector.bitcast %and3A_3680 : vector<16xi32> to vector<16xi32>
      %lt3A_3682 = arith.cmpi slt, %bitcast3A_3677, %convert_element_type3A_414 : vector<16xi32>
      %select_n3A_3683 = arith.select %lt3A_3682, %broadcast_in_dim3A_147, %broadcast_in_dim3A_149 : vector<16xi1>, vector<16xf32>
      %lt3A_3684 = arith.cmpi slt, %bitcast3A_3681, %convert_element_type3A_446 : vector<16xi32>
      %select_n3A_3685 = arith.select %lt3A_3684, %broadcast_in_dim3A_147, %broadcast_in_dim3A_149 : vector<16xi1>, vector<16xf32>
      %mul3A_3686 = arith.constant 747796405 : i32
      %mul3A_3687 = vector.broadcast %mul3A_3686 : i32 to vector<16xi32>
      %mul3A_3688 = arith.muli %add3A_3479, %mul3A_3687 : vector<16xi32>
      %add3A_3689 = arith.constant -1403630843 : i32
      %add3A_3690 = vector.broadcast %add3A_3689 : i32 to vector<16xi32>
      %add3A_3691 = arith.addi %mul3A_3688, %add3A_3690 : vector<16xi32>
      %shift_right_logical3A_3692 = arith.constant 16 : i32
      %shift_right_logical3A_3693 = vector.broadcast %shift_right_logical3A_3692 : i32 to vector<16xi32>
      %shift_right_logical3A_3694 = arith.shrui %add3A_3691, %shift_right_logical3A_3693 : vector<16xi32>
      %bitcast3A_3695 = vector.bitcast %shift_right_logical3A_3694 : vector<16xi32> to vector<16xi32>
      %and3A_3696 = arith.constant 65535 : i32
      %and3A_3697 = vector.broadcast %and3A_3696 : i32 to vector<16xi32>
      %and3A_3698 = arith.andi %add3A_3691, %and3A_3697 : vector<16xi32>
      %bitcast3A_3699 = vector.bitcast %and3A_3698 : vector<16xi32> to vector<16xi32>
      %lt3A_3700 = arith.cmpi slt, %bitcast3A_3695, %convert_element_type3A_422 : vector<16xi32>
      %select_n3A_3701 = arith.select %lt3A_3700, %broadcast_in_dim3A_147, %broadcast_in_dim3A_149 : vector<16xi1>, vector<16xf32>
      %lt3A_3702 = arith.cmpi slt, %bitcast3A_3699, %convert_element_type3A_454 : vector<16xi32>
      %select_n3A_3703 = arith.select %lt3A_3702, %broadcast_in_dim3A_147, %broadcast_in_dim3A_149 : vector<16xi1>, vector<16xf32>
      %sub3A_3704 = arith.subf %select_n3A_3647, %select_n3A_3701 : vector<16xf32>
      %sub3A_3705 = arith.subf %sub3A_3704, %select_n3A_3502 : vector<16xf32>
      %mul3A_3706 = arith.constant 1.000000e-01 : f32
      %mul3A_3707 = vector.broadcast %mul3A_3706 : f32 to vector<16xf32>
      %mul3A_3708 = arith.mulf %sub3A_3705, %mul3A_3707 : vector<16xf32>
      %add3A_3709 = arith.addf %select_n3A_3502, %mul3A_3708 : vector<16xf32>
      %ge3A_3710 = arith.constant 1.000000e+00 : f32
      %ge3A_3711 = vector.broadcast %ge3A_3710 : f32 to vector<16xf32>
      %ge3A_3712 = arith.cmpf oge, %add3A_3709, %ge3A_3711 : vector<16xf32>
      %select_n3A_3713 = arith.select %ge3A_3712, %broadcast_in_dim3A_147, %broadcast_in_dim3A_149 : vector<16xi1>, vector<16xf32>
      %select_n3A_3714 = arith.select %ge3A_3712, %broadcast_in_dim3A_149, %add3A_3709 : vector<16xi1>, vector<16xf32>
      %sub3A_3715 = arith.subf %select_n3A_3665, %select_n3A_3649 : vector<16xf32>
      %sub3A_3716 = arith.subf %sub3A_3715, %select_n3A_3513 : vector<16xf32>
      %mul3A_3717 = arith.constant 1.000000e-01 : f32
      %mul3A_3718 = vector.broadcast %mul3A_3717 : f32 to vector<16xf32>
      %mul3A_3719 = arith.mulf %sub3A_3716, %mul3A_3718 : vector<16xf32>
      %add3A_3720 = arith.addf %select_n3A_3513, %mul3A_3719 : vector<16xf32>
      %ge3A_3721 = arith.constant 1.000000e+00 : f32
      %ge3A_3722 = vector.broadcast %ge3A_3721 : f32 to vector<16xf32>
      %ge3A_3723 = arith.cmpf oge, %add3A_3720, %ge3A_3722 : vector<16xf32>
      %select_n3A_3724 = arith.select %ge3A_3723, %broadcast_in_dim3A_147, %broadcast_in_dim3A_149 : vector<16xi1>, vector<16xf32>
      %select_n3A_3725 = arith.select %ge3A_3723, %broadcast_in_dim3A_149, %add3A_3720 : vector<16xi1>, vector<16xf32>
      %sub3A_3726 = arith.subf %select_n3A_3683, %select_n3A_3667 : vector<16xf32>
      %sub3A_3727 = arith.subf %sub3A_3726, %select_n3A_3524 : vector<16xf32>
      %mul3A_3728 = arith.constant 1.000000e-01 : f32
      %mul3A_3729 = vector.broadcast %mul3A_3728 : f32 to vector<16xf32>
      %mul3A_3730 = arith.mulf %sub3A_3727, %mul3A_3729 : vector<16xf32>
      %add3A_3731 = arith.addf %select_n3A_3524, %mul3A_3730 : vector<16xf32>
      %ge3A_3732 = arith.constant 1.000000e+00 : f32
      %ge3A_3733 = vector.broadcast %ge3A_3732 : f32 to vector<16xf32>
      %ge3A_3734 = arith.cmpf oge, %add3A_3731, %ge3A_3733 : vector<16xf32>
      %select_n3A_3735 = arith.select %ge3A_3734, %broadcast_in_dim3A_147, %broadcast_in_dim3A_149 : vector<16xi1>, vector<16xf32>
      %select_n3A_3736 = arith.select %ge3A_3734, %broadcast_in_dim3A_149, %add3A_3731 : vector<16xi1>, vector<16xf32>
      %sub3A_3737 = arith.subf %select_n3A_3701, %select_n3A_3685 : vector<16xf32>
      %sub3A_3738 = arith.subf %sub3A_3737, %select_n3A_3535 : vector<16xf32>
      %mul3A_3739 = arith.constant 1.000000e-01 : f32
      %mul3A_3740 = vector.broadcast %mul3A_3739 : f32 to vector<16xf32>
      %mul3A_3741 = arith.mulf %sub3A_3738, %mul3A_3740 : vector<16xf32>
      %add3A_3742 = arith.addf %select_n3A_3535, %mul3A_3741 : vector<16xf32>
      %ge3A_3743 = arith.constant 1.000000e+00 : f32
      %ge3A_3744 = vector.broadcast %ge3A_3743 : f32 to vector<16xf32>
      %ge3A_3745 = arith.cmpf oge, %add3A_3742, %ge3A_3744 : vector<16xf32>
      %select_n3A_3746 = arith.select %ge3A_3745, %broadcast_in_dim3A_147, %broadcast_in_dim3A_149 : vector<16xi1>, vector<16xf32>
      %select_n3A_3747 = arith.select %ge3A_3745, %broadcast_in_dim3A_149, %add3A_3742 : vector<16xi1>, vector<16xf32>
      %sub3A_3748 = arith.subf %select_n3A_3649, %select_n3A_3703 : vector<16xf32>
      %sub3A_3749 = arith.subf %sub3A_3748, %select_n3A_3546 : vector<16xf32>
      %mul3A_3750 = arith.constant 1.000000e-01 : f32
      %mul3A_3751 = vector.broadcast %mul3A_3750 : f32 to vector<16xf32>
      %mul3A_3752 = arith.mulf %sub3A_3749, %mul3A_3751 : vector<16xf32>
      %add3A_3753 = arith.addf %select_n3A_3546, %mul3A_3752 : vector<16xf32>
      %ge3A_3754 = arith.constant 1.000000e+00 : f32
      %ge3A_3755 = vector.broadcast %ge3A_3754 : f32 to vector<16xf32>
      %ge3A_3756 = arith.cmpf oge, %add3A_3753, %ge3A_3755 : vector<16xf32>
      %select_n3A_3757 = arith.select %ge3A_3756, %broadcast_in_dim3A_147, %broadcast_in_dim3A_149 : vector<16xi1>, vector<16xf32>
      %select_n3A_3758 = arith.select %ge3A_3756, %broadcast_in_dim3A_149, %add3A_3753 : vector<16xi1>, vector<16xf32>
      %sub3A_3759 = arith.subf %select_n3A_3667, %select_n3A_3647 : vector<16xf32>
      %sub3A_3760 = arith.subf %sub3A_3759, %select_n3A_3557 : vector<16xf32>
      %mul3A_3761 = arith.constant 1.000000e-01 : f32
      %mul3A_3762 = vector.broadcast %mul3A_3761 : f32 to vector<16xf32>
      %mul3A_3763 = arith.mulf %sub3A_3760, %mul3A_3762 : vector<16xf32>
      %add3A_3764 = arith.addf %select_n3A_3557, %mul3A_3763 : vector<16xf32>
      %ge3A_3765 = arith.constant 1.000000e+00 : f32
      %ge3A_3766 = vector.broadcast %ge3A_3765 : f32 to vector<16xf32>
      %ge3A_3767 = arith.cmpf oge, %add3A_3764, %ge3A_3766 : vector<16xf32>
      %select_n3A_3768 = arith.select %ge3A_3767, %broadcast_in_dim3A_147, %broadcast_in_dim3A_149 : vector<16xi1>, vector<16xf32>
      %select_n3A_3769 = arith.select %ge3A_3767, %broadcast_in_dim3A_149, %add3A_3764 : vector<16xi1>, vector<16xf32>
      %sub3A_3770 = arith.subf %select_n3A_3685, %select_n3A_3665 : vector<16xf32>
      %sub3A_3771 = arith.subf %sub3A_3770, %select_n3A_3568 : vector<16xf32>
      %mul3A_3772 = arith.constant 1.000000e-01 : f32
      %mul3A_3773 = vector.broadcast %mul3A_3772 : f32 to vector<16xf32>
      %mul3A_3774 = arith.mulf %sub3A_3771, %mul3A_3773 : vector<16xf32>
      %add3A_3775 = arith.addf %select_n3A_3568, %mul3A_3774 : vector<16xf32>
      %ge3A_3776 = arith.constant 1.000000e+00 : f32
      %ge3A_3777 = vector.broadcast %ge3A_3776 : f32 to vector<16xf32>
      %ge3A_3778 = arith.cmpf oge, %add3A_3775, %ge3A_3777 : vector<16xf32>
      %select_n3A_3779 = arith.select %ge3A_3778, %broadcast_in_dim3A_147, %broadcast_in_dim3A_149 : vector<16xi1>, vector<16xf32>
      %select_n3A_3780 = arith.select %ge3A_3778, %broadcast_in_dim3A_149, %add3A_3775 : vector<16xi1>, vector<16xf32>
      %sub3A_3781 = arith.subf %select_n3A_3703, %select_n3A_3683 : vector<16xf32>
      %sub3A_3782 = arith.subf %sub3A_3781, %select_n3A_3579 : vector<16xf32>
      %mul3A_3783 = arith.constant 1.000000e-01 : f32
      %mul3A_3784 = vector.broadcast %mul3A_3783 : f32 to vector<16xf32>
      %mul3A_3785 = arith.mulf %sub3A_3782, %mul3A_3784 : vector<16xf32>
      %add3A_3786 = arith.addf %select_n3A_3579, %mul3A_3785 : vector<16xf32>
      %ge3A_3787 = arith.constant 1.000000e+00 : f32
      %ge3A_3788 = vector.broadcast %ge3A_3787 : f32 to vector<16xf32>
      %ge3A_3789 = arith.cmpf oge, %add3A_3786, %ge3A_3788 : vector<16xf32>
      %select_n3A_3790 = arith.select %ge3A_3789, %broadcast_in_dim3A_147, %broadcast_in_dim3A_149 : vector<16xi1>, vector<16xf32>
      %select_n3A_3791 = arith.select %ge3A_3789, %broadcast_in_dim3A_149, %add3A_3786 : vector<16xi1>, vector<16xf32>
      %add3A_3792 = arith.addf %select_n3A_3713, %select_n3A_3724 : vector<16xf32>
      %add3A_3793 = arith.addf %select_n3A_3735, %select_n3A_3746 : vector<16xf32>
      %add3A_3794 = arith.addf %select_n3A_3757, %select_n3A_3768 : vector<16xf32>
      %add3A_3795 = arith.addf %select_n3A_3779, %select_n3A_3790 : vector<16xf32>
      %sub3A_3796 = arith.subf %add3A_3792, %add3A_3794 : vector<16xf32>
      %sub3A_3797 = arith.subf %sub3A_3796, %select_n3A_3593 : vector<16xf32>
      %mul3A_3798 = arith.constant 1.000000e-01 : f32
      %mul3A_3799 = vector.broadcast %mul3A_3798 : f32 to vector<16xf32>
      %mul3A_3800 = arith.mulf %sub3A_3797, %mul3A_3799 : vector<16xf32>
      %add3A_3801 = arith.addf %select_n3A_3593, %mul3A_3800 : vector<16xf32>
      %ge3A_3802 = arith.constant 1.000000e+00 : f32
      %ge3A_3803 = vector.broadcast %ge3A_3802 : f32 to vector<16xf32>
      %ge3A_3804 = arith.cmpf oge, %add3A_3801, %ge3A_3803 : vector<16xf32>
      %select_n3A_3805 = arith.select %ge3A_3804, %broadcast_in_dim3A_149, %add3A_3801 : vector<16xi1>, vector<16xf32>
      %select_n3A_3806 = arith.select %ge3A_3804, %select_n3A_212, %broadcast_in_dim3A_149 : vector<16xi1>, vector<16xf32>
      %add3A_3807 = arith.addf %add3A_3595, %select_n3A_3806 : vector<16xf32>
      %sub3A_3808 = arith.subf %add3A_3793, %add3A_3795 : vector<16xf32>
      %sub3A_3809 = arith.subf %sub3A_3808, %select_n3A_3605 : vector<16xf32>
      %mul3A_3810 = arith.constant 1.000000e-01 : f32
      %mul3A_3811 = vector.broadcast %mul3A_3810 : f32 to vector<16xf32>
      %mul3A_3812 = arith.mulf %sub3A_3809, %mul3A_3811 : vector<16xf32>
      %add3A_3813 = arith.addf %select_n3A_3605, %mul3A_3812 : vector<16xf32>
      %ge3A_3814 = arith.constant 1.000000e+00 : f32
      %ge3A_3815 = vector.broadcast %ge3A_3814 : f32 to vector<16xf32>
      %ge3A_3816 = arith.cmpf oge, %add3A_3813, %ge3A_3815 : vector<16xf32>
      %select_n3A_3817 = arith.select %ge3A_3816, %broadcast_in_dim3A_149, %add3A_3813 : vector<16xi1>, vector<16xf32>
      %select_n3A_3818 = arith.select %ge3A_3816, %select_n3A_212, %broadcast_in_dim3A_149 : vector<16xi1>, vector<16xf32>
      %add3A_3819 = arith.addf %add3A_3607, %select_n3A_3818 : vector<16xf32>
      %sub3A_3820 = arith.subf %add3A_3794, %add3A_3792 : vector<16xf32>
      %sub3A_3821 = arith.subf %sub3A_3820, %select_n3A_3617 : vector<16xf32>
      %mul3A_3822 = arith.constant 1.000000e-01 : f32
      %mul3A_3823 = vector.broadcast %mul3A_3822 : f32 to vector<16xf32>
      %mul3A_3824 = arith.mulf %sub3A_3821, %mul3A_3823 : vector<16xf32>
      %add3A_3825 = arith.addf %select_n3A_3617, %mul3A_3824 : vector<16xf32>
      %ge3A_3826 = arith.constant 1.000000e+00 : f32
      %ge3A_3827 = vector.broadcast %ge3A_3826 : f32 to vector<16xf32>
      %ge3A_3828 = arith.cmpf oge, %add3A_3825, %ge3A_3827 : vector<16xf32>
      %select_n3A_3829 = arith.select %ge3A_3828, %broadcast_in_dim3A_149, %add3A_3825 : vector<16xi1>, vector<16xf32>
      %select_n3A_3830 = arith.select %ge3A_3828, %select_n3A_212, %broadcast_in_dim3A_149 : vector<16xi1>, vector<16xf32>
      %add3A_3831 = arith.addf %add3A_3619, %select_n3A_3830 : vector<16xf32>
      %sub3A_3832 = arith.subf %add3A_3795, %add3A_3793 : vector<16xf32>
      %sub3A_3833 = arith.subf %sub3A_3832, %select_n3A_3629 : vector<16xf32>
      %mul3A_3834 = arith.constant 1.000000e-01 : f32
      %mul3A_3835 = vector.broadcast %mul3A_3834 : f32 to vector<16xf32>
      %mul3A_3836 = arith.mulf %sub3A_3833, %mul3A_3835 : vector<16xf32>
      %add3A_3837 = arith.addf %select_n3A_3629, %mul3A_3836 : vector<16xf32>
      %ge3A_3838 = arith.constant 1.000000e+00 : f32
      %ge3A_3839 = vector.broadcast %ge3A_3838 : f32 to vector<16xf32>
      %ge3A_3840 = arith.cmpf oge, %add3A_3837, %ge3A_3839 : vector<16xf32>
      %select_n3A_3841 = arith.select %ge3A_3840, %broadcast_in_dim3A_149, %add3A_3837 : vector<16xi1>, vector<16xf32>
      %select_n3A_3842 = arith.select %ge3A_3840, %select_n3A_212, %broadcast_in_dim3A_149 : vector<16xi1>, vector<16xf32>
      %add3A_3843 = arith.addf %add3A_3631, %select_n3A_3842 : vector<16xf32>
      %add3A_3844 = arith.constant 0 : i32
      %add3A_3845 = arith.addi %add3A_3844, %mul3A_391 : i32
      %swap3A = arith.index_cast %add3A_3845 : i32 to index
      %swap3A_3846 = tpu.vector_load %arg6[%swap3A] {strides = array<i32>} : memref<512xf32, #tpu.memory_space<vmem>>, vector<16xf32>,
      tpu.vector_store %arg6[%swap3A], %add3A_3807 {strides = array<i32>} : memref<512xf32, #tpu.memory_space<vmem>>, vector<16xf32>,
      %add3A_3847 = arith.constant 128 : i32
      %add3A_3848 = arith.addi %add3A_3847, %mul3A_391 : i32
      %swap3A_3849 = arith.index_cast %add3A_3848 : i32 to index
      %swap3A_3850 = tpu.vector_load %arg6[%swap3A_3849] {strides = array<i32>} : memref<512xf32, #tpu.memory_space<vmem>>, vector<16xf32>,
      tpu.vector_store %arg6[%swap3A_3849], %add3A_3819 {strides = array<i32>} : memref<512xf32, #tpu.memory_space<vmem>>, vector<16xf32>,
      %add3A_3851 = arith.constant 256 : i32
      %add3A_3852 = arith.addi %add3A_3851, %mul3A_391 : i32
      %swap3A_3853 = arith.index_cast %add3A_3852 : i32 to index
      %swap3A_3854 = tpu.vector_load %arg6[%swap3A_3853] {strides = array<i32>} : memref<512xf32, #tpu.memory_space<vmem>>, vector<16xf32>,
      tpu.vector_store %arg6[%swap3A_3853], %add3A_3831 {strides = array<i32>} : memref<512xf32, #tpu.memory_space<vmem>>, vector<16xf32>,
      %add3A_3855 = arith.constant 384 : i32
      %add3A_3856 = arith.addi %add3A_3855, %mul3A_391 : i32
      %swap3A_3857 = arith.index_cast %add3A_3856 : i32 to index
      %swap3A_3858 = tpu.vector_load %arg6[%swap3A_3857] {strides = array<i32>} : memref<512xf32, #tpu.memory_space<vmem>>, vector<16xf32>,
      tpu.vector_store %arg6[%swap3A_3857], %add3A_3843 {strides = array<i32>} : memref<512xf32, #tpu.memory_space<vmem>>, vector<16xf32>,
      scf.yield %add3A_3637, %add3A_3655, %add3A_3673, %add3A_3691 : vector<16xi32>, vector<16xi32>, vector<16xi32>, vector<16xi32>
    }
    %scan3A_305 = arith.constant 8 : i32
    %sub3A = arith.constant 14336 : i32
    %sub3A_306 = arith.subi %add3A_4, %sub3A : i32
    %sub3A_307 = arith.constant 14336 : i32
    %sub3A_308 = arith.subi %add3A_4, %sub3A_307 : i32
    %sub3A_309 = arith.constant 14336 : i32
    %sub3A_310 = arith.subi %add3A_4, %sub3A_309 : i32
    %sub3A_311 = arith.constant 14336 : i32
    %sub3A_312 = arith.subi %add3A_4, %sub3A_311 : i32
    %dma_start3A_313 = arith.constant 0 : i32
    %dma_start3A_314 = arith.constant 0 : i32
    %dma_start3A_315 = tpu.memref_slice %arg6[%dma_start3A_314] : memref<512xf32, #tpu.memory_space<vmem>> -> memref<128xf32, #tpu.memory_space<vmem>>
    %dma_start3A_316 = tpu.memref_slice %arg4[%dma_start3A_313, %sub3A_306] : memref<4x2048xf32, #tpu.memory_space<hbm>> -> memref<1x128xf32, #tpu.memory_space<hbm>>
    %dma_start3A_317 = tpu.memref_squeeze %dma_start3A_316 : memref<1x128xf32, #tpu.memory_space<hbm>> -> memref<128xf32, #tpu.memory_space<hbm>>
    %dma_start3A_318 = tpu.memref_slice %arg4[%dma_start3A_313, %sub3A_306] : memref<4x2048xf32, #tpu.memory_space<hbm>> -> memref<1x128xf32, #tpu.memory_space<hbm>>
    %dma_start3A_319 = tpu.memref_squeeze %dma_start3A_318 : memref<1x128xf32, #tpu.memory_space<hbm>> -> memref<128xf32, #tpu.memory_space<hbm>>
    %dma_start3A_320 = arith.constant 0 : i32
    %dma_start3A_321 = tpu.memref_slice %arg6[%dma_start3A_320] : memref<512xf32, #tpu.memory_space<vmem>> -> memref<128xf32, #tpu.memory_space<vmem>>
    tpu.enqueue_dma source(%dma_start3A_321 : memref<128xf32, #tpu.memory_space<vmem>>) target(%dma_start3A_319 : memref<128xf32, #tpu.memory_space<hbm>>) target_semaphore(%arg8 : memref<!tpu.dma_semaphore, #tpu.memory_space<semaphore_mem>>)
    %dma_start3A_322 = arith.constant 1 : i32
    %dma_start3A_323 = arith.constant 128 : i32
    %dma_start3A_324 = tpu.memref_slice %arg6[%dma_start3A_323] : memref<512xf32, #tpu.memory_space<vmem>> -> memref<128xf32, #tpu.memory_space<vmem>>
    %dma_start3A_325 = tpu.memref_slice %arg4[%dma_start3A_322, %sub3A_308] : memref<4x2048xf32, #tpu.memory_space<hbm>> -> memref<1x128xf32, #tpu.memory_space<hbm>>
    %dma_start3A_326 = tpu.memref_squeeze %dma_start3A_325 : memref<1x128xf32, #tpu.memory_space<hbm>> -> memref<128xf32, #tpu.memory_space<hbm>>
    %dma_start3A_327 = tpu.memref_slice %arg4[%dma_start3A_322, %sub3A_308] : memref<4x2048xf32, #tpu.memory_space<hbm>> -> memref<1x128xf32, #tpu.memory_space<hbm>>
    %dma_start3A_328 = tpu.memref_squeeze %dma_start3A_327 : memref<1x128xf32, #tpu.memory_space<hbm>> -> memref<128xf32, #tpu.memory_space<hbm>>
    %dma_start3A_329 = arith.constant 128 : i32
    %dma_start3A_330 = tpu.memref_slice %arg6[%dma_start3A_329] : memref<512xf32, #tpu.memory_space<vmem>> -> memref<128xf32, #tpu.memory_space<vmem>>
    tpu.enqueue_dma source(%dma_start3A_330 : memref<128xf32, #tpu.memory_space<vmem>>) target(%dma_start3A_328 : memref<128xf32, #tpu.memory_space<hbm>>) target_semaphore(%arg8 : memref<!tpu.dma_semaphore, #tpu.memory_space<semaphore_mem>>)
    %dma_start3A_331 = arith.constant 2 : i32
    %dma_start3A_332 = arith.constant 256 : i32
    %dma_start3A_333 = tpu.memref_slice %arg6[%dma_start3A_332] : memref<512xf32, #tpu.memory_space<vmem>> -> memref<128xf32, #tpu.memory_space<vmem>>
    %dma_start3A_334 = tpu.memref_slice %arg4[%dma_start3A_331, %sub3A_310] : memref<4x2048xf32, #tpu.memory_space<hbm>> -> memref<1x128xf32, #tpu.memory_space<hbm>>
    %dma_start3A_335 = tpu.memref_squeeze %dma_start3A_334 : memref<1x128xf32, #tpu.memory_space<hbm>> -> memref<128xf32, #tpu.memory_space<hbm>>
    %dma_start3A_336 = tpu.memref_slice %arg4[%dma_start3A_331, %sub3A_310] : memref<4x2048xf32, #tpu.memory_space<hbm>> -> memref<1x128xf32, #tpu.memory_space<hbm>>
    %dma_start3A_337 = tpu.memref_squeeze %dma_start3A_336 : memref<1x128xf32, #tpu.memory_space<hbm>> -> memref<128xf32, #tpu.memory_space<hbm>>
    %dma_start3A_338 = arith.constant 256 : i32
    %dma_start3A_339 = tpu.memref_slice %arg6[%dma_start3A_338] : memref<512xf32, #tpu.memory_space<vmem>> -> memref<128xf32, #tpu.memory_space<vmem>>
    tpu.enqueue_dma source(%dma_start3A_339 : memref<128xf32, #tpu.memory_space<vmem>>) target(%dma_start3A_337 : memref<128xf32, #tpu.memory_space<hbm>>) target_semaphore(%arg8 : memref<!tpu.dma_semaphore, #tpu.memory_space<semaphore_mem>>)
    %dma_start3A_340 = arith.constant 3 : i32
    %dma_start3A_341 = arith.constant 384 : i32
    %dma_start3A_342 = tpu.memref_slice %arg6[%dma_start3A_341] : memref<512xf32, #tpu.memory_space<vmem>> -> memref<128xf32, #tpu.memory_space<vmem>>
    %dma_start3A_343 = tpu.memref_slice %arg4[%dma_start3A_340, %sub3A_312] : memref<4x2048xf32, #tpu.memory_space<hbm>> -> memref<1x128xf32, #tpu.memory_space<hbm>>
    %dma_start3A_344 = tpu.memref_squeeze %dma_start3A_343 : memref<1x128xf32, #tpu.memory_space<hbm>> -> memref<128xf32, #tpu.memory_space<hbm>>
    %dma_start3A_345 = tpu.memref_slice %arg4[%dma_start3A_340, %sub3A_312] : memref<4x2048xf32, #tpu.memory_space<hbm>> -> memref<1x128xf32, #tpu.memory_space<hbm>>
    %dma_start3A_346 = tpu.memref_squeeze %dma_start3A_345 : memref<1x128xf32, #tpu.memory_space<hbm>> -> memref<128xf32, #tpu.memory_space<hbm>>
    %dma_start3A_347 = arith.constant 384 : i32
    %dma_start3A_348 = tpu.memref_slice %arg6[%dma_start3A_347] : memref<512xf32, #tpu.memory_space<vmem>> -> memref<128xf32, #tpu.memory_space<vmem>>
    tpu.enqueue_dma source(%dma_start3A_348 : memref<128xf32, #tpu.memory_space<vmem>>) target(%dma_start3A_346 : memref<128xf32, #tpu.memory_space<hbm>>) target_semaphore(%arg8 : memref<!tpu.dma_semaphore, #tpu.memory_space<semaphore_mem>>)
    %dma_wait3A_349 = arith.constant 0 : i32
    %dma_wait3A_350 = arith.constant 0 : i32
    %dma_wait3A_351 = tpu.memref_slice %arg6[%dma_wait3A_350] : memref<512xf32, #tpu.memory_space<vmem>> -> memref<128xf32, #tpu.memory_space<vmem>>
    %dma_wait3A_352 = tpu.memref_slice %arg4[%dma_wait3A_349, %sub3A_306] : memref<4x2048xf32, #tpu.memory_space<hbm>> -> memref<1x128xf32, #tpu.memory_space<hbm>>
    %dma_wait3A_353 = tpu.memref_squeeze %dma_wait3A_352 : memref<1x128xf32, #tpu.memory_space<hbm>> -> memref<128xf32, #tpu.memory_space<hbm>>
    %dma_wait3A_354 = tpu.memref_slice %arg4[%dma_wait3A_349, %sub3A_306] : memref<4x2048xf32, #tpu.memory_space<hbm>> -> memref<1x128xf32, #tpu.memory_space<hbm>>
    %dma_wait3A_355 = tpu.memref_squeeze %dma_wait3A_354 : memref<1x128xf32, #tpu.memory_space<hbm>> -> memref<128xf32, #tpu.memory_space<hbm>>
    %dma_wait3A_356 = arith.constant 0 : i32
    %dma_wait3A_357 = tpu.memref_slice %arg6[%dma_wait3A_356] : memref<512xf32, #tpu.memory_space<vmem>> -> memref<128xf32, #tpu.memory_space<vmem>>
    tpu.wait_dma2 semaphore(%arg8 : memref<!tpu.dma_semaphore, #tpu.memory_space<semaphore_mem>>) src(%dma_wait3A_357 : memref<128xf32, #tpu.memory_space<vmem>>) dst(%dma_wait3A_355 : memref<128xf32, #tpu.memory_space<hbm>>)
    %dma_wait3A_358 = arith.constant 1 : i32
    %dma_wait3A_359 = arith.constant 128 : i32
    %dma_wait3A_360 = tpu.memref_slice %arg6[%dma_wait3A_359] : memref<512xf32, #tpu.memory_space<vmem>> -> memref<128xf32, #tpu.memory_space<vmem>>
    %dma_wait3A_361 = tpu.memref_slice %arg4[%dma_wait3A_358, %sub3A_308] : memref<4x2048xf32, #tpu.memory_space<hbm>> -> memref<1x128xf32, #tpu.memory_space<hbm>>
    %dma_wait3A_362 = tpu.memref_squeeze %dma_wait3A_361 : memref<1x128xf32, #tpu.memory_space<hbm>> -> memref<128xf32, #tpu.memory_space<hbm>>
    %dma_wait3A_363 = tpu.memref_slice %arg4[%dma_wait3A_358, %sub3A_308] : memref<4x2048xf32, #tpu.memory_space<hbm>> -> memref<1x128xf32, #tpu.memory_space<hbm>>
    %dma_wait3A_364 = tpu.memref_squeeze %dma_wait3A_363 : memref<1x128xf32, #tpu.memory_space<hbm>> -> memref<128xf32, #tpu.memory_space<hbm>>
    %dma_wait3A_365 = arith.constant 128 : i32
    %dma_wait3A_366 = tpu.memref_slice %arg6[%dma_wait3A_365] : memref<512xf32, #tpu.memory_space<vmem>> -> memref<128xf32, #tpu.memory_space<vmem>>
    tpu.wait_dma2 semaphore(%arg8 : memref<!tpu.dma_semaphore, #tpu.memory_space<semaphore_mem>>) src(%dma_wait3A_366 : memref<128xf32, #tpu.memory_space<vmem>>) dst(%dma_wait3A_364 : memref<128xf32, #tpu.memory_space<hbm>>)
    %dma_wait3A_367 = arith.constant 2 : i32
    %dma_wait3A_368 = arith.constant 256 : i32
    %dma_wait3A_369 = tpu.memref_slice %arg6[%dma_wait3A_368] : memref<512xf32, #tpu.memory_space<vmem>> -> memref<128xf32, #tpu.memory_space<vmem>>
    %dma_wait3A_370 = tpu.memref_slice %arg4[%dma_wait3A_367, %sub3A_310] : memref<4x2048xf32, #tpu.memory_space<hbm>> -> memref<1x128xf32, #tpu.memory_space<hbm>>
    %dma_wait3A_371 = tpu.memref_squeeze %dma_wait3A_370 : memref<1x128xf32, #tpu.memory_space<hbm>> -> memref<128xf32, #tpu.memory_space<hbm>>
    %dma_wait3A_372 = tpu.memref_slice %arg4[%dma_wait3A_367, %sub3A_310] : memref<4x2048xf32, #tpu.memory_space<hbm>> -> memref<1x128xf32, #tpu.memory_space<hbm>>
    %dma_wait3A_373 = tpu.memref_squeeze %dma_wait3A_372 : memref<1x128xf32, #tpu.memory_space<hbm>> -> memref<128xf32, #tpu.memory_space<hbm>>
    %dma_wait3A_374 = arith.constant 256 : i32
    %dma_wait3A_375 = tpu.memref_slice %arg6[%dma_wait3A_374] : memref<512xf32, #tpu.memory_space<vmem>> -> memref<128xf32, #tpu.memory_space<vmem>>
    tpu.wait_dma2 semaphore(%arg8 : memref<!tpu.dma_semaphore, #tpu.memory_space<semaphore_mem>>) src(%dma_wait3A_375 : memref<128xf32, #tpu.memory_space<vmem>>) dst(%dma_wait3A_373 : memref<128xf32, #tpu.memory_space<hbm>>)
    %dma_wait3A_376 = arith.constant 3 : i32
    %dma_wait3A_377 = arith.constant 384 : i32
    %dma_wait3A_378 = tpu.memref_slice %arg6[%dma_wait3A_377] : memref<512xf32, #tpu.memory_space<vmem>> -> memref<128xf32, #tpu.memory_space<vmem>>
    %dma_wait3A_379 = tpu.memref_slice %arg4[%dma_wait3A_376, %sub3A_312] : memref<4x2048xf32, #tpu.memory_space<hbm>> -> memref<1x128xf32, #tpu.memory_space<hbm>>
    %dma_wait3A_380 = tpu.memref_squeeze %dma_wait3A_379 : memref<1x128xf32, #tpu.memory_space<hbm>> -> memref<128xf32, #tpu.memory_space<hbm>>
    %dma_wait3A_381 = tpu.memref_slice %arg4[%dma_wait3A_376, %sub3A_312] : memref<4x2048xf32, #tpu.memory_space<hbm>> -> memref<1x128xf32, #tpu.memory_space<hbm>>
    %dma_wait3A_382 = tpu.memref_squeeze %dma_wait3A_381 : memref<1x128xf32, #tpu.memory_space<hbm>> -> memref<128xf32, #tpu.memory_space<hbm>>
    %dma_wait3A_383 = arith.constant 384 : i32
    %dma_wait3A_384 = tpu.memref_slice %arg6[%dma_wait3A_383] : memref<512xf32, #tpu.memory_space<vmem>> -> memref<128xf32, #tpu.memory_space<vmem>>
    tpu.wait_dma2 semaphore(%arg8 : memref<!tpu.dma_semaphore, #tpu.memory_space<semaphore_mem>>) src(%dma_wait3A_384 : memref<128xf32, #tpu.memory_space<vmem>>) dst(%dma_wait3A_382 : memref<128xf32, #tpu.memory_space<hbm>>)
    return
  }
}

module attributes {stable_mosaic.version = 14 : i64} {
  func.func @_tc_body(%arg0: i32, %arg1: memref<16xi32, #tpu.memory_space<smem>>, %arg2: memref<8x14336xf32, #tpu.memory_space<vmem>>, %arg3: memref<4x14336xf32, #tpu.memory_space<vmem>>) attributes {dimension_semantics = [#tpu.dimension_semantics<arbitrary>], iteration_bounds = array<i64: 1>, scalar_prefetch = 0 : i64, scratch_operands = 0 : i64, tpu.core_type = #tpu.core_type<tc>, window_params = [{transform_indices = @transform_0, window_bounds = array<i64: 16>}, {transform_indices = @transform_1, window_bounds = array<i64: 8, 14336>}, {pipeline_mode = #tpu.pipeline_mode<synchronous>, transform_indices = @transform_2, window_bounds = array<i64: 4, 14336>}]} {
    %prng_seed3A = arith.constant 6076951 : i32
    "tpu.prng_set_seed_32"(%prng_seed3A) : (i32) -> ()
    %get3A = arith.constant 0 : index
    %get3A_0 = arith.constant 0 : index
    %get3A_1 = vector.load %arg2[%get3A, %get3A_0] : memref<8x14336xf32, #tpu.memory_space<vmem>>, vector<8x14336xf32>
    %mul3A = arith.constant 0x4B800000 : f32
    %mul3A_2 = vector.broadcast %mul3A : f32 to vector<8x14336xf32>
    %mul3A_3 = arith.mulf %get3A_1, %mul3A_2 : vector<8x14336xf32>
    %convert_element_type3A = arith.fptosi %mul3A_3 : vector<8x14336xf32> to vector<8x14336xi32>
    %get3A_4 = arith.constant 0 : index
    %get3A_5 = memref.load %arg1[%get3A_4] : memref<16xi32, #tpu.memory_space<smem>>
    %broadcast_in_dim3A = arith.constant 0.000000e+00 : f32
    %broadcast_in_dim3A_6 = vector.broadcast %broadcast_in_dim3A : f32 to vector<8x14336xf32>
    %broadcast_in_dim3A_7 = arith.constant 0.000000e+00 : f32
    %broadcast_in_dim3A_8 = vector.broadcast %broadcast_in_dim3A_7 : f32 to vector<8x14336xf32>
    %broadcast_in_dim3A_9 = arith.constant 0.000000e+00 : f32
    %broadcast_in_dim3A_10 = vector.broadcast %broadcast_in_dim3A_9 : f32 to vector<8x14336xf32>
    %prng_random_bits3A = "tpu.prng_random_bits"() : () -> vector<8x14336xi32>
    %shift_right_logical3A = arith.constant 8 : i32
    %shift_right_logical3A_11 = vector.broadcast %shift_right_logical3A : i32 to vector<8x14336xi32>
    %shift_right_logical3A_12 = arith.shrui %prng_random_bits3A, %shift_right_logical3A_11 : vector<8x14336xi32>
    %lt3A = arith.cmpi slt, %shift_right_logical3A_12, %convert_element_type3A : vector<8x14336xi32>
    %jit3A = arith.constant 1.000000e+00 : f32
    %jit3A_13 = arith.constant 0.000000e+00 : f32
    %broadcast_in_dim3A_14 = vector.broadcast %jit3A : f32 to vector<8x14336xf32>
    %broadcast_in_dim3A_15 = vector.broadcast %jit3A_13 : f32 to vector<8x14336xf32>
    %select_n3A = arith.select %lt3A, %broadcast_in_dim3A_14, %broadcast_in_dim3A_15 : vector<8x14336xi1>, vector<8x14336xf32>
    %slice3A = vector.extract_strided_slice %select_n3A {offsets = [3, 0], sizes = [5, 14336], strides = [1, 1]} : vector<8x14336xf32> to vector<5x14336xf32>
    %slice3A_16 = vector.extract_strided_slice %select_n3A {offsets = [0, 0], sizes = [3, 14336], strides = [1, 1]} : vector<8x14336xf32> to vector<3x14336xf32>
    %concatenate3A = tpu.concatenate %slice3A, %slice3A_16 in 0 : vector<5x14336xf32>, vector<3x14336xf32> -> vector<8x14336xf32>
    %sub3A = arith.subf %select_n3A, %concatenate3A : vector<8x14336xf32>
    %sub3A_17 = arith.subf %sub3A, %broadcast_in_dim3A_6 : vector<8x14336xf32>
    %mul3A_18 = arith.constant 1.000000e-01 : f32
    %mul3A_19 = vector.broadcast %mul3A_18 : f32 to vector<8x14336xf32>
    %mul3A_20 = arith.mulf %sub3A_17, %mul3A_19 : vector<8x14336xf32>
    %add3A = arith.addf %broadcast_in_dim3A_6, %mul3A_20 : vector<8x14336xf32>
    %ge3A = arith.constant 1.000000e+00 : f32
    %ge3A_21 = vector.broadcast %ge3A : f32 to vector<8x14336xf32>
    %ge3A_22 = arith.cmpf oge, %add3A, %ge3A_21 : vector<8x14336xf32>
    %jit3A_23 = arith.constant 1.000000e+00 : f32
    %jit3A_24 = arith.constant 0.000000e+00 : f32
    %broadcast_in_dim3A_25 = vector.broadcast %jit3A_23 : f32 to vector<8x14336xf32>
    %broadcast_in_dim3A_26 = vector.broadcast %jit3A_24 : f32 to vector<8x14336xf32>
    %select_n3A_27 = arith.select %ge3A_22, %broadcast_in_dim3A_25, %broadcast_in_dim3A_26 : vector<8x14336xi1>, vector<8x14336xf32>
    %jit3A_28 = arith.constant 0.000000e+00 : f32
    %broadcast_in_dim3A_29 = vector.broadcast %jit3A_28 : f32 to vector<8x14336xf32>
    %select_n3A_30 = arith.select %ge3A_22, %broadcast_in_dim3A_29, %add3A : vector<8x14336xi1>, vector<8x14336xf32>
    %slice3A_31 = vector.extract_strided_slice %select_n3A_27 {offsets = [1, 0], sizes = [7, 14336], strides = [1, 1]} : vector<8x14336xf32> to vector<7x14336xf32>
    %slice3A_32 = vector.extract_strided_slice %select_n3A_27 {offsets = [0, 0], sizes = [1, 14336], strides = [1, 1]} : vector<8x14336xf32> to vector<1x14336xf32>
    %concatenate3A_33 = tpu.concatenate %slice3A_31, %slice3A_32 in 0 : vector<7x14336xf32>, vector<1x14336xf32> -> vector<8x14336xf32>
    %add3A_34 = arith.addf %select_n3A_27, %concatenate3A_33 : vector<8x14336xf32>
    %slice3A_35 = vector.extract_strided_slice %add3A_34 {offsets = [4, 0], sizes = [4, 14336], strides = [1, 1]} : vector<8x14336xf32> to vector<4x14336xf32>
    %slice3A_36 = vector.extract_strided_slice %add3A_34 {offsets = [0, 0], sizes = [4, 14336], strides = [1, 1]} : vector<8x14336xf32> to vector<4x14336xf32>
    %concatenate3A_37 = tpu.concatenate %slice3A_35, %slice3A_36 in 0 : vector<4x14336xf32>, vector<4x14336xf32> -> vector<8x14336xf32>
    %sub3A_38 = arith.subf %add3A_34, %concatenate3A_37 : vector<8x14336xf32>
    %sub3A_39 = arith.subf %sub3A_38, %broadcast_in_dim3A_8 : vector<8x14336xf32>
    %mul3A_40 = arith.constant 1.000000e-01 : f32
    %mul3A_41 = vector.broadcast %mul3A_40 : f32 to vector<8x14336xf32>
    %mul3A_42 = arith.mulf %sub3A_39, %mul3A_41 : vector<8x14336xf32>
    %add3A_43 = arith.addf %broadcast_in_dim3A_8, %mul3A_42 : vector<8x14336xf32>
    %ge3A_44 = arith.constant 1.000000e+00 : f32
    %ge3A_45 = vector.broadcast %ge3A_44 : f32 to vector<8x14336xf32>
    %ge3A_46 = arith.cmpf oge, %add3A_43, %ge3A_45 : vector<8x14336xf32>
    %jit3A_47 = arith.constant 0.000000e+00 : f32
    %broadcast_in_dim3A_48 = vector.broadcast %jit3A_47 : f32 to vector<8x14336xf32>
    %select_n3A_49 = arith.select %ge3A_46, %broadcast_in_dim3A_48, %add3A_43 : vector<8x14336xi1>, vector<8x14336xf32>
    %gt3A = arith.constant 0 : i32
    %gt3A_50 = arith.cmpi sgt, %get3A_5, %gt3A : i32
    %jit3A_51 = arith.constant 1.000000e+00 : f32
    %jit3A_52 = arith.constant 0.000000e+00 : f32
    %select_n3A_53 = arith.select %gt3A_50, %jit3A_51, %jit3A_52 : f32
    %jit3A_54 = arith.constant 0.000000e+00 : f32
    %broadcast_in_dim3A_55 = vector.broadcast %select_n3A_53 : f32 to vector<8x14336xf32>
    %broadcast_in_dim3A_56 = vector.broadcast %jit3A_54 : f32 to vector<8x14336xf32>
    %select_n3A_57 = arith.select %ge3A_46, %broadcast_in_dim3A_55, %broadcast_in_dim3A_56 : vector<8x14336xi1>, vector<8x14336xf32>
    %add3A_58 = arith.addf %broadcast_in_dim3A_10, %select_n3A_57 : vector<8x14336xf32>
    %prng_random_bits3A_59 = "tpu.prng_random_bits"() : () -> vector<8x14336xi32>
    %shift_right_logical3A_60 = arith.constant 8 : i32
    %shift_right_logical3A_61 = vector.broadcast %shift_right_logical3A_60 : i32 to vector<8x14336xi32>
    %shift_right_logical3A_62 = arith.shrui %prng_random_bits3A_59, %shift_right_logical3A_61 : vector<8x14336xi32>
    %lt3A_63 = arith.cmpi slt, %shift_right_logical3A_62, %convert_element_type3A : vector<8x14336xi32>
    %jit3A_64 = arith.constant 1.000000e+00 : f32
    %jit3A_65 = arith.constant 0.000000e+00 : f32
    %broadcast_in_dim3A_66 = vector.broadcast %jit3A_64 : f32 to vector<8x14336xf32>
    %broadcast_in_dim3A_67 = vector.broadcast %jit3A_65 : f32 to vector<8x14336xf32>
    %select_n3A_68 = arith.select %lt3A_63, %broadcast_in_dim3A_66, %broadcast_in_dim3A_67 : vector<8x14336xi1>, vector<8x14336xf32>
    %slice3A_69 = vector.extract_strided_slice %select_n3A_68 {offsets = [3, 0], sizes = [5, 14336], strides = [1, 1]} : vector<8x14336xf32> to vector<5x14336xf32>
    %slice3A_70 = vector.extract_strided_slice %select_n3A_68 {offsets = [0, 0], sizes = [3, 14336], strides = [1, 1]} : vector<8x14336xf32> to vector<3x14336xf32>
    %concatenate3A_71 = tpu.concatenate %slice3A_69, %slice3A_70 in 0 : vector<5x14336xf32>, vector<3x14336xf32> -> vector<8x14336xf32>
    %sub3A_72 = arith.subf %select_n3A_68, %concatenate3A_71 : vector<8x14336xf32>
    %sub3A_73 = arith.subf %sub3A_72, %select_n3A_30 : vector<8x14336xf32>
    %mul3A_74 = arith.constant 1.000000e-01 : f32
    %mul3A_75 = vector.broadcast %mul3A_74 : f32 to vector<8x14336xf32>
    %mul3A_76 = arith.mulf %sub3A_73, %mul3A_75 : vector<8x14336xf32>
    %add3A_77 = arith.addf %select_n3A_30, %mul3A_76 : vector<8x14336xf32>
    %ge3A_78 = arith.constant 1.000000e+00 : f32
    %ge3A_79 = vector.broadcast %ge3A_78 : f32 to vector<8x14336xf32>
    %ge3A_80 = arith.cmpf oge, %add3A_77, %ge3A_79 : vector<8x14336xf32>
    %jit3A_81 = arith.constant 1.000000e+00 : f32
    %jit3A_82 = arith.constant 0.000000e+00 : f32
    %broadcast_in_dim3A_83 = vector.broadcast %jit3A_81 : f32 to vector<8x14336xf32>
    %broadcast_in_dim3A_84 = vector.broadcast %jit3A_82 : f32 to vector<8x14336xf32>
    %select_n3A_85 = arith.select %ge3A_80, %broadcast_in_dim3A_83, %broadcast_in_dim3A_84 : vector<8x14336xi1>, vector<8x14336xf32>
    %jit3A_86 = arith.constant 0.000000e+00 : f32
    %broadcast_in_dim3A_87 = vector.broadcast %jit3A_86 : f32 to vector<8x14336xf32>
    %select_n3A_88 = arith.select %ge3A_80, %broadcast_in_dim3A_87, %add3A_77 : vector<8x14336xi1>, vector<8x14336xf32>
    %slice3A_89 = vector.extract_strided_slice %select_n3A_85 {offsets = [1, 0], sizes = [7, 14336], strides = [1, 1]} : vector<8x14336xf32> to vector<7x14336xf32>
    %slice3A_90 = vector.extract_strided_slice %select_n3A_85 {offsets = [0, 0], sizes = [1, 14336], strides = [1, 1]} : vector<8x14336xf32> to vector<1x14336xf32>
    %concatenate3A_91 = tpu.concatenate %slice3A_89, %slice3A_90 in 0 : vector<7x14336xf32>, vector<1x14336xf32> -> vector<8x14336xf32>
    %add3A_92 = arith.addf %select_n3A_85, %concatenate3A_91 : vector<8x14336xf32>
    %slice3A_93 = vector.extract_strided_slice %add3A_92 {offsets = [4, 0], sizes = [4, 14336], strides = [1, 1]} : vector<8x14336xf32> to vector<4x14336xf32>
    %slice3A_94 = vector.extract_strided_slice %add3A_92 {offsets = [0, 0], sizes = [4, 14336], strides = [1, 1]} : vector<8x14336xf32> to vector<4x14336xf32>
    %concatenate3A_95 = tpu.concatenate %slice3A_93, %slice3A_94 in 0 : vector<4x14336xf32>, vector<4x14336xf32> -> vector<8x14336xf32>
    %sub3A_96 = arith.subf %add3A_92, %concatenate3A_95 : vector<8x14336xf32>
    %sub3A_97 = arith.subf %sub3A_96, %select_n3A_49 : vector<8x14336xf32>
    %mul3A_98 = arith.constant 1.000000e-01 : f32
    %mul3A_99 = vector.broadcast %mul3A_98 : f32 to vector<8x14336xf32>
    %mul3A_100 = arith.mulf %sub3A_97, %mul3A_99 : vector<8x14336xf32>
    %add3A_101 = arith.addf %select_n3A_49, %mul3A_100 : vector<8x14336xf32>
    %ge3A_102 = arith.constant 1.000000e+00 : f32
    %ge3A_103 = vector.broadcast %ge3A_102 : f32 to vector<8x14336xf32>
    %ge3A_104 = arith.cmpf oge, %add3A_101, %ge3A_103 : vector<8x14336xf32>
    %jit3A_105 = arith.constant 0.000000e+00 : f32
    %broadcast_in_dim3A_106 = vector.broadcast %jit3A_105 : f32 to vector<8x14336xf32>
    %select_n3A_107 = arith.select %ge3A_104, %broadcast_in_dim3A_106, %add3A_101 : vector<8x14336xi1>, vector<8x14336xf32>
    %gt3A_108 = arith.constant 1 : i32
    %gt3A_109 = arith.cmpi sgt, %get3A_5, %gt3A_108 : i32
    %jit3A_110 = arith.constant 1.000000e+00 : f32
    %jit3A_111 = arith.constant 0.000000e+00 : f32
    %select_n3A_112 = arith.select %gt3A_109, %jit3A_110, %jit3A_111 : f32
    %jit3A_113 = arith.constant 0.000000e+00 : f32
    %broadcast_in_dim3A_114 = vector.broadcast %select_n3A_112 : f32 to vector<8x14336xf32>
    %broadcast_in_dim3A_115 = vector.broadcast %jit3A_113 : f32 to vector<8x14336xf32>
    %select_n3A_116 = arith.select %ge3A_104, %broadcast_in_dim3A_114, %broadcast_in_dim3A_115 : vector<8x14336xi1>, vector<8x14336xf32>
    %add3A_117 = arith.addf %add3A_58, %select_n3A_116 : vector<8x14336xf32>
    %prng_random_bits3A_118 = "tpu.prng_random_bits"() : () -> vector<8x14336xi32>
    %shift_right_logical3A_119 = arith.constant 8 : i32
    %shift_right_logical3A_120 = vector.broadcast %shift_right_logical3A_119 : i32 to vector<8x14336xi32>
    %shift_right_logical3A_121 = arith.shrui %prng_random_bits3A_118, %shift_right_logical3A_120 : vector<8x14336xi32>
    %lt3A_122 = arith.cmpi slt, %shift_right_logical3A_121, %convert_element_type3A : vector<8x14336xi32>
    %jit3A_123 = arith.constant 1.000000e+00 : f32
    %jit3A_124 = arith.constant 0.000000e+00 : f32
    %broadcast_in_dim3A_125 = vector.broadcast %jit3A_123 : f32 to vector<8x14336xf32>
    %broadcast_in_dim3A_126 = vector.broadcast %jit3A_124 : f32 to vector<8x14336xf32>
    %select_n3A_127 = arith.select %lt3A_122, %broadcast_in_dim3A_125, %broadcast_in_dim3A_126 : vector<8x14336xi1>, vector<8x14336xf32>
    %slice3A_128 = vector.extract_strided_slice %select_n3A_127 {offsets = [3, 0], sizes = [5, 14336], strides = [1, 1]} : vector<8x14336xf32> to vector<5x14336xf32>
    %slice3A_129 = vector.extract_strided_slice %select_n3A_127 {offsets = [0, 0], sizes = [3, 14336], strides = [1, 1]} : vector<8x14336xf32> to vector<3x14336xf32>
    %concatenate3A_130 = tpu.concatenate %slice3A_128, %slice3A_129 in 0 : vector<5x14336xf32>, vector<3x14336xf32> -> vector<8x14336xf32>
    %sub3A_131 = arith.subf %select_n3A_127, %concatenate3A_130 : vector<8x14336xf32>
    %sub3A_132 = arith.subf %sub3A_131, %select_n3A_88 : vector<8x14336xf32>
    %mul3A_133 = arith.constant 1.000000e-01 : f32
    %mul3A_134 = vector.broadcast %mul3A_133 : f32 to vector<8x14336xf32>
    %mul3A_135 = arith.mulf %sub3A_132, %mul3A_134 : vector<8x14336xf32>
    %add3A_136 = arith.addf %select_n3A_88, %mul3A_135 : vector<8x14336xf32>
    %ge3A_137 = arith.constant 1.000000e+00 : f32
    %ge3A_138 = vector.broadcast %ge3A_137 : f32 to vector<8x14336xf32>
    %ge3A_139 = arith.cmpf oge, %add3A_136, %ge3A_138 : vector<8x14336xf32>
    %jit3A_140 = arith.constant 1.000000e+00 : f32
    %jit3A_141 = arith.constant 0.000000e+00 : f32
    %broadcast_in_dim3A_142 = vector.broadcast %jit3A_140 : f32 to vector<8x14336xf32>
    %broadcast_in_dim3A_143 = vector.broadcast %jit3A_141 : f32 to vector<8x14336xf32>
    %select_n3A_144 = arith.select %ge3A_139, %broadcast_in_dim3A_142, %broadcast_in_dim3A_143 : vector<8x14336xi1>, vector<8x14336xf32>
    %jit3A_145 = arith.constant 0.000000e+00 : f32
    %broadcast_in_dim3A_146 = vector.broadcast %jit3A_145 : f32 to vector<8x14336xf32>
    %select_n3A_147 = arith.select %ge3A_139, %broadcast_in_dim3A_146, %add3A_136 : vector<8x14336xi1>, vector<8x14336xf32>
    %slice3A_148 = vector.extract_strided_slice %select_n3A_144 {offsets = [1, 0], sizes = [7, 14336], strides = [1, 1]} : vector<8x14336xf32> to vector<7x14336xf32>
    %slice3A_149 = vector.extract_strided_slice %select_n3A_144 {offsets = [0, 0], sizes = [1, 14336], strides = [1, 1]} : vector<8x14336xf32> to vector<1x14336xf32>
    %concatenate3A_150 = tpu.concatenate %slice3A_148, %slice3A_149 in 0 : vector<7x14336xf32>, vector<1x14336xf32> -> vector<8x14336xf32>
    %add3A_151 = arith.addf %select_n3A_144, %concatenate3A_150 : vector<8x14336xf32>
    %slice3A_152 = vector.extract_strided_slice %add3A_151 {offsets = [4, 0], sizes = [4, 14336], strides = [1, 1]} : vector<8x14336xf32> to vector<4x14336xf32>
    %slice3A_153 = vector.extract_strided_slice %add3A_151 {offsets = [0, 0], sizes = [4, 14336], strides = [1, 1]} : vector<8x14336xf32> to vector<4x14336xf32>
    %concatenate3A_154 = tpu.concatenate %slice3A_152, %slice3A_153 in 0 : vector<4x14336xf32>, vector<4x14336xf32> -> vector<8x14336xf32>
    %sub3A_155 = arith.subf %add3A_151, %concatenate3A_154 : vector<8x14336xf32>
    %sub3A_156 = arith.subf %sub3A_155, %select_n3A_107 : vector<8x14336xf32>
    %mul3A_157 = arith.constant 1.000000e-01 : f32
    %mul3A_158 = vector.broadcast %mul3A_157 : f32 to vector<8x14336xf32>
    %mul3A_159 = arith.mulf %sub3A_156, %mul3A_158 : vector<8x14336xf32>
    %add3A_160 = arith.addf %select_n3A_107, %mul3A_159 : vector<8x14336xf32>
    %ge3A_161 = arith.constant 1.000000e+00 : f32
    %ge3A_162 = vector.broadcast %ge3A_161 : f32 to vector<8x14336xf32>
    %ge3A_163 = arith.cmpf oge, %add3A_160, %ge3A_162 : vector<8x14336xf32>
    %jit3A_164 = arith.constant 0.000000e+00 : f32
    %broadcast_in_dim3A_165 = vector.broadcast %jit3A_164 : f32 to vector<8x14336xf32>
    %select_n3A_166 = arith.select %ge3A_163, %broadcast_in_dim3A_165, %add3A_160 : vector<8x14336xi1>, vector<8x14336xf32>
    %gt3A_167 = arith.constant 2 : i32
    %gt3A_168 = arith.cmpi sgt, %get3A_5, %gt3A_167 : i32
    %jit3A_169 = arith.constant 1.000000e+00 : f32
    %jit3A_170 = arith.constant 0.000000e+00 : f32
    %select_n3A_171 = arith.select %gt3A_168, %jit3A_169, %jit3A_170 : f32
    %jit3A_172 = arith.constant 0.000000e+00 : f32
    %broadcast_in_dim3A_173 = vector.broadcast %select_n3A_171 : f32 to vector<8x14336xf32>
    %broadcast_in_dim3A_174 = vector.broadcast %jit3A_172 : f32 to vector<8x14336xf32>
    %select_n3A_175 = arith.select %ge3A_163, %broadcast_in_dim3A_173, %broadcast_in_dim3A_174 : vector<8x14336xi1>, vector<8x14336xf32>
    %add3A_176 = arith.addf %add3A_117, %select_n3A_175 : vector<8x14336xf32>
    %prng_random_bits3A_177 = "tpu.prng_random_bits"() : () -> vector<8x14336xi32>
    %shift_right_logical3A_178 = arith.constant 8 : i32
    %shift_right_logical3A_179 = vector.broadcast %shift_right_logical3A_178 : i32 to vector<8x14336xi32>
    %shift_right_logical3A_180 = arith.shrui %prng_random_bits3A_177, %shift_right_logical3A_179 : vector<8x14336xi32>
    %lt3A_181 = arith.cmpi slt, %shift_right_logical3A_180, %convert_element_type3A : vector<8x14336xi32>
    %jit3A_182 = arith.constant 1.000000e+00 : f32
    %jit3A_183 = arith.constant 0.000000e+00 : f32
    %broadcast_in_dim3A_184 = vector.broadcast %jit3A_182 : f32 to vector<8x14336xf32>
    %broadcast_in_dim3A_185 = vector.broadcast %jit3A_183 : f32 to vector<8x14336xf32>
    %select_n3A_186 = arith.select %lt3A_181, %broadcast_in_dim3A_184, %broadcast_in_dim3A_185 : vector<8x14336xi1>, vector<8x14336xf32>
    %slice3A_187 = vector.extract_strided_slice %select_n3A_186 {offsets = [3, 0], sizes = [5, 14336], strides = [1, 1]} : vector<8x14336xf32> to vector<5x14336xf32>
    %slice3A_188 = vector.extract_strided_slice %select_n3A_186 {offsets = [0, 0], sizes = [3, 14336], strides = [1, 1]} : vector<8x14336xf32> to vector<3x14336xf32>
    %concatenate3A_189 = tpu.concatenate %slice3A_187, %slice3A_188 in 0 : vector<5x14336xf32>, vector<3x14336xf32> -> vector<8x14336xf32>
    %sub3A_190 = arith.subf %select_n3A_186, %concatenate3A_189 : vector<8x14336xf32>
    %sub3A_191 = arith.subf %sub3A_190, %select_n3A_147 : vector<8x14336xf32>
    %mul3A_192 = arith.constant 1.000000e-01 : f32
    %mul3A_193 = vector.broadcast %mul3A_192 : f32 to vector<8x14336xf32>
    %mul3A_194 = arith.mulf %sub3A_191, %mul3A_193 : vector<8x14336xf32>
    %add3A_195 = arith.addf %select_n3A_147, %mul3A_194 : vector<8x14336xf32>
    %ge3A_196 = arith.constant 1.000000e+00 : f32
    %ge3A_197 = vector.broadcast %ge3A_196 : f32 to vector<8x14336xf32>
    %ge3A_198 = arith.cmpf oge, %add3A_195, %ge3A_197 : vector<8x14336xf32>
    %jit3A_199 = arith.constant 1.000000e+00 : f32
    %jit3A_200 = arith.constant 0.000000e+00 : f32
    %broadcast_in_dim3A_201 = vector.broadcast %jit3A_199 : f32 to vector<8x14336xf32>
    %broadcast_in_dim3A_202 = vector.broadcast %jit3A_200 : f32 to vector<8x14336xf32>
    %select_n3A_203 = arith.select %ge3A_198, %broadcast_in_dim3A_201, %broadcast_in_dim3A_202 : vector<8x14336xi1>, vector<8x14336xf32>
    %jit3A_204 = arith.constant 0.000000e+00 : f32
    %broadcast_in_dim3A_205 = vector.broadcast %jit3A_204 : f32 to vector<8x14336xf32>
    %select_n3A_206 = arith.select %ge3A_198, %broadcast_in_dim3A_205, %add3A_195 : vector<8x14336xi1>, vector<8x14336xf32>
    %slice3A_207 = vector.extract_strided_slice %select_n3A_203 {offsets = [1, 0], sizes = [7, 14336], strides = [1, 1]} : vector<8x14336xf32> to vector<7x14336xf32>
    %slice3A_208 = vector.extract_strided_slice %select_n3A_203 {offsets = [0, 0], sizes = [1, 14336], strides = [1, 1]} : vector<8x14336xf32> to vector<1x14336xf32>
    %concatenate3A_209 = tpu.concatenate %slice3A_207, %slice3A_208 in 0 : vector<7x14336xf32>, vector<1x14336xf32> -> vector<8x14336xf32>
    %add3A_210 = arith.addf %select_n3A_203, %concatenate3A_209 : vector<8x14336xf32>
    %slice3A_211 = vector.extract_strided_slice %add3A_210 {offsets = [4, 0], sizes = [4, 14336], strides = [1, 1]} : vector<8x14336xf32> to vector<4x14336xf32>
    %slice3A_212 = vector.extract_strided_slice %add3A_210 {offsets = [0, 0], sizes = [4, 14336], strides = [1, 1]} : vector<8x14336xf32> to vector<4x14336xf32>
    %concatenate3A_213 = tpu.concatenate %slice3A_211, %slice3A_212 in 0 : vector<4x14336xf32>, vector<4x14336xf32> -> vector<8x14336xf32>
    %sub3A_214 = arith.subf %add3A_210, %concatenate3A_213 : vector<8x14336xf32>
    %sub3A_215 = arith.subf %sub3A_214, %select_n3A_166 : vector<8x14336xf32>
    %mul3A_216 = arith.constant 1.000000e-01 : f32
    %mul3A_217 = vector.broadcast %mul3A_216 : f32 to vector<8x14336xf32>
    %mul3A_218 = arith.mulf %sub3A_215, %mul3A_217 : vector<8x14336xf32>
    %add3A_219 = arith.addf %select_n3A_166, %mul3A_218 : vector<8x14336xf32>
    %ge3A_220 = arith.constant 1.000000e+00 : f32
    %ge3A_221 = vector.broadcast %ge3A_220 : f32 to vector<8x14336xf32>
    %ge3A_222 = arith.cmpf oge, %add3A_219, %ge3A_221 : vector<8x14336xf32>
    %jit3A_223 = arith.constant 0.000000e+00 : f32
    %broadcast_in_dim3A_224 = vector.broadcast %jit3A_223 : f32 to vector<8x14336xf32>
    %select_n3A_225 = arith.select %ge3A_222, %broadcast_in_dim3A_224, %add3A_219 : vector<8x14336xi1>, vector<8x14336xf32>
    %gt3A_226 = arith.constant 3 : i32
    %gt3A_227 = arith.cmpi sgt, %get3A_5, %gt3A_226 : i32
    %jit3A_228 = arith.constant 1.000000e+00 : f32
    %jit3A_229 = arith.constant 0.000000e+00 : f32
    %select_n3A_230 = arith.select %gt3A_227, %jit3A_228, %jit3A_229 : f32
    %jit3A_231 = arith.constant 0.000000e+00 : f32
    %broadcast_in_dim3A_232 = vector.broadcast %select_n3A_230 : f32 to vector<8x14336xf32>
    %broadcast_in_dim3A_233 = vector.broadcast %jit3A_231 : f32 to vector<8x14336xf32>
    %select_n3A_234 = arith.select %ge3A_222, %broadcast_in_dim3A_232, %broadcast_in_dim3A_233 : vector<8x14336xi1>, vector<8x14336xf32>
    %add3A_235 = arith.addf %add3A_176, %select_n3A_234 : vector<8x14336xf32>
    %prng_random_bits3A_236 = "tpu.prng_random_bits"() : () -> vector<8x14336xi32>
    %shift_right_logical3A_237 = arith.constant 8 : i32
    %shift_right_logical3A_238 = vector.broadcast %shift_right_logical3A_237 : i32 to vector<8x14336xi32>
    %shift_right_logical3A_239 = arith.shrui %prng_random_bits3A_236, %shift_right_logical3A_238 : vector<8x14336xi32>
    %lt3A_240 = arith.cmpi slt, %shift_right_logical3A_239, %convert_element_type3A : vector<8x14336xi32>
    %jit3A_241 = arith.constant 1.000000e+00 : f32
    %jit3A_242 = arith.constant 0.000000e+00 : f32
    %broadcast_in_dim3A_243 = vector.broadcast %jit3A_241 : f32 to vector<8x14336xf32>
    %broadcast_in_dim3A_244 = vector.broadcast %jit3A_242 : f32 to vector<8x14336xf32>
    %select_n3A_245 = arith.select %lt3A_240, %broadcast_in_dim3A_243, %broadcast_in_dim3A_244 : vector<8x14336xi1>, vector<8x14336xf32>
    %slice3A_246 = vector.extract_strided_slice %select_n3A_245 {offsets = [3, 0], sizes = [5, 14336], strides = [1, 1]} : vector<8x14336xf32> to vector<5x14336xf32>
    %slice3A_247 = vector.extract_strided_slice %select_n3A_245 {offsets = [0, 0], sizes = [3, 14336], strides = [1, 1]} : vector<8x14336xf32> to vector<3x14336xf32>
    %concatenate3A_248 = tpu.concatenate %slice3A_246, %slice3A_247 in 0 : vector<5x14336xf32>, vector<3x14336xf32> -> vector<8x14336xf32>
    %sub3A_249 = arith.subf %select_n3A_245, %concatenate3A_248 : vector<8x14336xf32>
    %sub3A_250 = arith.subf %sub3A_249, %select_n3A_206 : vector<8x14336xf32>
    %mul3A_251 = arith.constant 1.000000e-01 : f32
    %mul3A_252 = vector.broadcast %mul3A_251 : f32 to vector<8x14336xf32>
    %mul3A_253 = arith.mulf %sub3A_250, %mul3A_252 : vector<8x14336xf32>
    %add3A_254 = arith.addf %select_n3A_206, %mul3A_253 : vector<8x14336xf32>
    %ge3A_255 = arith.constant 1.000000e+00 : f32
    %ge3A_256 = vector.broadcast %ge3A_255 : f32 to vector<8x14336xf32>
    %ge3A_257 = arith.cmpf oge, %add3A_254, %ge3A_256 : vector<8x14336xf32>
    %jit3A_258 = arith.constant 1.000000e+00 : f32
    %jit3A_259 = arith.constant 0.000000e+00 : f32
    %broadcast_in_dim3A_260 = vector.broadcast %jit3A_258 : f32 to vector<8x14336xf32>
    %broadcast_in_dim3A_261 = vector.broadcast %jit3A_259 : f32 to vector<8x14336xf32>
    %select_n3A_262 = arith.select %ge3A_257, %broadcast_in_dim3A_260, %broadcast_in_dim3A_261 : vector<8x14336xi1>, vector<8x14336xf32>
    %jit3A_263 = arith.constant 0.000000e+00 : f32
    %broadcast_in_dim3A_264 = vector.broadcast %jit3A_263 : f32 to vector<8x14336xf32>
    %select_n3A_265 = arith.select %ge3A_257, %broadcast_in_dim3A_264, %add3A_254 : vector<8x14336xi1>, vector<8x14336xf32>
    %slice3A_266 = vector.extract_strided_slice %select_n3A_262 {offsets = [1, 0], sizes = [7, 14336], strides = [1, 1]} : vector<8x14336xf32> to vector<7x14336xf32>
    %slice3A_267 = vector.extract_strided_slice %select_n3A_262 {offsets = [0, 0], sizes = [1, 14336], strides = [1, 1]} : vector<8x14336xf32> to vector<1x14336xf32>
    %concatenate3A_268 = tpu.concatenate %slice3A_266, %slice3A_267 in 0 : vector<7x14336xf32>, vector<1x14336xf32> -> vector<8x14336xf32>
    %add3A_269 = arith.addf %select_n3A_262, %concatenate3A_268 : vector<8x14336xf32>
    %slice3A_270 = vector.extract_strided_slice %add3A_269 {offsets = [4, 0], sizes = [4, 14336], strides = [1, 1]} : vector<8x14336xf32> to vector<4x14336xf32>
    %slice3A_271 = vector.extract_strided_slice %add3A_269 {offsets = [0, 0], sizes = [4, 14336], strides = [1, 1]} : vector<8x14336xf32> to vector<4x14336xf32>
    %concatenate3A_272 = tpu.concatenate %slice3A_270, %slice3A_271 in 0 : vector<4x14336xf32>, vector<4x14336xf32> -> vector<8x14336xf32>
    %sub3A_273 = arith.subf %add3A_269, %concatenate3A_272 : vector<8x14336xf32>
    %sub3A_274 = arith.subf %sub3A_273, %select_n3A_225 : vector<8x14336xf32>
    %mul3A_275 = arith.constant 1.000000e-01 : f32
    %mul3A_276 = vector.broadcast %mul3A_275 : f32 to vector<8x14336xf32>
    %mul3A_277 = arith.mulf %sub3A_274, %mul3A_276 : vector<8x14336xf32>
    %add3A_278 = arith.addf %select_n3A_225, %mul3A_277 : vector<8x14336xf32>
    %ge3A_279 = arith.constant 1.000000e+00 : f32
    %ge3A_280 = vector.broadcast %ge3A_279 : f32 to vector<8x14336xf32>
    %ge3A_281 = arith.cmpf oge, %add3A_278, %ge3A_280 : vector<8x14336xf32>
    %jit3A_282 = arith.constant 0.000000e+00 : f32
    %broadcast_in_dim3A_283 = vector.broadcast %jit3A_282 : f32 to vector<8x14336xf32>
    %select_n3A_284 = arith.select %ge3A_281, %broadcast_in_dim3A_283, %add3A_278 : vector<8x14336xi1>, vector<8x14336xf32>
    %gt3A_285 = arith.constant 4 : i32
    %gt3A_286 = arith.cmpi sgt, %get3A_5, %gt3A_285 : i32
    %jit3A_287 = arith.constant 1.000000e+00 : f32
    %jit3A_288 = arith.constant 0.000000e+00 : f32
    %select_n3A_289 = arith.select %gt3A_286, %jit3A_287, %jit3A_288 : f32
    %jit3A_290 = arith.constant 0.000000e+00 : f32
    %broadcast_in_dim3A_291 = vector.broadcast %select_n3A_289 : f32 to vector<8x14336xf32>
    %broadcast_in_dim3A_292 = vector.broadcast %jit3A_290 : f32 to vector<8x14336xf32>
    %select_n3A_293 = arith.select %ge3A_281, %broadcast_in_dim3A_291, %broadcast_in_dim3A_292 : vector<8x14336xi1>, vector<8x14336xf32>
    %add3A_294 = arith.addf %add3A_235, %select_n3A_293 : vector<8x14336xf32>
    %prng_random_bits3A_295 = "tpu.prng_random_bits"() : () -> vector<8x14336xi32>
    %shift_right_logical3A_296 = arith.constant 8 : i32
    %shift_right_logical3A_297 = vector.broadcast %shift_right_logical3A_296 : i32 to vector<8x14336xi32>
    %shift_right_logical3A_298 = arith.shrui %prng_random_bits3A_295, %shift_right_logical3A_297 : vector<8x14336xi32>
    %lt3A_299 = arith.cmpi slt, %shift_right_logical3A_298, %convert_element_type3A : vector<8x14336xi32>
    %jit3A_300 = arith.constant 1.000000e+00 : f32
    %jit3A_301 = arith.constant 0.000000e+00 : f32
    %broadcast_in_dim3A_302 = vector.broadcast %jit3A_300 : f32 to vector<8x14336xf32>
    %broadcast_in_dim3A_303 = vector.broadcast %jit3A_301 : f32 to vector<8x14336xf32>
    %select_n3A_304 = arith.select %lt3A_299, %broadcast_in_dim3A_302, %broadcast_in_dim3A_303 : vector<8x14336xi1>, vector<8x14336xf32>
    %slice3A_305 = vector.extract_strided_slice %select_n3A_304 {offsets = [3, 0], sizes = [5, 14336], strides = [1, 1]} : vector<8x14336xf32> to vector<5x14336xf32>
    %slice3A_306 = vector.extract_strided_slice %select_n3A_304 {offsets = [0, 0], sizes = [3, 14336], strides = [1, 1]} : vector<8x14336xf32> to vector<3x14336xf32>
    %concatenate3A_307 = tpu.concatenate %slice3A_305, %slice3A_306 in 0 : vector<5x14336xf32>, vector<3x14336xf32> -> vector<8x14336xf32>
    %sub3A_308 = arith.subf %select_n3A_304, %concatenate3A_307 : vector<8x14336xf32>
    %sub3A_309 = arith.subf %sub3A_308, %select_n3A_265 : vector<8x14336xf32>
    %mul3A_310 = arith.constant 1.000000e-01 : f32
    %mul3A_311 = vector.broadcast %mul3A_310 : f32 to vector<8x14336xf32>
    %mul3A_312 = arith.mulf %sub3A_309, %mul3A_311 : vector<8x14336xf32>
    %add3A_313 = arith.addf %select_n3A_265, %mul3A_312 : vector<8x14336xf32>
    %ge3A_314 = arith.constant 1.000000e+00 : f32
    %ge3A_315 = vector.broadcast %ge3A_314 : f32 to vector<8x14336xf32>
    %ge3A_316 = arith.cmpf oge, %add3A_313, %ge3A_315 : vector<8x14336xf32>
    %jit3A_317 = arith.constant 1.000000e+00 : f32
    %jit3A_318 = arith.constant 0.000000e+00 : f32
    %broadcast_in_dim3A_319 = vector.broadcast %jit3A_317 : f32 to vector<8x14336xf32>
    %broadcast_in_dim3A_320 = vector.broadcast %jit3A_318 : f32 to vector<8x14336xf32>
    %select_n3A_321 = arith.select %ge3A_316, %broadcast_in_dim3A_319, %broadcast_in_dim3A_320 : vector<8x14336xi1>, vector<8x14336xf32>
    %jit3A_322 = arith.constant 0.000000e+00 : f32
    %broadcast_in_dim3A_323 = vector.broadcast %jit3A_322 : f32 to vector<8x14336xf32>
    %select_n3A_324 = arith.select %ge3A_316, %broadcast_in_dim3A_323, %add3A_313 : vector<8x14336xi1>, vector<8x14336xf32>
    %slice3A_325 = vector.extract_strided_slice %select_n3A_321 {offsets = [1, 0], sizes = [7, 14336], strides = [1, 1]} : vector<8x14336xf32> to vector<7x14336xf32>
    %slice3A_326 = vector.extract_strided_slice %select_n3A_321 {offsets = [0, 0], sizes = [1, 14336], strides = [1, 1]} : vector<8x14336xf32> to vector<1x14336xf32>
    %concatenate3A_327 = tpu.concatenate %slice3A_325, %slice3A_326 in 0 : vector<7x14336xf32>, vector<1x14336xf32> -> vector<8x14336xf32>
    %add3A_328 = arith.addf %select_n3A_321, %concatenate3A_327 : vector<8x14336xf32>
    %slice3A_329 = vector.extract_strided_slice %add3A_328 {offsets = [4, 0], sizes = [4, 14336], strides = [1, 1]} : vector<8x14336xf32> to vector<4x14336xf32>
    %slice3A_330 = vector.extract_strided_slice %add3A_328 {offsets = [0, 0], sizes = [4, 14336], strides = [1, 1]} : vector<8x14336xf32> to vector<4x14336xf32>
    %concatenate3A_331 = tpu.concatenate %slice3A_329, %slice3A_330 in 0 : vector<4x14336xf32>, vector<4x14336xf32> -> vector<8x14336xf32>
    %sub3A_332 = arith.subf %add3A_328, %concatenate3A_331 : vector<8x14336xf32>
    %sub3A_333 = arith.subf %sub3A_332, %select_n3A_284 : vector<8x14336xf32>
    %mul3A_334 = arith.constant 1.000000e-01 : f32
    %mul3A_335 = vector.broadcast %mul3A_334 : f32 to vector<8x14336xf32>
    %mul3A_336 = arith.mulf %sub3A_333, %mul3A_335 : vector<8x14336xf32>
    %add3A_337 = arith.addf %select_n3A_284, %mul3A_336 : vector<8x14336xf32>
    %ge3A_338 = arith.constant 1.000000e+00 : f32
    %ge3A_339 = vector.broadcast %ge3A_338 : f32 to vector<8x14336xf32>
    %ge3A_340 = arith.cmpf oge, %add3A_337, %ge3A_339 : vector<8x14336xf32>
    %jit3A_341 = arith.constant 0.000000e+00 : f32
    %broadcast_in_dim3A_342 = vector.broadcast %jit3A_341 : f32 to vector<8x14336xf32>
    %select_n3A_343 = arith.select %ge3A_340, %broadcast_in_dim3A_342, %add3A_337 : vector<8x14336xi1>, vector<8x14336xf32>
    %gt3A_344 = arith.constant 5 : i32
    %gt3A_345 = arith.cmpi sgt, %get3A_5, %gt3A_344 : i32
    %jit3A_346 = arith.constant 1.000000e+00 : f32
    %jit3A_347 = arith.constant 0.000000e+00 : f32
    %select_n3A_348 = arith.select %gt3A_345, %jit3A_346, %jit3A_347 : f32
    %jit3A_349 = arith.constant 0.000000e+00 : f32
    %broadcast_in_dim3A_350 = vector.broadcast %select_n3A_348 : f32 to vector<8x14336xf32>
    %broadcast_in_dim3A_351 = vector.broadcast %jit3A_349 : f32 to vector<8x14336xf32>
    %select_n3A_352 = arith.select %ge3A_340, %broadcast_in_dim3A_350, %broadcast_in_dim3A_351 : vector<8x14336xi1>, vector<8x14336xf32>
    %add3A_353 = arith.addf %add3A_294, %select_n3A_352 : vector<8x14336xf32>
    %prng_random_bits3A_354 = "tpu.prng_random_bits"() : () -> vector<8x14336xi32>
    %shift_right_logical3A_355 = arith.constant 8 : i32
    %shift_right_logical3A_356 = vector.broadcast %shift_right_logical3A_355 : i32 to vector<8x14336xi32>
    %shift_right_logical3A_357 = arith.shrui %prng_random_bits3A_354, %shift_right_logical3A_356 : vector<8x14336xi32>
    %lt3A_358 = arith.cmpi slt, %shift_right_logical3A_357, %convert_element_type3A : vector<8x14336xi32>
    %jit3A_359 = arith.constant 1.000000e+00 : f32
    %jit3A_360 = arith.constant 0.000000e+00 : f32
    %broadcast_in_dim3A_361 = vector.broadcast %jit3A_359 : f32 to vector<8x14336xf32>
    %broadcast_in_dim3A_362 = vector.broadcast %jit3A_360 : f32 to vector<8x14336xf32>
    %select_n3A_363 = arith.select %lt3A_358, %broadcast_in_dim3A_361, %broadcast_in_dim3A_362 : vector<8x14336xi1>, vector<8x14336xf32>
    %slice3A_364 = vector.extract_strided_slice %select_n3A_363 {offsets = [3, 0], sizes = [5, 14336], strides = [1, 1]} : vector<8x14336xf32> to vector<5x14336xf32>
    %slice3A_365 = vector.extract_strided_slice %select_n3A_363 {offsets = [0, 0], sizes = [3, 14336], strides = [1, 1]} : vector<8x14336xf32> to vector<3x14336xf32>
    %concatenate3A_366 = tpu.concatenate %slice3A_364, %slice3A_365 in 0 : vector<5x14336xf32>, vector<3x14336xf32> -> vector<8x14336xf32>
    %sub3A_367 = arith.subf %select_n3A_363, %concatenate3A_366 : vector<8x14336xf32>
    %sub3A_368 = arith.subf %sub3A_367, %select_n3A_324 : vector<8x14336xf32>
    %mul3A_369 = arith.constant 1.000000e-01 : f32
    %mul3A_370 = vector.broadcast %mul3A_369 : f32 to vector<8x14336xf32>
    %mul3A_371 = arith.mulf %sub3A_368, %mul3A_370 : vector<8x14336xf32>
    %add3A_372 = arith.addf %select_n3A_324, %mul3A_371 : vector<8x14336xf32>
    %ge3A_373 = arith.constant 1.000000e+00 : f32
    %ge3A_374 = vector.broadcast %ge3A_373 : f32 to vector<8x14336xf32>
    %ge3A_375 = arith.cmpf oge, %add3A_372, %ge3A_374 : vector<8x14336xf32>
    %jit3A_376 = arith.constant 1.000000e+00 : f32
    %jit3A_377 = arith.constant 0.000000e+00 : f32
    %broadcast_in_dim3A_378 = vector.broadcast %jit3A_376 : f32 to vector<8x14336xf32>
    %broadcast_in_dim3A_379 = vector.broadcast %jit3A_377 : f32 to vector<8x14336xf32>
    %select_n3A_380 = arith.select %ge3A_375, %broadcast_in_dim3A_378, %broadcast_in_dim3A_379 : vector<8x14336xi1>, vector<8x14336xf32>
    %jit3A_381 = arith.constant 0.000000e+00 : f32
    %broadcast_in_dim3A_382 = vector.broadcast %jit3A_381 : f32 to vector<8x14336xf32>
    %select_n3A_383 = arith.select %ge3A_375, %broadcast_in_dim3A_382, %add3A_372 : vector<8x14336xi1>, vector<8x14336xf32>
    %slice3A_384 = vector.extract_strided_slice %select_n3A_380 {offsets = [1, 0], sizes = [7, 14336], strides = [1, 1]} : vector<8x14336xf32> to vector<7x14336xf32>
    %slice3A_385 = vector.extract_strided_slice %select_n3A_380 {offsets = [0, 0], sizes = [1, 14336], strides = [1, 1]} : vector<8x14336xf32> to vector<1x14336xf32>
    %concatenate3A_386 = tpu.concatenate %slice3A_384, %slice3A_385 in 0 : vector<7x14336xf32>, vector<1x14336xf32> -> vector<8x14336xf32>
    %add3A_387 = arith.addf %select_n3A_380, %concatenate3A_386 : vector<8x14336xf32>
    %slice3A_388 = vector.extract_strided_slice %add3A_387 {offsets = [4, 0], sizes = [4, 14336], strides = [1, 1]} : vector<8x14336xf32> to vector<4x14336xf32>
    %slice3A_389 = vector.extract_strided_slice %add3A_387 {offsets = [0, 0], sizes = [4, 14336], strides = [1, 1]} : vector<8x14336xf32> to vector<4x14336xf32>
    %concatenate3A_390 = tpu.concatenate %slice3A_388, %slice3A_389 in 0 : vector<4x14336xf32>, vector<4x14336xf32> -> vector<8x14336xf32>
    %sub3A_391 = arith.subf %add3A_387, %concatenate3A_390 : vector<8x14336xf32>
    %sub3A_392 = arith.subf %sub3A_391, %select_n3A_343 : vector<8x14336xf32>
    %mul3A_393 = arith.constant 1.000000e-01 : f32
    %mul3A_394 = vector.broadcast %mul3A_393 : f32 to vector<8x14336xf32>
    %mul3A_395 = arith.mulf %sub3A_392, %mul3A_394 : vector<8x14336xf32>
    %add3A_396 = arith.addf %select_n3A_343, %mul3A_395 : vector<8x14336xf32>
    %ge3A_397 = arith.constant 1.000000e+00 : f32
    %ge3A_398 = vector.broadcast %ge3A_397 : f32 to vector<8x14336xf32>
    %ge3A_399 = arith.cmpf oge, %add3A_396, %ge3A_398 : vector<8x14336xf32>
    %jit3A_400 = arith.constant 0.000000e+00 : f32
    %broadcast_in_dim3A_401 = vector.broadcast %jit3A_400 : f32 to vector<8x14336xf32>
    %select_n3A_402 = arith.select %ge3A_399, %broadcast_in_dim3A_401, %add3A_396 : vector<8x14336xi1>, vector<8x14336xf32>
    %gt3A_403 = arith.constant 6 : i32
    %gt3A_404 = arith.cmpi sgt, %get3A_5, %gt3A_403 : i32
    %jit3A_405 = arith.constant 1.000000e+00 : f32
    %jit3A_406 = arith.constant 0.000000e+00 : f32
    %select_n3A_407 = arith.select %gt3A_404, %jit3A_405, %jit3A_406 : f32
    %jit3A_408 = arith.constant 0.000000e+00 : f32
    %broadcast_in_dim3A_409 = vector.broadcast %select_n3A_407 : f32 to vector<8x14336xf32>
    %broadcast_in_dim3A_410 = vector.broadcast %jit3A_408 : f32 to vector<8x14336xf32>
    %select_n3A_411 = arith.select %ge3A_399, %broadcast_in_dim3A_409, %broadcast_in_dim3A_410 : vector<8x14336xi1>, vector<8x14336xf32>
    %add3A_412 = arith.addf %add3A_353, %select_n3A_411 : vector<8x14336xf32>
    %prng_random_bits3A_413 = "tpu.prng_random_bits"() : () -> vector<8x14336xi32>
    %shift_right_logical3A_414 = arith.constant 8 : i32
    %shift_right_logical3A_415 = vector.broadcast %shift_right_logical3A_414 : i32 to vector<8x14336xi32>
    %shift_right_logical3A_416 = arith.shrui %prng_random_bits3A_413, %shift_right_logical3A_415 : vector<8x14336xi32>
    %lt3A_417 = arith.cmpi slt, %shift_right_logical3A_416, %convert_element_type3A : vector<8x14336xi32>
    %jit3A_418 = arith.constant 1.000000e+00 : f32
    %jit3A_419 = arith.constant 0.000000e+00 : f32
    %broadcast_in_dim3A_420 = vector.broadcast %jit3A_418 : f32 to vector<8x14336xf32>
    %broadcast_in_dim3A_421 = vector.broadcast %jit3A_419 : f32 to vector<8x14336xf32>
    %select_n3A_422 = arith.select %lt3A_417, %broadcast_in_dim3A_420, %broadcast_in_dim3A_421 : vector<8x14336xi1>, vector<8x14336xf32>
    %slice3A_423 = vector.extract_strided_slice %select_n3A_422 {offsets = [3, 0], sizes = [5, 14336], strides = [1, 1]} : vector<8x14336xf32> to vector<5x14336xf32>
    %slice3A_424 = vector.extract_strided_slice %select_n3A_422 {offsets = [0, 0], sizes = [3, 14336], strides = [1, 1]} : vector<8x14336xf32> to vector<3x14336xf32>
    %concatenate3A_425 = tpu.concatenate %slice3A_423, %slice3A_424 in 0 : vector<5x14336xf32>, vector<3x14336xf32> -> vector<8x14336xf32>
    %sub3A_426 = arith.subf %select_n3A_422, %concatenate3A_425 : vector<8x14336xf32>
    %sub3A_427 = arith.subf %sub3A_426, %select_n3A_383 : vector<8x14336xf32>
    %mul3A_428 = arith.constant 1.000000e-01 : f32
    %mul3A_429 = vector.broadcast %mul3A_428 : f32 to vector<8x14336xf32>
    %mul3A_430 = arith.mulf %sub3A_427, %mul3A_429 : vector<8x14336xf32>
    %add3A_431 = arith.addf %select_n3A_383, %mul3A_430 : vector<8x14336xf32>
    %ge3A_432 = arith.constant 1.000000e+00 : f32
    %ge3A_433 = vector.broadcast %ge3A_432 : f32 to vector<8x14336xf32>
    %ge3A_434 = arith.cmpf oge, %add3A_431, %ge3A_433 : vector<8x14336xf32>
    %jit3A_435 = arith.constant 1.000000e+00 : f32
    %jit3A_436 = arith.constant 0.000000e+00 : f32
    %broadcast_in_dim3A_437 = vector.broadcast %jit3A_435 : f32 to vector<8x14336xf32>
    %broadcast_in_dim3A_438 = vector.broadcast %jit3A_436 : f32 to vector<8x14336xf32>
    %select_n3A_439 = arith.select %ge3A_434, %broadcast_in_dim3A_437, %broadcast_in_dim3A_438 : vector<8x14336xi1>, vector<8x14336xf32>
    %jit3A_440 = arith.constant 0.000000e+00 : f32
    %broadcast_in_dim3A_441 = vector.broadcast %jit3A_440 : f32 to vector<8x14336xf32>
    %select_n3A_442 = arith.select %ge3A_434, %broadcast_in_dim3A_441, %add3A_431 : vector<8x14336xi1>, vector<8x14336xf32>
    %slice3A_443 = vector.extract_strided_slice %select_n3A_439 {offsets = [1, 0], sizes = [7, 14336], strides = [1, 1]} : vector<8x14336xf32> to vector<7x14336xf32>
    %slice3A_444 = vector.extract_strided_slice %select_n3A_439 {offsets = [0, 0], sizes = [1, 14336], strides = [1, 1]} : vector<8x14336xf32> to vector<1x14336xf32>
    %concatenate3A_445 = tpu.concatenate %slice3A_443, %slice3A_444 in 0 : vector<7x14336xf32>, vector<1x14336xf32> -> vector<8x14336xf32>
    %add3A_446 = arith.addf %select_n3A_439, %concatenate3A_445 : vector<8x14336xf32>
    %slice3A_447 = vector.extract_strided_slice %add3A_446 {offsets = [4, 0], sizes = [4, 14336], strides = [1, 1]} : vector<8x14336xf32> to vector<4x14336xf32>
    %slice3A_448 = vector.extract_strided_slice %add3A_446 {offsets = [0, 0], sizes = [4, 14336], strides = [1, 1]} : vector<8x14336xf32> to vector<4x14336xf32>
    %concatenate3A_449 = tpu.concatenate %slice3A_447, %slice3A_448 in 0 : vector<4x14336xf32>, vector<4x14336xf32> -> vector<8x14336xf32>
    %sub3A_450 = arith.subf %add3A_446, %concatenate3A_449 : vector<8x14336xf32>
    %sub3A_451 = arith.subf %sub3A_450, %select_n3A_402 : vector<8x14336xf32>
    %mul3A_452 = arith.constant 1.000000e-01 : f32
    %mul3A_453 = vector.broadcast %mul3A_452 : f32 to vector<8x14336xf32>
    %mul3A_454 = arith.mulf %sub3A_451, %mul3A_453 : vector<8x14336xf32>
    %add3A_455 = arith.addf %select_n3A_402, %mul3A_454 : vector<8x14336xf32>
    %ge3A_456 = arith.constant 1.000000e+00 : f32
    %ge3A_457 = vector.broadcast %ge3A_456 : f32 to vector<8x14336xf32>
    %ge3A_458 = arith.cmpf oge, %add3A_455, %ge3A_457 : vector<8x14336xf32>
    %jit3A_459 = arith.constant 0.000000e+00 : f32
    %broadcast_in_dim3A_460 = vector.broadcast %jit3A_459 : f32 to vector<8x14336xf32>
    %select_n3A_461 = arith.select %ge3A_458, %broadcast_in_dim3A_460, %add3A_455 : vector<8x14336xi1>, vector<8x14336xf32>
    %gt3A_462 = arith.constant 7 : i32
    %gt3A_463 = arith.cmpi sgt, %get3A_5, %gt3A_462 : i32
    %jit3A_464 = arith.constant 1.000000e+00 : f32
    %jit3A_465 = arith.constant 0.000000e+00 : f32
    %select_n3A_466 = arith.select %gt3A_463, %jit3A_464, %jit3A_465 : f32
    %jit3A_467 = arith.constant 0.000000e+00 : f32
    %broadcast_in_dim3A_468 = vector.broadcast %select_n3A_466 : f32 to vector<8x14336xf32>
    %broadcast_in_dim3A_469 = vector.broadcast %jit3A_467 : f32 to vector<8x14336xf32>
    %select_n3A_470 = arith.select %ge3A_458, %broadcast_in_dim3A_468, %broadcast_in_dim3A_469 : vector<8x14336xi1>, vector<8x14336xf32>
    %add3A_471 = arith.addf %add3A_412, %select_n3A_470 : vector<8x14336xf32>
    %prng_random_bits3A_472 = "tpu.prng_random_bits"() : () -> vector<8x14336xi32>
    %shift_right_logical3A_473 = arith.constant 8 : i32
    %shift_right_logical3A_474 = vector.broadcast %shift_right_logical3A_473 : i32 to vector<8x14336xi32>
    %shift_right_logical3A_475 = arith.shrui %prng_random_bits3A_472, %shift_right_logical3A_474 : vector<8x14336xi32>
    %lt3A_476 = arith.cmpi slt, %shift_right_logical3A_475, %convert_element_type3A : vector<8x14336xi32>
    %jit3A_477 = arith.constant 1.000000e+00 : f32
    %jit3A_478 = arith.constant 0.000000e+00 : f32
    %broadcast_in_dim3A_479 = vector.broadcast %jit3A_477 : f32 to vector<8x14336xf32>
    %broadcast_in_dim3A_480 = vector.broadcast %jit3A_478 : f32 to vector<8x14336xf32>
    %select_n3A_481 = arith.select %lt3A_476, %broadcast_in_dim3A_479, %broadcast_in_dim3A_480 : vector<8x14336xi1>, vector<8x14336xf32>
    %slice3A_482 = vector.extract_strided_slice %select_n3A_481 {offsets = [3, 0], sizes = [5, 14336], strides = [1, 1]} : vector<8x14336xf32> to vector<5x14336xf32>
    %slice3A_483 = vector.extract_strided_slice %select_n3A_481 {offsets = [0, 0], sizes = [3, 14336], strides = [1, 1]} : vector<8x14336xf32> to vector<3x14336xf32>
    %concatenate3A_484 = tpu.concatenate %slice3A_482, %slice3A_483 in 0 : vector<5x14336xf32>, vector<3x14336xf32> -> vector<8x14336xf32>
    %sub3A_485 = arith.subf %select_n3A_481, %concatenate3A_484 : vector<8x14336xf32>
    %sub3A_486 = arith.subf %sub3A_485, %select_n3A_442 : vector<8x14336xf32>
    %mul3A_487 = arith.constant 1.000000e-01 : f32
    %mul3A_488 = vector.broadcast %mul3A_487 : f32 to vector<8x14336xf32>
    %mul3A_489 = arith.mulf %sub3A_486, %mul3A_488 : vector<8x14336xf32>
    %add3A_490 = arith.addf %select_n3A_442, %mul3A_489 : vector<8x14336xf32>
    %ge3A_491 = arith.constant 1.000000e+00 : f32
    %ge3A_492 = vector.broadcast %ge3A_491 : f32 to vector<8x14336xf32>
    %ge3A_493 = arith.cmpf oge, %add3A_490, %ge3A_492 : vector<8x14336xf32>
    %jit3A_494 = arith.constant 1.000000e+00 : f32
    %jit3A_495 = arith.constant 0.000000e+00 : f32
    %broadcast_in_dim3A_496 = vector.broadcast %jit3A_494 : f32 to vector<8x14336xf32>
    %broadcast_in_dim3A_497 = vector.broadcast %jit3A_495 : f32 to vector<8x14336xf32>
    %select_n3A_498 = arith.select %ge3A_493, %broadcast_in_dim3A_496, %broadcast_in_dim3A_497 : vector<8x14336xi1>, vector<8x14336xf32>
    %jit3A_499 = arith.constant 0.000000e+00 : f32
    %broadcast_in_dim3A_500 = vector.broadcast %jit3A_499 : f32 to vector<8x14336xf32>
    %select_n3A_501 = arith.select %ge3A_493, %broadcast_in_dim3A_500, %add3A_490 : vector<8x14336xi1>, vector<8x14336xf32>
    %slice3A_502 = vector.extract_strided_slice %select_n3A_498 {offsets = [1, 0], sizes = [7, 14336], strides = [1, 1]} : vector<8x14336xf32> to vector<7x14336xf32>
    %slice3A_503 = vector.extract_strided_slice %select_n3A_498 {offsets = [0, 0], sizes = [1, 14336], strides = [1, 1]} : vector<8x14336xf32> to vector<1x14336xf32>
    %concatenate3A_504 = tpu.concatenate %slice3A_502, %slice3A_503 in 0 : vector<7x14336xf32>, vector<1x14336xf32> -> vector<8x14336xf32>
    %add3A_505 = arith.addf %select_n3A_498, %concatenate3A_504 : vector<8x14336xf32>
    %slice3A_506 = vector.extract_strided_slice %add3A_505 {offsets = [4, 0], sizes = [4, 14336], strides = [1, 1]} : vector<8x14336xf32> to vector<4x14336xf32>
    %slice3A_507 = vector.extract_strided_slice %add3A_505 {offsets = [0, 0], sizes = [4, 14336], strides = [1, 1]} : vector<8x14336xf32> to vector<4x14336xf32>
    %concatenate3A_508 = tpu.concatenate %slice3A_506, %slice3A_507 in 0 : vector<4x14336xf32>, vector<4x14336xf32> -> vector<8x14336xf32>
    %sub3A_509 = arith.subf %add3A_505, %concatenate3A_508 : vector<8x14336xf32>
    %sub3A_510 = arith.subf %sub3A_509, %select_n3A_461 : vector<8x14336xf32>
    %mul3A_511 = arith.constant 1.000000e-01 : f32
    %mul3A_512 = vector.broadcast %mul3A_511 : f32 to vector<8x14336xf32>
    %mul3A_513 = arith.mulf %sub3A_510, %mul3A_512 : vector<8x14336xf32>
    %add3A_514 = arith.addf %select_n3A_461, %mul3A_513 : vector<8x14336xf32>
    %ge3A_515 = arith.constant 1.000000e+00 : f32
    %ge3A_516 = vector.broadcast %ge3A_515 : f32 to vector<8x14336xf32>
    %ge3A_517 = arith.cmpf oge, %add3A_514, %ge3A_516 : vector<8x14336xf32>
    %jit3A_518 = arith.constant 0.000000e+00 : f32
    %broadcast_in_dim3A_519 = vector.broadcast %jit3A_518 : f32 to vector<8x14336xf32>
    %select_n3A_520 = arith.select %ge3A_517, %broadcast_in_dim3A_519, %add3A_514 : vector<8x14336xi1>, vector<8x14336xf32>
    %gt3A_521 = arith.constant 8 : i32
    %gt3A_522 = arith.cmpi sgt, %get3A_5, %gt3A_521 : i32
    %jit3A_523 = arith.constant 1.000000e+00 : f32
    %jit3A_524 = arith.constant 0.000000e+00 : f32
    %select_n3A_525 = arith.select %gt3A_522, %jit3A_523, %jit3A_524 : f32
    %jit3A_526 = arith.constant 0.000000e+00 : f32
    %broadcast_in_dim3A_527 = vector.broadcast %select_n3A_525 : f32 to vector<8x14336xf32>
    %broadcast_in_dim3A_528 = vector.broadcast %jit3A_526 : f32 to vector<8x14336xf32>
    %select_n3A_529 = arith.select %ge3A_517, %broadcast_in_dim3A_527, %broadcast_in_dim3A_528 : vector<8x14336xi1>, vector<8x14336xf32>
    %add3A_530 = arith.addf %add3A_471, %select_n3A_529 : vector<8x14336xf32>
    %prng_random_bits3A_531 = "tpu.prng_random_bits"() : () -> vector<8x14336xi32>
    %shift_right_logical3A_532 = arith.constant 8 : i32
    %shift_right_logical3A_533 = vector.broadcast %shift_right_logical3A_532 : i32 to vector<8x14336xi32>
    %shift_right_logical3A_534 = arith.shrui %prng_random_bits3A_531, %shift_right_logical3A_533 : vector<8x14336xi32>
    %lt3A_535 = arith.cmpi slt, %shift_right_logical3A_534, %convert_element_type3A : vector<8x14336xi32>
    %jit3A_536 = arith.constant 1.000000e+00 : f32
    %jit3A_537 = arith.constant 0.000000e+00 : f32
    %broadcast_in_dim3A_538 = vector.broadcast %jit3A_536 : f32 to vector<8x14336xf32>
    %broadcast_in_dim3A_539 = vector.broadcast %jit3A_537 : f32 to vector<8x14336xf32>
    %select_n3A_540 = arith.select %lt3A_535, %broadcast_in_dim3A_538, %broadcast_in_dim3A_539 : vector<8x14336xi1>, vector<8x14336xf32>
    %slice3A_541 = vector.extract_strided_slice %select_n3A_540 {offsets = [3, 0], sizes = [5, 14336], strides = [1, 1]} : vector<8x14336xf32> to vector<5x14336xf32>
    %slice3A_542 = vector.extract_strided_slice %select_n3A_540 {offsets = [0, 0], sizes = [3, 14336], strides = [1, 1]} : vector<8x14336xf32> to vector<3x14336xf32>
    %concatenate3A_543 = tpu.concatenate %slice3A_541, %slice3A_542 in 0 : vector<5x14336xf32>, vector<3x14336xf32> -> vector<8x14336xf32>
    %sub3A_544 = arith.subf %select_n3A_540, %concatenate3A_543 : vector<8x14336xf32>
    %sub3A_545 = arith.subf %sub3A_544, %select_n3A_501 : vector<8x14336xf32>
    %mul3A_546 = arith.constant 1.000000e-01 : f32
    %mul3A_547 = vector.broadcast %mul3A_546 : f32 to vector<8x14336xf32>
    %mul3A_548 = arith.mulf %sub3A_545, %mul3A_547 : vector<8x14336xf32>
    %add3A_549 = arith.addf %select_n3A_501, %mul3A_548 : vector<8x14336xf32>
    %ge3A_550 = arith.constant 1.000000e+00 : f32
    %ge3A_551 = vector.broadcast %ge3A_550 : f32 to vector<8x14336xf32>
    %ge3A_552 = arith.cmpf oge, %add3A_549, %ge3A_551 : vector<8x14336xf32>
    %jit3A_553 = arith.constant 1.000000e+00 : f32
    %jit3A_554 = arith.constant 0.000000e+00 : f32
    %broadcast_in_dim3A_555 = vector.broadcast %jit3A_553 : f32 to vector<8x14336xf32>
    %broadcast_in_dim3A_556 = vector.broadcast %jit3A_554 : f32 to vector<8x14336xf32>
    %select_n3A_557 = arith.select %ge3A_552, %broadcast_in_dim3A_555, %broadcast_in_dim3A_556 : vector<8x14336xi1>, vector<8x14336xf32>
    %jit3A_558 = arith.constant 0.000000e+00 : f32
    %broadcast_in_dim3A_559 = vector.broadcast %jit3A_558 : f32 to vector<8x14336xf32>
    %select_n3A_560 = arith.select %ge3A_552, %broadcast_in_dim3A_559, %add3A_549 : vector<8x14336xi1>, vector<8x14336xf32>
    %slice3A_561 = vector.extract_strided_slice %select_n3A_557 {offsets = [1, 0], sizes = [7, 14336], strides = [1, 1]} : vector<8x14336xf32> to vector<7x14336xf32>
    %slice3A_562 = vector.extract_strided_slice %select_n3A_557 {offsets = [0, 0], sizes = [1, 14336], strides = [1, 1]} : vector<8x14336xf32> to vector<1x14336xf32>
    %concatenate3A_563 = tpu.concatenate %slice3A_561, %slice3A_562 in 0 : vector<7x14336xf32>, vector<1x14336xf32> -> vector<8x14336xf32>
    %add3A_564 = arith.addf %select_n3A_557, %concatenate3A_563 : vector<8x14336xf32>
    %slice3A_565 = vector.extract_strided_slice %add3A_564 {offsets = [4, 0], sizes = [4, 14336], strides = [1, 1]} : vector<8x14336xf32> to vector<4x14336xf32>
    %slice3A_566 = vector.extract_strided_slice %add3A_564 {offsets = [0, 0], sizes = [4, 14336], strides = [1, 1]} : vector<8x14336xf32> to vector<4x14336xf32>
    %concatenate3A_567 = tpu.concatenate %slice3A_565, %slice3A_566 in 0 : vector<4x14336xf32>, vector<4x14336xf32> -> vector<8x14336xf32>
    %sub3A_568 = arith.subf %add3A_564, %concatenate3A_567 : vector<8x14336xf32>
    %sub3A_569 = arith.subf %sub3A_568, %select_n3A_520 : vector<8x14336xf32>
    %mul3A_570 = arith.constant 1.000000e-01 : f32
    %mul3A_571 = vector.broadcast %mul3A_570 : f32 to vector<8x14336xf32>
    %mul3A_572 = arith.mulf %sub3A_569, %mul3A_571 : vector<8x14336xf32>
    %add3A_573 = arith.addf %select_n3A_520, %mul3A_572 : vector<8x14336xf32>
    %ge3A_574 = arith.constant 1.000000e+00 : f32
    %ge3A_575 = vector.broadcast %ge3A_574 : f32 to vector<8x14336xf32>
    %ge3A_576 = arith.cmpf oge, %add3A_573, %ge3A_575 : vector<8x14336xf32>
    %jit3A_577 = arith.constant 0.000000e+00 : f32
    %broadcast_in_dim3A_578 = vector.broadcast %jit3A_577 : f32 to vector<8x14336xf32>
    %select_n3A_579 = arith.select %ge3A_576, %broadcast_in_dim3A_578, %add3A_573 : vector<8x14336xi1>, vector<8x14336xf32>
    %gt3A_580 = arith.constant 9 : i32
    %gt3A_581 = arith.cmpi sgt, %get3A_5, %gt3A_580 : i32
    %jit3A_582 = arith.constant 1.000000e+00 : f32
    %jit3A_583 = arith.constant 0.000000e+00 : f32
    %select_n3A_584 = arith.select %gt3A_581, %jit3A_582, %jit3A_583 : f32
    %jit3A_585 = arith.constant 0.000000e+00 : f32
    %broadcast_in_dim3A_586 = vector.broadcast %select_n3A_584 : f32 to vector<8x14336xf32>
    %broadcast_in_dim3A_587 = vector.broadcast %jit3A_585 : f32 to vector<8x14336xf32>
    %select_n3A_588 = arith.select %ge3A_576, %broadcast_in_dim3A_586, %broadcast_in_dim3A_587 : vector<8x14336xi1>, vector<8x14336xf32>
    %add3A_589 = arith.addf %add3A_530, %select_n3A_588 : vector<8x14336xf32>
    %prng_random_bits3A_590 = "tpu.prng_random_bits"() : () -> vector<8x14336xi32>
    %shift_right_logical3A_591 = arith.constant 8 : i32
    %shift_right_logical3A_592 = vector.broadcast %shift_right_logical3A_591 : i32 to vector<8x14336xi32>
    %shift_right_logical3A_593 = arith.shrui %prng_random_bits3A_590, %shift_right_logical3A_592 : vector<8x14336xi32>
    %lt3A_594 = arith.cmpi slt, %shift_right_logical3A_593, %convert_element_type3A : vector<8x14336xi32>
    %jit3A_595 = arith.constant 1.000000e+00 : f32
    %jit3A_596 = arith.constant 0.000000e+00 : f32
    %broadcast_in_dim3A_597 = vector.broadcast %jit3A_595 : f32 to vector<8x14336xf32>
    %broadcast_in_dim3A_598 = vector.broadcast %jit3A_596 : f32 to vector<8x14336xf32>
    %select_n3A_599 = arith.select %lt3A_594, %broadcast_in_dim3A_597, %broadcast_in_dim3A_598 : vector<8x14336xi1>, vector<8x14336xf32>
    %slice3A_600 = vector.extract_strided_slice %select_n3A_599 {offsets = [3, 0], sizes = [5, 14336], strides = [1, 1]} : vector<8x14336xf32> to vector<5x14336xf32>
    %slice3A_601 = vector.extract_strided_slice %select_n3A_599 {offsets = [0, 0], sizes = [3, 14336], strides = [1, 1]} : vector<8x14336xf32> to vector<3x14336xf32>
    %concatenate3A_602 = tpu.concatenate %slice3A_600, %slice3A_601 in 0 : vector<5x14336xf32>, vector<3x14336xf32> -> vector<8x14336xf32>
    %sub3A_603 = arith.subf %select_n3A_599, %concatenate3A_602 : vector<8x14336xf32>
    %sub3A_604 = arith.subf %sub3A_603, %select_n3A_560 : vector<8x14336xf32>
    %mul3A_605 = arith.constant 1.000000e-01 : f32
    %mul3A_606 = vector.broadcast %mul3A_605 : f32 to vector<8x14336xf32>
    %mul3A_607 = arith.mulf %sub3A_604, %mul3A_606 : vector<8x14336xf32>
    %add3A_608 = arith.addf %select_n3A_560, %mul3A_607 : vector<8x14336xf32>
    %ge3A_609 = arith.constant 1.000000e+00 : f32
    %ge3A_610 = vector.broadcast %ge3A_609 : f32 to vector<8x14336xf32>
    %ge3A_611 = arith.cmpf oge, %add3A_608, %ge3A_610 : vector<8x14336xf32>
    %jit3A_612 = arith.constant 1.000000e+00 : f32
    %jit3A_613 = arith.constant 0.000000e+00 : f32
    %broadcast_in_dim3A_614 = vector.broadcast %jit3A_612 : f32 to vector<8x14336xf32>
    %broadcast_in_dim3A_615 = vector.broadcast %jit3A_613 : f32 to vector<8x14336xf32>
    %select_n3A_616 = arith.select %ge3A_611, %broadcast_in_dim3A_614, %broadcast_in_dim3A_615 : vector<8x14336xi1>, vector<8x14336xf32>
    %jit3A_617 = arith.constant 0.000000e+00 : f32
    %broadcast_in_dim3A_618 = vector.broadcast %jit3A_617 : f32 to vector<8x14336xf32>
    %select_n3A_619 = arith.select %ge3A_611, %broadcast_in_dim3A_618, %add3A_608 : vector<8x14336xi1>, vector<8x14336xf32>
    %slice3A_620 = vector.extract_strided_slice %select_n3A_616 {offsets = [1, 0], sizes = [7, 14336], strides = [1, 1]} : vector<8x14336xf32> to vector<7x14336xf32>
    %slice3A_621 = vector.extract_strided_slice %select_n3A_616 {offsets = [0, 0], sizes = [1, 14336], strides = [1, 1]} : vector<8x14336xf32> to vector<1x14336xf32>
    %concatenate3A_622 = tpu.concatenate %slice3A_620, %slice3A_621 in 0 : vector<7x14336xf32>, vector<1x14336xf32> -> vector<8x14336xf32>
    %add3A_623 = arith.addf %select_n3A_616, %concatenate3A_622 : vector<8x14336xf32>
    %slice3A_624 = vector.extract_strided_slice %add3A_623 {offsets = [4, 0], sizes = [4, 14336], strides = [1, 1]} : vector<8x14336xf32> to vector<4x14336xf32>
    %slice3A_625 = vector.extract_strided_slice %add3A_623 {offsets = [0, 0], sizes = [4, 14336], strides = [1, 1]} : vector<8x14336xf32> to vector<4x14336xf32>
    %concatenate3A_626 = tpu.concatenate %slice3A_624, %slice3A_625 in 0 : vector<4x14336xf32>, vector<4x14336xf32> -> vector<8x14336xf32>
    %sub3A_627 = arith.subf %add3A_623, %concatenate3A_626 : vector<8x14336xf32>
    %sub3A_628 = arith.subf %sub3A_627, %select_n3A_579 : vector<8x14336xf32>
    %mul3A_629 = arith.constant 1.000000e-01 : f32
    %mul3A_630 = vector.broadcast %mul3A_629 : f32 to vector<8x14336xf32>
    %mul3A_631 = arith.mulf %sub3A_628, %mul3A_630 : vector<8x14336xf32>
    %add3A_632 = arith.addf %select_n3A_579, %mul3A_631 : vector<8x14336xf32>
    %ge3A_633 = arith.constant 1.000000e+00 : f32
    %ge3A_634 = vector.broadcast %ge3A_633 : f32 to vector<8x14336xf32>
    %ge3A_635 = arith.cmpf oge, %add3A_632, %ge3A_634 : vector<8x14336xf32>
    %jit3A_636 = arith.constant 0.000000e+00 : f32
    %broadcast_in_dim3A_637 = vector.broadcast %jit3A_636 : f32 to vector<8x14336xf32>
    %select_n3A_638 = arith.select %ge3A_635, %broadcast_in_dim3A_637, %add3A_632 : vector<8x14336xi1>, vector<8x14336xf32>
    %gt3A_639 = arith.constant 10 : i32
    %gt3A_640 = arith.cmpi sgt, %get3A_5, %gt3A_639 : i32
    %jit3A_641 = arith.constant 1.000000e+00 : f32
    %jit3A_642 = arith.constant 0.000000e+00 : f32
    %select_n3A_643 = arith.select %gt3A_640, %jit3A_641, %jit3A_642 : f32
    %jit3A_644 = arith.constant 0.000000e+00 : f32
    %broadcast_in_dim3A_645 = vector.broadcast %select_n3A_643 : f32 to vector<8x14336xf32>
    %broadcast_in_dim3A_646 = vector.broadcast %jit3A_644 : f32 to vector<8x14336xf32>
    %select_n3A_647 = arith.select %ge3A_635, %broadcast_in_dim3A_645, %broadcast_in_dim3A_646 : vector<8x14336xi1>, vector<8x14336xf32>
    %add3A_648 = arith.addf %add3A_589, %select_n3A_647 : vector<8x14336xf32>
    %prng_random_bits3A_649 = "tpu.prng_random_bits"() : () -> vector<8x14336xi32>
    %shift_right_logical3A_650 = arith.constant 8 : i32
    %shift_right_logical3A_651 = vector.broadcast %shift_right_logical3A_650 : i32 to vector<8x14336xi32>
    %shift_right_logical3A_652 = arith.shrui %prng_random_bits3A_649, %shift_right_logical3A_651 : vector<8x14336xi32>
    %lt3A_653 = arith.cmpi slt, %shift_right_logical3A_652, %convert_element_type3A : vector<8x14336xi32>
    %jit3A_654 = arith.constant 1.000000e+00 : f32
    %jit3A_655 = arith.constant 0.000000e+00 : f32
    %broadcast_in_dim3A_656 = vector.broadcast %jit3A_654 : f32 to vector<8x14336xf32>
    %broadcast_in_dim3A_657 = vector.broadcast %jit3A_655 : f32 to vector<8x14336xf32>
    %select_n3A_658 = arith.select %lt3A_653, %broadcast_in_dim3A_656, %broadcast_in_dim3A_657 : vector<8x14336xi1>, vector<8x14336xf32>
    %slice3A_659 = vector.extract_strided_slice %select_n3A_658 {offsets = [3, 0], sizes = [5, 14336], strides = [1, 1]} : vector<8x14336xf32> to vector<5x14336xf32>
    %slice3A_660 = vector.extract_strided_slice %select_n3A_658 {offsets = [0, 0], sizes = [3, 14336], strides = [1, 1]} : vector<8x14336xf32> to vector<3x14336xf32>
    %concatenate3A_661 = tpu.concatenate %slice3A_659, %slice3A_660 in 0 : vector<5x14336xf32>, vector<3x14336xf32> -> vector<8x14336xf32>
    %sub3A_662 = arith.subf %select_n3A_658, %concatenate3A_661 : vector<8x14336xf32>
    %sub3A_663 = arith.subf %sub3A_662, %select_n3A_619 : vector<8x14336xf32>
    %mul3A_664 = arith.constant 1.000000e-01 : f32
    %mul3A_665 = vector.broadcast %mul3A_664 : f32 to vector<8x14336xf32>
    %mul3A_666 = arith.mulf %sub3A_663, %mul3A_665 : vector<8x14336xf32>
    %add3A_667 = arith.addf %select_n3A_619, %mul3A_666 : vector<8x14336xf32>
    %ge3A_668 = arith.constant 1.000000e+00 : f32
    %ge3A_669 = vector.broadcast %ge3A_668 : f32 to vector<8x14336xf32>
    %ge3A_670 = arith.cmpf oge, %add3A_667, %ge3A_669 : vector<8x14336xf32>
    %jit3A_671 = arith.constant 1.000000e+00 : f32
    %jit3A_672 = arith.constant 0.000000e+00 : f32
    %broadcast_in_dim3A_673 = vector.broadcast %jit3A_671 : f32 to vector<8x14336xf32>
    %broadcast_in_dim3A_674 = vector.broadcast %jit3A_672 : f32 to vector<8x14336xf32>
    %select_n3A_675 = arith.select %ge3A_670, %broadcast_in_dim3A_673, %broadcast_in_dim3A_674 : vector<8x14336xi1>, vector<8x14336xf32>
    %jit3A_676 = arith.constant 0.000000e+00 : f32
    %broadcast_in_dim3A_677 = vector.broadcast %jit3A_676 : f32 to vector<8x14336xf32>
    %select_n3A_678 = arith.select %ge3A_670, %broadcast_in_dim3A_677, %add3A_667 : vector<8x14336xi1>, vector<8x14336xf32>
    %slice3A_679 = vector.extract_strided_slice %select_n3A_675 {offsets = [1, 0], sizes = [7, 14336], strides = [1, 1]} : vector<8x14336xf32> to vector<7x14336xf32>
    %slice3A_680 = vector.extract_strided_slice %select_n3A_675 {offsets = [0, 0], sizes = [1, 14336], strides = [1, 1]} : vector<8x14336xf32> to vector<1x14336xf32>
    %concatenate3A_681 = tpu.concatenate %slice3A_679, %slice3A_680 in 0 : vector<7x14336xf32>, vector<1x14336xf32> -> vector<8x14336xf32>
    %add3A_682 = arith.addf %select_n3A_675, %concatenate3A_681 : vector<8x14336xf32>
    %slice3A_683 = vector.extract_strided_slice %add3A_682 {offsets = [4, 0], sizes = [4, 14336], strides = [1, 1]} : vector<8x14336xf32> to vector<4x14336xf32>
    %slice3A_684 = vector.extract_strided_slice %add3A_682 {offsets = [0, 0], sizes = [4, 14336], strides = [1, 1]} : vector<8x14336xf32> to vector<4x14336xf32>
    %concatenate3A_685 = tpu.concatenate %slice3A_683, %slice3A_684 in 0 : vector<4x14336xf32>, vector<4x14336xf32> -> vector<8x14336xf32>
    %sub3A_686 = arith.subf %add3A_682, %concatenate3A_685 : vector<8x14336xf32>
    %sub3A_687 = arith.subf %sub3A_686, %select_n3A_638 : vector<8x14336xf32>
    %mul3A_688 = arith.constant 1.000000e-01 : f32
    %mul3A_689 = vector.broadcast %mul3A_688 : f32 to vector<8x14336xf32>
    %mul3A_690 = arith.mulf %sub3A_687, %mul3A_689 : vector<8x14336xf32>
    %add3A_691 = arith.addf %select_n3A_638, %mul3A_690 : vector<8x14336xf32>
    %ge3A_692 = arith.constant 1.000000e+00 : f32
    %ge3A_693 = vector.broadcast %ge3A_692 : f32 to vector<8x14336xf32>
    %ge3A_694 = arith.cmpf oge, %add3A_691, %ge3A_693 : vector<8x14336xf32>
    %jit3A_695 = arith.constant 0.000000e+00 : f32
    %broadcast_in_dim3A_696 = vector.broadcast %jit3A_695 : f32 to vector<8x14336xf32>
    %select_n3A_697 = arith.select %ge3A_694, %broadcast_in_dim3A_696, %add3A_691 : vector<8x14336xi1>, vector<8x14336xf32>
    %gt3A_698 = arith.constant 11 : i32
    %gt3A_699 = arith.cmpi sgt, %get3A_5, %gt3A_698 : i32
    %jit3A_700 = arith.constant 1.000000e+00 : f32
    %jit3A_701 = arith.constant 0.000000e+00 : f32
    %select_n3A_702 = arith.select %gt3A_699, %jit3A_700, %jit3A_701 : f32
    %jit3A_703 = arith.constant 0.000000e+00 : f32
    %broadcast_in_dim3A_704 = vector.broadcast %select_n3A_702 : f32 to vector<8x14336xf32>
    %broadcast_in_dim3A_705 = vector.broadcast %jit3A_703 : f32 to vector<8x14336xf32>
    %select_n3A_706 = arith.select %ge3A_694, %broadcast_in_dim3A_704, %broadcast_in_dim3A_705 : vector<8x14336xi1>, vector<8x14336xf32>
    %add3A_707 = arith.addf %add3A_648, %select_n3A_706 : vector<8x14336xf32>
    %prng_random_bits3A_708 = "tpu.prng_random_bits"() : () -> vector<8x14336xi32>
    %shift_right_logical3A_709 = arith.constant 8 : i32
    %shift_right_logical3A_710 = vector.broadcast %shift_right_logical3A_709 : i32 to vector<8x14336xi32>
    %shift_right_logical3A_711 = arith.shrui %prng_random_bits3A_708, %shift_right_logical3A_710 : vector<8x14336xi32>
    %lt3A_712 = arith.cmpi slt, %shift_right_logical3A_711, %convert_element_type3A : vector<8x14336xi32>
    %jit3A_713 = arith.constant 1.000000e+00 : f32
    %jit3A_714 = arith.constant 0.000000e+00 : f32
    %broadcast_in_dim3A_715 = vector.broadcast %jit3A_713 : f32 to vector<8x14336xf32>
    %broadcast_in_dim3A_716 = vector.broadcast %jit3A_714 : f32 to vector<8x14336xf32>
    %select_n3A_717 = arith.select %lt3A_712, %broadcast_in_dim3A_715, %broadcast_in_dim3A_716 : vector<8x14336xi1>, vector<8x14336xf32>
    %slice3A_718 = vector.extract_strided_slice %select_n3A_717 {offsets = [3, 0], sizes = [5, 14336], strides = [1, 1]} : vector<8x14336xf32> to vector<5x14336xf32>
    %slice3A_719 = vector.extract_strided_slice %select_n3A_717 {offsets = [0, 0], sizes = [3, 14336], strides = [1, 1]} : vector<8x14336xf32> to vector<3x14336xf32>
    %concatenate3A_720 = tpu.concatenate %slice3A_718, %slice3A_719 in 0 : vector<5x14336xf32>, vector<3x14336xf32> -> vector<8x14336xf32>
    %sub3A_721 = arith.subf %select_n3A_717, %concatenate3A_720 : vector<8x14336xf32>
    %sub3A_722 = arith.subf %sub3A_721, %select_n3A_678 : vector<8x14336xf32>
    %mul3A_723 = arith.constant 1.000000e-01 : f32
    %mul3A_724 = vector.broadcast %mul3A_723 : f32 to vector<8x14336xf32>
    %mul3A_725 = arith.mulf %sub3A_722, %mul3A_724 : vector<8x14336xf32>
    %add3A_726 = arith.addf %select_n3A_678, %mul3A_725 : vector<8x14336xf32>
    %ge3A_727 = arith.constant 1.000000e+00 : f32
    %ge3A_728 = vector.broadcast %ge3A_727 : f32 to vector<8x14336xf32>
    %ge3A_729 = arith.cmpf oge, %add3A_726, %ge3A_728 : vector<8x14336xf32>
    %jit3A_730 = arith.constant 1.000000e+00 : f32
    %jit3A_731 = arith.constant 0.000000e+00 : f32
    %broadcast_in_dim3A_732 = vector.broadcast %jit3A_730 : f32 to vector<8x14336xf32>
    %broadcast_in_dim3A_733 = vector.broadcast %jit3A_731 : f32 to vector<8x14336xf32>
    %select_n3A_734 = arith.select %ge3A_729, %broadcast_in_dim3A_732, %broadcast_in_dim3A_733 : vector<8x14336xi1>, vector<8x14336xf32>
    %jit3A_735 = arith.constant 0.000000e+00 : f32
    %broadcast_in_dim3A_736 = vector.broadcast %jit3A_735 : f32 to vector<8x14336xf32>
    %select_n3A_737 = arith.select %ge3A_729, %broadcast_in_dim3A_736, %add3A_726 : vector<8x14336xi1>, vector<8x14336xf32>
    %slice3A_738 = vector.extract_strided_slice %select_n3A_734 {offsets = [1, 0], sizes = [7, 14336], strides = [1, 1]} : vector<8x14336xf32> to vector<7x14336xf32>
    %slice3A_739 = vector.extract_strided_slice %select_n3A_734 {offsets = [0, 0], sizes = [1, 14336], strides = [1, 1]} : vector<8x14336xf32> to vector<1x14336xf32>
    %concatenate3A_740 = tpu.concatenate %slice3A_738, %slice3A_739 in 0 : vector<7x14336xf32>, vector<1x14336xf32> -> vector<8x14336xf32>
    %add3A_741 = arith.addf %select_n3A_734, %concatenate3A_740 : vector<8x14336xf32>
    %slice3A_742 = vector.extract_strided_slice %add3A_741 {offsets = [4, 0], sizes = [4, 14336], strides = [1, 1]} : vector<8x14336xf32> to vector<4x14336xf32>
    %slice3A_743 = vector.extract_strided_slice %add3A_741 {offsets = [0, 0], sizes = [4, 14336], strides = [1, 1]} : vector<8x14336xf32> to vector<4x14336xf32>
    %concatenate3A_744 = tpu.concatenate %slice3A_742, %slice3A_743 in 0 : vector<4x14336xf32>, vector<4x14336xf32> -> vector<8x14336xf32>
    %sub3A_745 = arith.subf %add3A_741, %concatenate3A_744 : vector<8x14336xf32>
    %sub3A_746 = arith.subf %sub3A_745, %select_n3A_697 : vector<8x14336xf32>
    %mul3A_747 = arith.constant 1.000000e-01 : f32
    %mul3A_748 = vector.broadcast %mul3A_747 : f32 to vector<8x14336xf32>
    %mul3A_749 = arith.mulf %sub3A_746, %mul3A_748 : vector<8x14336xf32>
    %add3A_750 = arith.addf %select_n3A_697, %mul3A_749 : vector<8x14336xf32>
    %ge3A_751 = arith.constant 1.000000e+00 : f32
    %ge3A_752 = vector.broadcast %ge3A_751 : f32 to vector<8x14336xf32>
    %ge3A_753 = arith.cmpf oge, %add3A_750, %ge3A_752 : vector<8x14336xf32>
    %jit3A_754 = arith.constant 0.000000e+00 : f32
    %broadcast_in_dim3A_755 = vector.broadcast %jit3A_754 : f32 to vector<8x14336xf32>
    %select_n3A_756 = arith.select %ge3A_753, %broadcast_in_dim3A_755, %add3A_750 : vector<8x14336xi1>, vector<8x14336xf32>
    %gt3A_757 = arith.constant 12 : i32
    %gt3A_758 = arith.cmpi sgt, %get3A_5, %gt3A_757 : i32
    %jit3A_759 = arith.constant 1.000000e+00 : f32
    %jit3A_760 = arith.constant 0.000000e+00 : f32
    %select_n3A_761 = arith.select %gt3A_758, %jit3A_759, %jit3A_760 : f32
    %jit3A_762 = arith.constant 0.000000e+00 : f32
    %broadcast_in_dim3A_763 = vector.broadcast %select_n3A_761 : f32 to vector<8x14336xf32>
    %broadcast_in_dim3A_764 = vector.broadcast %jit3A_762 : f32 to vector<8x14336xf32>
    %select_n3A_765 = arith.select %ge3A_753, %broadcast_in_dim3A_763, %broadcast_in_dim3A_764 : vector<8x14336xi1>, vector<8x14336xf32>
    %add3A_766 = arith.addf %add3A_707, %select_n3A_765 : vector<8x14336xf32>
    %prng_random_bits3A_767 = "tpu.prng_random_bits"() : () -> vector<8x14336xi32>
    %shift_right_logical3A_768 = arith.constant 8 : i32
    %shift_right_logical3A_769 = vector.broadcast %shift_right_logical3A_768 : i32 to vector<8x14336xi32>
    %shift_right_logical3A_770 = arith.shrui %prng_random_bits3A_767, %shift_right_logical3A_769 : vector<8x14336xi32>
    %lt3A_771 = arith.cmpi slt, %shift_right_logical3A_770, %convert_element_type3A : vector<8x14336xi32>
    %jit3A_772 = arith.constant 1.000000e+00 : f32
    %jit3A_773 = arith.constant 0.000000e+00 : f32
    %broadcast_in_dim3A_774 = vector.broadcast %jit3A_772 : f32 to vector<8x14336xf32>
    %broadcast_in_dim3A_775 = vector.broadcast %jit3A_773 : f32 to vector<8x14336xf32>
    %select_n3A_776 = arith.select %lt3A_771, %broadcast_in_dim3A_774, %broadcast_in_dim3A_775 : vector<8x14336xi1>, vector<8x14336xf32>
    %slice3A_777 = vector.extract_strided_slice %select_n3A_776 {offsets = [3, 0], sizes = [5, 14336], strides = [1, 1]} : vector<8x14336xf32> to vector<5x14336xf32>
    %slice3A_778 = vector.extract_strided_slice %select_n3A_776 {offsets = [0, 0], sizes = [3, 14336], strides = [1, 1]} : vector<8x14336xf32> to vector<3x14336xf32>
    %concatenate3A_779 = tpu.concatenate %slice3A_777, %slice3A_778 in 0 : vector<5x14336xf32>, vector<3x14336xf32> -> vector<8x14336xf32>
    %sub3A_780 = arith.subf %select_n3A_776, %concatenate3A_779 : vector<8x14336xf32>
    %sub3A_781 = arith.subf %sub3A_780, %select_n3A_737 : vector<8x14336xf32>
    %mul3A_782 = arith.constant 1.000000e-01 : f32
    %mul3A_783 = vector.broadcast %mul3A_782 : f32 to vector<8x14336xf32>
    %mul3A_784 = arith.mulf %sub3A_781, %mul3A_783 : vector<8x14336xf32>
    %add3A_785 = arith.addf %select_n3A_737, %mul3A_784 : vector<8x14336xf32>
    %ge3A_786 = arith.constant 1.000000e+00 : f32
    %ge3A_787 = vector.broadcast %ge3A_786 : f32 to vector<8x14336xf32>
    %ge3A_788 = arith.cmpf oge, %add3A_785, %ge3A_787 : vector<8x14336xf32>
    %jit3A_789 = arith.constant 1.000000e+00 : f32
    %jit3A_790 = arith.constant 0.000000e+00 : f32
    %broadcast_in_dim3A_791 = vector.broadcast %jit3A_789 : f32 to vector<8x14336xf32>
    %broadcast_in_dim3A_792 = vector.broadcast %jit3A_790 : f32 to vector<8x14336xf32>
    %select_n3A_793 = arith.select %ge3A_788, %broadcast_in_dim3A_791, %broadcast_in_dim3A_792 : vector<8x14336xi1>, vector<8x14336xf32>
    %jit3A_794 = arith.constant 0.000000e+00 : f32
    %broadcast_in_dim3A_795 = vector.broadcast %jit3A_794 : f32 to vector<8x14336xf32>
    %select_n3A_796 = arith.select %ge3A_788, %broadcast_in_dim3A_795, %add3A_785 : vector<8x14336xi1>, vector<8x14336xf32>
    %slice3A_797 = vector.extract_strided_slice %select_n3A_793 {offsets = [1, 0], sizes = [7, 14336], strides = [1, 1]} : vector<8x14336xf32> to vector<7x14336xf32>
    %slice3A_798 = vector.extract_strided_slice %select_n3A_793 {offsets = [0, 0], sizes = [1, 14336], strides = [1, 1]} : vector<8x14336xf32> to vector<1x14336xf32>
    %concatenate3A_799 = tpu.concatenate %slice3A_797, %slice3A_798 in 0 : vector<7x14336xf32>, vector<1x14336xf32> -> vector<8x14336xf32>
    %add3A_800 = arith.addf %select_n3A_793, %concatenate3A_799 : vector<8x14336xf32>
    %slice3A_801 = vector.extract_strided_slice %add3A_800 {offsets = [4, 0], sizes = [4, 14336], strides = [1, 1]} : vector<8x14336xf32> to vector<4x14336xf32>
    %slice3A_802 = vector.extract_strided_slice %add3A_800 {offsets = [0, 0], sizes = [4, 14336], strides = [1, 1]} : vector<8x14336xf32> to vector<4x14336xf32>
    %concatenate3A_803 = tpu.concatenate %slice3A_801, %slice3A_802 in 0 : vector<4x14336xf32>, vector<4x14336xf32> -> vector<8x14336xf32>
    %sub3A_804 = arith.subf %add3A_800, %concatenate3A_803 : vector<8x14336xf32>
    %sub3A_805 = arith.subf %sub3A_804, %select_n3A_756 : vector<8x14336xf32>
    %mul3A_806 = arith.constant 1.000000e-01 : f32
    %mul3A_807 = vector.broadcast %mul3A_806 : f32 to vector<8x14336xf32>
    %mul3A_808 = arith.mulf %sub3A_805, %mul3A_807 : vector<8x14336xf32>
    %add3A_809 = arith.addf %select_n3A_756, %mul3A_808 : vector<8x14336xf32>
    %ge3A_810 = arith.constant 1.000000e+00 : f32
    %ge3A_811 = vector.broadcast %ge3A_810 : f32 to vector<8x14336xf32>
    %ge3A_812 = arith.cmpf oge, %add3A_809, %ge3A_811 : vector<8x14336xf32>
    %jit3A_813 = arith.constant 0.000000e+00 : f32
    %broadcast_in_dim3A_814 = vector.broadcast %jit3A_813 : f32 to vector<8x14336xf32>
    %select_n3A_815 = arith.select %ge3A_812, %broadcast_in_dim3A_814, %add3A_809 : vector<8x14336xi1>, vector<8x14336xf32>
    %gt3A_816 = arith.constant 13 : i32
    %gt3A_817 = arith.cmpi sgt, %get3A_5, %gt3A_816 : i32
    %jit3A_818 = arith.constant 1.000000e+00 : f32
    %jit3A_819 = arith.constant 0.000000e+00 : f32
    %select_n3A_820 = arith.select %gt3A_817, %jit3A_818, %jit3A_819 : f32
    %jit3A_821 = arith.constant 0.000000e+00 : f32
    %broadcast_in_dim3A_822 = vector.broadcast %select_n3A_820 : f32 to vector<8x14336xf32>
    %broadcast_in_dim3A_823 = vector.broadcast %jit3A_821 : f32 to vector<8x14336xf32>
    %select_n3A_824 = arith.select %ge3A_812, %broadcast_in_dim3A_822, %broadcast_in_dim3A_823 : vector<8x14336xi1>, vector<8x14336xf32>
    %add3A_825 = arith.addf %add3A_766, %select_n3A_824 : vector<8x14336xf32>
    %prng_random_bits3A_826 = "tpu.prng_random_bits"() : () -> vector<8x14336xi32>
    %shift_right_logical3A_827 = arith.constant 8 : i32
    %shift_right_logical3A_828 = vector.broadcast %shift_right_logical3A_827 : i32 to vector<8x14336xi32>
    %shift_right_logical3A_829 = arith.shrui %prng_random_bits3A_826, %shift_right_logical3A_828 : vector<8x14336xi32>
    %lt3A_830 = arith.cmpi slt, %shift_right_logical3A_829, %convert_element_type3A : vector<8x14336xi32>
    %jit3A_831 = arith.constant 1.000000e+00 : f32
    %jit3A_832 = arith.constant 0.000000e+00 : f32
    %broadcast_in_dim3A_833 = vector.broadcast %jit3A_831 : f32 to vector<8x14336xf32>
    %broadcast_in_dim3A_834 = vector.broadcast %jit3A_832 : f32 to vector<8x14336xf32>
    %select_n3A_835 = arith.select %lt3A_830, %broadcast_in_dim3A_833, %broadcast_in_dim3A_834 : vector<8x14336xi1>, vector<8x14336xf32>
    %slice3A_836 = vector.extract_strided_slice %select_n3A_835 {offsets = [3, 0], sizes = [5, 14336], strides = [1, 1]} : vector<8x14336xf32> to vector<5x14336xf32>
    %slice3A_837 = vector.extract_strided_slice %select_n3A_835 {offsets = [0, 0], sizes = [3, 14336], strides = [1, 1]} : vector<8x14336xf32> to vector<3x14336xf32>
    %concatenate3A_838 = tpu.concatenate %slice3A_836, %slice3A_837 in 0 : vector<5x14336xf32>, vector<3x14336xf32> -> vector<8x14336xf32>
    %sub3A_839 = arith.subf %select_n3A_835, %concatenate3A_838 : vector<8x14336xf32>
    %sub3A_840 = arith.subf %sub3A_839, %select_n3A_796 : vector<8x14336xf32>
    %mul3A_841 = arith.constant 1.000000e-01 : f32
    %mul3A_842 = vector.broadcast %mul3A_841 : f32 to vector<8x14336xf32>
    %mul3A_843 = arith.mulf %sub3A_840, %mul3A_842 : vector<8x14336xf32>
    %add3A_844 = arith.addf %select_n3A_796, %mul3A_843 : vector<8x14336xf32>
    %ge3A_845 = arith.constant 1.000000e+00 : f32
    %ge3A_846 = vector.broadcast %ge3A_845 : f32 to vector<8x14336xf32>
    %ge3A_847 = arith.cmpf oge, %add3A_844, %ge3A_846 : vector<8x14336xf32>
    %jit3A_848 = arith.constant 1.000000e+00 : f32
    %jit3A_849 = arith.constant 0.000000e+00 : f32
    %broadcast_in_dim3A_850 = vector.broadcast %jit3A_848 : f32 to vector<8x14336xf32>
    %broadcast_in_dim3A_851 = vector.broadcast %jit3A_849 : f32 to vector<8x14336xf32>
    %select_n3A_852 = arith.select %ge3A_847, %broadcast_in_dim3A_850, %broadcast_in_dim3A_851 : vector<8x14336xi1>, vector<8x14336xf32>
    %jit3A_853 = arith.constant 0.000000e+00 : f32
    %broadcast_in_dim3A_854 = vector.broadcast %jit3A_853 : f32 to vector<8x14336xf32>
    %select_n3A_855 = arith.select %ge3A_847, %broadcast_in_dim3A_854, %add3A_844 : vector<8x14336xi1>, vector<8x14336xf32>
    %slice3A_856 = vector.extract_strided_slice %select_n3A_852 {offsets = [1, 0], sizes = [7, 14336], strides = [1, 1]} : vector<8x14336xf32> to vector<7x14336xf32>
    %slice3A_857 = vector.extract_strided_slice %select_n3A_852 {offsets = [0, 0], sizes = [1, 14336], strides = [1, 1]} : vector<8x14336xf32> to vector<1x14336xf32>
    %concatenate3A_858 = tpu.concatenate %slice3A_856, %slice3A_857 in 0 : vector<7x14336xf32>, vector<1x14336xf32> -> vector<8x14336xf32>
    %add3A_859 = arith.addf %select_n3A_852, %concatenate3A_858 : vector<8x14336xf32>
    %slice3A_860 = vector.extract_strided_slice %add3A_859 {offsets = [4, 0], sizes = [4, 14336], strides = [1, 1]} : vector<8x14336xf32> to vector<4x14336xf32>
    %slice3A_861 = vector.extract_strided_slice %add3A_859 {offsets = [0, 0], sizes = [4, 14336], strides = [1, 1]} : vector<8x14336xf32> to vector<4x14336xf32>
    %concatenate3A_862 = tpu.concatenate %slice3A_860, %slice3A_861 in 0 : vector<4x14336xf32>, vector<4x14336xf32> -> vector<8x14336xf32>
    %sub3A_863 = arith.subf %add3A_859, %concatenate3A_862 : vector<8x14336xf32>
    %sub3A_864 = arith.subf %sub3A_863, %select_n3A_815 : vector<8x14336xf32>
    %mul3A_865 = arith.constant 1.000000e-01 : f32
    %mul3A_866 = vector.broadcast %mul3A_865 : f32 to vector<8x14336xf32>
    %mul3A_867 = arith.mulf %sub3A_864, %mul3A_866 : vector<8x14336xf32>
    %add3A_868 = arith.addf %select_n3A_815, %mul3A_867 : vector<8x14336xf32>
    %ge3A_869 = arith.constant 1.000000e+00 : f32
    %ge3A_870 = vector.broadcast %ge3A_869 : f32 to vector<8x14336xf32>
    %ge3A_871 = arith.cmpf oge, %add3A_868, %ge3A_870 : vector<8x14336xf32>
    %jit3A_872 = arith.constant 0.000000e+00 : f32
    %broadcast_in_dim3A_873 = vector.broadcast %jit3A_872 : f32 to vector<8x14336xf32>
    %select_n3A_874 = arith.select %ge3A_871, %broadcast_in_dim3A_873, %add3A_868 : vector<8x14336xi1>, vector<8x14336xf32>
    %gt3A_875 = arith.constant 14 : i32
    %gt3A_876 = arith.cmpi sgt, %get3A_5, %gt3A_875 : i32
    %jit3A_877 = arith.constant 1.000000e+00 : f32
    %jit3A_878 = arith.constant 0.000000e+00 : f32
    %select_n3A_879 = arith.select %gt3A_876, %jit3A_877, %jit3A_878 : f32
    %jit3A_880 = arith.constant 0.000000e+00 : f32
    %broadcast_in_dim3A_881 = vector.broadcast %select_n3A_879 : f32 to vector<8x14336xf32>
    %broadcast_in_dim3A_882 = vector.broadcast %jit3A_880 : f32 to vector<8x14336xf32>
    %select_n3A_883 = arith.select %ge3A_871, %broadcast_in_dim3A_881, %broadcast_in_dim3A_882 : vector<8x14336xi1>, vector<8x14336xf32>
    %add3A_884 = arith.addf %add3A_825, %select_n3A_883 : vector<8x14336xf32>
    %prng_random_bits3A_885 = "tpu.prng_random_bits"() : () -> vector<8x14336xi32>
    %shift_right_logical3A_886 = arith.constant 8 : i32
    %shift_right_logical3A_887 = vector.broadcast %shift_right_logical3A_886 : i32 to vector<8x14336xi32>
    %shift_right_logical3A_888 = arith.shrui %prng_random_bits3A_885, %shift_right_logical3A_887 : vector<8x14336xi32>
    %lt3A_889 = arith.cmpi slt, %shift_right_logical3A_888, %convert_element_type3A : vector<8x14336xi32>
    %jit3A_890 = arith.constant 1.000000e+00 : f32
    %jit3A_891 = arith.constant 0.000000e+00 : f32
    %broadcast_in_dim3A_892 = vector.broadcast %jit3A_890 : f32 to vector<8x14336xf32>
    %broadcast_in_dim3A_893 = vector.broadcast %jit3A_891 : f32 to vector<8x14336xf32>
    %select_n3A_894 = arith.select %lt3A_889, %broadcast_in_dim3A_892, %broadcast_in_dim3A_893 : vector<8x14336xi1>, vector<8x14336xf32>
    %slice3A_895 = vector.extract_strided_slice %select_n3A_894 {offsets = [3, 0], sizes = [5, 14336], strides = [1, 1]} : vector<8x14336xf32> to vector<5x14336xf32>
    %slice3A_896 = vector.extract_strided_slice %select_n3A_894 {offsets = [0, 0], sizes = [3, 14336], strides = [1, 1]} : vector<8x14336xf32> to vector<3x14336xf32>
    %concatenate3A_897 = tpu.concatenate %slice3A_895, %slice3A_896 in 0 : vector<5x14336xf32>, vector<3x14336xf32> -> vector<8x14336xf32>
    %sub3A_898 = arith.subf %select_n3A_894, %concatenate3A_897 : vector<8x14336xf32>
    %sub3A_899 = arith.subf %sub3A_898, %select_n3A_855 : vector<8x14336xf32>
    %mul3A_900 = arith.constant 1.000000e-01 : f32
    %mul3A_901 = vector.broadcast %mul3A_900 : f32 to vector<8x14336xf32>
    %mul3A_902 = arith.mulf %sub3A_899, %mul3A_901 : vector<8x14336xf32>
    %add3A_903 = arith.addf %select_n3A_855, %mul3A_902 : vector<8x14336xf32>
    %ge3A_904 = arith.constant 1.000000e+00 : f32
    %ge3A_905 = vector.broadcast %ge3A_904 : f32 to vector<8x14336xf32>
    %ge3A_906 = arith.cmpf oge, %add3A_903, %ge3A_905 : vector<8x14336xf32>
    %jit3A_907 = arith.constant 1.000000e+00 : f32
    %jit3A_908 = arith.constant 0.000000e+00 : f32
    %broadcast_in_dim3A_909 = vector.broadcast %jit3A_907 : f32 to vector<8x14336xf32>
    %broadcast_in_dim3A_910 = vector.broadcast %jit3A_908 : f32 to vector<8x14336xf32>
    %select_n3A_911 = arith.select %ge3A_906, %broadcast_in_dim3A_909, %broadcast_in_dim3A_910 : vector<8x14336xi1>, vector<8x14336xf32>
    %slice3A_912 = vector.extract_strided_slice %select_n3A_911 {offsets = [1, 0], sizes = [7, 14336], strides = [1, 1]} : vector<8x14336xf32> to vector<7x14336xf32>
    %slice3A_913 = vector.extract_strided_slice %select_n3A_911 {offsets = [0, 0], sizes = [1, 14336], strides = [1, 1]} : vector<8x14336xf32> to vector<1x14336xf32>
    %concatenate3A_914 = tpu.concatenate %slice3A_912, %slice3A_913 in 0 : vector<7x14336xf32>, vector<1x14336xf32> -> vector<8x14336xf32>
    %add3A_915 = arith.addf %select_n3A_911, %concatenate3A_914 : vector<8x14336xf32>
    %slice3A_916 = vector.extract_strided_slice %add3A_915 {offsets = [4, 0], sizes = [4, 14336], strides = [1, 1]} : vector<8x14336xf32> to vector<4x14336xf32>
    %slice3A_917 = vector.extract_strided_slice %add3A_915 {offsets = [0, 0], sizes = [4, 14336], strides = [1, 1]} : vector<8x14336xf32> to vector<4x14336xf32>
    %concatenate3A_918 = tpu.concatenate %slice3A_916, %slice3A_917 in 0 : vector<4x14336xf32>, vector<4x14336xf32> -> vector<8x14336xf32>
    %sub3A_919 = arith.subf %add3A_915, %concatenate3A_918 : vector<8x14336xf32>
    %sub3A_920 = arith.subf %sub3A_919, %select_n3A_874 : vector<8x14336xf32>
    %mul3A_921 = arith.constant 1.000000e-01 : f32
    %mul3A_922 = vector.broadcast %mul3A_921 : f32 to vector<8x14336xf32>
    %mul3A_923 = arith.mulf %sub3A_920, %mul3A_922 : vector<8x14336xf32>
    %add3A_924 = arith.addf %select_n3A_874, %mul3A_923 : vector<8x14336xf32>
    %ge3A_925 = arith.constant 1.000000e+00 : f32
    %ge3A_926 = vector.broadcast %ge3A_925 : f32 to vector<8x14336xf32>
    %ge3A_927 = arith.cmpf oge, %add3A_924, %ge3A_926 : vector<8x14336xf32>
    %gt3A_928 = arith.constant 15 : i32
    %gt3A_929 = arith.cmpi sgt, %get3A_5, %gt3A_928 : i32
    %jit3A_930 = arith.constant 1.000000e+00 : f32
    %jit3A_931 = arith.constant 0.000000e+00 : f32
    %select_n3A_932 = arith.select %gt3A_929, %jit3A_930, %jit3A_931 : f32
    %jit3A_933 = arith.constant 0.000000e+00 : f32
    %broadcast_in_dim3A_934 = vector.broadcast %select_n3A_932 : f32 to vector<8x14336xf32>
    %broadcast_in_dim3A_935 = vector.broadcast %jit3A_933 : f32 to vector<8x14336xf32>
    %select_n3A_936 = arith.select %ge3A_927, %broadcast_in_dim3A_934, %broadcast_in_dim3A_935 : vector<8x14336xi1>, vector<8x14336xf32>
    %add3A_937 = arith.addf %add3A_884, %select_n3A_936 : vector<8x14336xf32>
    %slice3A_938 = vector.extract_strided_slice %add3A_937 {offsets = [0, 0], sizes = [1, 14336], strides = [1, 1]} : vector<8x14336xf32> to vector<1x14336xf32>
    %squeeze3A = vector.shape_cast %slice3A_938 : vector<1x14336xf32> to vector<14336xf32>
    %swap3A = arith.constant 0 : index
    %swap3A_939 = arith.constant 0 : index
    %swap3A_940 = vector.load %arg3[%swap3A, %swap3A_939] : memref<4x14336xf32, #tpu.memory_space<vmem>>, vector<1x14336xf32>
    %swap3A_941 = vector.shape_cast %swap3A_940 : vector<1x14336xf32> to vector<14336xf32>
    %swap3A_942 = vector.shape_cast %squeeze3A : vector<14336xf32> to vector<1x14336xf32>
    tpu.vector_store %arg3[%swap3A, %swap3A_939], %swap3A_942 {strides = array<i32>} : memref<4x14336xf32, #tpu.memory_space<vmem>>, vector<1x14336xf32>,
    %slice3A_943 = vector.extract_strided_slice %add3A_937 {offsets = [2, 0], sizes = [1, 14336], strides = [1, 1]} : vector<8x14336xf32> to vector<1x14336xf32>
    %squeeze3A_944 = vector.shape_cast %slice3A_943 : vector<1x14336xf32> to vector<14336xf32>
    %swap3A_945 = arith.constant 1 : index
    %swap3A_946 = arith.constant 0 : index
    %swap3A_947 = vector.load %arg3[%swap3A_945, %swap3A_946] : memref<4x14336xf32, #tpu.memory_space<vmem>>, vector<1x14336xf32>
    %swap3A_948 = vector.shape_cast %swap3A_947 : vector<1x14336xf32> to vector<14336xf32>
    %swap3A_949 = vector.shape_cast %squeeze3A_944 : vector<14336xf32> to vector<1x14336xf32>
    tpu.vector_store %arg3[%swap3A_945, %swap3A_946], %swap3A_949 {strides = array<i32>} : memref<4x14336xf32, #tpu.memory_space<vmem>>, vector<1x14336xf32>,
    %slice3A_950 = vector.extract_strided_slice %add3A_937 {offsets = [4, 0], sizes = [1, 14336], strides = [1, 1]} : vector<8x14336xf32> to vector<1x14336xf32>
    %squeeze3A_951 = vector.shape_cast %slice3A_950 : vector<1x14336xf32> to vector<14336xf32>
    %swap3A_952 = arith.constant 2 : index
    %swap3A_953 = arith.constant 0 : index
    %swap3A_954 = vector.load %arg3[%swap3A_952, %swap3A_953] : memref<4x14336xf32, #tpu.memory_space<vmem>>, vector<1x14336xf32>
    %swap3A_955 = vector.shape_cast %swap3A_954 : vector<1x14336xf32> to vector<14336xf32>
    %swap3A_956 = vector.shape_cast %squeeze3A_951 : vector<14336xf32> to vector<1x14336xf32>
    tpu.vector_store %arg3[%swap3A_952, %swap3A_953], %swap3A_956 {strides = array<i32>} : memref<4x14336xf32, #tpu.memory_space<vmem>>, vector<1x14336xf32>,
    %slice3A_957 = vector.extract_strided_slice %add3A_937 {offsets = [6, 0], sizes = [1, 14336], strides = [1, 1]} : vector<8x14336xf32> to vector<1x14336xf32>
    %squeeze3A_958 = vector.shape_cast %slice3A_957 : vector<1x14336xf32> to vector<14336xf32>
    %swap3A_959 = arith.constant 3 : index
    %swap3A_960 = arith.constant 0 : index
    %swap3A_961 = vector.load %arg3[%swap3A_959, %swap3A_960] : memref<4x14336xf32, #tpu.memory_space<vmem>>, vector<1x14336xf32>
    %swap3A_962 = vector.shape_cast %swap3A_961 : vector<1x14336xf32> to vector<14336xf32>
    %swap3A_963 = vector.shape_cast %squeeze3A_958 : vector<14336xf32> to vector<1x14336xf32>
    tpu.vector_store %arg3[%swap3A_959, %swap3A_960], %swap3A_963 {strides = array<i32>} : memref<4x14336xf32, #tpu.memory_space<vmem>>, vector<1x14336xf32>,
    return
  }
  func.func @transform_0(%arg0: i32) -> i32 {
    %c0_i32 = arith.constant 0 : i32
    %c0_i32_0 = arith.constant 0 : i32
    return %c0_i32 : i32
  }
  func.func @transform_1(%arg0: i32) -> (i32, i32) {
    %c0_i32 = arith.constant 0 : i32
    %c0_i32_0 = arith.constant 0 : i32
    %c0_i32_1 = arith.constant 0 : i32
    return %c0_i32, %c0_i32_0 : i32, i32
  }
  func.func @transform_2(%arg0: i32) -> (i32, i32) {
    %c0_i32 = arith.constant 0 : i32
    %c0_i32_0 = arith.constant 0 : i32
    %c0_i32_1 = arith.constant 0 : i32
    return %c0_i32, %c0_i32_0 : i32, i32
  }
}

</mosaic_0001>

<sc_bundles>
// kernel: kernel.4.cloned.1.call-start
scs
__scs_entry_jumppad:
0x0: {  	(pc) =	sbr.rel $0x88, $3  }
0x1: {  	(tag) =	ssettag $0x0;
	lr =	simm.s32 $0x1  }
0x2: {  	[smem:$0x3F9F] =	sst lr;
	_ =	strace $0xD0000000  }
0x3: {  	_ = 	snop  }
0x4: {  	_ = 	snop  }
0x5: {  	_ = 	snop  }
0x6: {  	_ = 	snop  }
0x7: {  	_ = 	snop  }
__scs_overlays_trampoline_lowered:
0x8: {  	[smem:$0x3FAE] =	sst s0  }
0x9: {  	[smem:$0x3FAF] =	sst s1  }
0xa: {  	[smem:$0x3FB0] =	sst s2  }
0xb: {  	[smem:$0x3FB1] =	sst s3  }
0xc: {  	[smem:$0x3FB2] =	sst s4  }
0xd: {  	[smem:$0x3FB3] =	sst s5  }
0xe: {  	[smem:$0x3FB4] =	sst s6  }
0xf: {  	[smem:$0x3FB5] =	sst s7  }
0x10: {  	[smem:$0x3FB6] =	sst s8  }
0x11: {  	[smem:$0x3FB7] =	sst s9;
	s0 =	simm.s32 @!p0 $0x0  }
0x12: {  	s1 =	sld [smem:$0x3F9D];
	s0 =	simm.s32 @p0 $0x1  }
0x13: {  	[smem:$0x3FB8] =	sst s0;
	s0 =	simm.s32 @!p1 $0x0  }
0x14: {  	s2 =	sld [smem:$0x3F9C];
	s0 =	simm.s32 @p1 $0x1  }
0x15: {  	[smem:$0x3FB9] =	sst s0;
	s0 =	simm.s32 @!p2 $0x0  }
0x16: {  	s3 =	sld [smem:$0x3FDB];
	s0 =	simm.s32 @p2 $0x1  }
0x17: {  	s4 =	simm.s32 $0x1BF5;
	[smem:$0x3FBB] =	sst s0  }
0x18: {  	s0 =	sld [smem:$0x3F9E];
	_ =	swait.ge [sflag:s4], $0x0  }
0x19: {  	s7 =	sld [smem:$0x3F9F]  }
0x1a: {  	s8 =	sadd.s32 $0xFFFFE003, lr  }
0x1b: {  	s9 =	sadd.s32 $0xFFFFFEF7, lr;
	s5 =	simm.s32 $0xFFFFFFFF;
	p2 =	slt.u32 s8, $0xFFFFF086  }
0x1c: {  	p1 =	slt.u32 s9, $0xF7A;
	s5 =	simm.s32 @!p2 $0x0  }
0x1d: {  	s5 =	simm.s32 @p1 $0x1;
	p0 =	seq.s32 s7, s2  }
0x1e: {  	s7 =	smul.u32 @!p0 $0xF7A, s2;
	p2 =	seq.s32 @!p0 s5, $0x0  }
0x1f: {  	s9 =	smul.u32 $0xF7A, s1;
	s8 =	simm.s32 @!p0 $0x1BF5;
	p2 =	por !p2, p0  }
0x20: {  	[sflag:s8] =	ssyncset.s32 @!p0 $0xFFFFF086;
	s6 =	sadd.s32 @!p0 s3, s7;
	s7 =	simm.s32 @!p0 $0x108  }
0x21: {  	s3 =	sadd.s32 s3, s9;
	s6 =	sadd.s32 @!p0 $0x88, s6;
	s7 =	simm.s32 @p2 $0x1082  }
0x22: {  	[simem:s7], [sflag:s8] =	dma.local @!p0 [hbm:s6], $0xF7A  }
0x23: {  	s9 =	sor.u32 $0xD0000000, s2;
	s6 =	simm.s32 $0x108;
	_ =	swait.ge @!p0 [sflag:s8], $0x0  }
0x24: {  	s3 =	sadd.s32 $0x88, s3;
	s6 =	simm.s32 @!p1 $0x1082;
	[sflag:s4] =	ssyncset.s32 $0xFFFFF086  }
0x25: {  	[simem:s6], [sflag:s4] =	dma.local [hbm:s3], $0xF7A  }
0x26: {  	[smem:$0x3F9F] =	sst s1;
	(tag) =	ssettag s2;
	_ =	strace s9  }
0x27: {  	s1 =	sld [smem:$0x3FAF]  }
0x28: {  	s2 =	sld [smem:$0x3FB0]  }
0x29: {  	s4 =	sld [smem:$0x3FB2]  }
0x2a: {  	p0 =	seq.s32 s5, $0x0;
	s5 =	sld [smem:$0x3FB3]  }
0x2b: {  	s6 =	sld [smem:$0x3FB4]  }
0x2c: {  	s7 =	sld [smem:$0x3FB5]  }
0x2d: {  	s3 =	simm.s32 $0x108;
	s8 =	sld [smem:$0x3FB6]  }
0x2e: {  	s3 =	simm.s32 @!p0 $0x1082;
	s9 =	sld [smem:$0x3FB7]  }
0x2f: {  	lr =	sadd.s32 s0, s3;
	s0 =	sld [smem:$0x3FAE]  }
0x30: {  	s3 =	sld [smem:$0x3FB1]  }
0x31: {  	[smem:$0x3FBA] =	sst s10  }
0x32: {  	s10 =	sld [smem:$0x3FB8];
	_ =	sdelay $0x3  }
0x33: {  	p0 =	seq.s32 s10, $0x1;
	s10 =	sld [smem:$0x3FBA];
	_ =	sdelay $0x3  }
0x34: {  	[smem:$0x3FBA] =	sst s10  }
0x35: {  	s10 =	sld [smem:$0x3FB9];
	_ =	sdelay $0x3  }
0x36: {  	p1 =	seq.s32 s10, $0x1;
	s10 =	sld [smem:$0x3FBA];
	_ =	sdelay $0x3  }
0x37: {  	[smem:$0x3FBA] =	sst s10  }
0x38: {  	s10 =	sld [smem:$0x3FBB]  }
0x39: {  	_ = 	snop;
	(pc) =	sbr.ind lr, $3  }
0x3a: {  	_ = 	snop  }
0x3b: {  	_ = 	snop  }
0x3c: {  	p2 =	seq.s32 s10, $0x1;
	s10 =	sld [smem:$0x3FBA]  }
0x3d: {  	_ =	shalt  }
0x3e: {  	_ =	shalt  }
0x3f: {  	_ =	shalt  }
0x40: {  	_ =	shalt  }
0x41: {  	_ =	shalt  }
0x42: {  	_ =	shalt  }
0x43: {  	_ =	shalt  }
0x44: {  	_ =	shalt  }
0x45: {  	_ =	shalt  }
0x46: {  	_ =	shalt  }
0x47: {  	_ =	shalt  }
0x48: {  	_ =	shalt  }
0x49: {  	_ =	shalt  }
0x4a: {  	_ =	shalt  }
0x4b: {  	_ =	shalt  }
0x4c: {  	_ =	shalt  }
0x4d: {  	_ =	shalt  }
0x4e: {  	_ =	shalt  }
0x4f: {  	_ =	shalt  }
0x50: {  	_ =	shalt  }
0x51: {  	_ =	shalt  }
0x52: {  	_ =	shalt  }
0x53: {  	_ =	shalt  }
0x54: {  	_ =	shalt  }
0x55: {  	_ =	shalt  }
0x56: {  	_ =	shalt  }
0x57: {  	_ =	shalt  }
0x58: {  	_ =	shalt  }
0x59: {  	_ =	shalt  }
0x5a: {  	_ =	shalt  }
0x5b: {  	_ =	shalt  }
0x5c: {  	_ =	shalt  }
0x5d: {  	_ =	shalt  }
0x5e: {  	_ =	shalt  }
0x5f: {  	_ =	shalt  }
0x60: {  	_ =	shalt  }
0x61: {  	_ =	shalt  }
0x62: {  	_ =	shalt  }
0x63: {  	_ =	shalt  }
0x64: {  	_ =	shalt  }
0x65: {  	_ =	shalt  }
0x66: {  	_ =	shalt  }
0x67: {  	_ =	shalt  }
0x68: {  	_ =	shalt  }
0x69: {  	_ =	shalt  }
0x6a: {  	_ =	shalt  }
0x6b: {  	_ =	shalt  }
0x6c: {  	_ =	shalt  }
0x6d: {  	_ =	shalt  }
0x6e: {  	_ =	shalt  }
0x6f: {  	_ =	shalt  }
0x70: {  	_ =	shalt  }
0x71: {  	_ =	shalt  }
0x72: {  	_ =	shalt  }
0x73: {  	_ =	shalt  }
0x74: {  	_ =	shalt  }
0x75: {  	_ =	shalt  }
0x76: {  	_ =	shalt  }
0x77: {  	_ =	shalt  }
0x78: {  	_ =	shalt  }
0x79: {  	_ =	shalt  }
0x7a: {  	_ =	shalt  }
0x7b: {  	_ =	shalt  }
0x7c: {  	_ =	shalt  }
0x7d: {  	_ =	shalt  }
0x7e: {  	_ =	shalt  }
0x7f: {  	_ =	shalt  }
0x80: {  	_ =	shalt  }
0x81: {  	_ =	shalt  }
0x82: {  	_ =	shalt  }
0x83: {  	_ =	shalt  }
0x84: {  	_ =	shalt  }
0x85: {  	_ =	shalt  }
0x86: {  	_ =	shalt  }
0x87: {  	_ =	shalt  }
.Lfunc_end0:
.L_simem_size_0:
called_computation_lowered:
.L_overlay_start_0:
0x88: {  	s0 =	sld [smem:$0x3FD9]  }
0x89: {  	s1 =	sld [smem:$0x3FFE];
	_ =	sdelay $0x3  }
0x8a: {  	s0 =	sadd.s32 s1, s0  }
0x8b: {  	[smem:$0x3FC6] =	sst s0  }
0x8c: {  	_ = 	snop  }
0x8d: {  	s0 =	sld [smem:$0x3FC9]  }
0x8e: {  	s16 =	sld [smem:$0x3FD0];
	(tm) =	ssettm $0x1  }
0x8f: {  	s2 =	sld [smem:$0x3FFB];
	_ =	sdelay $0x3  }
0x90: {  	_ =	strace s2  }
0x91: {  	s2 =	sld [smem:$0x3FFC];
	_ =	sdelay $0x3  }
0x92: {  	_ =	strace s2  }
0x93: {  	s2 =	sld [smem:$0x3FFD];
	_ =	sdelay $0x3  }
0x94: {  	_ =	strace s2  }
0x95: {  	_ =	strace $0x8FFFFFFF  }
0x96: {  	s17 =	sld [smem:$0x3FDB];
	_ =	sdelay $0x1  }
0x97: {  	s3 =	simm.s32 $_scs_section_size  }
0x98: {  	s4 =	simm.s32 $_size__tile_overlayer_lowered;
	s5 =	simm.s32 $_tile_overlayer_lowered  }
0x99: {  	s20 =	simm.s32 $0x1BFF;
	s19 =	sshll.u32 s5, $0x1;
	s2 =	sadd.s32 s3, s17  }
0x9a: {  	s6 =	simm.s32 $0x0;
	s18 =	sshll.u32 s4, $0x1;
	s4 =	sadd.s32 s19, s2  }
0x9b: {  	[timem:s6], [sflag:s20] =	dma.local [hbm:s4], s18  }
0x9c: {  	_ =	swait.ge [sflag:s20], s18  }
0x9d: {  	s3 =	ssub.s32 $0x0, s18;
	[sflag:s20] =	ssyncset.done $0x0  }
0x9e: {  	[sflag:s20] =	ssyncadd.s32 s3;
	_ =	sdelay $0x1  }
0x9f: {  	s21 =	simm.s32 $0x1B8B  }
0xa0: {  	_ =	swait.ge [sflag:s21], $0x1  }
0xa1: {  	[sflag:s21] =	ssyncset.done $0x0  }
0xa2: {  	s23 =	simm.s32 $0x1B8E;
	s22 =	sld [smem:$0x3FFE];
	[sflag:s21] =	ssyncadd.s32 $0xFFFFFFFF  }
0xa3: {  	s24 =	simm.s32 $execute0_lowered;
	[smem:$0x3FD2] =	sst s23  }
0xa4: {  	s4 =	sshll.u32 s24, $0x1;
	_ =	strace $0x80000046;
	[dreg:$0x1] =	wrdreg $0xFFFFFFFF  }
0xa5: {  	s25 =	simm.s32 $_size_execute0_lowered;
	s2 =	sadd.s32 s2, s4;
	[dreg:$0x0] =	wrdreg $0x0  }
0xa6: {  	s4 =	sshll.u32 s25, $0x1;
	[dreg:$0x2] =	wrdreg s2  }
0xa7: {  	[dreg:$0x3] =	wrdreg s4  }
0xa8: {  	[dreg:$0x4] =	wrdreg $0xC0  }
0xa9: {  	_ =	task [dreg:s6], $0x5FFFF  }
0xaa: {  	[dreg:$0x1] =	wrdreg $0xFFFFFFFF  }
0xab: {  	[dreg:$0x0] =	wrdreg $0x60  }
0xac: {  	[dreg:$0x2] =	wrdreg s0  }
0xad: {  	[dreg:$0x3] =	wrdreg s16  }
0xae: {  	[dreg:$0x4] =	wrdreg s22  }
0xaf: {  	[dreg:$0x5] =	wrdreg $0x9  }
0xb0: {  	_ =	task.clear_ibuf [dreg:s6], $0x6FFFF;
	_ =	strace $0x90000046  }
0xb1: {  	s26 =	simm.s32 $0x9;
	_ =	strace $0x80000048  }
0xb2: {  	_ =	swait.ge [sflag:s26], $0x1  }
0xb3: {  	[sflag:s26] =	ssyncadd.s32 $0xFFFFFFFF  }
0xb4: {  	_ =	strace $0x90000048  }
0xb5: {  	_ =	sfence  }
0xb6: {  	s28 =	sld [smem:$0x0];
	_ =	sdelay $0x1  }
0xb7: {  	s29 =	srdreg.scid  }
0xb8: {  	s30 =	sshll.u32 s29, $0xD;
	s31 =	sshrl.u32 s29, $0x2  }
0xb9: {  	s1 =	sand.u32 $0x1, s29;
	s2 =	sand.u32 $0x4000, s30;
	s0 =	sadd.s32 s31, s28  }
0xba: {  	s1 =	sor.u32 s2, s1;
	s0 =	sshll.u32 s0, $0x11  }
0xbb: {  	s0 =	sor.u32 s0, s1  }
0xbc: {  	s0 =	sadd.s32 $0x8F2B, s0  }
0xbd: {  	[sflag:s0] =	ssyncadd.remote.s32 $0x1  }
0xbe: {  	_ =	sfence.sel $0xFFFF  }
0xbf: {  	[dreg:$0x0] =	wrdreg $0xFFFFFFFF;
	(pc) =	sbr.abs _section_cstart, $3  }
0xc0: {  	[dreg:$0x1] =	wrdreg $0xFFFFFFFF  }
0xc1: {  	_ =	task.clear_ibuf [dreg:s6], $0x2FFFF;
	_ =	strace $0x9FFFFFFF  }
0xc2: {  	(tm) =	ssettm $0x7FFFFFFF  }
0xc3: {  	_ =	shalt  }
tec
execute0_lowered:
.L_overlay_start_1:
0x0: {  	(tag) =	ssettag $0x1  }
0x1: {  	s4 =	rddreg [dreg:$0x0]  }
0x2: {  	s5 =	rddreg [dreg:$0x1]  }
0x3: {  	s3 =	rddreg [dreg:$0x2];
	s1 =	stileid.u32  }
0x4: {  	s0 =	rddreg [dreg:$0x3];
	s2 =	simm.s32 $0x0;
	s6 =	sshll.u32 s1, $0x7  }
0x5: {  	[smem:$0x7FF] =	sst s2;
	s7 =	sor.u32 $0x3800, s6  }
0x6: {  	_ =	strace $0x80000047;
	s8 =	sadd.s32 s4, s7;
	s4 =	sadd.s32 s6, s4  }
0x7: {  	[tilespmem:s2], [sflag:$0x1] =	stream.linear.gather [hbm4b:s8+s2], $0x80, $0x38;
	[tilespmem:$0x680] =	vst v63  }
0x8: {  	s16 =	simm.s32 $0x80;
	s6 =	sadd.s32 $0x3810, s4  }
0x9: {  	[tilespmem:s16], [sflag:$0x1] =	stream.linear.gather [hbm4b:s6+s2], $0x80, $0x38;
	[tilespmem:$0x680] =	vst v63  }
0xa: {  	s18 =	simm.s32 $0x100;
	s17 =	sadd.s32 $0x3820, s4  }
0xb: {  	[tilespmem:s18], [sflag:$0x1] =	stream.linear.gather [hbm4b:s17+s2], $0x80, $0x38;
	[tilespmem:$0x680] =	vst v63  }
0xc: {  	s20 =	simm.s32 $0x180;
	s19 =	sadd.s32 $0x3830, s4  }
0xd: {  	[tilespmem:s20], [sflag:$0x1] =	stream.linear.gather [hbm4b:s19+s2], $0x80, $0x38;
	[tilespmem:$0x680] =	vst v63  }
0xe: {  	s22 =	simm.s32 $0x200;
	s21 =	sadd.s32 $0x3840, s4  }
0xf: {  	[tilespmem:s22], [sflag:$0x1] =	stream.linear.gather [hbm4b:s21+s2], $0x80, $0x38;
	[tilespmem:$0x680] =	vst v63  }
0x10: {  	s24 =	simm.s32 $0x280;
	s23 =	sadd.s32 $0x3850, s4  }
0x11: {  	[tilespmem:s24], [sflag:$0x1] =	stream.linear.gather [hbm4b:s23+s2], $0x80, $0x38;
	[tilespmem:$0x680] =	vst v63  }
0x12: {  	s26 =	simm.s32 $0x300;
	s25 =	sadd.s32 $0x3860, s4  }
0x13: {  	[tilespmem:s26], [sflag:$0x1] =	stream.linear.gather [hbm4b:s25+s2], $0x80, $0x38;
	[tilespmem:$0x680] =	vst v63  }
0x14: {  	s28 =	simm.s32 $0x380;
	s4 =	sadd.s32 $0x3870, s4  }
0x15: {  	[tilespmem:s28], [sflag:$0x1] =	stream.linear.gather [hbm4b:s4+s2], $0x80, $0x38;
	[tilespmem:$0x680] =	vst v63  }
0x16: {  	s29 =	simm.s32 $0x600;
	s30 =	simm.s32 $0x2  }
0x17: {  	[tilespmem:s29], [sflag:$0x2] =	stream.linear.gather [hbm4b:s5+s2], $0x80, $0x38;
	[tilespmem:$0x680] =	vst v63  }
0x18: {  	_ =	swait.ge [sflag:s30], $0x80  }
0x19: {  	[sflag:s30] =	ssyncset.done $0x0  }
0x1a: {  	s31 =	simm.s32 $0x1;
	[sflag:s30] =	ssyncadd.s32 $0xFFFFFF80  }
0x1b: {  	_ =	swait.ge [sflag:s31], $0x80  }
0x1c: {  	[sflag:s31] =	ssyncset.done $0x0  }
0x1d: {  	[sflag:s31] =	ssyncadd.s32 $0xFFFFFF80  }
0x1e: {  	_ =	swait.ge [sflag:s31], $0x80  }
0x1f: {  	[sflag:s31] =	ssyncset.done $0x0  }
0x20: {  	[sflag:s31] =	ssyncadd.s32 $0xFFFFFF80  }
0x21: {  	_ =	swait.ge [sflag:s31], $0x80  }
0x22: {  	[sflag:s31] =	ssyncset.done $0x0  }
0x23: {  	[sflag:s31] =	ssyncadd.s32 $0xFFFFFF80  }
0x24: {  	_ =	swait.ge [sflag:s31], $0x80  }
0x25: {  	[sflag:s31] =	ssyncset.done $0x0  }
0x26: {  	[sflag:s31] =	ssyncadd.s32 $0xFFFFFF80  }
0x27: {  	_ =	swait.ge [sflag:s31], $0x80  }
0x28: {  	[sflag:s31] =	ssyncset.done $0x0  }
0x29: {  	[sflag:s31] =	ssyncadd.s32 $0xFFFFFF80  }
0x2a: {  	_ =	swait.ge [sflag:s31], $0x80  }
0x2b: {  	v0 =	vmov s7;
	[sflag:s31] =	ssyncset.done $0x0  }
0x2c: {  	v1 =	vlaneseq.u32;
	v0 =	vmul.u32 $0x78DDE6C4, v0;
	[sflag:s31] =	ssyncadd.s32 $0xFFFFFF80  }
0x2d: {  	v10 =	vmul.u32 $0x78DDE6C4, v1;
	_ =	swait.ge [sflag:s31], $0x80  }
0x2e: {  	v11 =	vbroadcast v0, $0x0;
	[sflag:s31] =	ssyncset.done $0x0  }
0x2f: {  	v0 =	vadd.s32 $0x9E3779B9, v10;
	[sflag:s31] =	ssyncadd.s32 $0xFFFFFF80  }
0x30: {  	v6 =	vadd.s32 $0xDAA66D1B, v10;
	v12 =	vadd.s32 $0x78DDE6CC, v10;
	v0 =	vadd.s32 v0, v11;
	_ =	swait.ge [sflag:s31], $0x80  }
0x31: {  	v8 =	vadd.s32 v6, v11;
	v13 =	vadd.s32 v12, v11;
	v1 =	vshrl.u32 v0, $0x10;
	[sflag:s31] =	ssyncset.done $0x0  }
0x32: {  	v9 =	vshrl.u32 v8, $0x10;
	v0 =	vxor.u32 v0, v1;
	v1 =	vadd.s32 $0x3C6EF36A, v10;
	[sflag:s31] =	ssyncadd.s32 $0xFFFFFF80  }
0x33: {  	v14 =	vshrl.u32 v13, $0x10;
	v9 =	vxor.u32 v8, v9;
	v3 =	vadd.s32 v1, v11;
	v16 =	vld [tilespmem:$0x600]  }
0x34: {  	v14 =	vxor.u32 v13, v14;
	v0 =	vmul.u32 $0x2C9277B5, v0;
	v4 =	vshrl.u32 v3, $0x10  }
0x35: {  	v17 =	vmul.u32 $0x2C9277B5, v9;
	v18 =	vmul.u32 $0x2C9277B5, v14;
	v4 =	vxor.u32 v3, v4  }
0x36: {  	v25 =	vadd.s32 $0xAC564B05, v0;
	v15 =	vmul.u32 $0x2C9277B5, v4  }
0x37: {  	v0 =	vimm.f32 $0.0e+00;
	v28 =	vadd.s32 $0xAC564B05, v17;
	v27 =	vadd.s32 $0xAC564B05, v18  }
0x38: {  	v26 =	vadd.s32 $0xAC564B05, v15;
	vm0 =	vgt.s32 v16, $0x0;
	vm13 =	vgt.s32 v16, $0x1  }
0x39: {  	vm14 =	vgt.s32 v16, $0x2;
	vm15 =	vgt.s32 v16, $0x3;
	vm4 =	vgt.s32 v16, $0x4  }
0x3a: {  	vm5 =	vgt.s32 v16, $0x5;
	vm6 =	vgt.s32 v16, $0x6;
	vm7 =	vgt.s32 v16, $0x7  }
0x3b: {  	vm8 =	vgt.s32 v16, $0x8;
	vm9 =	vgt.s32 v16, $0x9;
	vm10 =	vgt.s32 v16, $0xA  }
0x3c: {  	vm11 =	vgt.s32 v16, $0xB;
	vm12 =	vgt.s32 v16, $0xC;
	v1 =	vsel vm0, $0x3F800000, v0  }
0x3d: {  	v2 =	vsel vm13, $0x3F800000, v0;
	v3 =	vsel vm14, $0x3F800000, v0;
	v4 =	vsel vm15, $0x3F800000, v0  }
0x3e: {  	v5 =	vsel vm4, $0x3F800000, v0;
	v6 =	vsel vm5, $0x3F800000, v0;
	v7 =	vsel vm6, $0x3F800000, v0  }
0x3f: {  	v8 =	vsel vm7, $0x3F800000, v0;
	v9 =	vsel vm8, $0x3F800000, v0;
	v10 =	vsel vm9, $0x3F800000, v0  }
0x40: {  	v11 =	vsel vm10, $0x3F800000, v0;
	v12 =	vsel vm11, $0x3F800000, v0;
	v13 =	vsel vm12, $0x3F800000, v0  }
0x41: {  	vm13 =	vgt.s32 v16, $0xD;
	vm14 =	vgt.s32 v16, $0xE;
	vm15 =	vgt.s32 v16, $0xF  }
0x42: {  	s3 =	sadd.s32 $0x800, s3;
	v14 =	vsel vm13, $0x3F800000, v0;
	v15 =	vsel vm14, $0x3F800000, v0;
	v16 =	vsel vm15, $0x3F800000, v0  }
.LBB2_1:
0x43: {  	s4 =	sshra.s32 s2, $0x2  }
0x44: {  	v17 =	vld [tilespmem:s4+$0x0]  }
0x45: {  	v18 =	vld [tilespmem:s4+$0x80]  }
0x46: {  	v19 =	vld [tilespmem:s4+$0x100]  }
0x47: {  	v20 =	vld [tilespmem:s4+$0x180]  }
0x48: {  	v25 =	vmul.u32 $0x2C9277B5, v25;
	v26 =	vmul.u32 $0x2C9277B5, v26;
	v27 =	vmul.u32 $0x2C9277B5, v27;
	v21 =	vld [tilespmem:s4+$0x200]  }
0x49: {  	v28 =	vmul.u32 $0x2C9277B5, v28;
	v23 =	vld [tilespmem:s4+$0x280]  }
0x4a: {  	v25 =	vadd.s32 $0xAC564B05, v25;
	v26 =	vadd.s32 $0xAC564B05, v26;
	v27 =	vadd.s32 $0xAC564B05, v27  }
0x4b: {  	v28 =	vadd.s32 $0xAC564B05, v28;
	v30 =	vand.u32 $0xFFFF, v25;
	v31 =	vshrl.u32 v26, $0x10  }
0x4c: {  	v33 =	vshrl.u32 v27, $0x10;
	v17 =	vmul.f32 $6.553600000e+04, v17;
	v18 =	vmul.f32 $6.553600000e+04, v18  }
0x4d: {  	v49 =	vshrl.u32 v28, $0x10;
	v19 =	vmul.f32 $6.553600000e+04, v19;
	v24 =	vmul.f32 $6.553600000e+04, v20  }
0x4e: {  	v35 =	vand.u32 $0xFFFF, v28;
	v29 =	vmul.f32 $6.553600000e+04, v21;
	v23 =	vmul.f32 $6.553600000e+04, v23  }
0x4f: {  	v51 =	vand.u32 $0xFFFF, v27;
	v17 =	vtrunc.f32 v17;
	v19 =	vtrunc.f32 v19  }
0x50: {  	v27 =	vmul.u32 $0x2C9277B5, v27;
	v24 =	vtrunc.f32 v24;
	v23 =	vtrunc.f32 v23  }
0x51: {  	v28 =	vmul.u32 $0x2C9277B5, v28;
	v22 =	vcvt.f32.s32 v17;
	v17 =	vtrunc.f32 v18  }
0x52: {  	v27 =	vadd.s32 $0xAC564B05, v27;
	v21 =	vcvt.f32.s32 v24;
	v24 =	vtrunc.f32 v29  }
0x53: {  	v28 =	vadd.s32 $0xAC564B05, v28;
	v20 =	vcvt.f32.s32 v17;
	v24 =	vcvt.f32.s32 v24  }
0x54: {  	v46 =	vshrl.u32 v27, $0x10;
	v18 =	vld [tilespmem:s4+$0x300];
	v23 =	vcvt.f32.s32 v23;
	v17 =	vcvt.f32.s32 v19  }
0x55: {  	v19 =	vld [tilespmem:s4+$0x380];
	vm8 =	vlt.s32 v33, v21;
	vm1 =	vlt.s32 v30, v24;
	vm6 =	vlt.s32 v31, v20  }
0x56: {  	v31 =	vand.u32 $0xFFFF, v26;
	v34 =	vsel vm8, $0x3F800000, v0;
	vm9 =	vlt.s32 v49, v17  }
0x57: {  	v26 =	vmul.u32 $0x2C9277B5, v26;
	vm8 =	vlt.s32 v46, v21;
	v30 =	vsel vm1, $0x3F800000, v0  }
0x58: {  	v32 =	vsel vm6, $0x3F800000, v0;
	vm7 =	vlt.s32 v31, v23;
	v36 =	vsel vm9, $0x3F800000, v0  }
0x59: {  	v46 =	vsel vm8, $0x3F800000, v0;
	v18 =	vmul.f32 $6.553600000e+04, v18;
	v31 =	vsel vm7, $0x3F800000, v0  }
0x5a: {  	v52 =	vsub.f32 v32, v30;
	v26 =	vadd.s32 $0xAC564B05, v26;
	v29 =	vmul.f32 $6.553600000e+04, v19  }
0x5b: {  	v39 =	vsub.f32 v36, v31;
	v45 =	vshrl.u32 v26, $0x10;
	v47 =	vand.u32 $0xFFFF, v26  }
0x5c: {  	v26 =	vmul.u32 $0x2C9277B5, v26;
	v18 =	vtrunc.f32 v18;
	v53 =	vmul.f32 $1.000000010e-01, v52  }
0x5d: {  	vm7 =	vlt.s32 v45, v20;
	vm9 =	vlt.s32 v47, v23;
	v19 =	vcvt.f32.s32 v18  }
0x5e: {  	v18 =	vtrunc.f32 v29;
	v29 =	vshrl.u32 v25, $0x10;
	v39 =	vmul.f32 $1.000000010e-01, v39  }
0x5f: {  	v25 =	vmul.u32 $0x2C9277B5, v25;
	v45 =	vsel vm7, $0x3F800000, v0;
	v49 =	vsel vm9, $0x3F800000, v0  }
0x60: {  	v26 =	vadd.s32 $0xAC564B05, v26;
	v18 =	vcvt.f32.s32 v18;
	vm0 =	vlt.s32 v29, v22  }
0x61: {  	v41 =	vadd.f32 $0.0e+00, v53;
	vm13 =	vge.f32 v53, $1.000000000e+00;
	v29 =	vsel vm0, $0x3F800000, v0  }
0x62: {  	vm10 =	vlt.s32 v35, v19;
	v42 =	vadd.f32 $0.0e+00, v39;
	vm14 =	vge.f32 v39, $1.000000000e+00  }
0x63: {  	v25 =	vadd.s32 $0xAC564B05, v25;
	v50 =	vsub.f32 v29, v34;
	vm11 =	vlt.s32 v51, v18  }
0x64: {  	v37 =	vsel vm10, $0x3F800000, v0;
	v29 =	vsub.f32 v31, v29;
	v31 =	vsel vm14, $0x3F800000, v0  }
0x65: {  	v61 =	vsel vm13, $0x0, v41;
	v38 =	vsel vm11, $0x3F800000, v0;
	v34 =	vsub.f32 v34, v37  }
0x66: {  	v32 =	vsub.f32 v37, v32;
	v63 =	vsel vm14, $0x0, v42;
	v33 =	vmul.f32 $1.000000010e-01, v50  }
0x67: {  	v30 =	vsub.f32 v30, v38;
	v29 =	vmul.f32 $1.000000010e-01, v29;
	v36 =	vsub.f32 v38, v36  }
0x68: {  	v50 =	vand.u32 $0xFFFF, v28;
	v34 =	vmul.f32 $1.000000010e-01, v34;
	v32 =	vmul.f32 $1.000000010e-01, v32  }
0x69: {  	vm11 =	vlt.s32 v50, v19;
	v40 =	vadd.f32 $0.0e+00, v33;
	vm12 =	vge.f32 v33, $1.000000000e+00  }
0x6a: {  	v33 =	vsel vm13, $0x3F800000, v0;
	v30 =	vmul.f32 $1.000000010e-01, v30;
	vm4 =	vge.f32 v29, $1.000000000e+00  }
0x6b: {  	v36 =	vmul.f32 $1.000000010e-01, v36;
	v29 =	vadd.f32 $0.0e+00, v29;
	v54 =	vsel vm12, $0x3F800000, v0  }
0x6c: {  	vm2 =	vge.f32 v34, $1.000000000e+00;
	v34 =	vadd.f32 $0.0e+00, v34;
	v57 =	vsel vm4, $0x3F800000, v0  }
0x6d: {  	vm5 =	vge.f32 v32, $1.000000000e+00;
	v32 =	vadd.f32 $0.0e+00, v32;
	v40 =	vsel vm12, $0x0, v40  }
0x6e: {  	v55 =	vsel vm2, $0x3F800000, v0;
	vm3 =	vge.f32 v30, $1.000000000e+00;
	vm6 =	vge.f32 v36, $1.000000000e+00  }
0x6f: {  	v33 =	vadd.f32 v33, v54;
	v59 =	vsel vm5, $0x3F800000, v0;
	v30 =	vadd.f32 $0.0e+00, v30  }
0x70: {  	v29 =	vsel vm4, $0x0, v29;
	v36 =	vadd.f32 $0.0e+00, v36;
	v54 =	vshrl.u32 v25, $0x10  }
0x71: {  	v56 =	vsel vm3, $0x3F800000, v0;
	v60 =	vsel vm6, $0x3F800000, v0;
	v31 =	vadd.f32 v55, v31  }
0x72: {  	v34 =	vsel vm2, $0x0, v34;
	v32 =	vsel vm5, $0x0, v32;
	v55 =	vand.u32 $0xFFFF, v25  }
0x73: {  	vm5 =	vlt.s32 v54, v22;
	v54 =	vand.u32 $0xFFFF, v27;
	v25 =	vmul.u32 $0x2C9277B5, v25  }
0x74: {  	v27 =	vmul.u32 $0x2C9277B5, v27;
	v58 =	vadd.f32 v56, v57;
	v38 =	vadd.f32 v60, v59  }
0x75: {  	v30 =	vsel vm3, $0x0, v30;
	v35 =	vsel vm6, $0x0, v36;
	vm6 =	vlt.s32 v55, v24  }
0x76: {  	v56 =	vshrl.u32 v28, $0x10;
	vm12 =	vlt.s32 v54, v18;
	v28 =	vmul.u32 $0x2C9277B5, v28  }
0x77: {  	vm10 =	vlt.s32 v56, v17;
	v59 =	vsel vm12, $0x3F800000, v0;
	v25 =	vadd.s32 $0xAC564B05, v25  }
0x78: {  	v27 =	vadd.s32 $0xAC564B05, v27;
	v62 =	vsub.f32 v33, v58;
	v52 =	vsub.f32 v31, v38  }
0x79: {  	v33 =	vsub.f32 v58, v33;
	v31 =	vsub.f32 v38, v31;
	v38 =	vsel vm6, $0x3F800000, v0  }
0x7a: {  	v51 =	vsel vm10, $0x3F800000, v0;
	v28 =	vadd.s32 $0xAC564B05, v28;
	v57 =	vsub.f32 v45, v38  }
0x7b: {  	v58 =	vsub.f32 v51, v49;
	v38 =	vsub.f32 v38, v59;
	v39 =	vmul.f32 $1.000000010e-01, v62  }
0x7c: {  	v42 =	vmul.f32 $1.000000010e-01, v52;
	v33 =	vmul.f32 $1.000000010e-01, v33;
	v62 =	vsub.f32 v59, v51  }
0x7d: {  	v31 =	vmul.f32 $1.000000010e-01, v31;
	v47 =	vsub.f32 v57, v61;
	v50 =	vsub.f32 v58, v63  }
0x7e: {  	v38 =	vsub.f32 v38, v30;
	v43 =	vadd.f32 $0.0e+00, v39;
	vm15 =	vge.f32 v39, $1.000000000e+00  }
0x7f: {  	v53 =	vadd.f32 $0.0e+00, v42;
	vm4 =	vge.f32 v42, $1.000000000e+00;
	v44 =	vadd.f32 $0.0e+00, v33  }
0x80: {  	vm0 =	vge.f32 v33, $1.000000000e+00;
	v33 =	vsel vm5, $0x3F800000, v0;
	v52 =	vadd.f32 $0.0e+00, v31  }
0x81: {  	v51 =	vsub.f32 v62, v35;
	vm9 =	vge.f32 v31, $1.000000000e+00;
	v42 =	vnsel vm15, $0x0, v1  }
0x82: {  	v48 =	vsub.f32 v33, v46;
	v47 =	vmul.f32 $1.000000010e-01, v47;
	v60 =	vmul.f32 $1.000000010e-01, v50  }
0x83: {  	v33 =	vsub.f32 v49, v33;
	v38 =	vmul.f32 $1.000000010e-01, v38;
	v49 =	vnsel vm9, $0x0, v1  }
0x84: {  	v36 =	vsel vm15, $0x0, v43;
	v39 =	vsel vm4, $0x0, v53;
	v53 =	vsel vm11, $0x3F800000, v0  }
0x85: {  	v43 =	vnsel vm4, $0x0, v1;
	v48 =	vsub.f32 v48, v40;
	v46 =	vsub.f32 v46, v53  }
0x86: {  	v44 =	vsel vm0, $0x0, v44;
	v37 =	vadd.f32 v47, v61;
	v41 =	vadd.f32 v60, v63  }
0x87: {  	v62 =	vsel vm9, $0x0, v52;
	v45 =	vsub.f32 v53, v45;
	v33 =	vsub.f32 v33, v29  }
0x88: {  	v30 =	vadd.f32 v38, v30;
	v53 =	vmul.f32 $1.000000010e-01, v51;
	v48 =	vmul.f32 $1.000000010e-01, v48  }
0x89: {  	v46 =	vsub.f32 v46, v34;
	vm2 =	vge.f32 v37, $1.000000000e+00;
	v45 =	vsub.f32 v45, v32  }
0x8a: {  	v33 =	vmul.f32 $1.000000010e-01, v33;
	vm13 =	vge.f32 v41, $1.000000000e+00;
	vm15 =	vge.f32 v30, $1.000000000e+00  }
0x8b: {  	v63 =	vsel vm2, $0x3F800000, v0;
	v54 =	vsel vm13, $0x3F800000, v0;
	v56 =	vsel vm15, $0x3F800000, v0  }
0x8c: {  	v37 =	vsel vm2, $0x0, v37;
	v41 =	vsel vm13, $0x0, v41;
	v40 =	vadd.f32 v48, v40  }
0x8d: {  	v46 =	vmul.f32 $1.000000010e-01, v46;
	v45 =	vmul.f32 $1.000000010e-01, v45;
	v29 =	vadd.f32 v33, v29  }
0x8e: {  	v30 =	vsel vm15, $0x0, v30;
	v33 =	vadd.f32 v53, v35;
	vm1 =	vge.f32 v40, $1.000000000e+00  }
0x8f: {  	v34 =	vadd.f32 v46, v34;
	v32 =	vadd.f32 v45, v32;
	vm12 =	vge.f32 v29, $1.000000000e+00  }
0x90: {  	vm8 =	vge.f32 v33, $1.000000000e+00;
	v46 =	vnsel vm0, $0x0, v1;
	v61 =	vsel vm1, $0x3F800000, v0  }
0x91: {  	v57 =	vsel vm12, $0x3F800000, v0;
	v60 =	vsel vm8, $0x3F800000, v0;
	v40 =	vsel vm1, $0x0, v40  }
0x92: {  	v29 =	vsel vm12, $0x0, v29;
	v33 =	vsel vm8, $0x0, v33;
	vm14 =	vge.f32 v34, $1.000000000e+00  }
0x93: {  	vm7 =	vge.f32 v32, $1.000000000e+00;
	v58 =	vadd.f32 v63, v61;
	v35 =	vadd.f32 v56, v57  }
0x94: {  	v56 =	vand.u32 $0xFFFF, v25;
	v57 =	vshrl.u32 v27, $0x10;
	v55 =	vsel vm14, $0x3F800000, v0  }
0x95: {  	v59 =	vsel vm7, $0x3F800000, v0;
	v34 =	vsel vm14, $0x0, v34;
	v32 =	vsel vm7, $0x0, v32  }
0x96: {  	vm5 =	vlt.s32 v56, v24;
	v38 =	vadd.f32 v55, v54;
	v31 =	vadd.f32 v60, v59  }
0x97: {  	vm6 =	vlt.s32 v57, v21;
	v61 =	vsub.f32 v58, v35;
	v35 =	vsub.f32 v35, v58  }
0x98: {  	v55 =	vshrl.u32 v25, $0x10;
	v58 =	vshrl.u32 v26, $0x10;
	v59 =	vand.u32 $0xFFFF, v26  }
0x99: {  	v60 =	vshrl.u32 v28, $0x10;
	v26 =	vmul.u32 $0x2C9277B5, v26;
	vm4 =	vlt.s32 v55, v22  }
0x9a: {  	vm7 =	vlt.s32 v58, v20;
	vm8 =	vlt.s32 v59, v23;
	vm9 =	vlt.s32 v60, v17  }
0x9b: {  	v58 =	vand.u32 $0xFFFF, v27;
	v55 =	vand.u32 $0xFFFF, v28;
	v27 =	vmul.u32 $0x2C9277B5, v27  }
0x9c: {  	v28 =	vmul.u32 $0x2C9277B5, v28;
	v45 =	vsub.f32 v61, v36;
	v63 =	vsub.f32 v38, v31  }
0x9d: {  	v35 =	vsub.f32 v35, v44;
	v31 =	vsub.f32 v31, v38;
	v47 =	vsel vm7, $0x3F800000, v0  }
0x9e: {  	v57 =	vsel vm9, $0x3F800000, v0;
	vm10 =	vlt.s32 v58, v18;
	vm11 =	vlt.s32 v55, v19  }
0x9f: {  	v26 =	vadd.s32 $0xAC564B05, v26;
	v60 =	vsel vm11, $0x3F800000, v0;
	v27 =	vadd.s32 $0xAC564B05, v27  }
0xa0: {  	v28 =	vadd.s32 $0xAC564B05, v28;
	v45 =	vmul.f32 $1.000000010e-01, v45;
	v50 =	vsub.f32 v63, v39  }
0xa1: {  	v35 =	vmul.f32 $1.000000010e-01, v35;
	v31 =	vsub.f32 v31, v62;
	v63 =	vsel vm8, $0x3F800000, v0  }
0xa2: {  	v59 =	vsub.f32 v57, v63;
	v36 =	vadd.f32 v45, v36;
	v51 =	vmul.f32 $1.000000010e-01, v50  }
0xa3: {  	v35 =	vadd.f32 v35, v44;
	v31 =	vmul.f32 $1.000000010e-01, v31;
	v44 =	vsel vm5, $0x3F800000, v0  }
0xa4: {  	v45 =	vsel vm6, $0x3F800000, v0;
	vm13 =	vge.f32 v36, $1.000000000e+00;
	v52 =	vadd.f32 v51, v39  }
0xa5: {  	vm15 =	vge.f32 v35, $1.000000000e+00;
	v31 =	vadd.f32 v31, v62;
	v62 =	vsub.f32 v47, v44  }
0xa6: {  	v47 =	vsub.f32 v60, v47;
	v36 =	vsel vm13, $0x0, v36;
	v53 =	vnsel vm13, $0x0, v2  }
0xa7: {  	v39 =	vadd.f32 v53, v42;
	vm14 =	vge.f32 v52, $1.000000000e+00;
	v48 =	vsub.f32 v62, v37  }
0xa8: {  	v53 =	vsel vm10, $0x3F800000, v0;
	v55 =	vsub.f32 v47, v32;
	v54 =	vnsel vm14, $0x0, v2  }
0xa9: {  	v44 =	vsub.f32 v44, v53;
	v42 =	vadd.f32 v54, v43;
	v43 =	vsel vm4, $0x3F800000, v0  }
0xaa: {  	v48 =	vmul.f32 $1.000000010e-01, v48;
	v54 =	vsub.f32 v59, v41;
	v61 =	vsub.f32 v43, v45  }
0xab: {  	v35 =	vsel vm15, $0x0, v35;
	v44 =	vsub.f32 v44, v30;
	v43 =	vsub.f32 v63, v43  }
0xac: {  	v38 =	vsel vm14, $0x0, v52;
	v45 =	vsub.f32 v45, v60;
	v37 =	vadd.f32 v48, v37  }
0xad: {  	v51 =	vsub.f32 v61, v40;
	v61 =	vmul.f32 $1.000000010e-01, v54;
	v43 =	vsub.f32 v43, v29  }
0xae: {  	v44 =	vmul.f32 $1.000000010e-01, v44;
	v54 =	vsub.f32 v53, v57;
	v45 =	vsub.f32 v45, v34  }
0xaf: {  	v57 =	vmul.f32 $1.000000010e-01, v55;
	v53 =	vshrl.u32 v27, $0x10;
	v55 =	vand.u32 $0xFFFF, v26  }
0xb0: {  	vm2 =	vge.f32 v37, $1.000000000e+00;
	vm9 =	vlt.s32 v53, v21;
	vm11 =	vlt.s32 v55, v23  }
0xb1: {  	v51 =	vmul.f32 $1.000000010e-01, v51;
	v41 =	vadd.f32 v61, v41;
	v63 =	vsel vm2, $0x3F800000, v0  }
0xb2: {  	v30 =	vadd.f32 v44, v30;
	v43 =	vmul.f32 $1.000000010e-01, v43;
	v56 =	vsub.f32 v54, v33  }
0xb3: {  	v45 =	vmul.f32 $1.000000010e-01, v45;
	v32 =	vadd.f32 v57, v32;
	v57 =	vnsel vm15, $0x0, v2  }
0xb4: {  	vm15 =	vge.f32 v31, $1.000000000e+00;
	v37 =	vsel vm2, $0x0, v37;
	v54 =	vshrl.u32 v26, $0x10  }
0xb5: {  	v26 =	vmul.u32 $0x2C9277B5, v26;
	v46 =	vadd.f32 v57, v46;
	v31 =	vsel vm15, $0x0, v31  }
0xb6: {  	vm10 =	vlt.s32 v54, v20;
	v40 =	vadd.f32 v51, v40;
	vm3 =	vge.f32 v41, $1.000000000e+00  }
0xb7: {  	v29 =	vadd.f32 v43, v29;
	vm4 =	vge.f32 v30, $1.000000000e+00;
	v58 =	vmul.f32 $1.000000010e-01, v56  }
0xb8: {  	v34 =	vadd.f32 v45, v34;
	vm13 =	vge.f32 v32, $1.000000000e+00;
	v26 =	vadd.s32 $0xAC564B05, v26  }
0xb9: {  	v51 =	vsel vm3, $0x3F800000, v0;
	v59 =	vsel vm4, $0x3F800000, v0;
	v41 =	vsel vm3, $0x0, v41  }
0xba: {  	v30 =	vsel vm4, $0x0, v30;
	v32 =	vsel vm13, $0x0, v32;
	vm1 =	vge.f32 v40, $1.000000000e+00  }
0xbb: {  	vm5 =	vge.f32 v29, $1.000000000e+00;
	v33 =	vadd.f32 v58, v33;
	vm12 =	vge.f32 v34, $1.000000000e+00  }
0xbc: {  	v62 =	vsel vm1, $0x3F800000, v0;
	v60 =	vsel vm5, $0x3F800000, v0;
	v40 =	vsel vm1, $0x0, v40  }
0xbd: {  	v34 =	vsel vm12, $0x0, v34;
	v43 =	vadd.f32 v63, v62;
	v61 =	vadd.f32 v59, v60  }
0xbe: {  	v62 =	vsel vm12, $0x3F800000, v0;
	vm14 =	vge.f32 v33, $1.000000000e+00;
	v63 =	vsel vm13, $0x3F800000, v0  }
0xbf: {  	v56 =	vsel vm14, $0x3F800000, v0;
	v45 =	vadd.f32 v62, v51;
	v50 =	vsub.f32 v43, v61  }
0xc0: {  	v59 =	vnsel vm15, $0x0, v2;
	v47 =	vadd.f32 v56, v63;
	v43 =	vsub.f32 v61, v43  }
0xc1: {  	v29 =	vsel vm5, $0x0, v29;
	v49 =	vadd.f32 v59, v49;
	v58 =	vsub.f32 v50, v36  }
0xc2: {  	v33 =	vsel vm14, $0x0, v33;
	v51 =	vsub.f32 v45, v47;
	v43 =	vsub.f32 v43, v35  }
0xc3: {  	v59 =	vsel vm11, $0x3F800000, v0;
	v56 =	vshrl.u32 v28, $0x10;
	v48 =	vmul.f32 $1.000000010e-01, v58  }
0xc4: {  	vm12 =	vlt.s32 v56, v17;
	v60 =	vsub.f32 v51, v38;
	v43 =	vmul.f32 $1.000000010e-01, v43  }
0xc5: {  	v62 =	vsub.f32 v47, v45;
	v47 =	vsel vm10, $0x3F800000, v0;
	v36 =	vadd.f32 v48, v36  }
0xc6: {  	v61 =	vmul.f32 $1.000000010e-01, v60;
	v35 =	vadd.f32 v43, v35;
	v60 =	vsel vm12, $0x3F800000, v0  }
0xc7: {  	v51 =	vmul.u32 $0x2C9277B5, v25;
	v48 =	vsub.f32 v62, v31;
	v62 =	vsub.f32 v60, v59  }
0xc8: {  	vm4 =	vge.f32 v36, $1.000000000e+00;
	v38 =	vadd.f32 v61, v38;
	vm6 =	vge.f32 v35, $1.000000000e+00  }
0xc9: {  	v43 =	vmul.f32 $1.000000010e-01, v48;
	v61 =	vand.u32 $0xFFFF, v27;
	v27 =	vmul.u32 $0x2C9277B5, v27  }
0xca: {  	v36 =	vsel vm4, $0x0, v36;
	v63 =	vnsel vm4, $0x0, v3;
	v35 =	vsel vm6, $0x0, v35  }
0xcb: {  	v25 =	vnsel vm6, $0x0, v3;
	vm13 =	vlt.s32 v61, v18;
	v54 =	vsub.f32 v62, v41  }
0xcc: {  	vm5 =	vge.f32 v38, $1.000000000e+00;
	v39 =	vadd.f32 v63, v39;
	v25 =	vadd.f32 v25, v46  }
0xcd: {  	v31 =	vadd.f32 v43, v31;
	v43 =	vadd.s32 $0xAC564B05, v51;
	v46 =	vsel vm9, $0x3F800000, v0  }
0xce: {  	v63 =	vand.u32 $0xFFFF, v28;
	v53 =	vsel vm13, $0x3F800000, v0;
	v27 =	vadd.s32 $0xAC564B05, v27  }
0xcf: {  	v28 =	vmul.u32 $0x2C9277B5, v28;
	v38 =	vsel vm5, $0x0, v38;
	v50 =	vnsel vm5, $0x0, v3  }
0xd0: {  	v52 =	vshrl.u32 v43, $0x10;
	v45 =	vand.u32 $0xFFFF, v43;
	vm14 =	vlt.s32 v63, v19  }
0xd1: {  	v60 =	vsub.f32 v53, v60;
	v43 =	vmul.u32 $0x2C9277B5, v43;
	v42 =	vadd.f32 v50, v42  }
0xd2: {  	vm7 =	vlt.s32 v52, v22;
	vm8 =	vlt.s32 v45, v24;
	v56 =	vsel vm14, $0x3F800000, v0  }
0xd3: {  	v44 =	vsel vm7, $0x3F800000, v0;
	v45 =	vsel vm8, $0x3F800000, v0;
	v62 =	vsub.f32 v60, v33  }
0xd4: {  	vm14 =	vge.f32 v31, $1.000000000e+00;
	v57 =	vsub.f32 v44, v46;
	v58 =	vsub.f32 v47, v45  }
0xd5: {  	v28 =	vadd.s32 $0xAC564B05, v28;
	v45 =	vsub.f32 v45, v53;
	v44 =	vsub.f32 v59, v44  }
0xd6: {  	v31 =	vsel vm14, $0x0, v31;
	v46 =	vsub.f32 v46, v56;
	v47 =	vsub.f32 v56, v47  }
0xd7: {  	v43 =	vadd.s32 $0xAC564B05, v43;
	v51 =	vsub.f32 v57, v40;
	v48 =	vsub.f32 v58, v37  }
0xd8: {  	v55 =	vmul.f32 $1.000000010e-01, v62;
	v45 =	vsub.f32 v45, v30;
	v44 =	vsub.f32 v44, v29  }
0xd9: {  	v57 =	vmul.f32 $1.000000010e-01, v54;
	v46 =	vsub.f32 v46, v34;
	v61 =	vsub.f32 v47, v32  }
0xda: {  	v33 =	vadd.f32 v55, v33;
	v51 =	vmul.f32 $1.000000010e-01, v51;
	v48 =	vmul.f32 $1.000000010e-01, v48  }
0xdb: {  	v41 =	vadd.f32 v57, v41;
	v45 =	vmul.f32 $1.000000010e-01, v45;
	v44 =	vmul.f32 $1.000000010e-01, v44  }
0xdc: {  	v46 =	vmul.f32 $1.000000010e-01, v46;
	v54 =	vmul.f32 $1.000000010e-01, v61;
	v40 =	vadd.f32 v51, v40  }
0xdd: {  	vm13 =	vge.f32 v33, $1.000000000e+00;
	v37 =	vadd.f32 v48, v37;
	v30 =	vadd.f32 v45, v30  }
0xde: {  	vm2 =	vge.f32 v41, $1.000000000e+00;
	v29 =	vadd.f32 v44, v29;
	v34 =	vadd.f32 v46, v34  }
0xdf: {  	v32 =	vadd.f32 v54, v32;
	v62 =	vsel vm13, $0x3F800000, v0;
	v33 =	vsel vm13, $0x0, v33  }
0xe0: {  	v63 =	vsel vm2, $0x3F800000, v0;
	v41 =	vsel vm2, $0x0, v41;
	vm0 =	vge.f32 v40, $1.000000000e+00  }
0xe1: {  	vm1 =	vge.f32 v37, $1.000000000e+00;
	vm3 =	vge.f32 v30, $1.000000000e+00;
	vm4 =	vge.f32 v29, $1.000000000e+00  }
0xe2: {  	vm15 =	vge.f32 v34, $1.000000000e+00;
	vm12 =	vge.f32 v32, $1.000000000e+00;
	v58 =	vsel vm0, $0x3F800000, v0  }
0xe3: {  	v59 =	vsel vm1, $0x3F800000, v0;
	v56 =	vsel vm3, $0x3F800000, v0;
	v57 =	vsel vm4, $0x3F800000, v0  }
0xe4: {  	v60 =	vsel vm15, $0x3F800000, v0;
	v61 =	vsel vm12, $0x3F800000, v0;
	v40 =	vsel vm0, $0x0, v40  }
0xe5: {  	v37 =	vsel vm1, $0x0, v37;
	v34 =	vsel vm15, $0x0, v34;
	v30 =	vsel vm3, $0x0, v30  }
0xe6: {  	v29 =	vsel vm4, $0x0, v29;
	v58 =	vadd.f32 v59, v58;
	v59 =	vadd.f32 v56, v57  }
0xe7: {  	v32 =	vsel vm12, $0x0, v32;
	v46 =	vadd.f32 v60, v63;
	v47 =	vadd.f32 v62, v61  }
0xe8: {  	v63 =	vnsel vm14, $0x0, v3;
	v57 =	vshrl.u32 v43, $0x10;
	v60 =	vshrl.u32 v27, $0x10  }
0xe9: {  	v61 =	vand.u32 $0xFFFF, v26;
	v62 =	vshrl.u32 v28, $0x10;
	v48 =	vadd.f32 v63, v49  }
0xea: {  	vm5 =	vlt.s32 v57, v22;
	vm8 =	vlt.s32 v60, v21;
	vm9 =	vlt.s32 v61, v23  }
0xeb: {  	vm10 =	vlt.s32 v62, v17;
	v50 =	vsub.f32 v58, v59;
	v52 =	vsub.f32 v46, v47  }
0xec: {  	v44 =	vsub.f32 v59, v58;
	v46 =	vsub.f32 v47, v46;
	v58 =	vand.u32 $0xFFFF, v43  }
0xed: {  	v59 =	vshrl.u32 v26, $0x10;
	v47 =	vsel vm9, $0x3F800000, v0;
	v43 =	vmul.u32 $0x2C9277B5, v43  }
0xee: {  	v26 =	vmul.u32 $0x2C9277B5, v26;
	vm6 =	vlt.s32 v58, v24;
	vm7 =	vlt.s32 v59, v20  }
0xef: {  	v58 =	vsel vm10, $0x3F800000, v0;
	v59 =	vand.u32 $0xFFFF, v27;
	v50 =	vsub.f32 v50, v36  }
0xf0: {  	v27 =	vmul.u32 $0x2C9277B5, v27;
	v49 =	vsub.f32 v52, v38;
	v44 =	vsub.f32 v44, v35  }
0xf1: {  	v55 =	vsub.f32 v46, v31;
	v46 =	vsel vm8, $0x3F800000, v0;
	v60 =	vsub.f32 v58, v47  }
0xf2: {  	vm12 =	vlt.s32 v59, v18;
	v43 =	vadd.s32 $0xAC564B05, v43;
	v50 =	vmul.f32 $1.000000010e-01, v50  }
0xf3: {  	v62 =	vsel vm12, $0x3F800000, v0;
	v53 =	vmul.f32 $1.000000010e-01, v49;
	v44 =	vmul.f32 $1.000000010e-01, v44  }
0xf4: {  	v45 =	vmul.f32 $1.000000010e-01, v55;
	v58 =	vsub.f32 v62, v58;
	v36 =	vadd.f32 v50, v36  }
0xf5: {  	v49 =	vsel vm7, $0x3F800000, v0;
	v38 =	vadd.f32 v53, v38;
	v35 =	vadd.f32 v44, v35  }
0xf6: {  	v31 =	vadd.f32 v45, v31;
	v44 =	vsel vm5, $0x3F800000, v0;
	v45 =	vsel vm6, $0x3F800000, v0  }
0xf7: {  	v26 =	vadd.s32 $0xAC564B05, v26;
	v63 =	vsub.f32 v44, v46;
	v57 =	vsub.f32 v49, v45  }
0xf8: {  	v27 =	vadd.s32 $0xAC564B05, v27;
	v45 =	vsub.f32 v45, v62;
	v44 =	vsub.f32 v47, v44  }
0xf9: {  	vm15 =	vge.f32 v36, $1.000000000e+00;
	vm4 =	vge.f32 v38, $1.000000000e+00;
	vm0 =	vge.f32 v35, $1.000000000e+00  }
0xfa: {  	vm1 =	vge.f32 v31, $1.000000000e+00;
	v54 =	vnsel vm15, $0x0, v4;
	v36 =	vsel vm15, $0x0, v36  }
0xfb: {  	v38 =	vsel vm4, $0x0, v38;
	v56 =	vnsel vm4, $0x0, v4;
	v51 =	vsub.f32 v63, v40  }
0xfc: {  	v50 =	vsub.f32 v57, v37;
	v55 =	vnsel vm0, $0x0, v4;
	v45 =	vsub.f32 v45, v30  }
0xfd: {  	v44 =	vsub.f32 v44, v29;
	v35 =	vsel vm0, $0x0, v35;
	v31 =	vsel vm1, $0x0, v31  }
0xfe: {  	v39 =	vadd.f32 v54, v39;
	v42 =	vadd.f32 v56, v42;
	v56 =	vand.u32 $0xFFFF, v28  }
0xff: {  	v54 =	vsub.f32 v60, v41;
	v25 =	vadd.f32 v55, v25;
	v55 =	vshrl.u32 v43, $0x10  }
0x100: {  	v28 =	vmul.u32 $0x2C9277B5, v28;
	vm11 =	vlt.s32 v56, v19;
	v51 =	vmul.f32 $1.000000010e-01, v51  }
0x101: {  	v50 =	vmul.f32 $1.000000010e-01, v50;
	v45 =	vmul.f32 $1.000000010e-01, v45;
	v61 =	vsel vm11, $0x3F800000, v0  }
0x102: {  	v44 =	vmul.f32 $1.000000010e-01, v44;
	v40 =	vadd.f32 v51, v40;
	v46 =	vsub.f32 v46, v61  }
0x103: {  	v63 =	vmul.f32 $1.000000010e-01, v54;
	v37 =	vadd.f32 v50, v37;
	v57 =	vsub.f32 v61, v49  }
0x104: {  	v28 =	vadd.s32 $0xAC564B05, v28;
	v61 =	vsub.f32 v58, v33;
	v30 =	vadd.f32 v45, v30  }
0x105: {  	v29 =	vadd.f32 v44, v29;
	v41 =	vadd.f32 v63, v41;
	vm2 =	vge.f32 v40, $1.000000000e+00  }
0x106: {  	v46 =	vsub.f32 v46, v34;
	vm3 =	vge.f32 v37, $1.000000000e+00;
	v60 =	vsub.f32 v57, v32  }
0x107: {  	v62 =	vmul.f32 $1.000000010e-01, v61;
	vm13 =	vge.f32 v30, $1.000000000e+00;
	vm14 =	vge.f32 v29, $1.000000000e+00  }
0x108: {  	v54 =	vsel vm2, $0x3F800000, v0;
	v59 =	vsel vm3, $0x3F800000, v0;
	vm5 =	vge.f32 v41, $1.000000000e+00  }
0x109: {  	v53 =	vsel vm13, $0x3F800000, v0;
	v56 =	vsel vm14, $0x3F800000, v0;
	v40 =	vsel vm2, $0x0, v40  }
0x10a: {  	v37 =	vsel vm3, $0x0, v37;
	v30 =	vsel vm13, $0x0, v30;
	v29 =	vsel vm14, $0x0, v29  }
0x10b: {  	v46 =	vmul.f32 $1.000000010e-01, v46;
	v63 =	vsel vm5, $0x3F800000, v0;
	v33 =	vadd.f32 v62, v33  }
0x10c: {  	v57 =	vadd.f32 v59, v54;
	v44 =	vadd.f32 v53, v56;
	v56 =	vand.u32 $0xFFFF, v43  }
0x10d: {  	v41 =	vsel vm5, $0x0, v41;
	v43 =	vmul.u32 $0x2C9277B5, v43;
	vm5 =	vlt.s32 v56, v24  }
0x10e: {  	v34 =	vadd.f32 v46, v34;
	v46 =	vmul.f32 $1.000000010e-01, v60;
	vm12 =	vge.f32 v33, $1.000000000e+00  }
0x10f: {  	v60 =	vnsel vm1, $0x0, v4;
	v61 =	vsub.f32 v57, v44;
	v44 =	vsub.f32 v44, v57  }
0x110: {  	v57 =	vshrl.u32 v27, $0x10;
	v43 =	vadd.s32 $0xAC564B05, v43;
	v59 =	vsel vm12, $0x3F800000, v0  }
0x111: {  	v47 =	vadd.f32 v60, v48;
	v33 =	vsel vm12, $0x0, v33;
	vm6 =	vlt.s32 v57, v21  }
0x112: {  	v60 =	vshrl.u32 v28, $0x10;
	v57 =	vand.u32 $0xFFFF, v27;
	v27 =	vmul.u32 $0x2C9277B5, v27  }
0x113: {  	vm4 =	vge.f32 v34, $1.000000000e+00;
	v32 =	vadd.f32 v46, v32;
	v62 =	vsub.f32 v61, v36  }
0x114: {  	v44 =	vsub.f32 v44, v35;
	vm9 =	vlt.s32 v60, v17;
	vm10 =	vlt.s32 v57, v18  }
0x115: {  	v52 =	vsel vm4, $0x3F800000, v0;
	v34 =	vsel vm4, $0x0, v34;
	vm4 =	vlt.s32 v55, v22  }
0x116: {  	v27 =	vadd.s32 $0xAC564B05, v27;
	vm15 =	vge.f32 v32, $1.000000000e+00;
	v48 =	vmul.f32 $1.000000010e-01, v62  }
0x117: {  	v45 =	vadd.f32 v52, v63;
	v44 =	vmul.f32 $1.000000010e-01, v44;
	v58 =	vsel vm15, $0x3F800000, v0  }
0x118: {  	v32 =	vsel vm15, $0x0, v32;
	v46 =	vadd.f32 v59, v58;
	v36 =	vadd.f32 v48, v36  }
0x119: {  	v35 =	vadd.f32 v44, v35;
	v44 =	vsel vm4, $0x3F800000, v0;
	v58 =	vshrl.u32 v26, $0x10  }
0x11a: {  	v59 =	vand.u32 $0xFFFF, v26;
	v26 =	vmul.u32 $0x2C9277B5, v26;
	vm7 =	vlt.s32 v58, v20  }
0x11b: {  	vm8 =	vlt.s32 v59, v23;
	v59 =	vand.u32 $0xFFFF, v28;
	v28 =	vmul.u32 $0x2C9277B5, v28  }
0x11c: {  	v63 =	vsub.f32 v45, v46;
	v45 =	vsub.f32 v46, v45;
	vm13 =	vge.f32 v36, $1.000000000e+00  }
0x11d: {  	vm15 =	vge.f32 v35, $1.000000000e+00;
	v46 =	vsel vm6, $0x3F800000, v0;
	v48 =	vsel vm7, $0x3F800000, v0  }
0x11e: {  	vm11 =	vlt.s32 v59, v19;
	v26 =	vadd.s32 $0xAC564B05, v26;
	v36 =	vsel vm13, $0x0, v36  }
0x11f: {  	v53 =	vnsel vm13, $0x0, v5;
	v35 =	vsel vm15, $0x0, v35;
	v61 =	vsub.f32 v44, v46  }
0x120: {  	v60 =	vsel vm11, $0x3F800000, v0;
	v28 =	vadd.s32 $0xAC564B05, v28;
	v50 =	vsub.f32 v63, v38  }
0x121: {  	v45 =	vsub.f32 v45, v31;
	v63 =	vsel vm8, $0x3F800000, v0;
	v46 =	vsub.f32 v46, v60  }
0x122: {  	v51 =	vsub.f32 v61, v40;
	v44 =	vsub.f32 v63, v44;
	v52 =	vmul.f32 $1.000000010e-01, v50  }
0x123: {  	v39 =	vadd.f32 v53, v39;
	v45 =	vmul.f32 $1.000000010e-01, v45;
	v46 =	vsub.f32 v46, v34  }
0x124: {  	v51 =	vmul.f32 $1.000000010e-01, v51;
	v44 =	vsub.f32 v44, v29;
	v38 =	vadd.f32 v52, v38  }
0x125: {  	v31 =	vadd.f32 v45, v31;
	v45 =	vsel vm5, $0x3F800000, v0;
	v52 =	vsel vm9, $0x3F800000, v0  }
0x126: {  	v53 =	vsel vm10, $0x3F800000, v0;
	v62 =	vsub.f32 v48, v45;
	v58 =	vsub.f32 v52, v63  }
0x127: {  	v46 =	vmul.f32 $1.000000010e-01, v46;
	v40 =	vadd.f32 v51, v40;
	v45 =	vsub.f32 v45, v53  }
0x128: {  	v48 =	vsub.f32 v60, v48;
	v44 =	vmul.f32 $1.000000010e-01, v44;
	vm14 =	vge.f32 v38, $1.000000000e+00  }
0x129: {  	v34 =	vadd.f32 v46, v34;
	v54 =	vnsel vm14, $0x0, v5;
	v49 =	vsub.f32 v62, v37  }
0x12a: {  	v38 =	vsel vm14, $0x0, v38;
	v45 =	vsub.f32 v45, v30;
	v55 =	vsub.f32 v48, v32  }
0x12b: {  	vm1 =	vge.f32 v40, $1.000000000e+00;
	v29 =	vadd.f32 v44, v29;
	v42 =	vadd.f32 v54, v42  }
0x12c: {  	v54 =	vsub.f32 v58, v41;
	v62 =	vsel vm1, $0x3F800000, v0;
	vm12 =	vge.f32 v34, $1.000000000e+00  }
0x12d: {  	v40 =	vsel vm1, $0x0, v40;
	v49 =	vmul.f32 $1.000000010e-01, v49;
	v45 =	vmul.f32 $1.000000010e-01, v45  }
0x12e: {  	v57 =	vmul.f32 $1.000000010e-01, v55;
	vm5 =	vge.f32 v29, $1.000000000e+00;
	v34 =	vsel vm12, $0x0, v34  }
0x12f: {  	v55 =	vand.u32 $0xFFFF, v26;
	v61 =	vmul.f32 $1.000000010e-01, v54;
	v54 =	vsub.f32 v53, v52  }
0x130: {  	v60 =	vsel vm5, $0x3F800000, v0;
	v29 =	vsel vm5, $0x0, v29;
	v52 =	vand.u32 $0xFFFF, v43  }
0x131: {  	v53 =	vshrl.u32 v27, $0x10;
	vm11 =	vlt.s32 v55, v23;
	v37 =	vadd.f32 v49, v37  }
0x132: {  	v30 =	vadd.f32 v45, v30;
	v32 =	vadd.f32 v57, v32;
	v57 =	vnsel vm15, $0x0, v5  }
0x133: {  	vm15 =	vge.f32 v31, $1.000000000e+00;
	vm8 =	vlt.s32 v52, v24;
	v41 =	vadd.f32 v61, v41  }
0x134: {  	vm9 =	vlt.s32 v53, v21;
	v56 =	vsub.f32 v54, v33;
	v25 =	vadd.f32 v57, v25  }
0x135: {  	v31 =	vsel vm15, $0x0, v31;
	v45 =	vsel vm8, $0x3F800000, v0;
	v54 =	vshrl.u32 v26, $0x10  }
0x136: {  	v26 =	vmul.u32 $0x2C9277B5, v26;
	vm2 =	vge.f32 v37, $1.000000000e+00;
	vm4 =	vge.f32 v30, $1.000000000e+00  }
0x137: {  	vm13 =	vge.f32 v32, $1.000000000e+00;
	vm10 =	vlt.s32 v54, v20;
	v63 =	vsel vm2, $0x3F800000, v0  }
0x138: {  	vm3 =	vge.f32 v41, $1.000000000e+00;
	v58 =	vmul.f32 $1.000000010e-01, v56;
	v59 =	vsel vm4, $0x3F800000, v0  }
0x139: {  	v37 =	vsel vm2, $0x0, v37;
	v30 =	vsel vm4, $0x0, v30;
	v32 =	vsel vm13, $0x0, v32  }
0x13a: {  	v26 =	vadd.s32 $0xAC564B05, v26;
	v44 =	vadd.f32 v63, v62;
	v61 =	vadd.f32 v59, v60  }
0x13b: {  	v51 =	vsel vm3, $0x3F800000, v0;
	v62 =	vsel vm12, $0x3F800000, v0;
	v33 =	vadd.f32 v58, v33  }
0x13c: {  	v63 =	vsel vm13, $0x3F800000, v0;
	v59 =	vnsel vm15, $0x0, v5;
	v50 =	vsub.f32 v44, v61  }
0x13d: {  	v46 =	vadd.f32 v62, v51;
	v44 =	vsub.f32 v61, v44;
	vm14 =	vge.f32 v33, $1.000000000e+00  }
0x13e: {  	v47 =	vadd.f32 v59, v47;
	v56 =	vsel vm14, $0x3F800000, v0;
	v58 =	vsub.f32 v50, v36  }
0x13f: {  	v41 =	vsel vm3, $0x0, v41;
	v44 =	vsub.f32 v44, v35;
	v48 =	vadd.f32 v56, v63  }
0x140: {  	v59 =	vsel vm11, $0x3F800000, v0;
	v33 =	vsel vm14, $0x0, v33;
	v49 =	vmul.f32 $1.000000010e-01, v58  }
0x141: {  	v56 =	vshrl.u32 v28, $0x10;
	v44 =	vmul.f32 $1.000000010e-01, v44;
	v51 =	vsub.f32 v46, v48  }
0x142: {  	vm12 =	vlt.s32 v56, v17;
	v62 =	vsub.f32 v48, v46;
	v36 =	vadd.f32 v49, v36  }
0x143: {  	v46 =	vsel vm9, $0x3F800000, v0;
	v35 =	vadd.f32 v44, v35;
	v60 =	vsub.f32 v51, v38  }
0x144: {  	v48 =	vsub.f32 v62, v31;
	v51 =	vshrl.u32 v43, $0x10;
	v43 =	vmul.u32 $0x2C9277B5, v43  }
0x145: {  	vm4 =	vge.f32 v36, $1.000000000e+00;
	vm6 =	vge.f32 v35, $1.000000000e+00;
	vm7 =	vlt.s32 v51, v22  }
0x146: {  	v61 =	vmul.f32 $1.000000010e-01, v60;
	v36 =	vsel vm4, $0x0, v36;
	v63 =	vnsel vm4, $0x0, v6  }
0x147: {  	v44 =	vmul.f32 $1.000000010e-01, v48;
	v35 =	vsel vm6, $0x0, v35;
	v50 =	vnsel vm6, $0x0, v6  }
0x148: {  	v48 =	vsel vm10, $0x3F800000, v0;
	v60 =	vsel vm12, $0x3F800000, v0;
	v39 =	vadd.f32 v63, v39  }
0x149: {  	v43 =	vadd.s32 $0xAC564B05, v43;
	v25 =	vadd.f32 v50, v25;
	v58 =	vsub.f32 v48, v45  }
0x14a: {  	v62 =	vsub.f32 v60, v59;
	v63 =	vand.u32 $0xFFFF, v28;
	v28 =	vmul.u32 $0x2C9277B5, v28  }
0x14b: {  	v38 =	vadd.f32 v61, v38;
	v31 =	vadd.f32 v44, v31;
	v44 =	vsel vm7, $0x3F800000, v0  }
0x14c: {  	v61 =	vand.u32 $0xFFFF, v27;
	vm14 =	vlt.s32 v63, v19;
	v27 =	vmul.u32 $0x2C9277B5, v27  }
0x14d: {  	v57 =	vsub.f32 v44, v46;
	vm13 =	vlt.s32 v61, v18;
	v54 =	vsub.f32 v62, v41  }
0x14e: {  	v56 =	vsel vm14, $0x3F800000, v0;
	v44 =	vsub.f32 v59, v44;
	v28 =	vadd.s32 $0xAC564B05, v28  }
0x14f: {  	vm5 =	vge.f32 v38, $1.000000000e+00;
	v53 =	vsel vm13, $0x3F800000, v0;
	v46 =	vsub.f32 v46, v56  }
0x150: {  	v48 =	vsub.f32 v56, v48;
	vm14 =	vge.f32 v31, $1.000000000e+00;
	v27 =	vadd.s32 $0xAC564B05, v27  }
0x151: {  	v38 =	vsel vm5, $0x0, v38;
	v51 =	vsub.f32 v57, v40;
	v45 =	vsub.f32 v45, v53  }
0x152: {  	v49 =	vnsel vm5, $0x0, v6;
	v44 =	vsub.f32 v44, v29;
	v60 =	vsub.f32 v53, v60  }
0x153: {  	v57 =	vmul.f32 $1.000000010e-01, v54;
	v42 =	vadd.f32 v49, v42;
	v49 =	vsub.f32 v58, v37  }
0x154: {  	v31 =	vsel vm14, $0x0, v31;
	v46 =	vsub.f32 v46, v34;
	v61 =	vsub.f32 v48, v32  }
0x155: {  	v51 =	vmul.f32 $1.000000010e-01, v51;
	v45 =	vsub.f32 v45, v30;
	v41 =	vadd.f32 v57, v41  }
0x156: {  	v44 =	vmul.f32 $1.000000010e-01, v44;
	v62 =	vsub.f32 v60, v33;
	v49 =	vmul.f32 $1.000000010e-01, v49  }
0x157: {  	v46 =	vmul.f32 $1.000000010e-01, v46;
	v54 =	vmul.f32 $1.000000010e-01, v61;
	v40 =	vadd.f32 v51, v40  }
0x158: {  	v45 =	vmul.f32 $1.000000010e-01, v45;
	vm2 =	vge.f32 v41, $1.000000000e+00;
	v29 =	vadd.f32 v44, v29  }
0x159: {  	v55 =	vmul.f32 $1.000000010e-01, v62;
	v37 =	vadd.f32 v49, v37;
	v63 =	vsel vm2, $0x3F800000, v0  }
0x15a: {  	v34 =	vadd.f32 v46, v34;
	v32 =	vadd.f32 v54, v32;
	v41 =	vsel vm2, $0x0, v41  }
0x15b: {  	vm0 =	vge.f32 v40, $1.000000000e+00;
	v30 =	vadd.f32 v45, v30;
	vm4 =	vge.f32 v29, $1.000000000e+00  }
0x15c: {  	v33 =	vadd.f32 v55, v33;
	v58 =	vsel vm0, $0x3F800000, v0;
	vm1 =	vge.f32 v37, $1.000000000e+00  }
0x15d: {  	v57 =	vsel vm4, $0x3F800000, v0;
	vm15 =	vge.f32 v34, $1.000000000e+00;
	vm12 =	vge.f32 v32, $1.000000000e+00  }
0x15e: {  	v40 =	vsel vm0, $0x0, v40;
	v29 =	vsel vm4, $0x0, v29;
	v59 =	vsel vm1, $0x3F800000, v0  }
0x15f: {  	vm3 =	vge.f32 v30, $1.000000000e+00;
	v60 =	vsel vm15, $0x3F800000, v0;
	vm13 =	vge.f32 v33, $1.000000000e+00  }
0x160: {  	v61 =	vsel vm12, $0x3F800000, v0;
	v37 =	vsel vm1, $0x0, v37;
	v34 =	vsel vm15, $0x0, v34  }
0x161: {  	v32 =	vsel vm12, $0x0, v32;
	v56 =	vsel vm3, $0x3F800000, v0;
	v58 =	vadd.f32 v59, v58  }
0x162: {  	v62 =	vsel vm13, $0x3F800000, v0;
	v46 =	vadd.f32 v60, v63;
	v63 =	vnsel vm14, $0x0, v6  }
0x163: {  	v30 =	vsel vm3, $0x0, v30;
	v33 =	vsel vm13, $0x0, v33;
	v59 =	vadd.f32 v56, v57  }
0x164: {  	v60 =	vshrl.u32 v27, $0x10;
	v48 =	vadd.f32 v62, v61;
	v47 =	vadd.f32 v63, v47  }
0x165: {  	v57 =	vshrl.u32 v43, $0x10;
	v61 =	vand.u32 $0xFFFF, v26;
	vm8 =	vlt.s32 v60, v21  }
0x166: {  	v62 =	vshrl.u32 v28, $0x10;
	vm5 =	vlt.s32 v57, v22;
	vm9 =	vlt.s32 v61, v23  }
0x167: {  	vm10 =	vlt.s32 v62, v17;
	v50 =	vsub.f32 v58, v59;
	v52 =	vsub.f32 v46, v48  }
0x168: {  	v44 =	vsub.f32 v59, v58;
	v46 =	vsub.f32 v48, v46;
	v58 =	vand.u32 $0xFFFF, v43  }
0x169: {  	v59 =	vshrl.u32 v26, $0x10;
	v48 =	vsel vm9, $0x3F800000, v0;
	v43 =	vmul.u32 $0x2C9277B5, v43  }
0x16a: {  	v26 =	vmul.u32 $0x2C9277B5, v26;
	vm6 =	vlt.s32 v58, v24;
	vm7 =	vlt.s32 v59, v20  }
0x16b: {  	v58 =	vsel vm10, $0x3F800000, v0;
	v59 =	vand.u32 $0xFFFF, v27;
	v50 =	vsub.f32 v50, v36  }
0x16c: {  	v27 =	vmul.u32 $0x2C9277B5, v27;
	v49 =	vsub.f32 v52, v38;
	v44 =	vsub.f32 v44, v35  }
0x16d: {  	v55 =	vsub.f32 v46, v31;
	v46 =	vsel vm8, $0x3F800000, v0;
	v60 =	vsub.f32 v58, v48  }
0x16e: {  	vm12 =	vlt.s32 v59, v18;
	v43 =	vadd.s32 $0xAC564B05, v43;
	v50 =	vmul.f32 $1.000000010e-01, v50  }
0x16f: {  	v62 =	vsel vm12, $0x3F800000, v0;
	v53 =	vmul.f32 $1.000000010e-01, v49;
	v44 =	vmul.f32 $1.000000010e-01, v44  }
0x170: {  	v45 =	vmul.f32 $1.000000010e-01, v55;
	v58 =	vsub.f32 v62, v58;
	v36 =	vadd.f32 v50, v36  }
0x171: {  	v49 =	vsel vm7, $0x3F800000, v0;
	v38 =	vadd.f32 v53, v38;
	v35 =	vadd.f32 v44, v35  }
0x172: {  	v31 =	vadd.f32 v45, v31;
	v44 =	vsel vm5, $0x3F800000, v0;
	v45 =	vsel vm6, $0x3F800000, v0  }
0x173: {  	v26 =	vadd.s32 $0xAC564B05, v26;
	v63 =	vsub.f32 v44, v46;
	v57 =	vsub.f32 v49, v45  }
0x174: {  	v27 =	vadd.s32 $0xAC564B05, v27;
	v45 =	vsub.f32 v45, v62;
	v44 =	vsub.f32 v48, v44  }
0x175: {  	vm15 =	vge.f32 v36, $1.000000000e+00;
	vm4 =	vge.f32 v38, $1.000000000e+00;
	vm0 =	vge.f32 v35, $1.000000000e+00  }
0x176: {  	vm1 =	vge.f32 v31, $1.000000000e+00;
	v54 =	vnsel vm15, $0x0, v7;
	v36 =	vsel vm15, $0x0, v36  }
0x177: {  	v38 =	vsel vm4, $0x0, v38;
	v56 =	vnsel vm4, $0x0, v7;
	v51 =	vsub.f32 v63, v40  }
0x178: {  	v50 =	vsub.f32 v57, v37;
	v55 =	vnsel vm0, $0x0, v7;
	v45 =	vsub.f32 v45, v30  }
0x179: {  	v44 =	vsub.f32 v44, v29;
	v35 =	vsel vm0, $0x0, v35;
	v31 =	vsel vm1, $0x0, v31  }
0x17a: {  	v39 =	vadd.f32 v54, v39;
	v42 =	vadd.f32 v56, v42;
	v56 =	vand.u32 $0xFFFF, v28  }
0x17b: {  	v54 =	vsub.f32 v60, v41;
	v25 =	vadd.f32 v55, v25;
	v55 =	vshrl.u32 v43, $0x10  }
0x17c: {  	v28 =	vmul.u32 $0x2C9277B5, v28;
	vm11 =	vlt.s32 v56, v19;
	v51 =	vmul.f32 $1.000000010e-01, v51  }
0x17d: {  	v50 =	vmul.f32 $1.000000010e-01, v50;
	v45 =	vmul.f32 $1.000000010e-01, v45;
	v61 =	vsel vm11, $0x3F800000, v0  }
0x17e: {  	v44 =	vmul.f32 $1.000000010e-01, v44;
	v40 =	vadd.f32 v51, v40;
	v46 =	vsub.f32 v46, v61  }
0x17f: {  	v63 =	vmul.f32 $1.000000010e-01, v54;
	v37 =	vadd.f32 v50, v37;
	v57 =	vsub.f32 v61, v49  }
0x180: {  	v28 =	vadd.s32 $0xAC564B05, v28;
	v61 =	vsub.f32 v58, v33;
	v30 =	vadd.f32 v45, v30  }
0x181: {  	v29 =	vadd.f32 v44, v29;
	v41 =	vadd.f32 v63, v41;
	vm2 =	vge.f32 v40, $1.000000000e+00  }
0x182: {  	v46 =	vsub.f32 v46, v34;
	vm3 =	vge.f32 v37, $1.000000000e+00;
	v60 =	vsub.f32 v57, v32  }
0x183: {  	v62 =	vmul.f32 $1.000000010e-01, v61;
	vm13 =	vge.f32 v30, $1.000000000e+00;
	vm14 =	vge.f32 v29, $1.000000000e+00  }
0x184: {  	v54 =	vsel vm2, $0x3F800000, v0;
	v59 =	vsel vm3, $0x3F800000, v0;
	vm5 =	vge.f32 v41, $1.000000000e+00  }
0x185: {  	v53 =	vsel vm13, $0x3F800000, v0;
	v56 =	vsel vm14, $0x3F800000, v0;
	v40 =	vsel vm2, $0x0, v40  }
0x186: {  	v37 =	vsel vm3, $0x0, v37;
	v30 =	vsel vm13, $0x0, v30;
	v29 =	vsel vm14, $0x0, v29  }
0x187: {  	v46 =	vmul.f32 $1.000000010e-01, v46;
	v63 =	vsel vm5, $0x3F800000, v0;
	v33 =	vadd.f32 v62, v33  }
0x188: {  	v57 =	vadd.f32 v59, v54;
	v44 =	vadd.f32 v53, v56;
	v56 =	vand.u32 $0xFFFF, v43  }
0x189: {  	v41 =	vsel vm5, $0x0, v41;
	v43 =	vmul.u32 $0x2C9277B5, v43;
	vm5 =	vlt.s32 v56, v24  }
0x18a: {  	v34 =	vadd.f32 v46, v34;
	v46 =	vmul.f32 $1.000000010e-01, v60;
	vm12 =	vge.f32 v33, $1.000000000e+00  }
0x18b: {  	v60 =	vnsel vm1, $0x0, v7;
	v61 =	vsub.f32 v57, v44;
	v44 =	vsub.f32 v44, v57  }
0x18c: {  	v57 =	vshrl.u32 v27, $0x10;
	v43 =	vadd.s32 $0xAC564B05, v43;
	v59 =	vsel vm12, $0x3F800000, v0  }
0x18d: {  	v47 =	vadd.f32 v60, v47;
	v33 =	vsel vm12, $0x0, v33;
	vm6 =	vlt.s32 v57, v21  }
0x18e: {  	v60 =	vshrl.u32 v28, $0x10;
	vm4 =	vge.f32 v34, $1.000000000e+00;
	v32 =	vadd.f32 v46, v32  }
0x18f: {  	v62 =	vsub.f32 v61, v36;
	v44 =	vsub.f32 v44, v35;
	vm9 =	vlt.s32 v60, v17  }
0x190: {  	v60 =	vand.u32 $0xFFFF, v28;
	v28 =	vmul.u32 $0x2C9277B5, v28;
	v52 =	vsel vm4, $0x3F800000, v0  }
0x191: {  	v34 =	vsel vm4, $0x0, v34;
	vm4 =	vlt.s32 v55, v22;
	v57 =	vsel vm9, $0x3F800000, v0  }
0x192: {  	vm11 =	vlt.s32 v60, v19;
	vm15 =	vge.f32 v32, $1.000000000e+00;
	v45 =	vadd.f32 v52, v63  }
0x193: {  	v48 =	vmul.f32 $1.000000010e-01, v62;
	v44 =	vmul.f32 $1.000000010e-01, v44;
	v58 =	vsel vm15, $0x3F800000, v0  }
0x194: {  	v28 =	vadd.s32 $0xAC564B05, v28;
	v32 =	vsel vm15, $0x0, v32;
	v46 =	vadd.f32 v59, v58  }
0x195: {  	v36 =	vadd.f32 v48, v36;
	v35 =	vadd.f32 v44, v35;
	v44 =	vsel vm4, $0x3F800000, v0  }
0x196: {  	v58 =	vshrl.u32 v26, $0x10;
	v59 =	vand.u32 $0xFFFF, v26;
	v26 =	vmul.u32 $0x2C9277B5, v26  }
0x197: {  	vm7 =	vlt.s32 v58, v20;
	vm8 =	vlt.s32 v59, v23;
	v58 =	vand.u32 $0xFFFF, v27  }
0x198: {  	v27 =	vmul.u32 $0x2C9277B5, v27;
	v63 =	vsub.f32 v45, v46;
	v45 =	vsub.f32 v46, v45  }
0x199: {  	vm13 =	vge.f32 v36, $1.000000000e+00;
	vm15 =	vge.f32 v35, $1.000000000e+00;
	v46 =	vsel vm6, $0x3F800000, v0  }
0x19a: {  	v48 =	vsel vm7, $0x3F800000, v0;
	vm10 =	vlt.s32 v58, v18;
	v26 =	vadd.s32 $0xAC564B05, v26  }
0x19b: {  	v36 =	vsel vm13, $0x0, v36;
	v53 =	vnsel vm13, $0x0, v8;
	v35 =	vsel vm15, $0x0, v35  }
0x19c: {  	v61 =	vsub.f32 v44, v46;
	v27 =	vadd.s32 $0xAC564B05, v27;
	v50 =	vsub.f32 v63, v38  }
0x19d: {  	v45 =	vsub.f32 v45, v31;
	v39 =	vadd.f32 v53, v39;
	v63 =	vsel vm8, $0x3F800000, v0  }
0x19e: {  	v53 =	vsel vm10, $0x3F800000, v0;
	v51 =	vsub.f32 v61, v40;
	v59 =	vsub.f32 v57, v63  }
0x19f: {  	v61 =	vsel vm11, $0x3F800000, v0;
	v44 =	vsub.f32 v63, v44;
	v55 =	vsub.f32 v53, v57  }
0x1a0: {  	v52 =	vmul.f32 $1.000000010e-01, v50;
	v45 =	vmul.f32 $1.000000010e-01, v45;
	v46 =	vsub.f32 v46, v61  }
0x1a1: {  	v51 =	vmul.f32 $1.000000010e-01, v51;
	v44 =	vsub.f32 v44, v29;
	v57 =	vsub.f32 v55, v33  }
0x1a2: {  	v38 =	vadd.f32 v52, v38;
	v31 =	vadd.f32 v45, v31;
	v45 =	vsel vm5, $0x3F800000, v0  }
0x1a3: {  	v55 =	vshrl.u32 v43, $0x10;
	v46 =	vsub.f32 v46, v34;
	v62 =	vsub.f32 v48, v45  }
0x1a4: {  	vm7 =	vlt.s32 v55, v22;
	v40 =	vadd.f32 v51, v40;
	v45 =	vsub.f32 v45, v53  }
0x1a5: {  	v48 =	vsub.f32 v61, v48;
	v44 =	vmul.f32 $1.000000010e-01, v44;
	vm14 =	vge.f32 v38, $1.000000000e+00  }
0x1a6: {  	v46 =	vmul.f32 $1.000000010e-01, v46;
	v54 =	vnsel vm14, $0x0, v8;
	v49 =	vsub.f32 v62, v37  }
0x1a7: {  	v38 =	vsel vm14, $0x0, v38;
	v45 =	vsub.f32 v45, v30;
	v56 =	vsub.f32 v48, v32  }
0x1a8: {  	vm1 =	vge.f32 v40, $1.000000000e+00;
	v29 =	vadd.f32 v44, v29;
	v42 =	vadd.f32 v54, v42  }
0x1a9: {  	v54 =	vsub.f32 v59, v41;
	v63 =	vsel vm1, $0x3F800000, v0;
	v59 =	vmul.f32 $1.000000010e-01, v57  }
0x1aa: {  	v34 =	vadd.f32 v46, v34;
	v40 =	vsel vm1, $0x0, v40;
	v49 =	vmul.f32 $1.000000010e-01, v49  }
0x1ab: {  	v45 =	vmul.f32 $1.000000010e-01, v45;
	v58 =	vmul.f32 $1.000000010e-01, v56;
	vm5 =	vge.f32 v29, $1.000000000e+00  }
0x1ac: {  	v62 =	vmul.f32 $1.000000010e-01, v54;
	v61 =	vsel vm5, $0x3F800000, v0;
	v33 =	vadd.f32 v59, v33  }
0x1ad: {  	vm12 =	vge.f32 v34, $1.000000000e+00;
	v29 =	vsel vm5, $0x0, v29;
	v37 =	vadd.f32 v49, v37  }
0x1ae: {  	v30 =	vadd.f32 v45, v30;
	v32 =	vadd.f32 v58, v32;
	v58 =	vnsel vm15, $0x0, v8  }
0x1af: {  	vm15 =	vge.f32 v31, $1.000000000e+00;
	v34 =	vsel vm12, $0x0, v34;
	v45 =	vsel vm7, $0x3F800000, v0  }
0x1b0: {  	v41 =	vadd.f32 v62, v41;
	vm14 =	vge.f32 v33, $1.000000000e+00;
	v25 =	vadd.f32 v58, v25  }
0x1b1: {  	v31 =	vsel vm15, $0x0, v31;
	v58 =	vshrl.u32 v27, $0x10;
	vm2 =	vge.f32 v37, $1.000000000e+00  }
0x1b2: {  	vm4 =	vge.f32 v30, $1.000000000e+00;
	vm13 =	vge.f32 v32, $1.000000000e+00;
	v57 =	vsel vm14, $0x3F800000, v0  }
0x1b3: {  	v33 =	vsel vm14, $0x0, v33;
	vm10 =	vlt.s32 v58, v21;
	v54 =	vsel vm2, $0x3F800000, v0  }
0x1b4: {  	vm3 =	vge.f32 v41, $1.000000000e+00;
	v60 =	vsel vm4, $0x3F800000, v0;
	v56 =	vsel vm13, $0x3F800000, v0  }
0x1b5: {  	v37 =	vsel vm2, $0x0, v37;
	v30 =	vsel vm4, $0x0, v30;
	v32 =	vsel vm13, $0x0, v32  }
0x1b6: {  	v51 =	vsel vm3, $0x3F800000, v0;
	v44 =	vadd.f32 v54, v63;
	v62 =	vadd.f32 v60, v61  }
0x1b7: {  	v63 =	vsel vm12, $0x3F800000, v0;
	v48 =	vadd.f32 v57, v56;
	v60 =	vnsel vm15, $0x0, v8  }
0x1b8: {  	v41 =	vsel vm3, $0x0, v41;
	v56 =	vand.u32 $0xFFFF, v43;
	v57 =	vshrl.u32 v26, $0x10  }
0x1b9: {  	v43 =	vmul.u32 $0x2C9277B5, v43;
	v46 =	vadd.f32 v63, v51;
	v47 =	vadd.f32 v60, v47  }
0x1ba: {  	vm8 =	vlt.s32 v56, v24;
	vm9 =	vlt.s32 v57, v20;
	v60 =	vshrl.u32 v28, $0x10  }
0x1bb: {  	v50 =	vsub.f32 v44, v62;
	v44 =	vsub.f32 v62, v44;
	vm12 =	vlt.s32 v60, v17  }
0x1bc: {  	v60 =	vand.u32 $0xFFFF, v27;
	v43 =	vadd.s32 $0xAC564B05, v43;
	v27 =	vmul.u32 $0x2C9277B5, v27  }
0x1bd: {  	v51 =	vsub.f32 v46, v48;
	v53 =	vsub.f32 v48, v46;
	v46 =	vsel vm8, $0x3F800000, v0  }
0x1be: {  	v48 =	vsel vm9, $0x3F800000, v0;
	v59 =	vsub.f32 v50, v36;
	v44 =	vsub.f32 v44, v35  }
0x1bf: {  	v57 =	vsel vm12, $0x3F800000, v0;
	vm14 =	vlt.s32 v60, v18;
	v61 =	vsub.f32 v51, v38  }
0x1c0: {  	v54 =	vsub.f32 v53, v31;
	v49 =	vmul.f32 $1.000000010e-01, v59;
	v44 =	vmul.f32 $1.000000010e-01, v44  }
0x1c1: {  	v59 =	vand.u32 $0xFFFF, v26;
	v26 =	vmul.u32 $0x2C9277B5, v26;
	v62 =	vmul.f32 $1.000000010e-01, v61  }
0x1c2: {  	vm11 =	vlt.s32 v59, v23;
	v36 =	vadd.f32 v49, v36;
	v35 =	vadd.f32 v44, v35  }
0x1c3: {  	v44 =	vmul.f32 $1.000000010e-01, v54;
	v49 =	vsel vm10, $0x3F800000, v0;
	v38 =	vadd.f32 v62, v38  }
0x1c4: {  	v26 =	vadd.s32 $0xAC564B05, v26;
	v61 =	vsub.f32 v45, v49;
	v62 =	vsub.f32 v48, v46  }
0x1c5: {  	vm5 =	vge.f32 v36, $1.000000000e+00;
	vm0 =	vge.f32 v35, $1.000000000e+00;
	v31 =	vadd.f32 v44, v31  }
0x1c6: {  	v63 =	vnsel vm5, $0x0, v9;
	v36 =	vsel vm5, $0x0, v36;
	vm6 =	vge.f32 v38, $1.000000000e+00  }
0x1c7: {  	v51 =	vsub.f32 v61, v40;
	v50 =	vsub.f32 v62, v37;
	v61 =	vsel vm14, $0x3F800000, v0  }
0x1c8: {  	v35 =	vsel vm0, $0x0, v35;
	v39 =	vadd.f32 v63, v39;
	v38 =	vsel vm6, $0x0, v38  }
0x1c9: {  	v52 =	vnsel vm6, $0x0, v9;
	v63 =	vand.u32 $0xFFFF, v28;
	v46 =	vsub.f32 v46, v61  }
0x1ca: {  	v56 =	vsub.f32 v61, v57;
	vm14 =	vge.f32 v31, $1.000000000e+00;
	v28 =	vmul.u32 $0x2C9277B5, v28  }
0x1cb: {  	v42 =	vadd.f32 v52, v42;
	v52 =	vsel vm11, $0x3F800000, v0;
	vm13 =	vlt.s32 v63, v19  }
0x1cc: {  	v51 =	vmul.f32 $1.000000010e-01, v51;
	v50 =	vmul.f32 $1.000000010e-01, v50;
	v31 =	vsel vm14, $0x0, v31  }
0x1cd: {  	v58 =	vsub.f32 v57, v52;
	v59 =	vsel vm13, $0x3F800000, v0;
	v45 =	vsub.f32 v52, v45  }
0x1ce: {  	v46 =	vsub.f32 v46, v30;
	v52 =	vshrl.u32 v43, $0x10;
	v40 =	vadd.f32 v51, v40  }
0x1cf: {  	v28 =	vadd.s32 $0xAC564B05, v28;
	v49 =	vsub.f32 v49, v59;
	v37 =	vadd.f32 v50, v37  }
0x1d0: {  	v44 =	vsub.f32 v59, v48;
	v48 =	vsub.f32 v56, v33;
	v56 =	vnsel vm0, $0x0, v9  }
0x1d1: {  	vm6 =	vlt.s32 v52, v22;
	v53 =	vsub.f32 v58, v41;
	v45 =	vsub.f32 v45, v29  }
0x1d2: {  	v46 =	vmul.f32 $1.000000010e-01, v46;
	v25 =	vadd.f32 v56, v25;
	v56 =	vshrl.u32 v28, $0x10  }
0x1d3: {  	vm1 =	vge.f32 v40, $1.000000000e+00;
	v49 =	vsub.f32 v49, v34;
	vm2 =	vge.f32 v37, $1.000000000e+00  }
0x1d4: {  	v44 =	vsub.f32 v44, v32;
	v58 =	vmul.f32 $1.000000010e-01, v48;
	vm11 =	vlt.s32 v56, v17  }
0x1d5: {  	v62 =	vmul.f32 $1.000000010e-01, v53;
	v63 =	vsel vm1, $0x3F800000, v0;
	v57 =	vsel vm2, $0x3F800000, v0  }
0x1d6: {  	v45 =	vmul.f32 $1.000000010e-01, v45;
	v30 =	vadd.f32 v46, v30;
	v40 =	vsel vm1, $0x0, v40  }
0x1d7: {  	v37 =	vsel vm2, $0x0, v37;
	v53 =	vand.u32 $0xFFFF, v43;
	v49 =	vmul.f32 $1.000000010e-01, v49  }
0x1d8: {  	v44 =	vmul.f32 $1.000000010e-01, v44;
	v33 =	vadd.f32 v58, v33;
	v63 =	vadd.f32 v57, v63  }
0x1d9: {  	v58 =	vnsel vm14, $0x0, v9;
	vm7 =	vlt.s32 v53, v24;
	v41 =	vadd.f32 v62, v41  }
0x1da: {  	v53 =	vsel vm11, $0x3F800000, v0;
	v29 =	vadd.f32 v45, v29;
	v47 =	vadd.f32 v58, v47  }
0x1db: {  	vm5 =	vge.f32 v30, $1.000000000e+00;
	v34 =	vadd.f32 v49, v34;
	v32 =	vadd.f32 v44, v32  }
0x1dc: {  	v61 =	vsel vm5, $0x3F800000, v0;
	vm13 =	vge.f32 v33, $1.000000000e+00;
	v30 =	vsel vm5, $0x0, v30  }
0x1dd: {  	vm3 =	vge.f32 v41, $1.000000000e+00;
	vm15 =	vge.f32 v29, $1.000000000e+00;
	v55 =	vsel vm13, $0x3F800000, v0  }
0x1de: {  	vm4 =	vge.f32 v34, $1.000000000e+00;
	v59 =	vsel vm3, $0x3F800000, v0;
	v62 =	vsel vm15, $0x3F800000, v0  }
0x1df: {  	vm12 =	vge.f32 v32, $1.000000000e+00;
	v60 =	vsel vm4, $0x3F800000, v0;
	v44 =	vadd.f32 v61, v62  }
0x1e0: {  	v33 =	vsel vm13, $0x0, v33;
	v54 =	vsel vm12, $0x3F800000, v0;
	v46 =	vadd.f32 v60, v59  }
0x1e1: {  	v41 =	vsel vm3, $0x0, v41;
	v45 =	vadd.f32 v55, v54;
	v57 =	vsub.f32 v63, v44  }
0x1e2: {  	v29 =	vsel vm15, $0x0, v29;
	v34 =	vsel vm4, $0x0, v34;
	v44 =	vsub.f32 v44, v63  }
0x1e3: {  	v55 =	vand.u32 $0xFFFF, v26;
	v59 =	vsub.f32 v46, v45;
	v50 =	vsub.f32 v57, v36  }
0x1e4: {  	v32 =	vsel vm12, $0x0, v32;
	vm10 =	vlt.s32 v55, v23;
	v44 =	vsub.f32 v44, v35  }
0x1e5: {  	v61 =	vsub.f32 v59, v38;
	v59 =	vand.u32 $0xFFFF, v28;
	v60 =	vmul.f32 $1.000000010e-01, v50  }
0x1e6: {  	v44 =	vmul.f32 $1.000000010e-01, v44;
	v50 =	vsub.f32 v45, v46;
	v45 =	vsel vm7, $0x3F800000, v0  }
0x1e7: {  	v46 =	vadd.s32 $0xAC564B05, v27;
	v27 =	vshrl.u32 v26, $0x10;
	vm12 =	vlt.s32 v59, v19  }
0x1e8: {  	v26 =	vmul.u32 $0x2C9277B5, v26;
	v62 =	vmul.f32 $1.000000010e-01, v61;
	v54 =	vshrl.u32 v46, $0x10  }
0x1e9: {  	vm8 =	vlt.s32 v27, v20;
	v56 =	vsel vm12, $0x3F800000, v0;
	v36 =	vadd.f32 v60, v36  }
0x1ea: {  	v35 =	vadd.f32 v44, v35;
	v44 =	vsub.f32 v50, v31;
	vm9 =	vlt.s32 v54, v21  }
0x1eb: {  	v27 =	vsel vm8, $0x3F800000, v0;
	v60 =	vand.u32 $0xFFFF, v46;
	v38 =	vadd.f32 v62, v38  }
0x1ec: {  	v48 =	vsel vm9, $0x3F800000, v0;
	v58 =	vsub.f32 v27, v45;
	vm13 =	vlt.s32 v60, v18  }
0x1ed: {  	v27 =	vsub.f32 v56, v27;
	vm15 =	vge.f32 v36, $1.000000000e+00;
	vm5 =	vge.f32 v35, $1.000000000e+00  }
0x1ee: {  	v44 =	vmul.f32 $1.000000010e-01, v44;
	v62 =	vsel vm13, $0x3F800000, v0;
	v36 =	vsel vm15, $0x0, v36  }
0x1ef: {  	v63 =	vnsel vm15, $0x0, v10;
	vm4 =	vge.f32 v38, $1.000000000e+00;
	v49 =	vsub.f32 v58, v37  }
0x1f0: {  	v35 =	vsel vm5, $0x0, v35;
	v45 =	vsub.f32 v45, v62;
	v60 =	vsub.f32 v62, v53  }
0x1f1: {  	v55 =	vnsel vm5, $0x0, v10;
	v27 =	vsub.f32 v27, v32;
	v39 =	vadd.f32 v63, v39  }
0x1f2: {  	v51 =	vnsel vm4, $0x0, v10;
	v31 =	vadd.f32 v44, v31;
	v44 =	vsel vm6, $0x3F800000, v0  }
0x1f3: {  	v38 =	vsel vm4, $0x0, v38;
	v42 =	vadd.f32 v51, v42;
	v57 =	vsub.f32 v44, v48  }
0x1f4: {  	v51 =	vsel vm10, $0x3F800000, v0;
	v49 =	vmul.f32 $1.000000010e-01, v49;
	v45 =	vsub.f32 v45, v30  }
0x1f5: {  	v48 =	vsub.f32 v48, v56;
	v27 =	vmul.f32 $1.000000010e-01, v27;
	v61 =	vsub.f32 v53, v51  }
0x1f6: {  	v44 =	vsub.f32 v51, v44;
	vm13 =	vge.f32 v31, $1.000000000e+00;
	v50 =	vsub.f32 v57, v40  }
0x1f7: {  	v37 =	vadd.f32 v49, v37;
	v45 =	vmul.f32 $1.000000010e-01, v45;
	v48 =	vsub.f32 v48, v34  }
0x1f8: {  	v27 =	vadd.f32 v27, v32;
	v31 =	vsel vm13, $0x0, v31;
	v63 =	vsub.f32 v61, v41  }
0x1f9: {  	v44 =	vsub.f32 v44, v29;
	v61 =	vsub.f32 v60, v33;
	v50 =	vmul.f32 $1.000000010e-01, v50  }
0x1fa: {  	vm1 =	vge.f32 v37, $1.000000000e+00;
	v30 =	vadd.f32 v45, v30;
	v48 =	vmul.f32 $1.000000010e-01, v48  }
0x1fb: {  	vm15 =	vge.f32 v27, $1.000000000e+00;
	v57 =	vmul.f32 $1.000000010e-01, v63;
	v59 =	vsel vm1, $0x3F800000, v0  }
0x1fc: {  	v44 =	vmul.f32 $1.000000010e-01, v44;
	v63 =	vmul.f32 $1.000000010e-01, v61;
	v61 =	vadd.f32 v55, v25  }
0x1fd: {  	v25 =	vnsel vm13, $0x0, v10;
	v37 =	vsel vm1, $0x0, v37;
	v40 =	vadd.f32 v50, v40  }
0x1fe: {  	vm3 =	vge.f32 v30, $1.000000000e+00;
	v34 =	vadd.f32 v48, v34;
	v47 =	vadd.f32 v25, v47  }
0x1ff: {  	v41 =	vadd.f32 v57, v41;
	v29 =	vadd.f32 v44, v29;
	v52 =	vsel vm3, $0x3F800000, v0  }
0x200: {  	v54 =	vadd.f32 v63, v33;
	v30 =	vsel vm3, $0x0, v30;
	vm0 =	vge.f32 v40, $1.000000000e+00  }
0x201: {  	vm14 =	vge.f32 v34, $1.000000000e+00;
	v58 =	vsel vm0, $0x3F800000, v0;
	vm2 =	vge.f32 v41, $1.000000000e+00  }
0x202: {  	vm4 =	vge.f32 v29, $1.000000000e+00;
	vm12 =	vge.f32 v54, $1.000000000e+00;
	v40 =	vsel vm0, $0x0, v40  }
0x203: {  	v34 =	vsel vm14, $0x0, v34;
	v62 =	vsel vm2, $0x3F800000, v0;
	v53 =	vsel vm4, $0x3F800000, v0  }
0x204: {  	v56 =	vadd.f32 v59, v58;
	v58 =	vsel vm14, $0x3F800000, v0;
	v59 =	vsel vm15, $0x3F800000, v0  }
0x205: {  	v60 =	vsel vm12, $0x3F800000, v0;
	v41 =	vsel vm2, $0x0, v41;
	v29 =	vsel vm4, $0x0, v29  }
0x206: {  	v32 =	vsel vm12, $0x0, v54;
	v57 =	vadd.f32 v52, v53;
	v45 =	vadd.f32 v58, v62  }
0x207: {  	v48 =	vadd.f32 v60, v59;
	v53 =	vmul.u32 $0x2C9277B5, v46;
	v46 =	vadd.s32 $0xAC564B05, v26  }
0x208: {  	v26 =	vmul.u32 $0x2C9277B5, v28;
	v54 =	vshrl.u32 v46, $0x10;
	v51 =	vsub.f32 v56, v57  }
0x209: {  	v55 =	vand.u32 $0xFFFF, v46;
	v25 =	vsub.f32 v45, v48;
	v33 =	vsub.f32 v57, v56  }
0x20a: {  	v63 =	vsub.f32 v48, v45;
	v45 =	vsel vm15, $0x0, v27;
	v62 =	vsub.f32 v51, v36  }
0x20b: {  	vm8 =	vlt.s32 v54, v20;
	v25 =	vsub.f32 v25, v38;
	v33 =	vsub.f32 v33, v35  }
0x20c: {  	vm9 =	vlt.s32 v55, v23;
	v44 =	vsub.f32 v63, v31;
	v50 =	vmul.f32 $1.000000010e-01, v62  }
0x20d: {  	v59 =	vsel vm9, $0x3F800000, v0;
	v25 =	vmul.f32 $1.000000010e-01, v25;
	v27 =	vmul.f32 $1.000000010e-01, v33  }
0x20e: {  	v33 =	vmul.f32 $1.000000010e-01, v44;
	v44 =	vadd.s32 $0xAC564B05, v53;
	v36 =	vadd.f32 v50, v36  }
0x20f: {  	v28 =	vshrl.u32 v44, $0x10;
	v25 =	vadd.f32 v25, v38;
	v27 =	vadd.f32 v27, v35  }
0x210: {  	v31 =	vadd.f32 v33, v31;
	vm7 =	vlt.s32 v28, v21;
	v28 =	vadd.s32 $0xAC564B05, v26  }
0x211: {  	v50 =	vmul.u32 $0x2C9277B5, v43;
	v26 =	vsel vm7, $0x3F800000, v0;
	v56 =	vshrl.u32 v28, $0x10  }
0x212: {  	v63 =	vand.u32 $0xFFFF, v28;
	v28 =	vmul.u32 $0x2C9277B5, v28;
	vm14 =	vge.f32 v36, $1.000000000e+00  }
0x213: {  	vm15 =	vge.f32 v25, $1.000000000e+00;
	vm4 =	vge.f32 v27, $1.000000000e+00;
	vm0 =	vge.f32 v31, $1.000000000e+00  }
0x214: {  	v33 =	vadd.s32 $0xAC564B05, v50;
	vm10 =	vlt.s32 v56, v17;
	vm12 =	vlt.s32 v63, v19  }
0x215: {  	v36 =	vsel vm14, $0x0, v36;
	v48 =	vnsel vm14, $0x0, v11;
	v38 =	vsel vm15, $0x0, v25  }
0x216: {  	v25 =	vnsel vm15, $0x0, v11;
	v51 =	vshrl.u32 v33, $0x10;
	v52 =	vand.u32 $0xFFFF, v33  }
0x217: {  	v60 =	vsel vm10, $0x3F800000, v0;
	v56 =	vsel vm12, $0x3F800000, v0;
	v31 =	vsel vm0, $0x0, v31  }
0x218: {  	v33 =	vmul.u32 $0x2C9277B5, v33;
	v35 =	vadd.f32 v48, v39;
	v25 =	vadd.f32 v25, v42  }
0x219: {  	v39 =	vsel vm4, $0x0, v27;
	v27 =	vnsel vm4, $0x0, v11;
	vm5 =	vlt.s32 v51, v22  }
0x21a: {  	vm6 =	vlt.s32 v52, v24;
	v48 =	vsel vm8, $0x3F800000, v0;
	v62 =	vsub.f32 v60, v59  }
0x21b: {  	v27 =	vadd.f32 v27, v61;
	v42 =	vsel vm5, $0x3F800000, v0;
	v43 =	vsel vm6, $0x3F800000, v0  }
0x21c: {  	v61 =	vand.u32 $0xFFFF, v44;
	v33 =	vadd.s32 $0xAC564B05, v33;
	v57 =	vsub.f32 v42, v26  }
0x21d: {  	v44 =	vmul.u32 $0x2C9277B5, v44;
	v58 =	vsub.f32 v48, v43;
	v54 =	vsub.f32 v62, v41  }
0x21e: {  	vm11 =	vlt.s32 v61, v18;
	v42 =	vsub.f32 v59, v42;
	v26 =	vsub.f32 v26, v56  }
0x21f: {  	v48 =	vsub.f32 v56, v48;
	v53 =	vsel vm11, $0x3F800000, v0;
	v51 =	vsub.f32 v57, v40  }
0x220: {  	v44 =	vadd.s32 $0xAC564B05, v44;
	v49 =	vsub.f32 v58, v37;
	v43 =	vsub.f32 v43, v53  }
0x221: {  	v57 =	vmul.f32 $1.000000010e-01, v54;
	v42 =	vsub.f32 v42, v29;
	v60 =	vsub.f32 v53, v60  }
0x222: {  	v26 =	vsub.f32 v26, v34;
	v61 =	vsub.f32 v48, v45;
	v51 =	vmul.f32 $1.000000010e-01, v51  }
0x223: {  	v49 =	vmul.f32 $1.000000010e-01, v49;
	v43 =	vsub.f32 v43, v30;
	v41 =	vadd.f32 v57, v41  }
0x224: {  	v42 =	vmul.f32 $1.000000010e-01, v42;
	v62 =	vsub.f32 v60, v32;
	v26 =	vmul.f32 $1.000000010e-01, v26  }
0x225: {  	v54 =	vmul.f32 $1.000000010e-01, v61;
	v40 =	vadd.f32 v51, v40;
	v37 =	vadd.f32 v49, v37  }
0x226: {  	v43 =	vmul.f32 $1.000000010e-01, v43;
	vm3 =	vge.f32 v41, $1.000000000e+00;
	v29 =	vadd.f32 v42, v29  }
0x227: {  	v55 =	vmul.f32 $1.000000010e-01, v62;
	v26 =	vadd.f32 v26, v34;
	v62 =	vnsel vm0, $0x0, v11  }
0x228: {  	v42 =	vadd.f32 v54, v45;
	v63 =	vsel vm3, $0x3F800000, v0;
	v47 =	vadd.f32 v62, v47  }
0x229: {  	v41 =	vsel vm3, $0x0, v41;
	vm1 =	vge.f32 v40, $1.000000000e+00;
	vm2 =	vge.f32 v37, $1.000000000e+00  }
0x22a: {  	v30 =	vadd.f32 v43, v30;
	vm13 =	vge.f32 v29, $1.000000000e+00;
	v32 =	vadd.f32 v55, v32  }
0x22b: {  	vm14 =	vge.f32 v26, $1.000000000e+00;
	vm15 =	vge.f32 v42, $1.000000000e+00;
	v55 =	vshrl.u32 v33, $0x10  }
0x22c: {  	v58 =	vsel vm1, $0x3F800000, v0;
	v59 =	vsel vm2, $0x3F800000, v0;
	v57 =	vsel vm13, $0x3F800000, v0  }
0x22d: {  	v60 =	vsel vm15, $0x3F800000, v0;
	v40 =	vsel vm1, $0x0, v40;
	v37 =	vsel vm2, $0x0, v37  }
0x22e: {  	v43 =	vsel vm14, $0x0, v26;
	v29 =	vsel vm13, $0x0, v29;
	v42 =	vsel vm15, $0x0, v42  }
0x22f: {  	vm4 =	vge.f32 v30, $1.000000000e+00;
	v58 =	vadd.f32 v59, v58;
	vm12 =	vge.f32 v32, $1.000000000e+00  }
0x230: {  	v59 =	vsel vm14, $0x3F800000, v0;
	v56 =	vsel vm4, $0x3F800000, v0;
	v61 =	vsel vm12, $0x3F800000, v0  }
0x231: {  	v45 =	vadd.f32 v59, v63;
	v30 =	vsel vm4, $0x0, v30;
	v32 =	vsel vm12, $0x0, v32  }
0x232: {  	vm4 =	vlt.s32 v55, v22;
	v34 =	vadd.f32 v56, v57;
	v48 =	vadd.f32 v61, v60  }
0x233: {  	v56 =	vand.u32 $0xFFFF, v33;
	v57 =	vmul.u32 $0x2C9277B5, v46;
	v33 =	vmul.u32 $0x2C9277B5, v33  }
0x234: {  	vm5 =	vlt.s32 v56, v24;
	v50 =	vsub.f32 v58, v34;
	v52 =	vsub.f32 v45, v48  }
0x235: {  	v34 =	vsub.f32 v34, v58;
	v45 =	vsub.f32 v48, v45;
	v46 =	vsel vm5, $0x3F800000, v0  }
0x236: {  	v58 =	vshrl.u32 v44, $0x10;
	v48 =	vadd.s32 $0xAC564B05, v28;
	v33 =	vadd.s32 $0xAC564B05, v33  }
0x237: {  	vm6 =	vlt.s32 v58, v21;
	v61 =	vshrl.u32 v48, $0x10;
	v63 =	vsub.f32 v50, v36  }
0x238: {  	v58 =	vand.u32 $0xFFFF, v48;
	v26 =	vsub.f32 v52, v38;
	v34 =	vsub.f32 v34, v39  }
0x239: {  	v45 =	vsub.f32 v45, v31;
	v28 =	vsel vm6, $0x3F800000, v0;
	vm9 =	vlt.s32 v61, v17  }
0x23a: {  	vm11 =	vlt.s32 v58, v19;
	v55 =	vsel vm9, $0x3F800000, v0;
	v49 =	vmul.f32 $1.000000010e-01, v63  }
0x23b: {  	v26 =	vmul.f32 $1.000000010e-01, v26;
	v54 =	vmul.f32 $1.000000010e-01, v45;
	v45 =	vsel vm4, $0x3F800000, v0  }
0x23c: {  	v34 =	vmul.f32 $1.000000010e-01, v34;
	v63 =	vand.u32 $0xFFFF, v44;
	v62 =	vsub.f32 v45, v28  }
0x23d: {  	vm10 =	vlt.s32 v63, v18;
	v36 =	vadd.f32 v49, v36;
	v38 =	vadd.f32 v26, v38  }
0x23e: {  	v34 =	vadd.f32 v34, v39;
	v31 =	vadd.f32 v54, v31;
	v54 =	vand.u32 $0xFFFF, v33  }
0x23f: {  	v50 =	vsub.f32 v62, v40;
	v62 =	vsel vm10, $0x3F800000, v0;
	vm13 =	vge.f32 v36, $1.000000000e+00  }
0x240: {  	vm10 =	vlt.s32 v54, v24;
	vm14 =	vge.f32 v38, $1.000000000e+00;
	v53 =	vnsel vm13, $0x0, v12  }
0x241: {  	vm15 =	vge.f32 v34, $1.000000000e+00;
	v26 =	vadd.f32 v53, v35;
	v35 =	vadd.s32 $0xAC564B05, v57  }
0x242: {  	vm0 =	vge.f32 v31, $1.000000000e+00;
	v36 =	vsel vm13, $0x0, v36;
	v59 =	vshrl.u32 v35, $0x10  }
0x243: {  	v38 =	vsel vm14, $0x0, v38;
	v60 =	vand.u32 $0xFFFF, v35;
	vm7 =	vlt.s32 v59, v20  }
0x244: {  	vm8 =	vlt.s32 v60, v23;
	v59 =	vmul.f32 $1.000000010e-01, v50;
	v51 =	vsel vm7, $0x3F800000, v0  }
0x245: {  	v39 =	vnsel vm14, $0x0, v12;
	v52 =	vsel vm8, $0x3F800000, v0;
	v57 =	vsub.f32 v51, v46  }
0x246: {  	v34 =	vsel vm15, $0x0, v34;
	v61 =	vsub.f32 v55, v52;
	v40 =	vadd.f32 v59, v40  }
0x247: {  	v31 =	vsel vm0, $0x0, v31;
	v46 =	vsub.f32 v46, v62;
	v45 =	vsub.f32 v52, v45  }
0x248: {  	v53 =	vnsel vm15, $0x0, v12;
	v60 =	vsub.f32 v57, v37;
	v56 =	vsub.f32 v61, v41  }
0x249: {  	v57 =	vsel vm11, $0x3F800000, v0;
	v46 =	vsub.f32 v46, v30;
	v45 =	vsub.f32 v45, v29  }
0x24a: {  	vm1 =	vge.f32 v40, $1.000000000e+00;
	v28 =	vsub.f32 v28, v57;
	v49 =	vsub.f32 v57, v51  }
0x24b: {  	v63 =	vmul.f32 $1.000000010e-01, v60;
	v50 =	vmul.f32 $1.000000010e-01, v56;
	v60 =	vsub.f32 v62, v55  }
0x24c: {  	v46 =	vmul.f32 $1.000000010e-01, v46;
	v28 =	vsub.f32 v28, v43;
	v61 =	vsub.f32 v49, v42  }
0x24d: {  	v45 =	vmul.f32 $1.000000010e-01, v45;
	v37 =	vadd.f32 v63, v37;
	v41 =	vadd.f32 v50, v41  }
0x24e: {  	v58 =	vsel vm1, $0x3F800000, v0;
	v30 =	vadd.f32 v46, v30;
	v62 =	vsub.f32 v60, v32  }
0x24f: {  	v40 =	vsel vm1, $0x0, v40;
	v29 =	vadd.f32 v45, v29;
	v50 =	vadd.f32 v53, v27  }
0x250: {  	v28 =	vmul.f32 $1.000000010e-01, v28;
	v55 =	vmul.f32 $1.000000010e-01, v61;
	vm2 =	vge.f32 v37, $1.000000000e+00  }
0x251: {  	vm3 =	vge.f32 v41, $1.000000000e+00;
	vm4 =	vge.f32 v30, $1.000000000e+00;
	v56 =	vmul.f32 $1.000000010e-01, v62  }
0x252: {  	vm12 =	vge.f32 v29, $1.000000000e+00;
	v62 =	vnsel vm0, $0x0, v12;
	v59 =	vsel vm2, $0x3F800000, v0  }
0x253: {  	v63 =	vsel vm3, $0x3F800000, v0;
	v43 =	vadd.f32 v28, v43;
	v28 =	vsel vm4, $0x3F800000, v0  }
0x254: {  	v57 =	vsel vm12, $0x3F800000, v0;
	v42 =	vadd.f32 v55, v42;
	v32 =	vadd.f32 v56, v32  }
0x255: {  	v58 =	vadd.f32 v59, v58;
	v59 =	vadd.f32 v28, v57;
	vm13 =	vge.f32 v43, $1.000000000e+00  }
0x256: {  	vm14 =	vge.f32 v42, $1.000000000e+00;
	v28 =	vsel vm13, $0x3F800000, v0;
	vm15 =	vge.f32 v32, $1.000000000e+00  }
0x257: {  	v60 =	vsel vm14, $0x3F800000, v0;
	v52 =	vsub.f32 v58, v59;
	v61 =	vsel vm15, $0x3F800000, v0  }
0x258: {  	v37 =	vsel vm2, $0x0, v37;
	v51 =	vadd.f32 v28, v63;
	v49 =	vadd.f32 v61, v60  }
0x259: {  	v41 =	vsel vm3, $0x0, v41;
	v45 =	vsub.f32 v59, v58;
	v63 =	vsub.f32 v52, v36  }
0x25a: {  	v30 =	vsel vm4, $0x0, v30;
	v29 =	vsel vm12, $0x0, v29;
	v27 =	vsub.f32 v51, v49  }
0x25b: {  	v28 =	vadd.f32 v39, v25;
	v52 =	vsub.f32 v45, v34;
	v39 =	vmul.f32 $1.000000010e-01, v63  }
0x25c: {  	v55 =	vmul.u32 $0x2C9277B5, v44;
	v44 =	vsel vm10, $0x3F800000, v0;
	v27 =	vsub.f32 v27, v38  }
0x25d: {  	v43 =	vsel vm13, $0x0, v43;
	v36 =	vadd.f32 v39, v36;
	v39 =	vmul.f32 $1.000000010e-01, v52  }
0x25e: {  	v42 =	vsel vm14, $0x0, v42;
	v25 =	vadd.f32 v62, v47;
	v27 =	vmul.f32 $1.000000010e-01, v27  }
0x25f: {  	v53 =	vsub.f32 v49, v51;
	vm6 =	vge.f32 v36, $1.000000000e+00;
	v34 =	vadd.f32 v39, v34  }
0x260: {  	v32 =	vsel vm15, $0x0, v32;
	v36 =	vsel vm6, $0x0, v36;
	v27 =	vadd.f32 v27, v38  }
0x261: {  	v45 =	vnsel vm6, $0x0, v13;
	v38 =	vsub.f32 v53, v31;
	vm8 =	vge.f32 v34, $1.000000000e+00  }
0x262: {  	v26 =	vadd.f32 v45, v26;
	v34 =	vsel vm8, $0x0, v34;
	vm7 =	vge.f32 v27, $1.000000000e+00  }
0x263: {  	v38 =	vmul.f32 $1.000000010e-01, v38;
	v39 =	vsel vm7, $0x0, v27;
	v27 =	vshrl.u32 v33, $0x10  }
0x264: {  	v33 =	vmul.u32 $0x2C9277B5, v33;
	vm9 =	vlt.s32 v27, v22;
	v27 =	vmul.u32 $0x2C9277B5, v35  }
0x265: {  	v31 =	vadd.f32 v38, v31;
	v35 =	vadd.s32 $0xAC564B05, v55;
	v55 =	vnsel vm7, $0x0, v13  }
0x266: {  	v38 =	vsel vm9, $0x3F800000, v0;
	v58 =	vshrl.u32 v35, $0x10;
	v62 =	vand.u32 $0xFFFF, v35  }
0x267: {  	v28 =	vadd.f32 v55, v28;
	v33 =	vadd.s32 $0xAC564B05, v33;
	v35 =	vmul.u32 $0x2C9277B5, v35  }
0x268: {  	v46 =	vadd.s32 $0xAC564B05, v27;
	v27 =	vmul.u32 $0x2C9277B5, v48;
	vm12 =	vlt.s32 v58, v21  }
0x269: {  	vm6 =	vlt.s32 v62, v18;
	vm7 =	vge.f32 v31, $1.000000000e+00;
	v55 =	vand.u32 $0xFFFF, v33  }
0x26a: {  	v56 =	vshrl.u32 v46, $0x10;
	v57 =	vand.u32 $0xFFFF, v46;
	v51 =	vsel vm12, $0x3F800000, v0  }
0x26b: {  	v31 =	vsel vm7, $0x0, v31;
	vm11 =	vlt.s32 v56, v20;
	v47 =	vadd.s32 $0xAC564B05, v27  }
0x26c: {  	vm13 =	vlt.s32 v57, v23;
	v56 =	vnsel vm8, $0x0, v13;
	v57 =	vsel vm6, $0x3F800000, v0  }
0x26d: {  	v49 =	vsel vm11, $0x3F800000, v0;
	v27 =	vshrl.u32 v47, $0x10;
	v48 =	vsel vm13, $0x3F800000, v0  }
0x26e: {  	v60 =	vand.u32 $0xFFFF, v47;
	v50 =	vadd.f32 v56, v50;
	vm14 =	vlt.s32 v27, v17  }
0x26f: {  	v27 =	vsub.f32 v38, v51;
	v59 =	vsub.f32 v49, v44;
	vm15 =	vlt.s32 v60, v19  }
0x270: {  	v44 =	vsub.f32 v44, v57;
	v38 =	vsub.f32 v48, v38;
	v52 =	vsel vm14, $0x3F800000, v0  }
0x271: {  	v58 =	vsel vm15, $0x3F800000, v0;
	v27 =	vsub.f32 v27, v40;
	v61 =	vsub.f32 v52, v48  }
0x272: {  	v35 =	vadd.s32 $0xAC564B05, v35;
	v53 =	vsub.f32 v59, v37;
	v51 =	vsub.f32 v51, v58  }
0x273: {  	v56 =	vshrl.u32 v35, $0x10;
	v44 =	vsub.f32 v44, v30;
	v48 =	vsub.f32 v58, v49  }
0x274: {  	v38 =	vsub.f32 v38, v29;
	v52 =	vsub.f32 v57, v52;
	v27 =	vmul.f32 $1.000000010e-01, v27  }
0x275: {  	v63 =	vsub.f32 v61, v41;
	v53 =	vmul.f32 $1.000000010e-01, v53;
	v44 =	vmul.f32 $1.000000010e-01, v44  }
0x276: {  	v51 =	vsub.f32 v51, v43;
	v38 =	vmul.f32 $1.000000010e-01, v38;
	v61 =	vsub.f32 v48, v42  }
0x277: {  	v62 =	vsub.f32 v52, v32;
	v40 =	vadd.f32 v27, v40;
	v27 =	vmul.f32 $1.000000010e-01, v63  }
0x278: {  	v37 =	vadd.f32 v53, v37;
	v30 =	vadd.f32 v44, v30;
	v51 =	vmul.f32 $1.000000010e-01, v51  }
0x279: {  	v29 =	vadd.f32 v38, v29;
	v63 =	vmul.f32 $1.000000010e-01, v61;
	v54 =	vmul.f32 $1.000000010e-01, v62  }
0x27a: {  	v41 =	vadd.f32 v27, v41;
	v27 =	vnsel vm7, $0x0, v13;
	vm8 =	vge.f32 v40, $1.000000000e+00  }
0x27b: {  	vm9 =	vge.f32 v37, $1.000000000e+00;
	vm11 =	vge.f32 v30, $1.000000000e+00;
	v43 =	vadd.f32 v51, v43  }
0x27c: {  	vm12 =	vge.f32 v29, $1.000000000e+00;
	v38 =	vadd.f32 v63, v42;
	v32 =	vadd.f32 v54, v32  }
0x27d: {  	v59 =	vsel vm8, $0x3F800000, v0;
	v40 =	vsel vm8, $0x0, v40;
	v60 =	vsel vm9, $0x3F800000, v0  }
0x27e: {  	v37 =	vsel vm9, $0x0, v37;
	v57 =	vsel vm11, $0x3F800000, v0;
	v58 =	vsel vm12, $0x3F800000, v0  }
0x27f: {  	v51 =	vsel vm11, $0x0, v30;
	vm10 =	vge.f32 v41, $1.000000000e+00;
	vm13 =	vge.f32 v43, $1.000000000e+00  }
0x280: {  	v59 =	vadd.f32 v60, v59;
	v60 =	vadd.f32 v57, v58;
	vm14 =	vge.f32 v38, $1.000000000e+00  }
0x281: {  	vm15 =	vge.f32 v32, $1.000000000e+00;
	v52 =	vsel vm10, $0x3F800000, v0;
	v61 =	vsel vm13, $0x3F800000, v0  }
0x282: {  	v62 =	vsel vm14, $0x3F800000, v0;
	v63 =	vsel vm15, $0x3F800000, v0;
	v53 =	vsub.f32 v59, v60  }
0x283: {  	v44 =	vsel vm12, $0x0, v29;
	v48 =	vadd.f32 v61, v52;
	v49 =	vadd.f32 v63, v62  }
0x284: {  	vm11 =	vlt.s32 v56, v21;
	v41 =	vsel vm10, $0x0, v41;
	v42 =	vsub.f32 v60, v59  }
0x285: {  	v43 =	vsel vm13, $0x0, v43;
	v54 =	vsub.f32 v53, v36;
	v30 =	vsub.f32 v48, v49  }
0x286: {  	v38 =	vsel vm14, $0x0, v38;
	v61 =	vand.u32 $0xFFFF, v35;
	v42 =	vsub.f32 v42, v34  }
0x287: {  	v45 =	vmul.f32 $1.000000010e-01, v54;
	v29 =	vsub.f32 v30, v39;
	v30 =	vsub.f32 v49, v48  }
0x288: {  	v32 =	vsel vm15, $0x0, v32;
	vm4 =	vlt.s32 v61, v18;
	v42 =	vmul.f32 $1.000000010e-01, v42  }
0x289: {  	v36 =	vadd.f32 v45, v36;
	v29 =	vmul.f32 $1.000000010e-01, v29;
	v30 =	vsub.f32 v30, v31  }
0x28a: {  	vm10 =	vlt.s32 v55, v24;
	v56 =	vsel vm4, $0x3F800000, v0;
	v34 =	vadd.f32 v42, v34  }
0x28b: {  	vm8 =	vge.f32 v36, $1.000000000e+00;
	v29 =	vadd.f32 v29, v39;
	v30 =	vmul.f32 $1.000000010e-01, v30  }
0x28c: {  	v39 =	vsel vm10, $0x3F800000, v0;
	vm6 =	vge.f32 v34, $1.000000000e+00;
	v36 =	vsel vm8, $0x0, v36  }
0x28d: {  	v55 =	vnsel vm8, $0x0, v14;
	v30 =	vadd.f32 v30, v31;
	v31 =	vshrl.u32 v33, $0x10  }
0x28e: {  	vm5 =	vge.f32 v29, $1.000000000e+00;
	vm9 =	vlt.s32 v31, v22;
	v31 =	vmul.u32 $0x2C9277B5, v46  }
0x28f: {  	v52 =	vnsel vm6, $0x0, v14;
	v54 =	vsel vm5, $0x0, v29;
	v29 =	vsel vm6, $0x0, v34  }
0x290: {  	v42 =	vsel vm9, $0x3F800000, v0;
	v45 =	vadd.s32 $0xAC564B05, v31;
	v31 =	vmul.u32 $0x2C9277B5, v47  }
0x291: {  	v47 =	vsel vm11, $0x3F800000, v0;
	v57 =	vshrl.u32 v45, $0x10;
	v58 =	vand.u32 $0xFFFF, v45  }
0x292: {  	vm12 =	vlt.s32 v57, v20;
	v46 =	vadd.s32 $0xAC564B05, v31;
	v31 =	vsub.f32 v42, v47  }
0x293: {  	vm7 =	vge.f32 v30, $1.000000000e+00;
	vm13 =	vlt.s32 v58, v23;
	v49 =	vsel vm12, $0x3F800000, v0  }
0x294: {  	v59 =	vshrl.u32 v46, $0x10;
	v48 =	vsel vm13, $0x3F800000, v0;
	v31 =	vsub.f32 v31, v40  }
0x295: {  	vm14 =	vlt.s32 v59, v17;
	v62 =	vsub.f32 v49, v39;
	v39 =	vsub.f32 v39, v56  }
0x296: {  	v60 =	vand.u32 $0xFFFF, v46;
	v53 =	vsel vm14, $0x3F800000, v0;
	v31 =	vmul.f32 $1.000000010e-01, v31  }
0x297: {  	vm15 =	vlt.s32 v60, v19;
	v63 =	vsub.f32 v53, v48;
	v39 =	vsub.f32 v39, v51  }
0x298: {  	v30 =	vsel vm7, $0x0, v30;
	v60 =	vsel vm15, $0x3F800000, v0;
	v40 =	vadd.f32 v31, v40  }
0x299: {  	v31 =	vsub.f32 v62, v37;
	v58 =	vsub.f32 v63, v41;
	v39 =	vmul.f32 $1.000000010e-01, v39  }
0x29a: {  	v42 =	vsub.f32 v48, v42;
	v48 =	vnsel vm5, $0x0, v14;
	v61 =	vsub.f32 v47, v60  }
0x29b: {  	v31 =	vmul.f32 $1.000000010e-01, v31;
	v59 =	vmul.f32 $1.000000010e-01, v58;
	v39 =	vadd.f32 v39, v51  }
0x29c: {  	vm8 =	vge.f32 v40, $1.000000000e+00;
	v58 =	vsub.f32 v56, v53;
	v56 =	vadd.f32 v27, v25  }
0x29d: {  	v63 =	vsel vm8, $0x3F800000, v0;
	v37 =	vadd.f32 v31, v37;
	v31 =	vsub.f32 v42, v44  }
0x29e: {  	v40 =	vsel vm8, $0x0, v40;
	v34 =	vadd.f32 v59, v41;
	v42 =	vsub.f32 v61, v43  }
0x29f: {  	v41 =	vsub.f32 v60, v49;
	vm10 =	vge.f32 v39, $1.000000000e+00;
	v62 =	vmul.f32 $1.000000010e-01, v31  }
0x2a0: {  	v51 =	vsub.f32 v58, v32;
	v59 =	vsel vm10, $0x3F800000, v0;
	v39 =	vsel vm10, $0x0, v39  }
0x2a1: {  	v31 =	vnsel vm7, $0x0, v14;
	vm9 =	vge.f32 v37, $1.000000000e+00;
	v44 =	vadd.f32 v62, v44  }
0x2a2: {  	v42 =	vmul.f32 $1.000000010e-01, v42;
	v41 =	vsub.f32 v41, v38;
	vm12 =	vge.f32 v34, $1.000000000e+00  }
0x2a3: {  	v51 =	vmul.f32 $1.000000010e-01, v51;
	v57 =	vsel vm9, $0x3F800000, v0;
	vm11 =	vge.f32 v44, $1.000000000e+00  }
0x2a4: {  	v42 =	vadd.f32 v42, v43;
	v41 =	vmul.f32 $1.000000010e-01, v41;
	v60 =	vsel vm11, $0x3F800000, v0  }
0x2a5: {  	v37 =	vsel vm9, $0x0, v37;
	v47 =	vadd.f32 v57, v63;
	v43 =	vadd.f32 v59, v60  }
0x2a6: {  	v61 =	vsel vm12, $0x3F800000, v0;
	v32 =	vadd.f32 v51, v32;
	v25 =	vadd.f32 v41, v38  }
0x2a7: {  	v34 =	vsel vm12, $0x0, v34;
	vm13 =	vge.f32 v42, $1.000000000e+00;
	v53 =	vsub.f32 v47, v43  }
0x2a8: {  	vm15 =	vge.f32 v32, $1.000000000e+00;
	v27 =	vsel vm13, $0x3F800000, v0;
	vm14 =	vge.f32 v25, $1.000000000e+00  }
0x2a9: {  	v57 =	vsel vm15, $0x3F800000, v0;
	v63 =	vsel vm14, $0x3F800000, v0;
	v62 =	vsub.f32 v53, v36  }
0x2aa: {  	v38 =	vsel vm13, $0x0, v42;
	v49 =	vadd.f32 v27, v61;
	v41 =	vadd.f32 v57, v63  }
0x2ab: {  	v42 =	vadd.f32 v55, v26;
	v44 =	vsel vm11, $0x0, v44;
	v26 =	vmul.f32 $1.000000010e-01, v62  }
0x2ac: {  	v59 =	vmul.u32 $0x2C9277B5, v35;
	v43 =	vsub.f32 v43, v47;
	v27 =	vsub.f32 v49, v41  }
0x2ad: {  	v53 =	vsel vm14, $0x0, v25;
	v25 =	vadd.f32 v26, v36;
	v36 =	vadd.f32 v48, v28  }
0x2ae: {  	v61 =	vmul.u32 $0x2C9277B5, v46;
	v48 =	vadd.f32 v52, v50;
	v28 =	vsub.f32 v27, v54  }
0x2af: {  	v26 =	vmul.u32 $0x2C9277B5, v33;
	v27 =	vmul.u32 $0x2C9277B5, v45;
	vm4 =	vge.f32 v25, $1.000000000e+00  }
0x2b0: {  	v62 =	vmul.f32 $1.000000010e-01, v28;
	v28 =	vadd.s32 $0xAC564B05, v61;
	v33 =	vsel vm4, $0x0, v25  }
0x2b1: {  	v25 =	vadd.s32 $0xAC564B05, v26;
	v51 =	vshrl.u32 v28, $0x10;
	v57 =	vand.u32 $0xFFFF, v28  }
0x2b2: {  	v26 =	vshrl.u32 v25, $0x10;
	v58 =	vand.u32 $0xFFFF, v25;
	vm10 =	vlt.s32 v51, v17  }
0x2b3: {  	vm11 =	vlt.s32 v57, v19;
	vm5 =	vlt.s32 v26, v22;
	vm6 =	vlt.s32 v58, v24  }
0x2b4: {  	v26 =	vadd.s32 $0xAC564B05, v27;
	v27 =	vadd.s32 $0xAC564B05, v59;
	v17 =	vsel vm10, $0x3F800000, v0  }
0x2b5: {  	v35 =	vsel vm5, $0x3F800000, v0;
	v24 =	vsel vm6, $0x3F800000, v0;
	v60 =	vshrl.u32 v26, $0x10  }
0x2b6: {  	v22 =	vshrl.u32 v27, $0x10;
	v63 =	vand.u32 $0xFFFF, v26;
	v61 =	vand.u32 $0xFFFF, v27  }
0x2b7: {  	vm7 =	vlt.s32 v60, v20;
	vm8 =	vlt.s32 v22, v21;
	vm9 =	vlt.s32 v63, v23  }
0x2b8: {  	v23 =	vadd.f32 v62, v54;
	vm12 =	vlt.s32 v61, v18;
	v62 =	vsub.f32 v43, v29  }
0x2b9: {  	v46 =	vsel vm7, $0x3F800000, v0;
	v20 =	vsel vm8, $0x3F800000, v0;
	v45 =	vsel vm9, $0x3F800000, v0  }
0x2ba: {  	v63 =	vsel vm12, $0x3F800000, v0;
	v52 =	vsub.f32 v35, v20;
	v55 =	vsub.f32 v46, v24  }
0x2bb: {  	v60 =	vsel vm11, $0x3F800000, v0;
	v58 =	vsub.f32 v17, v45;
	v24 =	vsub.f32 v24, v63  }
0x2bc: {  	v22 =	vsub.f32 v60, v46;
	v54 =	vsub.f32 v52, v40  }
0x2bd: {  	v32 =	vsel vm15, $0x0, v32;
	v17 =	vsub.f32 v63, v17;
	v59 =	vsub.f32 v55, v37  }
0x2be: {  	v51 =	vsub.f32 v58, v34;
	v24 =	vsub.f32 v24, v39;
	v19 =	vmul.f32 $1.000000010e-01, v54  }
0x2bf: {  	v50 =	vnsel vm4, $0x0, v15;
	v22 =	vsub.f32 v22, v53;
	v17 =	vsub.f32 v17, v32  }
0x2c0: {  	v47 =	vmul.f32 $1.000000010e-01, v51;
	v18 =	vadd.f32 v19, v40;
	v19 =	vmul.f32 $1.000000010e-01, v59  }
0x2c1: {  	v24 =	vmul.f32 $1.000000010e-01, v24;
	v22 =	vmul.f32 $1.000000010e-01, v22;
	v54 =	vsub.f32 v41, v49  }
0x2c2: {  	vm13 =	vge.f32 v18, $1.000000000e+00;
	v18 =	vadd.f32 v19, v37;
	v19 =	vsub.f32 v20, v60  }
0x2c3: {  	v17 =	vmul.f32 $1.000000010e-01, v17;
	v34 =	vadd.f32 v47, v34;
	v24 =	vadd.f32 v24, v39  }
0x2c4: {  	vm14 =	vge.f32 v18, $1.000000000e+00;
	v18 =	vsub.f32 v19, v38;
	v19 =	vsub.f32 v45, v35  }
0x2c5: {  	vm9 =	vge.f32 v23, $1.000000000e+00;
	v22 =	vadd.f32 v22, v53;
	v17 =	vadd.f32 v17, v32  }
0x2c6: {  	vm15 =	vge.f32 v34, $1.000000000e+00;
	v18 =	vmul.f32 $1.000000010e-01, v18;
	v19 =	vsub.f32 v19, v44  }
0x2c7: {  	vm5 =	vge.f32 v24, $1.000000000e+00;
	vm7 =	vge.f32 v22, $1.000000000e+00;
	vm8 =	vge.f32 v17, $1.000000000e+00  }
0x2c8: {  	v17 =	vadd.f32 v31, v56;
	v18 =	vadd.f32 v18, v38;
	v19 =	vmul.f32 $1.000000010e-01, v19  }
0x2c9: {  	v31 =	vadd.f32 v50, v42;
	v22 =	vsub.f32 v54, v30;
	v51 =	vsel vm13, $0x3F800000, v0  }
0x2ca: {  	v34 =	vsel vm15, $0x3F800000, v0;
	vm4 =	vge.f32 v18, $1.000000000e+00;
	v18 =	vadd.f32 v19, v44  }
0x2cb: {  	v24 =	vsel vm5, $0x3F800000, v0;
	v55 =	vsel vm7, $0x3F800000, v0;
	v22 =	vmul.f32 $1.000000010e-01, v22  }
0x2cc: {  	v56 =	vsel vm8, $0x3F800000, v0;
	v52 =	vsel vm14, $0x3F800000, v0;
	vm6 =	vge.f32 v18, $1.000000000e+00  }
0x2cd: {  	v20 =	vadd.f32 v52, v51;
	v22 =	vadd.f32 v22, v30;
	v53 =	vsel vm6, $0x3F800000, v0  }
0x2ce: {  	v19 =	vsel vm4, $0x3F800000, v0;
	v18 =	vmul.f32 $1.000000010e-01, v62;
	v21 =	vadd.f32 v24, v53  }
0x2cf: {  	v23 =	vsel vm9, $0x0, v23;
	v19 =	vadd.f32 v19, v34;
	v24 =	vadd.f32 v56, v55  }
0x2d0: {  	vm11 =	vge.f32 v22, $1.000000000e+00;
	v18 =	vadd.f32 v18, v29;
	v57 =	vsub.f32 v20, v21  }
0x2d1: {  	v22 =	vsel vm11, $0x0, v22;
	v60 =	vnsel vm11, $0x0, v15;
	v30 =	vsub.f32 v19, v24  }
0x2d2: {  	vm10 =	vge.f32 v18, $1.000000000e+00;
	v20 =	vsub.f32 v21, v20;
	v32 =	vsub.f32 v57, v33  }
0x2d3: {  	v19 =	vsub.f32 v24, v19;
	v18 =	vsel vm10, $0x0, v18;
	v59 =	vsub.f32 v30, v23  }
0x2d4: {  	v17 =	vadd.f32 v60, v17;
	v20 =	vsub.f32 v20, v18;
	v24 =	vmul.f32 $1.000000010e-01, v32  }
0x2d5: {  	v29 =	vnsel vm9, $0x0, v15;
	v19 =	vsub.f32 v19, v22;
	v21 =	vmul.f32 $1.000000010e-01, v59  }
0x2d6: {  	v29 =	vadd.f32 v29, v36;
	v20 =	vmul.f32 $1.000000010e-01, v20;
	v24 =	vadd.f32 v24, v33  }
0x2d7: {  	v58 =	vnsel vm10, $0x0, v15;
	v19 =	vmul.f32 $1.000000010e-01, v19;
	v21 =	vadd.f32 v21, v23  }
0x2d8: {  	v30 =	vadd.f32 v58, v48;
	v18 =	vadd.f32 v20, v18;
	vm12 =	vge.f32 v24, $1.000000000e+00  }
0x2d9: {  	v19 =	vadd.f32 v19, v22;
	vm13 =	vge.f32 v21, $1.000000000e+00;
	v61 =	vnsel vm12, $0x0, v16  }
0x2da: {  	p0 =	sne.s32 s2, $0x1C0;
	vm14 =	vge.f32 v18, $1.000000000e+00;
	v21 =	vnsel vm13, $0x0, v16;
	v20 =	vadd.f32 v61, v31  }
.Ltmp0:
0x2db: {  	vm15 =	vge.f32 v19, $1.000000000e+00;
	v62 =	vnsel vm14, $0x0, v16;
	v18 =	vadd.f32 v21, v29;
	(pc) =	sbr.rel @p0 .LBB2_1-.Ltmp0, $4  }
0x2dc: {  	v63 =	vnsel vm15, $0x0, v16;
	v19 =	vadd.f32 v62, v30;
	[tilespmem:s4+$0x400] =	vst v20  }
0x2dd: {  	v17 =	vadd.f32 v63, v17;
	[tilespmem:s4+$0x480] =	vst v18  }
0x2de: {  	[tilespmem:s4+$0x500] =	vst v19  }
0x2df: {  	s2 =	sadd.s32 $0x40, s2;
	[tilespmem:s4+$0x580] =	vst v17  }
0x2e0: {  	s2 =	sshll.u32 s1, $0x6  }
0x2e1: {  	s25 =	simm.s32 $0x0;
	s4 =	simm.s32 $0x400;
	s2 =	sadd.s32 s3, s2  }
0x2e2: {  	[hbm4b:s2+s25] =	stream.linear.scatter [tilespmem:s4], [sflag:$0x1], $0x80, $0x38;
	[tilespmem:$0x680] =	vst v63  }
0x2e3: {  	s5 =	simm.s32 $0x480;
	s26 =	sadd.s32 $0x10, s2  }
0x2e4: {  	[hbm4b:s26+s25] =	stream.linear.scatter [tilespmem:s5], [sflag:$0x1], $0x80, $0x38;
	[tilespmem:$0x680] =	vst v63  }
0x2e5: {  	s29 =	simm.s32 $0x500;
	s28 =	sadd.s32 $0x20, s2  }
0x2e6: {  	[hbm4b:s28+s25] =	stream.linear.scatter [tilespmem:s29], [sflag:$0x1], $0x80, $0x38;
	[tilespmem:$0x680] =	vst v63  }
0x2e7: {  	s30 =	simm.s32 $0x580;
	s31 =	simm.s32 $0x1;
	s2 =	sadd.s32 $0x30, s2  }
0x2e8: {  	[hbm4b:s2+s25] =	stream.linear.scatter [tilespmem:s30], [sflag:$0x1], $0x80, $0x38;
	[tilespmem:$0x680] =	vst v63  }
0x2e9: {  	_ =	swait.ge [sflag:s31], $0x80  }
0x2ea: {  	[sflag:s31] =	ssyncset.done $0x0  }
0x2eb: {  	[sflag:s31] =	ssyncadd.s32 $0xFFFFFF80  }
0x2ec: {  	_ =	swait.ge [sflag:s31], $0x80  }
0x2ed: {  	[sflag:s31] =	ssyncset.done $0x0  }
0x2ee: {  	[sflag:s31] =	ssyncadd.s32 $0xFFFFFF80  }
0x2ef: {  	_ =	swait.ge [sflag:s31], $0x80  }
0x2f0: {  	[sflag:s31] =	ssyncset.done $0x0  }
0x2f1: {  	[sflag:s31] =	ssyncadd.s32 $0xFFFFFF80  }
0x2f2: {  	_ =	swait.ge [sflag:s31], $0x80  }
0x2f3: {  	[sflag:s31] =	ssyncset.done $0x0  }
0x2f4: {  	[sflag:s31] =	ssyncadd.s32 $0xFFFFFF80  }
0x2f5: {  	_ =	sfence.sel $0x180000  }
0x2f6: {  	[bflag:$0x0] =	sbarrier.arrive $0xFFFF  }
0x2f7: {  	p0 =	sne.s32 s1, $0x0;
	_ =	strace $0x90000047  }
0x2f8: {  	s0 =	sadd.s32 @!p0 $0x100000, s0;
	[bflag:$0x2] =	sbarrier.arrive $0xFFFF  }
0x2f9: {  	[sflag:s0] =	ssyncadd.tile.s32 @!p0 $0x1;
	_ =	shalt  }
.Lfunc_end2:
_tile_overlayer_lowered:
.L_overlay_start_2:
0x2fa: {  	(tag) =	ssettag $0x2  }
0x2fb: {  	s0 =	rddreg [dreg:$0x0];
	s2 =	stileid.u32  }
0x2fc: {  	s1 =	rddreg [dreg:$0x1];
	p0 =	sne.s32 s2, $0x0  }
0x2fd: {  	s3 =	rddreg [dreg:$0x2];
	[bflag:$0x3] =	sbarrier.arrive $0xFFFF;
	s2 =	simm.s32 @!p0 $0x1C02  }
0x2fe: {  	[timem:s3], [sflag:s2] =	dma.local @!p0 [hbm:s0], s1  }
0x2ff: {  	s0 =	simm.s32 @!p0 $0x2  }
0x300: {  	_ =	swait.ge @!p0 [sflag:s0], s1  }
0x301: {  	s1 =	ssub.s32 @!p0 $0x0, s1;
	[sflag:s0] =	ssyncset.done @!p0 $0x0  }
0x302: {  	[sflag:s0] =	ssyncadd.s32 @!p0 s1  }
0x303: {  	[bflag:$0x3] =	sbarrier.arrive $0xFFFF  }
0x304: {  	_ =	shalt  }

</sc_bundles>
